<compile_context>
chip_gen: v7x
topology: tpu7x:2x2x1
jax: 0.10.2.dev20260603
libtpu: 0.0.44.dev20260713+nightly
codegen_flags: <defaults>
</compile_context>

<pallas_src>
import functools

import jax
import jax.numpy as jnp
from jax import lax
from jax.experimental import pallas as pl
from jax.experimental.pallas import tpu as pltpu
from jax.experimental.pallas import tpu_sc as plsc

NU = 10000
NI = 10000
NN = 10000
E = 160000
HID = 256
H = 8
D = 32
HD = H * D

NC = 2
NS = 16
LANES = 16

ROW = 144
NP = 10240
TSTRIDE = 624
FCH = 32
NFCH = 640 // FCH
EPT = E // NS
ECH = 80
NSLOT = 2
IBLK = ECH * NSLOT
ITERS = EPT // IBLK + 1

_mesh = plsc.VectorSubcoreMesh(core_axis_name="c", subcore_axis_name="s")
_sc_params = pltpu.CompilerParams(use_tc_tiling_on_sc=False,
                                  needs_layout_passes=False)


def _bcast_lane(v, lane):
    idx = jnp.full((LANES, 1), lane, dtype=jnp.int32)
    dn = lax.GatherDimensionNumbers(
        offset_dims=(), collapsed_slice_dims=(0,), start_index_map=(0,))
    return lax.gather(v, idx, dn, (1,),
                      mode=lax.GatherScatterMode.PROMISE_IN_BOUNDS)


GSTR = 312
GCHS = (128, 128, 72)


@functools.partial(
    pl.kernel, mesh=_mesh, compiler_params=_sc_params,
    out_type=[
        jax.ShapeDtypeStruct((2 * NN, 128), jnp.float32),
        jax.ShapeDtypeStruct((2 * NN, 128), jnp.float32),
    ],
    scratch_types=[
        pltpu.VMEM((128,), jnp.int32),
        pltpu.VMEM((128,), jnp.int32),
        pltpu.VMEM((72,), jnp.int32),
        pltpu.VMEM((72,), jnp.int32),
        pltpu.VMEM((128, HID), jnp.float32),
        pltpu.VMEM((128, HID), jnp.float32),
        pltpu.VMEM((72, HID), jnp.float32),
        pltpu.VMEM((72, HID), jnp.float32),
        pltpu.SemaphoreType.DMA,
        pltpu.SemaphoreType.DMA,
        pltpu.SemaphoreType.DMA,
        pltpu.SemaphoreType.DMA,
    ],
)
def _sc_gather(uemb, iemb, ugid, igid, outl, outr,
               idxf0, idxf1, idxs0, idxs1, rowf0, rowf1, rows0, rows1,
               g0, g1, w0, w1):
    c = lax.axis_index("c")
    s = lax.axis_index("s")
    w = s * NC + c
    wbase = w * GSTR
    idxf = (idxf0, idxf1)
    idxs = (idxs0, idxs1)
    rowf = (rowf0, rowf1)
    rowsm = (rows0, rows1)
    gsem = (g0, g1)
    wsem = (w0, w1)

    jobs = []
    for side in range(2):
        for k, ln in enumerate(GCHS):
            jobs.append((side, side * NN, k, ln))

    def _writeout(rb, obase, ln, sem):
        d1 = pltpu.async_copy(rb.at[pl.ds(0, ln), pl.ds(0, 128)],
                              outl.at[pl.ds(obase, ln)], sem)
        d2 = pltpu.async_copy(rb.at[pl.ds(0, ln), pl.ds(128, 128)],
                              outr.at[pl.ds(obase, ln)], sem)
        return (d1, d2)

    gd = [None, None]
    wd = [None, None]
    meta = [None, None]
    for j, (side, ooff, k, ln) in enumerate(jobs):
        b = j % 2
        emb = uemb if side == 0 else iemb
        gid = ugid if side == 0 else igid
        ib = idxf[b] if ln == 128 else idxs[b]
        rb = rowf[b] if ln == 128 else rowsm[b]
        if wd[b] is not None:
            wd[b][0].wait()
            wd[b][1].wait()
        pltpu.sync_copy(gid.at[pl.ds(wbase + k * 128, ln)], ib)
        gd[b] = pltpu.async_copy(emb.at[ib], rb, gsem[b])
        meta[b] = (rb, ooff + wbase + k * 128, ln)
        if j >= 1:
            pb = 1 - b
            gd[pb].wait()
            prb, obase, oln = meta[pb]
            wd[pb] = _writeout(prb, obase, oln, wsem[pb])
    lb = (len(jobs) - 1) % 2
    gd[lb].wait()
    prb, obase, oln = meta[lb]
    for dsc in _writeout(prb, obase, oln, gsem[lb]):
        dsc.wait()
    if wd[1 - lb] is not None:
        wd[1 - lb][0].wait()
        wd[1 - lb][1].wait()


TB = 1000
TNB = NN // TB


def _tc_transform_body(h0l_ref, h0r_ref, ws_ref, wd_ref, alf_ref, arf_ref,
                       f_ref, l_ref, e_ref, yscr):
    p = pl.program_id(1)

    @pl.when(p == 0)
    def _():
        h0 = jnp.concatenate([h0l_ref[...], h0r_ref[...]], axis=1)
        yscr[:, :HD] = jnp.dot(h0, ws_ref[...],
                               preferred_element_type=jnp.float32)
        yscr[:, HD:] = jnp.dot(h0, wd_ref[...],
                               preferred_element_type=jnp.float32)

    hs = yscr[:, :HD]
    hd = yscr[:, HD:]
    ri = lax.broadcasted_iota(jnp.int32, (HD, H), 0) // D
    ci = lax.broadcasted_iota(jnp.int32, (HD, H), 1)
    mask = (ri == ci).astype(jnp.float32)
    el = jnp.dot(hs * alf_ref[...], mask, preferred_element_type=jnp.float32)

    @pl.when(p == 0)
    def _():
        er = jnp.dot(hd * arf_ref[...], mask,
                     preferred_element_type=jnp.float32)
        e_ref[...] = jnp.concatenate([er, jnp.zeros((TB, 8), jnp.float32)],
                                     axis=1)
        f_ref[...] = hs[:, :128]
        l_ref[...] = jnp.concatenate(
            [el[:, :4], jnp.zeros((TB, 12), jnp.float32)], axis=1)

    @pl.when(p == 1)
    def _():
        f_ref[...] = hs[:, 128:]
        l_ref[...] = jnp.concatenate(
            [jnp.zeros((TB, 4), jnp.float32), el[:, 4:],
             jnp.zeros((TB, 8), jnp.float32)], axis=1)


def _tc_transform(h0l, h0r, w_src, w_dst, al_flat, ar_flat, side):
    return pl.pallas_call(
        _tc_transform_body,
        grid=(TNB, 2),
        in_specs=[
            pl.BlockSpec((TB, 128), lambda i, p: (side * TNB + i, 0)),
            pl.BlockSpec((TB, 128), lambda i, p: (side * TNB + i, 0)),
            pl.BlockSpec((HID, HD), lambda i, p: (0, 0)),
            pl.BlockSpec((HID, HD), lambda i, p: (0, 0)),
            pl.BlockSpec((1, HD), lambda i, p: (0, 0)),
            pl.BlockSpec((1, HD), lambda i, p: (0, 0)),
        ],
        out_specs=[
            pl.BlockSpec((TB, 128), lambda i, p: (p * TNB + i, 0)),
            pl.BlockSpec((TB, 16), lambda i, p: (p * TNB + i, 0)),
            pl.BlockSpec((TB, 16), lambda i, p: (i, 0)),
        ],
        out_shape=[
            jax.ShapeDtypeStruct((2 * NN, 128), jnp.float32),
            jax.ShapeDtypeStruct((2 * NN, 16), jnp.float32),
            jax.ShapeDtypeStruct((NN, 16), jnp.float32),
        ],
        scratch_shapes=[pltpu.VMEM((TB, 2 * HD), jnp.float32)],
    )(h0l, h0r, w_src, w_dst, al_flat, ar_flat)


@functools.partial(
    pl.kernel, mesh=_mesh, compiler_params=_sc_params,
    out_type=[
        jax.ShapeDtypeStruct((2 * NN, 128), jnp.float32),
        jax.ShapeDtypeStruct((2 * NN, 16), jnp.float32),
        jax.ShapeDtypeStruct((2 * NN, 128), jnp.float32),
        jax.ShapeDtypeStruct((2 * NN, 16), jnp.float32),
    ],
    scratch_types=(
        [pltpu.VMEM_SHARED((NN, 128), jnp.float32)]
        + [pltpu.VMEM_SHARED((NN, 16), jnp.float32)]
        + [pltpu.VMEM((IBLK,), jnp.int32)] * 2
        + [pltpu.VMEM((ECH,), jnp.int32)] * NSLOT
        + [pltpu.VMEM((ECH,), jnp.int32)] * NSLOT
        + [pltpu.VMEM((ECH, 128), jnp.float32)] * NSLOT
        + [pltpu.VMEM((ECH, 16), jnp.float32)] * NSLOT
        + [pltpu.VMEM((ECH, 16), jnp.float32)] * NSLOT
        + [pltpu.VMEM((FCH, 128), jnp.float32)]
        + [pltpu.SemaphoreType.DMA] * NSLOT
        + [pltpu.SemaphoreType.DMA] * NSLOT
        + [pltpu.SemaphoreType.DMA]
    ),
)
def _sc_edges(esrc, edst, afeat, bfeat, ael, bel, erit, errev,
              nout_it, dout_it, nout_rev, dout_rev,
              accf, accd, sbig, dbig, *rest):
    sidx = rest[0:NSLOT]
    didx = rest[NSLOT:2 * NSLOT]
    fbf = rest[2 * NSLOT:3 * NSLOT]
    elb = rest[3 * NSLOT:4 * NSLOT]
    erb = rest[4 * NSLOT:5 * NSLOT]
    zf = rest[5 * NSLOT]
    gsem = rest[5 * NSLOT + 1:6 * NSLOT + 1]
    ssem = rest[6 * NSLOT + 1:7 * NSLOT + 1]
    isem = rest[7 * NSLOT + 1]

    c = lax.axis_index("c")
    s = lax.axis_index("s")
    coff = c * NN
    lane0 = c * 4

    def _zrow(r, carry):
        for j in range(8):
            zf[r, pl.ds(j * LANES, LANES)] = jnp.zeros((LANES,), jnp.float32)
        return carry
    lax.fori_loop(0, FCH, _zrow, 0)

    def _edges_of(fbf_b, elb_b, erb_b):
        def _edge(e0, cy):
            for u in range(2):
                e = e0 * 2 + u
                x = elb_b[e, :] + erb_b[e, :]
                x = jnp.maximum(x, x * jnp.float32(0.2))
                w = jnp.exp(x)
                elb_b[e, :] = w
                for h in range(4):
                    wb = _bcast_lane(w, lane0 + h)
                    s0 = pl.ds(h * 32, LANES)
                    s1 = pl.ds(h * 32 + LANES, LANES)
                    fbf_b[e, s0] = fbf_b[e, s0] * wb
                    fbf_b[e, s1] = fbf_b[e, s1] * wb
            return cy
        lax.fori_loop(0, ECH // 2, _edge, 0)

    def _scat_wait(b):
        pltpu.make_async_copy(fbf[b], accf.at[didx[b]], ssem[b]).wait()
        pltpu.make_async_copy(elb[b], accd.at[didx[b]], ssem[b]).wait()

    def _scat_issue(b):
        pltpu.async_copy(fbf[b], accf.at[didx[b]], ssem[b], add=True)
        pltpu.async_copy(elb[b], accd.at[didx[b]], ssem[b], add=True)

    for d in range(2):
        src_hbm = esrc if d == 0 else edst
        dst_hbm = edst if d == 0 else esrc
        ftab = afeat if d == 0 else bfeat
        ltab = ael if d == 0 else bel
        etab = erit if d == 0 else errev
        onum = nout_it if d == 0 else nout_rev
        oden = dout_it if d == 0 else dout_rev

        r0 = s * TSTRIDE

        def _zero_chunk(k, carry):
            rr = r0 + k * FCH
            pltpu.sync_copy(zf, accf.at[pl.ds(rr, FCH)])
            pltpu.sync_copy(zf.at[pl.ds(0, FCH), pl.ds(0, 16)],
                            accd.at[pl.ds(rr, FCH)])
            return carry
        lax.fori_loop(0, NFCH, _zero_chunk, 0)
        plsc.subcore_barrier()

        pltpu.async_copy(src_hbm.at[pl.ds(s * EPT, IBLK)], sbig, isem)
        pltpu.async_copy(dst_hbm.at[pl.ds(s * EPT, IBLK)], dbig, isem)

        def _iter(j, carry):
            pltpu.make_async_copy(
                src_hbm.at[pl.ds(s * EPT, IBLK)], sbig, isem).wait()
            pltpu.make_async_copy(
                dst_hbm.at[pl.ds(s * EPT, IBLK)], dbig, isem).wait()
            gd = []
            for b in range(NSLOT):
                def _slot_front(b=b):
                    @pl.when(j > 0)
                    def _():
                        _scat_wait(b)
                    for v in range(ECH // LANES):
                        sl16 = pl.ds(b * ECH + v * LANES, LANES)
                        dsl = pl.ds(v * LANES, LANES)
                        sidx[b][dsl] = sbig[sl16] + coff
                        didx[b][dsl] = dbig[sl16]
                    g1 = pltpu.async_copy(ftab.at[sidx[b]], fbf[b], gsem[b])
                    g2 = pltpu.async_copy(ltab.at[sidx[b]], elb[b], gsem[b])
                    g3 = pltpu.async_copy(etab.at[didx[b]], erb[b], gsem[b])
                    gd.append((g1, g2, g3))
                if b == 0:
                    _slot_front()
                else:
                    pl.when(j < ITERS - 1)(_slot_front)

            @pl.when(j < ITERS - 1)
            def _():
                nbase = s * EPT + (j + 1) * IBLK
                pltpu.async_copy(src_hbm.at[pl.ds(nbase, IBLK)], sbig, isem)
                pltpu.async_copy(dst_hbm.at[pl.ds(nbase, IBLK)], dbig, isem)

            for b in range(NSLOT):
                def _slot_back(b=b):
                    for g in gd[b]:
                        g.wait()
                    _edges_of(fbf[b], elb[b], erb[b])
                    _scat_issue(b)
                if b == 0:
                    _slot_back()
                else:
                    pl.when(j < ITERS - 1)(_slot_back)
            return carry
        lax.fori_loop(0, ITERS, _iter, 0)

        for b in range(NSLOT):
            _scat_wait(b)
        plsc.subcore_barrier()

        def _fin_chunk(k, carry):
            rr = r0 + k * FCH
            pltpu.sync_copy(accf.at[pl.ds(rr, FCH)], zf)
            pltpu.sync_copy(zf, onum.at[pl.ds(coff + rr, FCH)])
            pltpu.sync_copy(accd.at[pl.ds(rr, FCH)],
                            zf.at[pl.ds(0, FCH), pl.ds(0, 16)])
            pltpu.sync_copy(zf.at[pl.ds(0, FCH), pl.ds(0, 16)],
                            oden.at[pl.ds(coff + rr, FCH)])
            return carry
        lax.fori_loop(0, NFCH, _fin_chunk, 0)

        if d == 0:
            lax.fori_loop(0, FCH, _zrow, 0)


def _tc_final_body(nit0_ref, nit1_ref, dit0_ref, dit1_ref,
                   nrev0_ref, nrev1_ref, drev0_ref, drev1_ref,
                   bit_ref, brev_ref, out_ref, acc_ref):
    p = pl.program_id(0)
    i = pl.program_id(1)
    ri = lax.broadcasted_iota(jnp.int32, (H, HD), 0)
    ci = lax.broadcasted_iota(jnp.int32, (H, HD), 1) // D
    smat = (ri == ci).astype(jnp.float32)

    @pl.when(p == 0)
    def _():
        den8 = jnp.concatenate(
            [dit0_ref[:, 0:4], dit1_ref[:, 4:8]], axis=1)
        rep = jnp.dot(den8, smat, preferred_element_type=jnp.float32)
        hit = (jnp.concatenate([nit0_ref[...], nit1_ref[...]], axis=1)
               / jnp.maximum(rep, 1e-9))
        colsum = jnp.sum(hit, axis=0, keepdims=True)

        @pl.when(i == 0)
        def _():
            acc_ref[0:1, :] = colsum

        @pl.when(i != 0)
        def _():
            acc_ref[0:1, :] = acc_ref[0:1, :] + colsum

    @pl.when(p == 1)
    def _():
        den8 = jnp.concatenate(
            [drev0_ref[:, 0:4], drev1_ref[:, 4:8]], axis=1)
        rep = jnp.dot(den8, smat, preferred_element_type=jnp.float32)
        left = (jnp.concatenate([nrev0_ref[...], nrev1_ref[...]], axis=1)
                / jnp.maximum(rep, 1e-9)) + brev_ref[...]
        mean = acc_ref[0:1, :] * jnp.float32(1.0 / NN) + bit_ref[...]
        out_ref[...] = jnp.concatenate(
            [left, jnp.broadcast_to(mean, (TB, HD))], axis=1)


def _tc_final(nit, dit, nrev, drev, b_it, b_rev):
    nblk0 = pl.BlockSpec((TB, 128), lambda p, i: (i, 0))
    nblk1 = pl.BlockSpec((TB, 128), lambda p, i: (i + TNB, 0))
    dblk0 = pl.BlockSpec((TB, 16), lambda p, i: (i, 0))
    dblk1 = pl.BlockSpec((TB, 16), lambda p, i: (i + TNB, 0))
    fixed = pl.BlockSpec((1, HD), lambda p, i: (0, 0))
    return pl.pallas_call(
        _tc_final_body,
        grid=(2, TNB),
        in_specs=[nblk0, nblk1, dblk0, dblk1,
                  nblk0, nblk1, dblk0, dblk1, fixed, fixed],
        out_specs=pl.BlockSpec((TB, 2 * HD), lambda p, i: (i, 0)),
        out_shape=jax.ShapeDtypeStruct((NN, 2 * HD), jnp.float32),
        scratch_shapes=[pltpu.VMEM((8, HD), jnp.float32)],
    )(nit, nit, dit, dit, nrev, nrev, drev, drev, b_it, b_rev)


def kernel(u_gid, i_gid, edge_src, edge_dst, user_emb, item_emb,
           W_it, al_it, ar_it, b_it, W_rev, al_rev, ar_rev, b_rev):
    u_gid = u_gid.astype(jnp.int32)
    i_gid = i_gid.astype(jnp.int32)
    zpad = jnp.zeros((IBLK,), jnp.int32)
    edge_src = jnp.concatenate([edge_src.astype(jnp.int32), zpad])
    edge_dst = jnp.concatenate([edge_dst.astype(jnp.int32), zpad])

    h0l, h0r = _sc_gather(user_emb, item_emb, u_gid, i_gid)

    afeat, ael, er_rev = _tc_transform(
        h0l, h0r, W_it, W_rev,
        al_it.reshape(1, HD), ar_rev.reshape(1, HD), side=0)
    bfeat, bel, er_it = _tc_transform(
        h0l, h0r, W_rev, W_it,
        al_rev.reshape(1, HD), ar_it.reshape(1, HD), side=1)

    nit, dit, nrev, drev = _sc_edges(
        edge_src, edge_dst, afeat, bfeat, ael, bel, er_it, er_rev)

    return _tc_final(nit, dit, nrev, drev,
                     b_it.reshape(1, HD), b_rev.reshape(1, HD))

# --- scband reference (transcript-rebuilt; emitter-appended) ---
"""Pipeline reference for scband-spatial-gatencoder-28174985461853 (READ-ONLY COPY).

The authoritative reference and input builder live on the scoring server;
editing this copy changes nothing except your own understanding.
"""

import jax, jax.numpy as jnp
import numpy as np

NU = 10000
NI = 10000
E = 160000
HID = 256
H = 8
D = 32


def setup_inputs(seed: int = 0) -> dict:
    key = jax.random.key(seed)
    ks = jax.random.split(key, 14)
    inp = {}
    inp["u_gid"] = jax.random.randint(ks[0], (NU,), 0, NU)
    inp["i_gid"] = jax.random.randint(ks[1], (NI,), 0, NI)
    inp["edge_src"] = jax.random.randint(ks[2], (E,), 0, NU)
    inp["edge_dst"] = jax.random.randint(ks[3], (E,), 0, NI)
    inp["user_emb"] = jax.random.normal(ks[4], (NU, HID), dtype=jnp.float32) * 0.1
    inp["item_emb"] = jax.random.normal(ks[5], (NI, HID), dtype=jnp.float32) * 0.1
    inp["W_it"] = jax.random.normal(ks[6], (HID, H * D), dtype=jnp.float32) * 0.05
    inp["al_it"] = jax.random.normal(ks[7], (H, D), dtype=jnp.float32) * 0.05
    inp["ar_it"] = jax.random.normal(ks[8], (H, D), dtype=jnp.float32) * 0.05
    inp["b_it"] = jnp.zeros((H * D,), dtype=jnp.float32)
    inp["W_rev"] = jax.random.normal(ks[9], (HID, H * D), dtype=jnp.float32) * 0.05
    inp["al_rev"] = jax.random.normal(ks[10], (H, D), dtype=jnp.float32) * 0.05
    inp["ar_rev"] = jax.random.normal(ks[11], (H, D), dtype=jnp.float32) * 0.05
    inp["b_rev"] = jnp.zeros((H * D,), dtype=jnp.float32)
    return inp


def _gat(feat_src, feat_dst, src_idx, dst_idx, W, a_l, a_r, b, num_dst):
    # DGL GATConv (shared fc since in_feats is int), dropout=0 at inference
    hs = (feat_src @ W).reshape(-1, H, D)
    hd = (feat_dst @ W).reshape(-1, H, D)
    el = jnp.sum(hs * a_l[None, :, :], axis=-1)  # [Ns, H]
    er = jnp.sum(hd * a_r[None, :, :], axis=-1)  # [Nd, H]
    e = jax.nn.leaky_relu(el[src_idx] + er[dst_idx], negative_slope=0.2)  # [E, H]
    m = jax.ops.segment_max(e, dst_idx, num_segments=num_dst)
    m = jax.lax.stop_gradient(jnp.where(jnp.isfinite(m), m, 0.0))
    ez = jnp.exp(e - m[dst_idx])
    denom = jax.ops.segment_sum(ez, dst_idx, num_segments=num_dst)
    alpha = ez / jnp.maximum(denom[dst_idx], 1e-9)  # edge softmax over incoming edges
    msg = alpha[:, :, None] * hs[src_idx]
    out = jax.ops.segment_sum(msg, dst_idx, num_segments=num_dst)  # [Nd, H, D]
    return out + b.reshape(1, H, D)


def reference(u_gid, i_gid, edge_src, edge_dst, user_emb, item_emb, W_it, al_it, ar_it, b_it, W_rev, al_rev, ar_rev, b_rev):
    h0_u = user_emb[u_gid]
    h0_i = item_emb[i_gid]
    # 'interact': user -> item ; 'interact_rev': item -> user
    h_item = _gat(h0_u, h0_i, edge_src, edge_dst, W_it, al_it, ar_it, b_it, NI).reshape(NI, H * D)
    h_user = _gat(h0_i, h0_u, edge_dst, edge_src, W_rev, al_rev, ar_rev, b_rev, NU).reshape(NU, H * D)
    item_mean = jnp.mean(h_item, axis=0, keepdims=True)
    item_expand = jnp.tile(item_mean, (h_user.shape[0], 1))
    user_repr = jnp.concatenate([h_user, item_expand], axis=1)
    return user_repr

if __name__ == "__main__":
    import jax
    _d = setup_inputs()
    print(jax.jit(kernel)(*tuple(_d.values())))

</pallas_src>

<mosaic_0001>
#map = affine_map<(d0, d1) -> (0, 0)>
#map1 = affine_map<(d0, d1) -> (0)>
module attributes {stable_mosaic.version = 14 : i64} {
  func.func @_sc_gather(%arg0: i32, %arg1: i32, %arg2: memref<10000x256xf32, #tpu.memory_space<hbm>>, %arg3: memref<10000x256xf32, #tpu.memory_space<hbm>>, %arg4: memref<10000xi32, #tpu.memory_space<hbm>>, %arg5: memref<10000xi32, #tpu.memory_space<hbm>>, %arg6: memref<20000x128xf32, #tpu.memory_space<hbm>>, %arg7: memref<20000x128xf32, #tpu.memory_space<hbm>>, %arg8: memref<128xi32, #tpu.memory_space<vmem>>, %arg9: memref<128xi32, #tpu.memory_space<vmem>>, %arg10: memref<72xi32, #tpu.memory_space<vmem>>, %arg11: memref<72xi32, #tpu.memory_space<vmem>>, %arg12: memref<128x256xf32, #tpu.memory_space<vmem>>, %arg13: memref<128x256xf32, #tpu.memory_space<vmem>>, %arg14: memref<72x256xf32, #tpu.memory_space<vmem>>, %arg15: memref<72x256xf32, #tpu.memory_space<vmem>>, %arg16: memref<!tpu.dma_semaphore, #tpu.memory_space<semaphore_mem>>, %arg17: memref<!tpu.dma_semaphore, #tpu.memory_space<semaphore_mem>>, %arg18: memref<!tpu.dma_semaphore, #tpu.memory_space<semaphore_mem>>, %arg19: memref<!tpu.dma_semaphore, #tpu.memory_space<semaphore_mem>>) attributes {dimension_semantics = [#tpu.dimension_semantics<core_parallel>, #tpu.dimension_semantics<subcore_parallel>], iteration_bounds = array<i64: 2, 16>, scalar_prefetch = 0 : i64, scratch_operands = 12 : i64, tpu.core_type = #tpu.core_type<sc_vector_subcore>, window_params = [{transform_indices = #map}, {transform_indices = #map}, {transform_indices = #map1}, {transform_indices = #map1}, {transform_indices = #map}, {transform_indices = #map}]} {
    %mul3A = arith.constant 2 : i32
    %mul3A_0 = arith.muli %arg1, %mul3A : i32
    %add3A = arith.addi %mul3A_0, %arg0 : i32
    %mul3A_1 = arith.constant 312 : i32
    %mul3A_2 = arith.muli %add3A, %mul3A_1 : i32
    %add3A_3 = arith.constant 0 : i32
    %add3A_4 = arith.addi %mul3A_2, %add3A_3 : i32
    "tpu.region"() ({
      %run_scoped3A = tpu.sem_alloc : memref<!tpu.dma_semaphore, #tpu.memory_space<semaphore_mem>>
      %dma_start3A_313 = tpu.memref_slice %arg4[%add3A_4] : memref<10000xi32, #tpu.memory_space<hbm>> -> memref<128xi32, #tpu.memory_space<hbm>>
      %dma_start3A_314 = tpu.memref_slice %arg4[%add3A_4] : memref<10000xi32, #tpu.memory_space<hbm>> -> memref<128xi32, #tpu.memory_space<hbm>>
      tpu.enqueue_dma source(%dma_start3A_314 : memref<128xi32, #tpu.memory_space<hbm>>) target(%arg8 : memref<128xi32, #tpu.memory_space<vmem>>) target_semaphore(%run_scoped3A : memref<!tpu.dma_semaphore, #tpu.memory_space<semaphore_mem>>)
      %dma_wait3A_315 = tpu.memref_slice %arg4[%add3A_4] : memref<10000xi32, #tpu.memory_space<hbm>> -> memref<128xi32, #tpu.memory_space<hbm>>
      %dma_wait3A_316 = tpu.memref_slice %arg4[%add3A_4] : memref<10000xi32, #tpu.memory_space<hbm>> -> memref<128xi32, #tpu.memory_space<hbm>>
      tpu.wait_dma2 semaphore(%run_scoped3A : memref<!tpu.dma_semaphore, #tpu.memory_space<semaphore_mem>>) src(%dma_wait3A_316 : memref<128xi32, #tpu.memory_space<hbm>>) dst(%arg8 : memref<128xi32, #tpu.memory_space<vmem>>)
      tpu.yield
    }) : () -> ()
    %dma_start3A = arith.constant 0 : i32
    %dma_start3A_5 = arith.constant 0 : i32
    %dma_start3A_6 = tpu.memref_slice %arg2[%dma_start3A, %dma_start3A_5] : memref<10000x256xf32, #tpu.memory_space<hbm>> -> memref<10000x256xf32, #tpu.memory_space<hbm>>
    tpu.enqueue_indirect_dma source(%dma_start3A_6 : memref<10000x256xf32, #tpu.memory_space<hbm>>) target(%arg12 : memref<128x256xf32, #tpu.memory_space<vmem>>) offsets(%arg8 : memref<128xi32, #tpu.memory_space<vmem>>) semaphore(%arg16 : memref<!tpu.dma_semaphore, #tpu.memory_space<semaphore_mem>>)
    %add3A_7 = arith.constant 0 : i32
    %add3A_8 = arith.addi %add3A_7, %mul3A_2 : i32
    %add3A_9 = arith.constant 0 : i32
    %add3A_10 = arith.addi %add3A_8, %add3A_9 : i32
    %add3A_11 = arith.constant 128 : i32
    %add3A_12 = arith.addi %mul3A_2, %add3A_11 : i32
    "tpu.region"() ({
      %run_scoped3A = tpu.sem_alloc : memref<!tpu.dma_semaphore, #tpu.memory_space<semaphore_mem>>
      %dma_start3A_313 = tpu.memref_slice %arg4[%add3A_12] : memref<10000xi32, #tpu.memory_space<hbm>> -> memref<128xi32, #tpu.memory_space<hbm>>
      %dma_start3A_314 = tpu.memref_slice %arg4[%add3A_12] : memref<10000xi32, #tpu.memory_space<hbm>> -> memref<128xi32, #tpu.memory_space<hbm>>
      tpu.enqueue_dma source(%dma_start3A_314 : memref<128xi32, #tpu.memory_space<hbm>>) target(%arg9 : memref<128xi32, #tpu.memory_space<vmem>>) target_semaphore(%run_scoped3A : memref<!tpu.dma_semaphore, #tpu.memory_space<semaphore_mem>>)
      %dma_wait3A_315 = tpu.memref_slice %arg4[%add3A_12] : memref<10000xi32, #tpu.memory_space<hbm>> -> memref<128xi32, #tpu.memory_space<hbm>>
      %dma_wait3A_316 = tpu.memref_slice %arg4[%add3A_12] : memref<10000xi32, #tpu.memory_space<hbm>> -> memref<128xi32, #tpu.memory_space<hbm>>
      tpu.wait_dma2 semaphore(%run_scoped3A : memref<!tpu.dma_semaphore, #tpu.memory_space<semaphore_mem>>) src(%dma_wait3A_316 : memref<128xi32, #tpu.memory_space<hbm>>) dst(%arg9 : memref<128xi32, #tpu.memory_space<vmem>>)
      tpu.yield
    }) : () -> ()
    %dma_start3A_13 = arith.constant 0 : i32
    %dma_start3A_14 = arith.constant 0 : i32
    %dma_start3A_15 = tpu.memref_slice %arg2[%dma_start3A_13, %dma_start3A_14] : memref<10000x256xf32, #tpu.memory_space<hbm>> -> memref<10000x256xf32, #tpu.memory_space<hbm>>
    tpu.enqueue_indirect_dma source(%dma_start3A_15 : memref<10000x256xf32, #tpu.memory_space<hbm>>) target(%arg13 : memref<128x256xf32, #tpu.memory_space<vmem>>) offsets(%arg9 : memref<128xi32, #tpu.memory_space<vmem>>) semaphore(%arg17 : memref<!tpu.dma_semaphore, #tpu.memory_space<semaphore_mem>>)
    %add3A_16 = arith.constant 0 : i32
    %add3A_17 = arith.addi %add3A_16, %mul3A_2 : i32
    %add3A_18 = arith.constant 128 : i32
    %add3A_19 = arith.addi %add3A_17, %add3A_18 : i32
    %dma_wait3A = arith.constant 0 : i32
    %dma_wait3A_20 = arith.constant 0 : i32
    %dma_wait3A_21 = tpu.memref_slice %arg2[%dma_wait3A, %dma_wait3A_20] : memref<10000x256xf32, #tpu.memory_space<hbm>> -> memref<10000x256xf32, #tpu.memory_space<hbm>>
    tpu.wait_indirect_dma semaphore(%arg16 : memref<!tpu.dma_semaphore, #tpu.memory_space<semaphore_mem>>) src(%dma_wait3A_21 : memref<10000x256xf32, #tpu.memory_space<hbm>>) dst(%arg12 : memref<128x256xf32, #tpu.memory_space<vmem>>)
    %dma_start3A_22 = arith.constant 0 : i32
    %dma_start3A_23 = arith.constant 0 : i32
    %dma_start3A_24 = tpu.memref_slice %arg12[%dma_start3A_22, %dma_start3A_23] : memref<128x256xf32, #tpu.memory_space<vmem>> -> memref<128x128xf32, #tpu.memory_space<vmem>>
    %dma_start3A_25 = arith.constant 0 : i32
    %dma_start3A_26 = tpu.memref_slice %arg6[%add3A_10, %dma_start3A_25] : memref<20000x128xf32, #tpu.memory_space<hbm>> -> memref<128x128xf32, #tpu.memory_space<hbm>>
    %dma_start3A_27 = arith.constant 0 : i32
    %dma_start3A_28 = tpu.memref_slice %arg6[%add3A_10, %dma_start3A_27] : memref<20000x128xf32, #tpu.memory_space<hbm>> -> memref<128x128xf32, #tpu.memory_space<hbm>>
    %dma_start3A_29 = arith.constant 0 : i32
    %dma_start3A_30 = arith.constant 0 : i32
    %dma_start3A_31 = tpu.memref_slice %arg12[%dma_start3A_29, %dma_start3A_30] : memref<128x256xf32, #tpu.memory_space<vmem>> -> memref<128x128xf32, #tpu.memory_space<vmem>>
    tpu.enqueue_dma source(%dma_start3A_31 : memref<128x128xf32, #tpu.memory_space<vmem>>) target(%dma_start3A_28 : memref<128x128xf32, #tpu.memory_space<hbm>>) target_semaphore(%arg18 : memref<!tpu.dma_semaphore, #tpu.memory_space<semaphore_mem>>)
    %dma_start3A_32 = arith.constant 0 : i32
    %dma_start3A_33 = arith.constant 128 : i32
    %dma_start3A_34 = tpu.memref_slice %arg12[%dma_start3A_32, %dma_start3A_33] : memref<128x256xf32, #tpu.memory_space<vmem>> -> memref<128x128xf32, #tpu.memory_space<vmem>>
    %dma_start3A_35 = arith.constant 0 : i32
    %dma_start3A_36 = tpu.memref_slice %arg7[%add3A_10, %dma_start3A_35] : memref<20000x128xf32, #tpu.memory_space<hbm>> -> memref<128x128xf32, #tpu.memory_space<hbm>>
    %dma_start3A_37 = arith.constant 0 : i32
    %dma_start3A_38 = tpu.memref_slice %arg7[%add3A_10, %dma_start3A_37] : memref<20000x128xf32, #tpu.memory_space<hbm>> -> memref<128x128xf32, #tpu.memory_space<hbm>>
    %dma_start3A_39 = arith.constant 0 : i32
    %dma_start3A_40 = arith.constant 128 : i32
    %dma_start3A_41 = tpu.memref_slice %arg12[%dma_start3A_39, %dma_start3A_40] : memref<128x256xf32, #tpu.memory_space<vmem>> -> memref<128x128xf32, #tpu.memory_space<vmem>>
    tpu.enqueue_dma source(%dma_start3A_41 : memref<128x128xf32, #tpu.memory_space<vmem>>) target(%dma_start3A_38 : memref<128x128xf32, #tpu.memory_space<hbm>>) target_semaphore(%arg18 : memref<!tpu.dma_semaphore, #tpu.memory_space<semaphore_mem>>)
    %dma_wait3A_42 = arith.constant 0 : i32
    %dma_wait3A_43 = arith.constant 0 : i32
    %dma_wait3A_44 = tpu.memref_slice %arg12[%dma_wait3A_42, %dma_wait3A_43] : memref<128x256xf32, #tpu.memory_space<vmem>> -> memref<128x128xf32, #tpu.memory_space<vmem>>
    %dma_wait3A_45 = arith.constant 0 : i32
    %dma_wait3A_46 = tpu.memref_slice %arg6[%add3A_10, %dma_wait3A_45] : memref<20000x128xf32, #tpu.memory_space<hbm>> -> memref<128x128xf32, #tpu.memory_space<hbm>>
    %dma_wait3A_47 = arith.constant 0 : i32
    %dma_wait3A_48 = tpu.memref_slice %arg6[%add3A_10, %dma_wait3A_47] : memref<20000x128xf32, #tpu.memory_space<hbm>> -> memref<128x128xf32, #tpu.memory_space<hbm>>
    %dma_wait3A_49 = arith.constant 0 : i32
    %dma_wait3A_50 = arith.constant 0 : i32
    %dma_wait3A_51 = tpu.memref_slice %arg12[%dma_wait3A_49, %dma_wait3A_50] : memref<128x256xf32, #tpu.memory_space<vmem>> -> memref<128x128xf32, #tpu.memory_space<vmem>>
    tpu.wait_dma2 semaphore(%arg18 : memref<!tpu.dma_semaphore, #tpu.memory_space<semaphore_mem>>) src(%dma_wait3A_51 : memref<128x128xf32, #tpu.memory_space<vmem>>) dst(%dma_wait3A_48 : memref<128x128xf32, #tpu.memory_space<hbm>>)
    %dma_wait3A_52 = arith.constant 0 : i32
    %dma_wait3A_53 = arith.constant 128 : i32
    %dma_wait3A_54 = tpu.memref_slice %arg12[%dma_wait3A_52, %dma_wait3A_53] : memref<128x256xf32, #tpu.memory_space<vmem>> -> memref<128x128xf32, #tpu.memory_space<vmem>>
    %dma_wait3A_55 = arith.constant 0 : i32
    %dma_wait3A_56 = tpu.memref_slice %arg7[%add3A_10, %dma_wait3A_55] : memref<20000x128xf32, #tpu.memory_space<hbm>> -> memref<128x128xf32, #tpu.memory_space<hbm>>
    %dma_wait3A_57 = arith.constant 0 : i32
    %dma_wait3A_58 = tpu.memref_slice %arg7[%add3A_10, %dma_wait3A_57] : memref<20000x128xf32, #tpu.memory_space<hbm>> -> memref<128x128xf32, #tpu.memory_space<hbm>>
    %dma_wait3A_59 = arith.constant 0 : i32
    %dma_wait3A_60 = arith.constant 128 : i32
    %dma_wait3A_61 = tpu.memref_slice %arg12[%dma_wait3A_59, %dma_wait3A_60] : memref<128x256xf32, #tpu.memory_space<vmem>> -> memref<128x128xf32, #tpu.memory_space<vmem>>
    tpu.wait_dma2 semaphore(%arg18 : memref<!tpu.dma_semaphore, #tpu.memory_space<semaphore_mem>>) src(%dma_wait3A_61 : memref<128x128xf32, #tpu.memory_space<vmem>>) dst(%dma_wait3A_58 : memref<128x128xf32, #tpu.memory_space<hbm>>)
    %add3A_62 = arith.constant 256 : i32
    %add3A_63 = arith.addi %mul3A_2, %add3A_62 : i32
    "tpu.region"() ({
      %run_scoped3A = tpu.sem_alloc : memref<!tpu.dma_semaphore, #tpu.memory_space<semaphore_mem>>
      %dma_start3A_313 = tpu.memref_slice %arg4[%add3A_63] : memref<10000xi32, #tpu.memory_space<hbm>> -> memref<72xi32, #tpu.memory_space<hbm>>
      %dma_start3A_314 = tpu.memref_slice %arg4[%add3A_63] : memref<10000xi32, #tpu.memory_space<hbm>> -> memref<72xi32, #tpu.memory_space<hbm>>
      tpu.enqueue_dma source(%dma_start3A_314 : memref<72xi32, #tpu.memory_space<hbm>>) target(%arg10 : memref<72xi32, #tpu.memory_space<vmem>>) target_semaphore(%run_scoped3A : memref<!tpu.dma_semaphore, #tpu.memory_space<semaphore_mem>>)
      %dma_wait3A_315 = tpu.memref_slice %arg4[%add3A_63] : memref<10000xi32, #tpu.memory_space<hbm>> -> memref<72xi32, #tpu.memory_space<hbm>>
      %dma_wait3A_316 = tpu.memref_slice %arg4[%add3A_63] : memref<10000xi32, #tpu.memory_space<hbm>> -> memref<72xi32, #tpu.memory_space<hbm>>
      tpu.wait_dma2 semaphore(%run_scoped3A : memref<!tpu.dma_semaphore, #tpu.memory_space<semaphore_mem>>) src(%dma_wait3A_316 : memref<72xi32, #tpu.memory_space<hbm>>) dst(%arg10 : memref<72xi32, #tpu.memory_space<vmem>>)
      tpu.yield
    }) : () -> ()
    %dma_start3A_64 = arith.constant 0 : i32
    %dma_start3A_65 = arith.constant 0 : i32
    %dma_start3A_66 = tpu.memref_slice %arg2[%dma_start3A_64, %dma_start3A_65] : memref<10000x256xf32, #tpu.memory_space<hbm>> -> memref<10000x256xf32, #tpu.memory_space<hbm>>
    tpu.enqueue_indirect_dma source(%dma_start3A_66 : memref<10000x256xf32, #tpu.memory_space<hbm>>) target(%arg14 : memref<72x256xf32, #tpu.memory_space<vmem>>) offsets(%arg10 : memref<72xi32, #tpu.memory_space<vmem>>) semaphore(%arg16 : memref<!tpu.dma_semaphore, #tpu.memory_space<semaphore_mem>>)
    %add3A_67 = arith.constant 0 : i32
    %add3A_68 = arith.addi %add3A_67, %mul3A_2 : i32
    %add3A_69 = arith.constant 256 : i32
    %add3A_70 = arith.addi %add3A_68, %add3A_69 : i32
    %dma_wait3A_71 = arith.constant 0 : i32
    %dma_wait3A_72 = arith.constant 0 : i32
    %dma_wait3A_73 = tpu.memref_slice %arg2[%dma_wait3A_71, %dma_wait3A_72] : memref<10000x256xf32, #tpu.memory_space<hbm>> -> memref<10000x256xf32, #tpu.memory_space<hbm>>
    tpu.wait_indirect_dma semaphore(%arg17 : memref<!tpu.dma_semaphore, #tpu.memory_space<semaphore_mem>>) src(%dma_wait3A_73 : memref<10000x256xf32, #tpu.memory_space<hbm>>) dst(%arg13 : memref<128x256xf32, #tpu.memory_space<vmem>>)
    %dma_start3A_74 = arith.constant 0 : i32
    %dma_start3A_75 = arith.constant 0 : i32
    %dma_start3A_76 = tpu.memref_slice %arg13[%dma_start3A_74, %dma_start3A_75] : memref<128x256xf32, #tpu.memory_space<vmem>> -> memref<128x128xf32, #tpu.memory_space<vmem>>
    %dma_start3A_77 = arith.constant 0 : i32
    %dma_start3A_78 = tpu.memref_slice %arg6[%add3A_19, %dma_start3A_77] : memref<20000x128xf32, #tpu.memory_space<hbm>> -> memref<128x128xf32, #tpu.memory_space<hbm>>
    %dma_start3A_79 = arith.constant 0 : i32
    %dma_start3A_80 = tpu.memref_slice %arg6[%add3A_19, %dma_start3A_79] : memref<20000x128xf32, #tpu.memory_space<hbm>> -> memref<128x128xf32, #tpu.memory_space<hbm>>
    %dma_start3A_81 = arith.constant 0 : i32
    %dma_start3A_82 = arith.constant 0 : i32
    %dma_start3A_83 = tpu.memref_slice %arg13[%dma_start3A_81, %dma_start3A_82] : memref<128x256xf32, #tpu.memory_space<vmem>> -> memref<128x128xf32, #tpu.memory_space<vmem>>
    tpu.enqueue_dma source(%dma_start3A_83 : memref<128x128xf32, #tpu.memory_space<vmem>>) target(%dma_start3A_80 : memref<128x128xf32, #tpu.memory_space<hbm>>) target_semaphore(%arg19 : memref<!tpu.dma_semaphore, #tpu.memory_space<semaphore_mem>>)
    %dma_start3A_84 = arith.constant 0 : i32
    %dma_start3A_85 = arith.constant 128 : i32
    %dma_start3A_86 = tpu.memref_slice %arg13[%dma_start3A_84, %dma_start3A_85] : memref<128x256xf32, #tpu.memory_space<vmem>> -> memref<128x128xf32, #tpu.memory_space<vmem>>
    %dma_start3A_87 = arith.constant 0 : i32
    %dma_start3A_88 = tpu.memref_slice %arg7[%add3A_19, %dma_start3A_87] : memref<20000x128xf32, #tpu.memory_space<hbm>> -> memref<128x128xf32, #tpu.memory_space<hbm>>
    %dma_start3A_89 = arith.constant 0 : i32
    %dma_start3A_90 = tpu.memref_slice %arg7[%add3A_19, %dma_start3A_89] : memref<20000x128xf32, #tpu.memory_space<hbm>> -> memref<128x128xf32, #tpu.memory_space<hbm>>
    %dma_start3A_91 = arith.constant 0 : i32
    %dma_start3A_92 = arith.constant 128 : i32
    %dma_start3A_93 = tpu.memref_slice %arg13[%dma_start3A_91, %dma_start3A_92] : memref<128x256xf32, #tpu.memory_space<vmem>> -> memref<128x128xf32, #tpu.memory_space<vmem>>
    tpu.enqueue_dma source(%dma_start3A_93 : memref<128x128xf32, #tpu.memory_space<vmem>>) target(%dma_start3A_90 : memref<128x128xf32, #tpu.memory_space<hbm>>) target_semaphore(%arg19 : memref<!tpu.dma_semaphore, #tpu.memory_space<semaphore_mem>>)
    %dma_wait3A_94 = arith.constant 0 : i32
    %dma_wait3A_95 = arith.constant 0 : i32
    %dma_wait3A_96 = tpu.memref_slice %arg13[%dma_wait3A_94, %dma_wait3A_95] : memref<128x256xf32, #tpu.memory_space<vmem>> -> memref<128x128xf32, #tpu.memory_space<vmem>>
    %dma_wait3A_97 = arith.constant 0 : i32
    %dma_wait3A_98 = tpu.memref_slice %arg6[%add3A_19, %dma_wait3A_97] : memref<20000x128xf32, #tpu.memory_space<hbm>> -> memref<128x128xf32, #tpu.memory_space<hbm>>
    %dma_wait3A_99 = arith.constant 0 : i32
    %dma_wait3A_100 = tpu.memref_slice %arg6[%add3A_19, %dma_wait3A_99] : memref<20000x128xf32, #tpu.memory_space<hbm>> -> memref<128x128xf32, #tpu.memory_space<hbm>>
    %dma_wait3A_101 = arith.constant 0 : i32
    %dma_wait3A_102 = arith.constant 0 : i32
    %dma_wait3A_103 = tpu.memref_slice %arg13[%dma_wait3A_101, %dma_wait3A_102] : memref<128x256xf32, #tpu.memory_space<vmem>> -> memref<128x128xf32, #tpu.memory_space<vmem>>
    tpu.wait_dma2 semaphore(%arg19 : memref<!tpu.dma_semaphore, #tpu.memory_space<semaphore_mem>>) src(%dma_wait3A_103 : memref<128x128xf32, #tpu.memory_space<vmem>>) dst(%dma_wait3A_100 : memref<128x128xf32, #tpu.memory_space<hbm>>)
    %dma_wait3A_104 = arith.constant 0 : i32
    %dma_wait3A_105 = arith.constant 128 : i32
    %dma_wait3A_106 = tpu.memref_slice %arg13[%dma_wait3A_104, %dma_wait3A_105] : memref<128x256xf32, #tpu.memory_space<vmem>> -> memref<128x128xf32, #tpu.memory_space<vmem>>
    %dma_wait3A_107 = arith.constant 0 : i32
    %dma_wait3A_108 = tpu.memref_slice %arg7[%add3A_19, %dma_wait3A_107] : memref<20000x128xf32, #tpu.memory_space<hbm>> -> memref<128x128xf32, #tpu.memory_space<hbm>>
    %dma_wait3A_109 = arith.constant 0 : i32
    %dma_wait3A_110 = tpu.memref_slice %arg7[%add3A_19, %dma_wait3A_109] : memref<20000x128xf32, #tpu.memory_space<hbm>> -> memref<128x128xf32, #tpu.memory_space<hbm>>
    %dma_wait3A_111 = arith.constant 0 : i32
    %dma_wait3A_112 = arith.constant 128 : i32
    %dma_wait3A_113 = tpu.memref_slice %arg13[%dma_wait3A_111, %dma_wait3A_112] : memref<128x256xf32, #tpu.memory_space<vmem>> -> memref<128x128xf32, #tpu.memory_space<vmem>>
    tpu.wait_dma2 semaphore(%arg19 : memref<!tpu.dma_semaphore, #tpu.memory_space<semaphore_mem>>) src(%dma_wait3A_113 : memref<128x128xf32, #tpu.memory_space<vmem>>) dst(%dma_wait3A_110 : memref<128x128xf32, #tpu.memory_space<hbm>>)
    %add3A_114 = arith.constant 0 : i32
    %add3A_115 = arith.addi %mul3A_2, %add3A_114 : i32
    "tpu.region"() ({
      %run_scoped3A = tpu.sem_alloc : memref<!tpu.dma_semaphore, #tpu.memory_space<semaphore_mem>>
      %dma_start3A_313 = tpu.memref_slice %arg5[%add3A_115] : memref<10000xi32, #tpu.memory_space<hbm>> -> memref<128xi32, #tpu.memory_space<hbm>>
      %dma_start3A_314 = tpu.memref_slice %arg5[%add3A_115] : memref<10000xi32, #tpu.memory_space<hbm>> -> memref<128xi32, #tpu.memory_space<hbm>>
      tpu.enqueue_dma source(%dma_start3A_314 : memref<128xi32, #tpu.memory_space<hbm>>) target(%arg9 : memref<128xi32, #tpu.memory_space<vmem>>) target_semaphore(%run_scoped3A : memref<!tpu.dma_semaphore, #tpu.memory_space<semaphore_mem>>)
      %dma_wait3A_315 = tpu.memref_slice %arg5[%add3A_115] : memref<10000xi32, #tpu.memory_space<hbm>> -> memref<128xi32, #tpu.memory_space<hbm>>
      %dma_wait3A_316 = tpu.memref_slice %arg5[%add3A_115] : memref<10000xi32, #tpu.memory_space<hbm>> -> memref<128xi32, #tpu.memory_space<hbm>>
      tpu.wait_dma2 semaphore(%run_scoped3A : memref<!tpu.dma_semaphore, #tpu.memory_space<semaphore_mem>>) src(%dma_wait3A_316 : memref<128xi32, #tpu.memory_space<hbm>>) dst(%arg9 : memref<128xi32, #tpu.memory_space<vmem>>)
      tpu.yield
    }) : () -> ()
    %dma_start3A_116 = arith.constant 0 : i32
    %dma_start3A_117 = arith.constant 0 : i32
    %dma_start3A_118 = tpu.memref_slice %arg3[%dma_start3A_116, %dma_start3A_117] : memref<10000x256xf32, #tpu.memory_space<hbm>> -> memref<10000x256xf32, #tpu.memory_space<hbm>>
    tpu.enqueue_indirect_dma source(%dma_start3A_118 : memref<10000x256xf32, #tpu.memory_space<hbm>>) target(%arg13 : memref<128x256xf32, #tpu.memory_space<vmem>>) offsets(%arg9 : memref<128xi32, #tpu.memory_space<vmem>>) semaphore(%arg17 : memref<!tpu.dma_semaphore, #tpu.memory_space<semaphore_mem>>)
    %add3A_119 = arith.constant 10000 : i32
    %add3A_120 = arith.addi %add3A_119, %mul3A_2 : i32
    %add3A_121 = arith.constant 0 : i32
    %add3A_122 = arith.addi %add3A_120, %add3A_121 : i32
    %dma_wait3A_123 = arith.constant 0 : i32
    %dma_wait3A_124 = arith.constant 0 : i32
    %dma_wait3A_125 = tpu.memref_slice %arg2[%dma_wait3A_123, %dma_wait3A_124] : memref<10000x256xf32, #tpu.memory_space<hbm>> -> memref<10000x256xf32, #tpu.memory_space<hbm>>
    tpu.wait_indirect_dma semaphore(%arg16 : memref<!tpu.dma_semaphore, #tpu.memory_space<semaphore_mem>>) src(%dma_wait3A_125 : memref<10000x256xf32, #tpu.memory_space<hbm>>) dst(%arg14 : memref<72x256xf32, #tpu.memory_space<vmem>>)
    %dma_start3A_126 = arith.constant 0 : i32
    %dma_start3A_127 = arith.constant 0 : i32
    %dma_start3A_128 = tpu.memref_slice %arg14[%dma_start3A_126, %dma_start3A_127] : memref<72x256xf32, #tpu.memory_space<vmem>> -> memref<72x128xf32, #tpu.memory_space<vmem>>
    %dma_start3A_129 = arith.constant 0 : i32
    %dma_start3A_130 = tpu.memref_slice %arg6[%add3A_70, %dma_start3A_129] : memref<20000x128xf32, #tpu.memory_space<hbm>> -> memref<72x128xf32, #tpu.memory_space<hbm>>
    %dma_start3A_131 = arith.constant 0 : i32
    %dma_start3A_132 = tpu.memref_slice %arg6[%add3A_70, %dma_start3A_131] : memref<20000x128xf32, #tpu.memory_space<hbm>> -> memref<72x128xf32, #tpu.memory_space<hbm>>
    %dma_start3A_133 = arith.constant 0 : i32
    %dma_start3A_134 = arith.constant 0 : i32
    %dma_start3A_135 = tpu.memref_slice %arg14[%dma_start3A_133, %dma_start3A_134] : memref<72x256xf32, #tpu.memory_space<vmem>> -> memref<72x128xf32, #tpu.memory_space<vmem>>
    tpu.enqueue_dma source(%dma_start3A_135 : memref<72x128xf32, #tpu.memory_space<vmem>>) target(%dma_start3A_132 : memref<72x128xf32, #tpu.memory_space<hbm>>) target_semaphore(%arg18 : memref<!tpu.dma_semaphore, #tpu.memory_space<semaphore_mem>>)
    %dma_start3A_136 = arith.constant 0 : i32
    %dma_start3A_137 = arith.constant 128 : i32
    %dma_start3A_138 = tpu.memref_slice %arg14[%dma_start3A_136, %dma_start3A_137] : memref<72x256xf32, #tpu.memory_space<vmem>> -> memref<72x128xf32, #tpu.memory_space<vmem>>
    %dma_start3A_139 = arith.constant 0 : i32
    %dma_start3A_140 = tpu.memref_slice %arg7[%add3A_70, %dma_start3A_139] : memref<20000x128xf32, #tpu.memory_space<hbm>> -> memref<72x128xf32, #tpu.memory_space<hbm>>
    %dma_start3A_141 = arith.constant 0 : i32
    %dma_start3A_142 = tpu.memref_slice %arg7[%add3A_70, %dma_start3A_141] : memref<20000x128xf32, #tpu.memory_space<hbm>> -> memref<72x128xf32, #tpu.memory_space<hbm>>
    %dma_start3A_143 = arith.constant 0 : i32
    %dma_start3A_144 = arith.constant 128 : i32
    %dma_start3A_145 = tpu.memref_slice %arg14[%dma_start3A_143, %dma_start3A_144] : memref<72x256xf32, #tpu.memory_space<vmem>> -> memref<72x128xf32, #tpu.memory_space<vmem>>
    tpu.enqueue_dma source(%dma_start3A_145 : memref<72x128xf32, #tpu.memory_space<vmem>>) target(%dma_start3A_142 : memref<72x128xf32, #tpu.memory_space<hbm>>) target_semaphore(%arg18 : memref<!tpu.dma_semaphore, #tpu.memory_space<semaphore_mem>>)
    %dma_wait3A_146 = arith.constant 0 : i32
    %dma_wait3A_147 = arith.constant 0 : i32
    %dma_wait3A_148 = tpu.memref_slice %arg14[%dma_wait3A_146, %dma_wait3A_147] : memref<72x256xf32, #tpu.memory_space<vmem>> -> memref<72x128xf32, #tpu.memory_space<vmem>>
    %dma_wait3A_149 = arith.constant 0 : i32
    %dma_wait3A_150 = tpu.memref_slice %arg6[%add3A_70, %dma_wait3A_149] : memref<20000x128xf32, #tpu.memory_space<hbm>> -> memref<72x128xf32, #tpu.memory_space<hbm>>
    %dma_wait3A_151 = arith.constant 0 : i32
    %dma_wait3A_152 = tpu.memref_slice %arg6[%add3A_70, %dma_wait3A_151] : memref<20000x128xf32, #tpu.memory_space<hbm>> -> memref<72x128xf32, #tpu.memory_space<hbm>>
    %dma_wait3A_153 = arith.constant 0 : i32
    %dma_wait3A_154 = arith.constant 0 : i32
    %dma_wait3A_155 = tpu.memref_slice %arg14[%dma_wait3A_153, %dma_wait3A_154] : memref<72x256xf32, #tpu.memory_space<vmem>> -> memref<72x128xf32, #tpu.memory_space<vmem>>
    tpu.wait_dma2 semaphore(%arg18 : memref<!tpu.dma_semaphore, #tpu.memory_space<semaphore_mem>>) src(%dma_wait3A_155 : memref<72x128xf32, #tpu.memory_space<vmem>>) dst(%dma_wait3A_152 : memref<72x128xf32, #tpu.memory_space<hbm>>)
    %dma_wait3A_156 = arith.constant 0 : i32
    %dma_wait3A_157 = arith.constant 128 : i32
    %dma_wait3A_158 = tpu.memref_slice %arg14[%dma_wait3A_156, %dma_wait3A_157] : memref<72x256xf32, #tpu.memory_space<vmem>> -> memref<72x128xf32, #tpu.memory_space<vmem>>
    %dma_wait3A_159 = arith.constant 0 : i32
    %dma_wait3A_160 = tpu.memref_slice %arg7[%add3A_70, %dma_wait3A_159] : memref<20000x128xf32, #tpu.memory_space<hbm>> -> memref<72x128xf32, #tpu.memory_space<hbm>>
    %dma_wait3A_161 = arith.constant 0 : i32
    %dma_wait3A_162 = tpu.memref_slice %arg7[%add3A_70, %dma_wait3A_161] : memref<20000x128xf32, #tpu.memory_space<hbm>> -> memref<72x128xf32, #tpu.memory_space<hbm>>
    %dma_wait3A_163 = arith.constant 0 : i32
    %dma_wait3A_164 = arith.constant 128 : i32
    %dma_wait3A_165 = tpu.memref_slice %arg14[%dma_wait3A_163, %dma_wait3A_164] : memref<72x256xf32, #tpu.memory_space<vmem>> -> memref<72x128xf32, #tpu.memory_space<vmem>>
    tpu.wait_dma2 semaphore(%arg18 : memref<!tpu.dma_semaphore, #tpu.memory_space<semaphore_mem>>) src(%dma_wait3A_165 : memref<72x128xf32, #tpu.memory_space<vmem>>) dst(%dma_wait3A_162 : memref<72x128xf32, #tpu.memory_space<hbm>>)
    %add3A_166 = arith.constant 128 : i32
    %add3A_167 = arith.addi %mul3A_2, %add3A_166 : i32
    "tpu.region"() ({
      %run_scoped3A = tpu.sem_alloc : memref<!tpu.dma_semaphore, #tpu.memory_space<semaphore_mem>>
      %dma_start3A_313 = tpu.memref_slice %arg5[%add3A_167] : memref<10000xi32, #tpu.memory_space<hbm>> -> memref<128xi32, #tpu.memory_space<hbm>>
      %dma_start3A_314 = tpu.memref_slice %arg5[%add3A_167] : memref<10000xi32, #tpu.memory_space<hbm>> -> memref<128xi32, #tpu.memory_space<hbm>>
      tpu.enqueue_dma source(%dma_start3A_314 : memref<128xi32, #tpu.memory_space<hbm>>) target(%arg8 : memref<128xi32, #tpu.memory_space<vmem>>) target_semaphore(%run_scoped3A : memref<!tpu.dma_semaphore, #tpu.memory_space<semaphore_mem>>)
      %dma_wait3A_315 = tpu.memref_slice %arg5[%add3A_167] : memref<10000xi32, #tpu.memory_space<hbm>> -> memref<128xi32, #tpu.memory_space<hbm>>
      %dma_wait3A_316 = tpu.memref_slice %arg5[%add3A_167] : memref<10000xi32, #tpu.memory_space<hbm>> -> memref<128xi32, #tpu.memory_space<hbm>>
      tpu.wait_dma2 semaphore(%run_scoped3A : memref<!tpu.dma_semaphore, #tpu.memory_space<semaphore_mem>>) src(%dma_wait3A_316 : memref<128xi32, #tpu.memory_space<hbm>>) dst(%arg8 : memref<128xi32, #tpu.memory_space<vmem>>)
      tpu.yield
    }) : () -> ()
    %dma_start3A_168 = arith.constant 0 : i32
    %dma_start3A_169 = arith.constant 0 : i32
    %dma_start3A_170 = tpu.memref_slice %arg3[%dma_start3A_168, %dma_start3A_169] : memref<10000x256xf32, #tpu.memory_space<hbm>> -> memref<10000x256xf32, #tpu.memory_space<hbm>>
    tpu.enqueue_indirect_dma source(%dma_start3A_170 : memref<10000x256xf32, #tpu.memory_space<hbm>>) target(%arg12 : memref<128x256xf32, #tpu.memory_space<vmem>>) offsets(%arg8 : memref<128xi32, #tpu.memory_space<vmem>>) semaphore(%arg16 : memref<!tpu.dma_semaphore, #tpu.memory_space<semaphore_mem>>)
    %add3A_171 = arith.constant 10000 : i32
    %add3A_172 = arith.addi %add3A_171, %mul3A_2 : i32
    %add3A_173 = arith.constant 128 : i32
    %add3A_174 = arith.addi %add3A_172, %add3A_173 : i32
    %dma_wait3A_175 = arith.constant 0 : i32
    %dma_wait3A_176 = arith.constant 0 : i32
    %dma_wait3A_177 = tpu.memref_slice %arg3[%dma_wait3A_175, %dma_wait3A_176] : memref<10000x256xf32, #tpu.memory_space<hbm>> -> memref<10000x256xf32, #tpu.memory_space<hbm>>
    tpu.wait_indirect_dma semaphore(%arg17 : memref<!tpu.dma_semaphore, #tpu.memory_space<semaphore_mem>>) src(%dma_wait3A_177 : memref<10000x256xf32, #tpu.memory_space<hbm>>) dst(%arg13 : memref<128x256xf32, #tpu.memory_space<vmem>>)
    %dma_start3A_178 = arith.constant 0 : i32
    %dma_start3A_179 = arith.constant 0 : i32
    %dma_start3A_180 = tpu.memref_slice %arg13[%dma_start3A_178, %dma_start3A_179] : memref<128x256xf32, #tpu.memory_space<vmem>> -> memref<128x128xf32, #tpu.memory_space<vmem>>
    %dma_start3A_181 = arith.constant 0 : i32
    %dma_start3A_182 = tpu.memref_slice %arg6[%add3A_122, %dma_start3A_181] : memref<20000x128xf32, #tpu.memory_space<hbm>> -> memref<128x128xf32, #tpu.memory_space<hbm>>
    %dma_start3A_183 = arith.constant 0 : i32
    %dma_start3A_184 = tpu.memref_slice %arg6[%add3A_122, %dma_start3A_183] : memref<20000x128xf32, #tpu.memory_space<hbm>> -> memref<128x128xf32, #tpu.memory_space<hbm>>
    %dma_start3A_185 = arith.constant 0 : i32
    %dma_start3A_186 = arith.constant 0 : i32
    %dma_start3A_187 = tpu.memref_slice %arg13[%dma_start3A_185, %dma_start3A_186] : memref<128x256xf32, #tpu.memory_space<vmem>> -> memref<128x128xf32, #tpu.memory_space<vmem>>
    tpu.enqueue_dma source(%dma_start3A_187 : memref<128x128xf32, #tpu.memory_space<vmem>>) target(%dma_start3A_184 : memref<128x128xf32, #tpu.memory_space<hbm>>) target_semaphore(%arg19 : memref<!tpu.dma_semaphore, #tpu.memory_space<semaphore_mem>>)
    %dma_start3A_188 = arith.constant 0 : i32
    %dma_start3A_189 = arith.constant 128 : i32
    %dma_start3A_190 = tpu.memref_slice %arg13[%dma_start3A_188, %dma_start3A_189] : memref<128x256xf32, #tpu.memory_space<vmem>> -> memref<128x128xf32, #tpu.memory_space<vmem>>
    %dma_start3A_191 = arith.constant 0 : i32
    %dma_start3A_192 = tpu.memref_slice %arg7[%add3A_122, %dma_start3A_191] : memref<20000x128xf32, #tpu.memory_space<hbm>> -> memref<128x128xf32, #tpu.memory_space<hbm>>
    %dma_start3A_193 = arith.constant 0 : i32
    %dma_start3A_194 = tpu.memref_slice %arg7[%add3A_122, %dma_start3A_193] : memref<20000x128xf32, #tpu.memory_space<hbm>> -> memref<128x128xf32, #tpu.memory_space<hbm>>
    %dma_start3A_195 = arith.constant 0 : i32
    %dma_start3A_196 = arith.constant 128 : i32
    %dma_start3A_197 = tpu.memref_slice %arg13[%dma_start3A_195, %dma_start3A_196] : memref<128x256xf32, #tpu.memory_space<vmem>> -> memref<128x128xf32, #tpu.memory_space<vmem>>
    tpu.enqueue_dma source(%dma_start3A_197 : memref<128x128xf32, #tpu.memory_space<vmem>>) target(%dma_start3A_194 : memref<128x128xf32, #tpu.memory_space<hbm>>) target_semaphore(%arg19 : memref<!tpu.dma_semaphore, #tpu.memory_space<semaphore_mem>>)
    %dma_wait3A_198 = arith.constant 0 : i32
    %dma_wait3A_199 = arith.constant 0 : i32
    %dma_wait3A_200 = tpu.memref_slice %arg13[%dma_wait3A_198, %dma_wait3A_199] : memref<128x256xf32, #tpu.memory_space<vmem>> -> memref<128x128xf32, #tpu.memory_space<vmem>>
    %dma_wait3A_201 = arith.constant 0 : i32
    %dma_wait3A_202 = tpu.memref_slice %arg6[%add3A_122, %dma_wait3A_201] : memref<20000x128xf32, #tpu.memory_space<hbm>> -> memref<128x128xf32, #tpu.memory_space<hbm>>
    %dma_wait3A_203 = arith.constant 0 : i32
    %dma_wait3A_204 = tpu.memref_slice %arg6[%add3A_122, %dma_wait3A_203] : memref<20000x128xf32, #tpu.memory_space<hbm>> -> memref<128x128xf32, #tpu.memory_space<hbm>>
    %dma_wait3A_205 = arith.constant 0 : i32
    %dma_wait3A_206 = arith.constant 0 : i32
    %dma_wait3A_207 = tpu.memref_slice %arg13[%dma_wait3A_205, %dma_wait3A_206] : memref<128x256xf32, #tpu.memory_space<vmem>> -> memref<128x128xf32, #tpu.memory_space<vmem>>
    tpu.wait_dma2 semaphore(%arg19 : memref<!tpu.dma_semaphore, #tpu.memory_space<semaphore_mem>>) src(%dma_wait3A_207 : memref<128x128xf32, #tpu.memory_space<vmem>>) dst(%dma_wait3A_204 : memref<128x128xf32, #tpu.memory_space<hbm>>)
    %dma_wait3A_208 = arith.constant 0 : i32
    %dma_wait3A_209 = arith.constant 128 : i32
    %dma_wait3A_210 = tpu.memref_slice %arg13[%dma_wait3A_208, %dma_wait3A_209] : memref<128x256xf32, #tpu.memory_space<vmem>> -> memref<128x128xf32, #tpu.memory_space<vmem>>
    %dma_wait3A_211 = arith.constant 0 : i32
    %dma_wait3A_212 = tpu.memref_slice %arg7[%add3A_122, %dma_wait3A_211] : memref<20000x128xf32, #tpu.memory_space<hbm>> -> memref<128x128xf32, #tpu.memory_space<hbm>>
    %dma_wait3A_213 = arith.constant 0 : i32
    %dma_wait3A_214 = tpu.memref_slice %arg7[%add3A_122, %dma_wait3A_213] : memref<20000x128xf32, #tpu.memory_space<hbm>> -> memref<128x128xf32, #tpu.memory_space<hbm>>
    %dma_wait3A_215 = arith.constant 0 : i32
    %dma_wait3A_216 = arith.constant 128 : i32
    %dma_wait3A_217 = tpu.memref_slice %arg13[%dma_wait3A_215, %dma_wait3A_216] : memref<128x256xf32, #tpu.memory_space<vmem>> -> memref<128x128xf32, #tpu.memory_space<vmem>>
    tpu.wait_dma2 semaphore(%arg19 : memref<!tpu.dma_semaphore, #tpu.memory_space<semaphore_mem>>) src(%dma_wait3A_217 : memref<128x128xf32, #tpu.memory_space<vmem>>) dst(%dma_wait3A_214 : memref<128x128xf32, #tpu.memory_space<hbm>>)
    %add3A_218 = arith.constant 256 : i32
    %add3A_219 = arith.addi %mul3A_2, %add3A_218 : i32
    "tpu.region"() ({
      %run_scoped3A = tpu.sem_alloc : memref<!tpu.dma_semaphore, #tpu.memory_space<semaphore_mem>>
      %dma_start3A_313 = tpu.memref_slice %arg5[%add3A_219] : memref<10000xi32, #tpu.memory_space<hbm>> -> memref<72xi32, #tpu.memory_space<hbm>>
      %dma_start3A_314 = tpu.memref_slice %arg5[%add3A_219] : memref<10000xi32, #tpu.memory_space<hbm>> -> memref<72xi32, #tpu.memory_space<hbm>>
      tpu.enqueue_dma source(%dma_start3A_314 : memref<72xi32, #tpu.memory_space<hbm>>) target(%arg11 : memref<72xi32, #tpu.memory_space<vmem>>) target_semaphore(%run_scoped3A : memref<!tpu.dma_semaphore, #tpu.memory_space<semaphore_mem>>)
      %dma_wait3A_315 = tpu.memref_slice %arg5[%add3A_219] : memref<10000xi32, #tpu.memory_space<hbm>> -> memref<72xi32, #tpu.memory_space<hbm>>
      %dma_wait3A_316 = tpu.memref_slice %arg5[%add3A_219] : memref<10000xi32, #tpu.memory_space<hbm>> -> memref<72xi32, #tpu.memory_space<hbm>>
      tpu.wait_dma2 semaphore(%run_scoped3A : memref<!tpu.dma_semaphore, #tpu.memory_space<semaphore_mem>>) src(%dma_wait3A_316 : memref<72xi32, #tpu.memory_space<hbm>>) dst(%arg11 : memref<72xi32, #tpu.memory_space<vmem>>)
      tpu.yield
    }) : () -> ()
    %dma_start3A_220 = arith.constant 0 : i32
    %dma_start3A_221 = arith.constant 0 : i32
    %dma_start3A_222 = tpu.memref_slice %arg3[%dma_start3A_220, %dma_start3A_221] : memref<10000x256xf32, #tpu.memory_space<hbm>> -> memref<10000x256xf32, #tpu.memory_space<hbm>>
    tpu.enqueue_indirect_dma source(%dma_start3A_222 : memref<10000x256xf32, #tpu.memory_space<hbm>>) target(%arg15 : memref<72x256xf32, #tpu.memory_space<vmem>>) offsets(%arg11 : memref<72xi32, #tpu.memory_space<vmem>>) semaphore(%arg17 : memref<!tpu.dma_semaphore, #tpu.memory_space<semaphore_mem>>)
    %add3A_223 = arith.constant 10000 : i32
    %add3A_224 = arith.addi %add3A_223, %mul3A_2 : i32
    %add3A_225 = arith.constant 256 : i32
    %add3A_226 = arith.addi %add3A_224, %add3A_225 : i32
    %dma_wait3A_227 = arith.constant 0 : i32
    %dma_wait3A_228 = arith.constant 0 : i32
    %dma_wait3A_229 = tpu.memref_slice %arg3[%dma_wait3A_227, %dma_wait3A_228] : memref<10000x256xf32, #tpu.memory_space<hbm>> -> memref<10000x256xf32, #tpu.memory_space<hbm>>
    tpu.wait_indirect_dma semaphore(%arg16 : memref<!tpu.dma_semaphore, #tpu.memory_space<semaphore_mem>>) src(%dma_wait3A_229 : memref<10000x256xf32, #tpu.memory_space<hbm>>) dst(%arg12 : memref<128x256xf32, #tpu.memory_space<vmem>>)
    %dma_start3A_230 = arith.constant 0 : i32
    %dma_start3A_231 = arith.constant 0 : i32
    %dma_start3A_232 = tpu.memref_slice %arg12[%dma_start3A_230, %dma_start3A_231] : memref<128x256xf32, #tpu.memory_space<vmem>> -> memref<128x128xf32, #tpu.memory_space<vmem>>
    %dma_start3A_233 = arith.constant 0 : i32
    %dma_start3A_234 = tpu.memref_slice %arg6[%add3A_174, %dma_start3A_233] : memref<20000x128xf32, #tpu.memory_space<hbm>> -> memref<128x128xf32, #tpu.memory_space<hbm>>
    %dma_start3A_235 = arith.constant 0 : i32
    %dma_start3A_236 = tpu.memref_slice %arg6[%add3A_174, %dma_start3A_235] : memref<20000x128xf32, #tpu.memory_space<hbm>> -> memref<128x128xf32, #tpu.memory_space<hbm>>
    %dma_start3A_237 = arith.constant 0 : i32
    %dma_start3A_238 = arith.constant 0 : i32
    %dma_start3A_239 = tpu.memref_slice %arg12[%dma_start3A_237, %dma_start3A_238] : memref<128x256xf32, #tpu.memory_space<vmem>> -> memref<128x128xf32, #tpu.memory_space<vmem>>
    tpu.enqueue_dma source(%dma_start3A_239 : memref<128x128xf32, #tpu.memory_space<vmem>>) target(%dma_start3A_236 : memref<128x128xf32, #tpu.memory_space<hbm>>) target_semaphore(%arg18 : memref<!tpu.dma_semaphore, #tpu.memory_space<semaphore_mem>>)
    %dma_start3A_240 = arith.constant 0 : i32
    %dma_start3A_241 = arith.constant 128 : i32
    %dma_start3A_242 = tpu.memref_slice %arg12[%dma_start3A_240, %dma_start3A_241] : memref<128x256xf32, #tpu.memory_space<vmem>> -> memref<128x128xf32, #tpu.memory_space<vmem>>
    %dma_start3A_243 = arith.constant 0 : i32
    %dma_start3A_244 = tpu.memref_slice %arg7[%add3A_174, %dma_start3A_243] : memref<20000x128xf32, #tpu.memory_space<hbm>> -> memref<128x128xf32, #tpu.memory_space<hbm>>
    %dma_start3A_245 = arith.constant 0 : i32
    %dma_start3A_246 = tpu.memref_slice %arg7[%add3A_174, %dma_start3A_245] : memref<20000x128xf32, #tpu.memory_space<hbm>> -> memref<128x128xf32, #tpu.memory_space<hbm>>
    %dma_start3A_247 = arith.constant 0 : i32
    %dma_start3A_248 = arith.constant 128 : i32
    %dma_start3A_249 = tpu.memref_slice %arg12[%dma_start3A_247, %dma_start3A_248] : memref<128x256xf32, #tpu.memory_space<vmem>> -> memref<128x128xf32, #tpu.memory_space<vmem>>
    tpu.enqueue_dma source(%dma_start3A_249 : memref<128x128xf32, #tpu.memory_space<vmem>>) target(%dma_start3A_246 : memref<128x128xf32, #tpu.memory_space<hbm>>) target_semaphore(%arg18 : memref<!tpu.dma_semaphore, #tpu.memory_space<semaphore_mem>>)
    %dma_wait3A_250 = arith.constant 0 : i32
    %dma_wait3A_251 = arith.constant 0 : i32
    %dma_wait3A_252 = tpu.memref_slice %arg3[%dma_wait3A_250, %dma_wait3A_251] : memref<10000x256xf32, #tpu.memory_space<hbm>> -> memref<10000x256xf32, #tpu.memory_space<hbm>>
    tpu.wait_indirect_dma semaphore(%arg17 : memref<!tpu.dma_semaphore, #tpu.memory_space<semaphore_mem>>) src(%dma_wait3A_252 : memref<10000x256xf32, #tpu.memory_space<hbm>>) dst(%arg15 : memref<72x256xf32, #tpu.memory_space<vmem>>)
    %dma_start3A_253 = arith.constant 0 : i32
    %dma_start3A_254 = arith.constant 0 : i32
    %dma_start3A_255 = tpu.memref_slice %arg15[%dma_start3A_253, %dma_start3A_254] : memref<72x256xf32, #tpu.memory_space<vmem>> -> memref<72x128xf32, #tpu.memory_space<vmem>>
    %dma_start3A_256 = arith.constant 0 : i32
    %dma_start3A_257 = tpu.memref_slice %arg6[%add3A_226, %dma_start3A_256] : memref<20000x128xf32, #tpu.memory_space<hbm>> -> memref<72x128xf32, #tpu.memory_space<hbm>>
    %dma_start3A_258 = arith.constant 0 : i32
    %dma_start3A_259 = tpu.memref_slice %arg6[%add3A_226, %dma_start3A_258] : memref<20000x128xf32, #tpu.memory_space<hbm>> -> memref<72x128xf32, #tpu.memory_space<hbm>>
    %dma_start3A_260 = arith.constant 0 : i32
    %dma_start3A_261 = arith.constant 0 : i32
    %dma_start3A_262 = tpu.memref_slice %arg15[%dma_start3A_260, %dma_start3A_261] : memref<72x256xf32, #tpu.memory_space<vmem>> -> memref<72x128xf32, #tpu.memory_space<vmem>>
    tpu.enqueue_dma source(%dma_start3A_262 : memref<72x128xf32, #tpu.memory_space<vmem>>) target(%dma_start3A_259 : memref<72x128xf32, #tpu.memory_space<hbm>>) target_semaphore(%arg17 : memref<!tpu.dma_semaphore, #tpu.memory_space<semaphore_mem>>)
    %dma_start3A_263 = arith.constant 0 : i32
    %dma_start3A_264 = arith.constant 128 : i32
    %dma_start3A_265 = tpu.memref_slice %arg15[%dma_start3A_263, %dma_start3A_264] : memref<72x256xf32, #tpu.memory_space<vmem>> -> memref<72x128xf32, #tpu.memory_space<vmem>>
    %dma_start3A_266 = arith.constant 0 : i32
    %dma_start3A_267 = tpu.memref_slice %arg7[%add3A_226, %dma_start3A_266] : memref<20000x128xf32, #tpu.memory_space<hbm>> -> memref<72x128xf32, #tpu.memory_space<hbm>>
    %dma_start3A_268 = arith.constant 0 : i32
    %dma_start3A_269 = tpu.memref_slice %arg7[%add3A_226, %dma_start3A_268] : memref<20000x128xf32, #tpu.memory_space<hbm>> -> memref<72x128xf32, #tpu.memory_space<hbm>>
    %dma_start3A_270 = arith.constant 0 : i32
    %dma_start3A_271 = arith.constant 128 : i32
    %dma_start3A_272 = tpu.memref_slice %arg15[%dma_start3A_270, %dma_start3A_271] : memref<72x256xf32, #tpu.memory_space<vmem>> -> memref<72x128xf32, #tpu.memory_space<vmem>>
    tpu.enqueue_dma source(%dma_start3A_272 : memref<72x128xf32, #tpu.memory_space<vmem>>) target(%dma_start3A_269 : memref<72x128xf32, #tpu.memory_space<hbm>>) target_semaphore(%arg17 : memref<!tpu.dma_semaphore, #tpu.memory_space<semaphore_mem>>)
    %dma_wait3A_273 = arith.constant 0 : i32
    %dma_wait3A_274 = arith.constant 0 : i32
    %dma_wait3A_275 = tpu.memref_slice %arg15[%dma_wait3A_273, %dma_wait3A_274] : memref<72x256xf32, #tpu.memory_space<vmem>> -> memref<72x128xf32, #tpu.memory_space<vmem>>
    %dma_wait3A_276 = arith.constant 0 : i32
    %dma_wait3A_277 = tpu.memref_slice %arg6[%add3A_226, %dma_wait3A_276] : memref<20000x128xf32, #tpu.memory_space<hbm>> -> memref<72x128xf32, #tpu.memory_space<hbm>>
    %dma_wait3A_278 = arith.constant 0 : i32
    %dma_wait3A_279 = tpu.memref_slice %arg6[%add3A_226, %dma_wait3A_278] : memref<20000x128xf32, #tpu.memory_space<hbm>> -> memref<72x128xf32, #tpu.memory_space<hbm>>
    %dma_wait3A_280 = arith.constant 0 : i32
    %dma_wait3A_281 = arith.constant 0 : i32
    %dma_wait3A_282 = tpu.memref_slice %arg15[%dma_wait3A_280, %dma_wait3A_281] : memref<72x256xf32, #tpu.memory_space<vmem>> -> memref<72x128xf32, #tpu.memory_space<vmem>>
    tpu.wait_dma2 semaphore(%arg17 : memref<!tpu.dma_semaphore, #tpu.memory_space<semaphore_mem>>) src(%dma_wait3A_282 : memref<72x128xf32, #tpu.memory_space<vmem>>) dst(%dma_wait3A_279 : memref<72x128xf32, #tpu.memory_space<hbm>>)
    %dma_wait3A_283 = arith.constant 0 : i32
    %dma_wait3A_284 = arith.constant 128 : i32
    %dma_wait3A_285 = tpu.memref_slice %arg15[%dma_wait3A_283, %dma_wait3A_284] : memref<72x256xf32, #tpu.memory_space<vmem>> -> memref<72x128xf32, #tpu.memory_space<vmem>>
    %dma_wait3A_286 = arith.constant 0 : i32
    %dma_wait3A_287 = tpu.memref_slice %arg7[%add3A_226, %dma_wait3A_286] : memref<20000x128xf32, #tpu.memory_space<hbm>> -> memref<72x128xf32, #tpu.memory_space<hbm>>
    %dma_wait3A_288 = arith.constant 0 : i32
    %dma_wait3A_289 = tpu.memref_slice %arg7[%add3A_226, %dma_wait3A_288] : memref<20000x128xf32, #tpu.memory_space<hbm>> -> memref<72x128xf32, #tpu.memory_space<hbm>>
    %dma_wait3A_290 = arith.constant 0 : i32
    %dma_wait3A_291 = arith.constant 128 : i32
    %dma_wait3A_292 = tpu.memref_slice %arg15[%dma_wait3A_290, %dma_wait3A_291] : memref<72x256xf32, #tpu.memory_space<vmem>> -> memref<72x128xf32, #tpu.memory_space<vmem>>
    tpu.wait_dma2 semaphore(%arg17 : memref<!tpu.dma_semaphore, #tpu.memory_space<semaphore_mem>>) src(%dma_wait3A_292 : memref<72x128xf32, #tpu.memory_space<vmem>>) dst(%dma_wait3A_289 : memref<72x128xf32, #tpu.memory_space<hbm>>)
    %dma_wait3A_293 = arith.constant 0 : i32
    %dma_wait3A_294 = arith.constant 0 : i32
    %dma_wait3A_295 = tpu.memref_slice %arg12[%dma_wait3A_293, %dma_wait3A_294] : memref<128x256xf32, #tpu.memory_space<vmem>> -> memref<128x128xf32, #tpu.memory_space<vmem>>
    %dma_wait3A_296 = arith.constant 0 : i32
    %dma_wait3A_297 = tpu.memref_slice %arg6[%add3A_174, %dma_wait3A_296] : memref<20000x128xf32, #tpu.memory_space<hbm>> -> memref<128x128xf32, #tpu.memory_space<hbm>>
    %dma_wait3A_298 = arith.constant 0 : i32
    %dma_wait3A_299 = tpu.memref_slice %arg6[%add3A_174, %dma_wait3A_298] : memref<20000x128xf32, #tpu.memory_space<hbm>> -> memref<128x128xf32, #tpu.memory_space<hbm>>
    %dma_wait3A_300 = arith.constant 0 : i32
    %dma_wait3A_301 = arith.constant 0 : i32
    %dma_wait3A_302 = tpu.memref_slice %arg12[%dma_wait3A_300, %dma_wait3A_301] : memref<128x256xf32, #tpu.memory_space<vmem>> -> memref<128x128xf32, #tpu.memory_space<vmem>>
    tpu.wait_dma2 semaphore(%arg18 : memref<!tpu.dma_semaphore, #tpu.memory_space<semaphore_mem>>) src(%dma_wait3A_302 : memref<128x128xf32, #tpu.memory_space<vmem>>) dst(%dma_wait3A_299 : memref<128x128xf32, #tpu.memory_space<hbm>>)
    %dma_wait3A_303 = arith.constant 0 : i32
    %dma_wait3A_304 = arith.constant 128 : i32
    %dma_wait3A_305 = tpu.memref_slice %arg12[%dma_wait3A_303, %dma_wait3A_304] : memref<128x256xf32, #tpu.memory_space<vmem>> -> memref<128x128xf32, #tpu.memory_space<vmem>>
    %dma_wait3A_306 = arith.constant 0 : i32
    %dma_wait3A_307 = tpu.memref_slice %arg7[%add3A_174, %dma_wait3A_306] : memref<20000x128xf32, #tpu.memory_space<hbm>> -> memref<128x128xf32, #tpu.memory_space<hbm>>
    %dma_wait3A_308 = arith.constant 0 : i32
    %dma_wait3A_309 = tpu.memref_slice %arg7[%add3A_174, %dma_wait3A_308] : memref<20000x128xf32, #tpu.memory_space<hbm>> -> memref<128x128xf32, #tpu.memory_space<hbm>>
    %dma_wait3A_310 = arith.constant 0 : i32
    %dma_wait3A_311 = arith.constant 128 : i32
    %dma_wait3A_312 = tpu.memref_slice %arg12[%dma_wait3A_310, %dma_wait3A_311] : memref<128x256xf32, #tpu.memory_space<vmem>> -> memref<128x128xf32, #tpu.memory_space<vmem>>
    tpu.wait_dma2 semaphore(%arg18 : memref<!tpu.dma_semaphore, #tpu.memory_space<semaphore_mem>>) src(%dma_wait3A_312 : memref<128x128xf32, #tpu.memory_space<vmem>>) dst(%dma_wait3A_309 : memref<128x128xf32, #tpu.memory_space<hbm>>)
    return
  }
}

#map = affine_map<(d0, d1) -> (0)>
#map1 = affine_map<(d0, d1) -> (0, 0)>
module attributes {stable_mosaic.version = 14 : i64} {
  func.func @_sc_edges(%arg0: i32, %arg1: i32, %arg2: memref<160160xi32, #tpu.memory_space<hbm>>, %arg3: memref<160160xi32, #tpu.memory_space<hbm>>, %arg4: memref<20000x128xf32, #tpu.memory_space<hbm>>, %arg5: memref<20000x128xf32, #tpu.memory_space<hbm>>, %arg6: memref<20000x16xf32, #tpu.memory_space<hbm>>, %arg7: memref<20000x16xf32, #tpu.memory_space<hbm>>, %arg8: memref<10000x16xf32, #tpu.memory_space<hbm>>, %arg9: memref<10000x16xf32, #tpu.memory_space<hbm>>, %arg10: memref<20000x128xf32, #tpu.memory_space<hbm>>, %arg11: memref<20000x16xf32, #tpu.memory_space<hbm>>, %arg12: memref<20000x128xf32, #tpu.memory_space<hbm>>, %arg13: memref<20000x16xf32, #tpu.memory_space<hbm>>, %arg14: memref<10000x128xf32, #tpu.memory_space<vmem_shared>>, %arg15: memref<10000x16xf32, #tpu.memory_space<vmem_shared>>, %arg16: memref<160xi32, #tpu.memory_space<vmem>>, %arg17: memref<160xi32, #tpu.memory_space<vmem>>, %arg18: memref<80xi32, #tpu.memory_space<vmem>>, %arg19: memref<80xi32, #tpu.memory_space<vmem>>, %arg20: memref<80xi32, #tpu.memory_space<vmem>>, %arg21: memref<80xi32, #tpu.memory_space<vmem>>, %arg22: memref<80x128xf32, #tpu.memory_space<vmem>>, %arg23: memref<80x128xf32, #tpu.memory_space<vmem>>, %arg24: memref<80x16xf32, #tpu.memory_space<vmem>>, %arg25: memref<80x16xf32, #tpu.memory_space<vmem>>, %arg26: memref<80x16xf32, #tpu.memory_space<vmem>>, %arg27: memref<80x16xf32, #tpu.memory_space<vmem>>, %arg28: memref<32x128xf32, #tpu.memory_space<vmem>>, %arg29: memref<!tpu.dma_semaphore, #tpu.memory_space<semaphore_mem>>, %arg30: memref<!tpu.dma_semaphore, #tpu.memory_space<semaphore_mem>>, %arg31: memref<!tpu.dma_semaphore, #tpu.memory_space<semaphore_mem>>, %arg32: memref<!tpu.dma_semaphore, #tpu.memory_space<semaphore_mem>>, %arg33: memref<!tpu.dma_semaphore, #tpu.memory_space<semaphore_mem>>) attributes {dimension_semantics = [#tpu.dimension_semantics<core_parallel>, #tpu.dimension_semantics<subcore_parallel>], iteration_bounds = array<i64: 2, 16>, scalar_prefetch = 0 : i64, scratch_operands = 20 : i64, tpu.core_type = #tpu.core_type<sc_vector_subcore>, window_params = [{transform_indices = #map}, {transform_indices = #map}, {transform_indices = #map1}, {transform_indices = #map1}, {transform_indices = #map1}, {transform_indices = #map1}, {transform_indices = #map1}, {transform_indices = #map1}, {transform_indices = #map1}, {transform_indices = #map1}, {transform_indices = #map1}, {transform_indices = #map1}]} {
    %mul3A = arith.constant 10000 : i32
    %mul3A_0 = arith.muli %arg0, %mul3A : i32
    %mul3A_1 = arith.constant 4 : i32
    %mul3A_2 = arith.muli %arg0, %mul3A_1 : i32
    %scan3A = arith.constant 0 : i32
    %scan3A_3 = arith.constant 0 : i32
    %scan3A_4 = arith.constant 32 : i32
    %scan3A_5 = arith.addi %scan3A_3, %scan3A_4 : i32
    %scan3A_6 = arith.constant 1 : i32
    scf.for %scan3A_95 = %scan3A_3 to %scan3A_5 step %scan3A_6  : i32 {
      %broadcast_in_dim3A = arith.constant 0.000000e+00 : f32
      %broadcast_in_dim3A_96 = vector.broadcast %broadcast_in_dim3A : f32 to vector<16xf32>
      %swap3A = arith.index_cast %scan3A_95 : i32 to index
      %swap3A_97 = arith.constant 0 : index
      %swap3A_98 = tpu.vector_load %arg28[%swap3A, %swap3A_97] {strides = array<i32>} : memref<32x128xf32, #tpu.memory_space<vmem>>, vector<16xf32>,
      tpu.vector_store %arg28[%swap3A, %swap3A_97], %broadcast_in_dim3A_96 {strides = array<i32>} : memref<32x128xf32, #tpu.memory_space<vmem>>, vector<16xf32>,
      %broadcast_in_dim3A_99 = arith.constant 0.000000e+00 : f32
      %broadcast_in_dim3A_100 = vector.broadcast %broadcast_in_dim3A_99 : f32 to vector<16xf32>
      %swap3A_101 = arith.index_cast %scan3A_95 : i32 to index
      %swap3A_102 = arith.constant 16 : index
      %swap3A_103 = tpu.vector_load %arg28[%swap3A_101, %swap3A_102] {strides = array<i32>} : memref<32x128xf32, #tpu.memory_space<vmem>>, vector<16xf32>,
      tpu.vector_store %arg28[%swap3A_101, %swap3A_102], %broadcast_in_dim3A_100 {strides = array<i32>} : memref<32x128xf32, #tpu.memory_space<vmem>>, vector<16xf32>,
      %broadcast_in_dim3A_104 = arith.constant 0.000000e+00 : f32
      %broadcast_in_dim3A_105 = vector.broadcast %broadcast_in_dim3A_104 : f32 to vector<16xf32>
      %swap3A_106 = arith.index_cast %scan3A_95 : i32 to index
      %swap3A_107 = arith.constant 32 : index
      %swap3A_108 = tpu.vector_load %arg28[%swap3A_106, %swap3A_107] {strides = array<i32>} : memref<32x128xf32, #tpu.memory_space<vmem>>, vector<16xf32>,
      tpu.vector_store %arg28[%swap3A_106, %swap3A_107], %broadcast_in_dim3A_105 {strides = array<i32>} : memref<32x128xf32, #tpu.memory_space<vmem>>, vector<16xf32>,
      %broadcast_in_dim3A_109 = arith.constant 0.000000e+00 : f32
      %broadcast_in_dim3A_110 = vector.broadcast %broadcast_in_dim3A_109 : f32 to vector<16xf32>
      %swap3A_111 = arith.index_cast %scan3A_95 : i32 to index
      %swap3A_112 = arith.constant 48 : index
      %swap3A_113 = tpu.vector_load %arg28[%swap3A_111, %swap3A_112] {strides = array<i32>} : memref<32x128xf32, #tpu.memory_space<vmem>>, vector<16xf32>,
      tpu.vector_store %arg28[%swap3A_111, %swap3A_112], %broadcast_in_dim3A_110 {strides = array<i32>} : memref<32x128xf32, #tpu.memory_space<vmem>>, vector<16xf32>,
      %broadcast_in_dim3A_114 = arith.constant 0.000000e+00 : f32
      %broadcast_in_dim3A_115 = vector.broadcast %broadcast_in_dim3A_114 : f32 to vector<16xf32>
      %swap3A_116 = arith.index_cast %scan3A_95 : i32 to index
      %swap3A_117 = arith.constant 64 : index
      %swap3A_118 = tpu.vector_load %arg28[%swap3A_116, %swap3A_117] {strides = array<i32>} : memref<32x128xf32, #tpu.memory_space<vmem>>, vector<16xf32>,
      tpu.vector_store %arg28[%swap3A_116, %swap3A_117], %broadcast_in_dim3A_115 {strides = array<i32>} : memref<32x128xf32, #tpu.memory_space<vmem>>, vector<16xf32>,
      %broadcast_in_dim3A_119 = arith.constant 0.000000e+00 : f32
      %broadcast_in_dim3A_120 = vector.broadcast %broadcast_in_dim3A_119 : f32 to vector<16xf32>
      %swap3A_121 = arith.index_cast %scan3A_95 : i32 to index
      %swap3A_122 = arith.constant 80 : index
      %swap3A_123 = tpu.vector_load %arg28[%swap3A_121, %swap3A_122] {strides = array<i32>} : memref<32x128xf32, #tpu.memory_space<vmem>>, vector<16xf32>,
      tpu.vector_store %arg28[%swap3A_121, %swap3A_122], %broadcast_in_dim3A_120 {strides = array<i32>} : memref<32x128xf32, #tpu.memory_space<vmem>>, vector<16xf32>,
      %broadcast_in_dim3A_124 = arith.constant 0.000000e+00 : f32
      %broadcast_in_dim3A_125 = vector.broadcast %broadcast_in_dim3A_124 : f32 to vector<16xf32>
      %swap3A_126 = arith.index_cast %scan3A_95 : i32 to index
      %swap3A_127 = arith.constant 96 : index
      %swap3A_128 = tpu.vector_load %arg28[%swap3A_126, %swap3A_127] {strides = array<i32>} : memref<32x128xf32, #tpu.memory_space<vmem>>, vector<16xf32>,
      tpu.vector_store %arg28[%swap3A_126, %swap3A_127], %broadcast_in_dim3A_125 {strides = array<i32>} : memref<32x128xf32, #tpu.memory_space<vmem>>, vector<16xf32>,
      %broadcast_in_dim3A_129 = arith.constant 0.000000e+00 : f32
      %broadcast_in_dim3A_130 = vector.broadcast %broadcast_in_dim3A_129 : f32 to vector<16xf32>
      %swap3A_131 = arith.index_cast %scan3A_95 : i32 to index
      %swap3A_132 = arith.constant 112 : index
      %swap3A_133 = tpu.vector_load %arg28[%swap3A_131, %swap3A_132] {strides = array<i32>} : memref<32x128xf32, #tpu.memory_space<vmem>>, vector<16xf32>,
      tpu.vector_store %arg28[%swap3A_131, %swap3A_132], %broadcast_in_dim3A_130 {strides = array<i32>} : memref<32x128xf32, #tpu.memory_space<vmem>>, vector<16xf32>,
    }
    %scan3A_7 = arith.constant 32 : i32
    %mul3A_8 = arith.constant 624 : i32
    %mul3A_9 = arith.muli %arg1, %mul3A_8 : i32
    %scan3A_10 = arith.constant 0 : i32
    %scan3A_11 = arith.constant 0 : i32
    %scan3A_12 = arith.constant 20 : i32
    %scan3A_13 = arith.addi %scan3A_11, %scan3A_12 : i32
    %scan3A_14 = arith.constant 1 : i32
    scf.for %scan3A_95 = %scan3A_11 to %scan3A_13 step %scan3A_14  : i32 {
      %mul3A_96 = arith.constant 32 : i32
      %mul3A_97 = arith.muli %scan3A_95, %mul3A_96 : i32
      %add3A = arith.addi %mul3A_9, %mul3A_97 : i32
      "tpu.region"() ({
        %run_scoped3A = tpu.sem_alloc : memref<!tpu.dma_semaphore, #tpu.memory_space<semaphore_mem>>
        %dma_start3A_98 = arith.constant 0 : i32
        %dma_start3A_99 = tpu.memref_slice %arg14[%add3A, %dma_start3A_98] : memref<10000x128xf32, #tpu.memory_space<vmem_shared>> -> memref<32x128xf32, #tpu.memory_space<vmem_shared>>
        %dma_start3A_100 = arith.constant 0 : i32
        %dma_start3A_101 = tpu.memref_slice %arg14[%add3A, %dma_start3A_100] : memref<10000x128xf32, #tpu.memory_space<vmem_shared>> -> memref<32x128xf32, #tpu.memory_space<vmem_shared>>
        tpu.enqueue_dma source(%arg28 : memref<32x128xf32, #tpu.memory_space<vmem>>) target(%dma_start3A_101 : memref<32x128xf32, #tpu.memory_space<vmem_shared>>) target_semaphore(%run_scoped3A : memref<!tpu.dma_semaphore, #tpu.memory_space<semaphore_mem>>)
        %dma_wait3A_102 = arith.constant 0 : i32
        %dma_wait3A_103 = tpu.memref_slice %arg14[%add3A, %dma_wait3A_102] : memref<10000x128xf32, #tpu.memory_space<vmem_shared>> -> memref<32x128xf32, #tpu.memory_space<vmem_shared>>
        %dma_wait3A_104 = arith.constant 0 : i32
        %dma_wait3A_105 = tpu.memref_slice %arg14[%add3A, %dma_wait3A_104] : memref<10000x128xf32, #tpu.memory_space<vmem_shared>> -> memref<32x128xf32, #tpu.memory_space<vmem_shared>>
        tpu.wait_dma2 semaphore(%run_scoped3A : memref<!tpu.dma_semaphore, #tpu.memory_space<semaphore_mem>>) src(%arg28 : memref<32x128xf32, #tpu.memory_space<vmem>>) dst(%dma_wait3A_105 : memref<32x128xf32, #tpu.memory_space<vmem_shared>>)
        tpu.yield
      }) : () -> ()
      "tpu.region"() ({
        %run_scoped3A = tpu.sem_alloc : memref<!tpu.dma_semaphore, #tpu.memory_space<semaphore_mem>>
        %dma_start3A_98 = arith.constant 0 : i32
        %dma_start3A_99 = arith.constant 0 : i32
        %dma_start3A_100 = tpu.memref_slice %arg28[%dma_start3A_98, %dma_start3A_99] : memref<32x128xf32, #tpu.memory_space<vmem>> -> memref<32x16xf32, #tpu.memory_space<vmem>>
        %dma_start3A_101 = arith.constant 0 : i32
        %dma_start3A_102 = tpu.memref_slice %arg15[%add3A, %dma_start3A_101] : memref<10000x16xf32, #tpu.memory_space<vmem_shared>> -> memref<32x16xf32, #tpu.memory_space<vmem_shared>>
        %dma_start3A_103 = arith.constant 0 : i32
        %dma_start3A_104 = tpu.memref_slice %arg15[%add3A, %dma_start3A_103] : memref<10000x16xf32, #tpu.memory_space<vmem_shared>> -> memref<32x16xf32, #tpu.memory_space<vmem_shared>>
        %dma_start3A_105 = arith.constant 0 : i32
        %dma_start3A_106 = arith.constant 0 : i32
        %dma_start3A_107 = tpu.memref_slice %arg28[%dma_start3A_105, %dma_start3A_106] : memref<32x128xf32, #tpu.memory_space<vmem>> -> memref<32x16xf32, #tpu.memory_space<vmem>>
        tpu.enqueue_dma source(%dma_start3A_107 : memref<32x16xf32, #tpu.memory_space<vmem>>) target(%dma_start3A_104 : memref<32x16xf32, #tpu.memory_space<vmem_shared>>) target_semaphore(%run_scoped3A : memref<!tpu.dma_semaphore, #tpu.memory_space<semaphore_mem>>)
        %dma_wait3A_108 = arith.constant 0 : i32
        %dma_wait3A_109 = arith.constant 0 : i32
        %dma_wait3A_110 = tpu.memref_slice %arg28[%dma_wait3A_108, %dma_wait3A_109] : memref<32x128xf32, #tpu.memory_space<vmem>> -> memref<32x16xf32, #tpu.memory_space<vmem>>
        %dma_wait3A_111 = arith.constant 0 : i32
        %dma_wait3A_112 = tpu.memref_slice %arg15[%add3A, %dma_wait3A_111] : memref<10000x16xf32, #tpu.memory_space<vmem_shared>> -> memref<32x16xf32, #tpu.memory_space<vmem_shared>>
        %dma_wait3A_113 = arith.constant 0 : i32
        %dma_wait3A_114 = tpu.memref_slice %arg15[%add3A, %dma_wait3A_113] : memref<10000x16xf32, #tpu.memory_space<vmem_shared>> -> memref<32x16xf32, #tpu.memory_space<vmem_shared>>
        %dma_wait3A_115 = arith.constant 0 : i32
        %dma_wait3A_116 = arith.constant 0 : i32
        %dma_wait3A_117 = tpu.memref_slice %arg28[%dma_wait3A_115, %dma_wait3A_116] : memref<32x128xf32, #tpu.memory_space<vmem>> -> memref<32x16xf32, #tpu.memory_space<vmem>>
        tpu.wait_dma2 semaphore(%run_scoped3A : memref<!tpu.dma_semaphore, #tpu.memory_space<semaphore_mem>>) src(%dma_wait3A_117 : memref<32x16xf32, #tpu.memory_space<vmem>>) dst(%dma_wait3A_114 : memref<32x16xf32, #tpu.memory_space<vmem_shared>>)
        tpu.yield
      }) : () -> ()
    }
    %scan3A_15 = arith.constant 20 : i32
    %barrier3A = arith.constant 0 : index
    tpu.barrier barrier_id(%barrier3A)
    %mul3A_16 = arith.constant 10000 : i32
    %mul3A_17 = arith.muli %arg1, %mul3A_16 : i32
    %dma_start3A = tpu.memref_slice %arg2[%mul3A_17] : memref<160160xi32, #tpu.memory_space<hbm>> -> memref<160xi32, #tpu.memory_space<hbm>>
    %dma_start3A_18 = tpu.memref_slice %arg2[%mul3A_17] : memref<160160xi32, #tpu.memory_space<hbm>> -> memref<160xi32, #tpu.memory_space<hbm>>
    tpu.enqueue_dma source(%dma_start3A_18 : memref<160xi32, #tpu.memory_space<hbm>>) target(%arg16 : memref<160xi32, #tpu.memory_space<vmem>>) target_semaphore(%arg33 : memref<!tpu.dma_semaphore, #tpu.memory_space<semaphore_mem>>)
    %mul3A_19 = arith.constant 10000 : i32
    %mul3A_20 = arith.muli %arg1, %mul3A_19 : i32
    %dma_start3A_21 = tpu.memref_slice %arg3[%mul3A_20] : memref<160160xi32, #tpu.memory_space<hbm>> -> memref<160xi32, #tpu.memory_space<hbm>>
    %dma_start3A_22 = tpu.memref_slice %arg3[%mul3A_20] : memref<160160xi32, #tpu.memory_space<hbm>> -> memref<160xi32, #tpu.memory_space<hbm>>
    tpu.enqueue_dma source(%dma_start3A_22 : memref<160xi32, #tpu.memory_space<hbm>>) target(%arg17 : memref<160xi32, #tpu.memory_space<vmem>>) target_semaphore(%arg33 : memref<!tpu.dma_semaphore, #tpu.memory_space<semaphore_mem>>)
    %scan3A_23 = arith.constant 0 : i32
    %scan3A_24 = arith.constant 0 : i32
    %scan3A_25 = arith.constant 63 : i32
    %scan3A_26 = arith.addi %scan3A_24, %scan3A_25 : i32
    %scan3A_27 = arith.constant 1 : i32
    scf.for %scan3A_95 = %scan3A_24 to %scan3A_26 step %scan3A_27  : i32 {
      %mul3A_96 = arith.constant 10000 : i32
      %mul3A_97 = arith.muli %arg1, %mul3A_96 : i32
      %dma_wait3A_98 = tpu.memref_slice %arg2[%mul3A_97] : memref<160160xi32, #tpu.memory_space<hbm>> -> memref<160xi32, #tpu.memory_space<hbm>>
      %dma_wait3A_99 = tpu.memref_slice %arg2[%mul3A_97] : memref<160160xi32, #tpu.memory_space<hbm>> -> memref<160xi32, #tpu.memory_space<hbm>>
      tpu.wait_dma2 semaphore(%arg33 : memref<!tpu.dma_semaphore, #tpu.memory_space<semaphore_mem>>) src(%dma_wait3A_99 : memref<160xi32, #tpu.memory_space<hbm>>) dst(%arg16 : memref<160xi32, #tpu.memory_space<vmem>>)
      %mul3A_100 = arith.constant 10000 : i32
      %mul3A_101 = arith.muli %arg1, %mul3A_100 : i32
      %dma_wait3A_102 = tpu.memref_slice %arg3[%mul3A_101] : memref<160160xi32, #tpu.memory_space<hbm>> -> memref<160xi32, #tpu.memory_space<hbm>>
      %dma_wait3A_103 = tpu.memref_slice %arg3[%mul3A_101] : memref<160160xi32, #tpu.memory_space<hbm>> -> memref<160xi32, #tpu.memory_space<hbm>>
      tpu.wait_dma2 semaphore(%arg33 : memref<!tpu.dma_semaphore, #tpu.memory_space<semaphore_mem>>) src(%dma_wait3A_103 : memref<160xi32, #tpu.memory_space<hbm>>) dst(%arg17 : memref<160xi32, #tpu.memory_space<vmem>>)
      %gt3A = arith.constant 0 : i32
      %gt3A_104 = arith.cmpi sgt, %scan3A_95, %gt3A : i32
      %convert_element_type3A = arith.extui %gt3A_104 : i1 to i32
      %cond3A = arith.constant 0 : i32
      %cond3A_105 = arith.cmpi ne, %convert_element_type3A, %cond3A : i32
      scf.if %cond3A_105 {
        %dma_wait3A_197 = arith.constant 0 : i32
        %dma_wait3A_198 = arith.constant 0 : i32
        %dma_wait3A_199 = tpu.memref_slice %arg14[%dma_wait3A_197, %dma_wait3A_198] : memref<10000x128xf32, #tpu.memory_space<vmem_shared>> -> memref<10000x128xf32, #tpu.memory_space<vmem_shared>>
        tpu.wait_indirect_dma semaphore(%arg31 : memref<!tpu.dma_semaphore, #tpu.memory_space<semaphore_mem>>) src(%arg22 : memref<80x128xf32, #tpu.memory_space<vmem>>) dst(%dma_wait3A_199 : memref<10000x128xf32, #tpu.memory_space<vmem_shared>>)
        %dma_wait3A_200 = arith.constant 0 : i32
        %dma_wait3A_201 = arith.constant 0 : i32
        %dma_wait3A_202 = tpu.memref_slice %arg15[%dma_wait3A_200, %dma_wait3A_201] : memref<10000x16xf32, #tpu.memory_space<vmem_shared>> -> memref<10000x16xf32, #tpu.memory_space<vmem_shared>>
        tpu.wait_indirect_dma semaphore(%arg31 : memref<!tpu.dma_semaphore, #tpu.memory_space<semaphore_mem>>) src(%arg24 : memref<80x16xf32, #tpu.memory_space<vmem>>) dst(%dma_wait3A_202 : memref<10000x16xf32, #tpu.memory_space<vmem_shared>>)
      } else {
      }
      %get3A = arith.constant 0 : index
      %get3A_106 = tpu.vector_load %arg16[%get3A] {strides = array<i32>} : memref<160xi32, #tpu.memory_space<vmem>>, vector<16xi32>,
      %add3A = vector.broadcast %mul3A_0 : i32 to vector<16xi32>
      %add3A_107 = arith.addi %get3A_106, %add3A : vector<16xi32>
      %swap3A = arith.constant 0 : index
      %swap3A_108 = tpu.vector_load %arg18[%swap3A] {strides = array<i32>} : memref<80xi32, #tpu.memory_space<vmem>>, vector<16xi32>,
      tpu.vector_store %arg18[%swap3A], %add3A_107 {strides = array<i32>} : memref<80xi32, #tpu.memory_space<vmem>>, vector<16xi32>,
      %get3A_109 = arith.constant 0 : index
      %get3A_110 = tpu.vector_load %arg17[%get3A_109] {strides = array<i32>} : memref<160xi32, #tpu.memory_space<vmem>>, vector<16xi32>,
      %swap3A_111 = arith.constant 0 : index
      %swap3A_112 = tpu.vector_load %arg20[%swap3A_111] {strides = array<i32>} : memref<80xi32, #tpu.memory_space<vmem>>, vector<16xi32>,
      tpu.vector_store %arg20[%swap3A_111], %get3A_110 {strides = array<i32>} : memref<80xi32, #tpu.memory_space<vmem>>, vector<16xi32>,
      %get3A_113 = arith.constant 16 : index
      %get3A_114 = tpu.vector_load %arg16[%get3A_113] {strides = array<i32>} : memref<160xi32, #tpu.memory_space<vmem>>, vector<16xi32>,
      %add3A_115 = vector.broadcast %mul3A_0 : i32 to vector<16xi32>
      %add3A_116 = arith.addi %get3A_114, %add3A_115 : vector<16xi32>
      %swap3A_117 = arith.constant 16 : index
      %swap3A_118 = tpu.vector_load %arg18[%swap3A_117] {strides = array<i32>} : memref<80xi32, #tpu.memory_space<vmem>>, vector<16xi32>,
      tpu.vector_store %arg18[%swap3A_117], %add3A_116 {strides = array<i32>} : memref<80xi32, #tpu.memory_space<vmem>>, vector<16xi32>,
      %get3A_119 = arith.constant 16 : index
      %get3A_120 = tpu.vector_load %arg17[%get3A_119] {strides = array<i32>} : memref<160xi32, #tpu.memory_space<vmem>>, vector<16xi32>,
      %swap3A_121 = arith.constant 16 : index
      %swap3A_122 = tpu.vector_load %arg20[%swap3A_121] {strides = array<i32>} : memref<80xi32, #tpu.memory_space<vmem>>, vector<16xi32>,
      tpu.vector_store %arg20[%swap3A_121], %get3A_120 {strides = array<i32>} : memref<80xi32, #tpu.memory_space<vmem>>, vector<16xi32>,
      %get3A_123 = arith.constant 32 : index
      %get3A_124 = tpu.vector_load %arg16[%get3A_123] {strides = array<i32>} : memref<160xi32, #tpu.memory_space<vmem>>, vector<16xi32>,
      %add3A_125 = vector.broadcast %mul3A_0 : i32 to vector<16xi32>
      %add3A_126 = arith.addi %get3A_124, %add3A_125 : vector<16xi32>
      %swap3A_127 = arith.constant 32 : index
      %swap3A_128 = tpu.vector_load %arg18[%swap3A_127] {strides = array<i32>} : memref<80xi32, #tpu.memory_space<vmem>>, vector<16xi32>,
      tpu.vector_store %arg18[%swap3A_127], %add3A_126 {strides = array<i32>} : memref<80xi32, #tpu.memory_space<vmem>>, vector<16xi32>,
      %get3A_129 = arith.constant 32 : index
      %get3A_130 = tpu.vector_load %arg17[%get3A_129] {strides = array<i32>} : memref<160xi32, #tpu.memory_space<vmem>>, vector<16xi32>,
      %swap3A_131 = arith.constant 32 : index
      %swap3A_132 = tpu.vector_load %arg20[%swap3A_131] {strides = array<i32>} : memref<80xi32, #tpu.memory_space<vmem>>, vector<16xi32>,
      tpu.vector_store %arg20[%swap3A_131], %get3A_130 {strides = array<i32>} : memref<80xi32, #tpu.memory_space<vmem>>, vector<16xi32>,
      %get3A_133 = arith.constant 48 : index
      %get3A_134 = tpu.vector_load %arg16[%get3A_133] {strides = array<i32>} : memref<160xi32, #tpu.memory_space<vmem>>, vector<16xi32>,
      %add3A_135 = vector.broadcast %mul3A_0 : i32 to vector<16xi32>
      %add3A_136 = arith.addi %get3A_134, %add3A_135 : vector<16xi32>
      %swap3A_137 = arith.constant 48 : index
      %swap3A_138 = tpu.vector_load %arg18[%swap3A_137] {strides = array<i32>} : memref<80xi32, #tpu.memory_space<vmem>>, vector<16xi32>,
      tpu.vector_store %arg18[%swap3A_137], %add3A_136 {strides = array<i32>} : memref<80xi32, #tpu.memory_space<vmem>>, vector<16xi32>,
      %get3A_139 = arith.constant 48 : index
      %get3A_140 = tpu.vector_load %arg17[%get3A_139] {strides = array<i32>} : memref<160xi32, #tpu.memory_space<vmem>>, vector<16xi32>,
      %swap3A_141 = arith.constant 48 : index
      %swap3A_142 = tpu.vector_load %arg20[%swap3A_141] {strides = array<i32>} : memref<80xi32, #tpu.memory_space<vmem>>, vector<16xi32>,
      tpu.vector_store %arg20[%swap3A_141], %get3A_140 {strides = array<i32>} : memref<80xi32, #tpu.memory_space<vmem>>, vector<16xi32>,
      %get3A_143 = arith.constant 64 : index
      %get3A_144 = tpu.vector_load %arg16[%get3A_143] {strides = array<i32>} : memref<160xi32, #tpu.memory_space<vmem>>, vector<16xi32>,
      %add3A_145 = vector.broadcast %mul3A_0 : i32 to vector<16xi32>
      %add3A_146 = arith.addi %get3A_144, %add3A_145 : vector<16xi32>
      %swap3A_147 = arith.constant 64 : index
      %swap3A_148 = tpu.vector_load %arg18[%swap3A_147] {strides = array<i32>} : memref<80xi32, #tpu.memory_space<vmem>>, vector<16xi32>,
      tpu.vector_store %arg18[%swap3A_147], %add3A_146 {strides = array<i32>} : memref<80xi32, #tpu.memory_space<vmem>>, vector<16xi32>,
      %get3A_149 = arith.constant 64 : index
      %get3A_150 = tpu.vector_load %arg17[%get3A_149] {strides = array<i32>} : memref<160xi32, #tpu.memory_space<vmem>>, vector<16xi32>,
      %swap3A_151 = arith.constant 64 : index
      %swap3A_152 = tpu.vector_load %arg20[%swap3A_151] {strides = array<i32>} : memref<80xi32, #tpu.memory_space<vmem>>, vector<16xi32>,
      tpu.vector_store %arg20[%swap3A_151], %get3A_150 {strides = array<i32>} : memref<80xi32, #tpu.memory_space<vmem>>, vector<16xi32>,
      %dma_start3A_153 = arith.constant 0 : i32
      %dma_start3A_154 = arith.constant 0 : i32
      %dma_start3A_155 = tpu.memref_slice %arg4[%dma_start3A_153, %dma_start3A_154] : memref<20000x128xf32, #tpu.memory_space<hbm>> -> memref<20000x128xf32, #tpu.memory_space<hbm>>
      tpu.enqueue_indirect_dma source(%dma_start3A_155 : memref<20000x128xf32, #tpu.memory_space<hbm>>) target(%arg22 : memref<80x128xf32, #tpu.memory_space<vmem>>) offsets(%arg18 : memref<80xi32, #tpu.memory_space<vmem>>) semaphore(%arg29 : memref<!tpu.dma_semaphore, #tpu.memory_space<semaphore_mem>>)
      %dma_start3A_156 = arith.constant 0 : i32
      %dma_start3A_157 = arith.constant 0 : i32
      %dma_start3A_158 = tpu.memref_slice %arg6[%dma_start3A_156, %dma_start3A_157] : memref<20000x16xf32, #tpu.memory_space<hbm>> -> memref<20000x16xf32, #tpu.memory_space<hbm>>
      tpu.enqueue_indirect_dma source(%dma_start3A_158 : memref<20000x16xf32, #tpu.memory_space<hbm>>) target(%arg24 : memref<80x16xf32, #tpu.memory_space<vmem>>) offsets(%arg18 : memref<80xi32, #tpu.memory_space<vmem>>) semaphore(%arg29 : memref<!tpu.dma_semaphore, #tpu.memory_space<semaphore_mem>>)
      %dma_start3A_159 = arith.constant 0 : i32
      %dma_start3A_160 = arith.constant 0 : i32
      %dma_start3A_161 = tpu.memref_slice %arg8[%dma_start3A_159, %dma_start3A_160] : memref<10000x16xf32, #tpu.memory_space<hbm>> -> memref<10000x16xf32, #tpu.memory_space<hbm>>
      tpu.enqueue_indirect_dma source(%dma_start3A_161 : memref<10000x16xf32, #tpu.memory_space<hbm>>) target(%arg26 : memref<80x16xf32, #tpu.memory_space<vmem>>) offsets(%arg20 : memref<80xi32, #tpu.memory_space<vmem>>) semaphore(%arg29 : memref<!tpu.dma_semaphore, #tpu.memory_space<semaphore_mem>>)
      %lt3A = arith.constant 62 : i32
      %lt3A_162 = arith.cmpi slt, %scan3A_95, %lt3A : i32
      %convert_element_type3A_163 = arith.extui %lt3A_162 : i1 to i32
      %cond3A_164 = arith.constant 0 : i32
      %cond3A_165 = arith.cmpi ne, %convert_element_type3A_163, %cond3A_164 : i32
      scf.if %cond3A_165 {
        %gt3A_197 = arith.constant 0 : i32
        %gt3A_198 = arith.cmpi sgt, %scan3A_95, %gt3A_197 : i32
        %convert_element_type3A_199 = arith.extui %gt3A_198 : i1 to i32
        %cond3A_200 = arith.constant 0 : i32
        %cond3A_201 = arith.cmpi ne, %convert_element_type3A_199, %cond3A_200 : i32
        scf.if %cond3A_201 {
          %dma_wait3A_261 = arith.constant 0 : i32
          %dma_wait3A_262 = arith.constant 0 : i32
          %dma_wait3A_263 = tpu.memref_slice %arg14[%dma_wait3A_261, %dma_wait3A_262] : memref<10000x128xf32, #tpu.memory_space<vmem_shared>> -> memref<10000x128xf32, #tpu.memory_space<vmem_shared>>
          tpu.wait_indirect_dma semaphore(%arg32 : memref<!tpu.dma_semaphore, #tpu.memory_space<semaphore_mem>>) src(%arg23 : memref<80x128xf32, #tpu.memory_space<vmem>>) dst(%dma_wait3A_263 : memref<10000x128xf32, #tpu.memory_space<vmem_shared>>)
          %dma_wait3A_264 = arith.constant 0 : i32
          %dma_wait3A_265 = arith.constant 0 : i32
          %dma_wait3A_266 = tpu.memref_slice %arg15[%dma_wait3A_264, %dma_wait3A_265] : memref<10000x16xf32, #tpu.memory_space<vmem_shared>> -> memref<10000x16xf32, #tpu.memory_space<vmem_shared>>
          tpu.wait_indirect_dma semaphore(%arg32 : memref<!tpu.dma_semaphore, #tpu.memory_space<semaphore_mem>>) src(%arg25 : memref<80x16xf32, #tpu.memory_space<vmem>>) dst(%dma_wait3A_266 : memref<10000x16xf32, #tpu.memory_space<vmem_shared>>)
        } else {
        }
        %get3A_202 = arith.constant 80 : index
        %get3A_203 = tpu.vector_load %arg16[%get3A_202] {strides = array<i32>} : memref<160xi32, #tpu.memory_space<vmem>>, vector<16xi32>,
        %add3A_204 = vector.broadcast %mul3A_0 : i32 to vector<16xi32>
        %add3A_205 = arith.addi %get3A_203, %add3A_204 : vector<16xi32>
        %swap3A_206 = arith.constant 0 : index
        %swap3A_207 = tpu.vector_load %arg19[%swap3A_206] {strides = array<i32>} : memref<80xi32, #tpu.memory_space<vmem>>, vector<16xi32>,
        tpu.vector_store %arg19[%swap3A_206], %add3A_205 {strides = array<i32>} : memref<80xi32, #tpu.memory_space<vmem>>, vector<16xi32>,
        %get3A_208 = arith.constant 80 : index
        %get3A_209 = tpu.vector_load %arg17[%get3A_208] {strides = array<i32>} : memref<160xi32, #tpu.memory_space<vmem>>, vector<16xi32>,
        %swap3A_210 = arith.constant 0 : index
        %swap3A_211 = tpu.vector_load %arg21[%swap3A_210] {strides = array<i32>} : memref<80xi32, #tpu.memory_space<vmem>>, vector<16xi32>,
        tpu.vector_store %arg21[%swap3A_210], %get3A_209 {strides = array<i32>} : memref<80xi32, #tpu.memory_space<vmem>>, vector<16xi32>,
        %get3A_212 = arith.constant 96 : index
        %get3A_213 = tpu.vector_load %arg16[%get3A_212] {strides = array<i32>} : memref<160xi32, #tpu.memory_space<vmem>>, vector<16xi32>,
        %add3A_214 = vector.broadcast %mul3A_0 : i32 to vector<16xi32>
        %add3A_215 = arith.addi %get3A_213, %add3A_214 : vector<16xi32>
        %swap3A_216 = arith.constant 16 : index
        %swap3A_217 = tpu.vector_load %arg19[%swap3A_216] {strides = array<i32>} : memref<80xi32, #tpu.memory_space<vmem>>, vector<16xi32>,
        tpu.vector_store %arg19[%swap3A_216], %add3A_215 {strides = array<i32>} : memref<80xi32, #tpu.memory_space<vmem>>, vector<16xi32>,
        %get3A_218 = arith.constant 96 : index
        %get3A_219 = tpu.vector_load %arg17[%get3A_218] {strides = array<i32>} : memref<160xi32, #tpu.memory_space<vmem>>, vector<16xi32>,
        %swap3A_220 = arith.constant 16 : index
        %swap3A_221 = tpu.vector_load %arg21[%swap3A_220] {strides = array<i32>} : memref<80xi32, #tpu.memory_space<vmem>>, vector<16xi32>,
        tpu.vector_store %arg21[%swap3A_220], %get3A_219 {strides = array<i32>} : memref<80xi32, #tpu.memory_space<vmem>>, vector<16xi32>,
        %get3A_222 = arith.constant 112 : index
        %get3A_223 = tpu.vector_load %arg16[%get3A_222] {strides = array<i32>} : memref<160xi32, #tpu.memory_space<vmem>>, vector<16xi32>,
        %add3A_224 = vector.broadcast %mul3A_0 : i32 to vector<16xi32>
        %add3A_225 = arith.addi %get3A_223, %add3A_224 : vector<16xi32>
        %swap3A_226 = arith.constant 32 : index
        %swap3A_227 = tpu.vector_load %arg19[%swap3A_226] {strides = array<i32>} : memref<80xi32, #tpu.memory_space<vmem>>, vector<16xi32>,
        tpu.vector_store %arg19[%swap3A_226], %add3A_225 {strides = array<i32>} : memref<80xi32, #tpu.memory_space<vmem>>, vector<16xi32>,
        %get3A_228 = arith.constant 112 : index
        %get3A_229 = tpu.vector_load %arg17[%get3A_228] {strides = array<i32>} : memref<160xi32, #tpu.memory_space<vmem>>, vector<16xi32>,
        %swap3A_230 = arith.constant 32 : index
        %swap3A_231 = tpu.vector_load %arg21[%swap3A_230] {strides = array<i32>} : memref<80xi32, #tpu.memory_space<vmem>>, vector<16xi32>,
        tpu.vector_store %arg21[%swap3A_230], %get3A_229 {strides = array<i32>} : memref<80xi32, #tpu.memory_space<vmem>>, vector<16xi32>,
        %get3A_232 = arith.constant 128 : index
        %get3A_233 = tpu.vector_load %arg16[%get3A_232] {strides = array<i32>} : memref<160xi32, #tpu.memory_space<vmem>>, vector<16xi32>,
        %add3A_234 = vector.broadcast %mul3A_0 : i32 to vector<16xi32>
        %add3A_235 = arith.addi %get3A_233, %add3A_234 : vector<16xi32>
        %swap3A_236 = arith.constant 48 : index
        %swap3A_237 = tpu.vector_load %arg19[%swap3A_236] {strides = array<i32>} : memref<80xi32, #tpu.memory_space<vmem>>, vector<16xi32>,
        tpu.vector_store %arg19[%swap3A_236], %add3A_235 {strides = array<i32>} : memref<80xi32, #tpu.memory_space<vmem>>, vector<16xi32>,
        %get3A_238 = arith.constant 128 : index
        %get3A_239 = tpu.vector_load %arg17[%get3A_238] {strides = array<i32>} : memref<160xi32, #tpu.memory_space<vmem>>, vector<16xi32>,
        %swap3A_240 = arith.constant 48 : index
        %swap3A_241 = tpu.vector_load %arg21[%swap3A_240] {strides = array<i32>} : memref<80xi32, #tpu.memory_space<vmem>>, vector<16xi32>,
        tpu.vector_store %arg21[%swap3A_240], %get3A_239 {strides = array<i32>} : memref<80xi32, #tpu.memory_space<vmem>>, vector<16xi32>,
        %get3A_242 = arith.constant 144 : index
        %get3A_243 = tpu.vector_load %arg16[%get3A_242] {strides = array<i32>} : memref<160xi32, #tpu.memory_space<vmem>>, vector<16xi32>,
        %add3A_244 = vector.broadcast %mul3A_0 : i32 to vector<16xi32>
        %add3A_245 = arith.addi %get3A_243, %add3A_244 : vector<16xi32>
        %swap3A_246 = arith.constant 64 : index
        %swap3A_247 = tpu.vector_load %arg19[%swap3A_246] {strides = array<i32>} : memref<80xi32, #tpu.memory_space<vmem>>, vector<16xi32>,
        tpu.vector_store %arg19[%swap3A_246], %add3A_245 {strides = array<i32>} : memref<80xi32, #tpu.memory_space<vmem>>, vector<16xi32>,
        %get3A_248 = arith.constant 144 : index
        %get3A_249 = tpu.vector_load %arg17[%get3A_248] {strides = array<i32>} : memref<160xi32, #tpu.memory_space<vmem>>, vector<16xi32>,
        %swap3A_250 = arith.constant 64 : index
        %swap3A_251 = tpu.vector_load %arg21[%swap3A_250] {strides = array<i32>} : memref<80xi32, #tpu.memory_space<vmem>>, vector<16xi32>,
        tpu.vector_store %arg21[%swap3A_250], %get3A_249 {strides = array<i32>} : memref<80xi32, #tpu.memory_space<vmem>>, vector<16xi32>,
        %dma_start3A_252 = arith.constant 0 : i32
        %dma_start3A_253 = arith.constant 0 : i32
        %dma_start3A_254 = tpu.memref_slice %arg4[%dma_start3A_252, %dma_start3A_253] : memref<20000x128xf32, #tpu.memory_space<hbm>> -> memref<20000x128xf32, #tpu.memory_space<hbm>>
        tpu.enqueue_indirect_dma source(%dma_start3A_254 : memref<20000x128xf32, #tpu.memory_space<hbm>>) target(%arg23 : memref<80x128xf32, #tpu.memory_space<vmem>>) offsets(%arg19 : memref<80xi32, #tpu.memory_space<vmem>>) semaphore(%arg30 : memref<!tpu.dma_semaphore, #tpu.memory_space<semaphore_mem>>)
        %dma_start3A_255 = arith.constant 0 : i32
        %dma_start3A_256 = arith.constant 0 : i32
        %dma_start3A_257 = tpu.memref_slice %arg6[%dma_start3A_255, %dma_start3A_256] : memref<20000x16xf32, #tpu.memory_space<hbm>> -> memref<20000x16xf32, #tpu.memory_space<hbm>>
        tpu.enqueue_indirect_dma source(%dma_start3A_257 : memref<20000x16xf32, #tpu.memory_space<hbm>>) target(%arg25 : memref<80x16xf32, #tpu.memory_space<vmem>>) offsets(%arg19 : memref<80xi32, #tpu.memory_space<vmem>>) semaphore(%arg30 : memref<!tpu.dma_semaphore, #tpu.memory_space<semaphore_mem>>)
        %dma_start3A_258 = arith.constant 0 : i32
        %dma_start3A_259 = arith.constant 0 : i32
        %dma_start3A_260 = tpu.memref_slice %arg8[%dma_start3A_258, %dma_start3A_259] : memref<10000x16xf32, #tpu.memory_space<hbm>> -> memref<10000x16xf32, #tpu.memory_space<hbm>>
        tpu.enqueue_indirect_dma source(%dma_start3A_260 : memref<10000x16xf32, #tpu.memory_space<hbm>>) target(%arg27 : memref<80x16xf32, #tpu.memory_space<vmem>>) offsets(%arg21 : memref<80xi32, #tpu.memory_space<vmem>>) semaphore(%arg30 : memref<!tpu.dma_semaphore, #tpu.memory_space<semaphore_mem>>)
      } else {
      }
      %lt3A_166 = arith.constant 62 : i32
      %lt3A_167 = arith.cmpi slt, %scan3A_95, %lt3A_166 : i32
      %convert_element_type3A_168 = arith.extui %lt3A_167 : i1 to i32
      %cond3A_169 = arith.constant 0 : i32
      %cond3A_170 = arith.cmpi ne, %convert_element_type3A_168, %cond3A_169 : i32
      scf.if %cond3A_170 {
        %mul3A_197 = arith.constant 10000 : i32
        %mul3A_198 = arith.muli %arg1, %mul3A_197 : i32
        %add3A_199 = arith.constant 1 : i32
        %add3A_200 = arith.addi %scan3A_95, %add3A_199 : i32
        %mul3A_201 = arith.constant 160 : i32
        %mul3A_202 = arith.muli %add3A_200, %mul3A_201 : i32
        %add3A_203 = arith.addi %mul3A_198, %mul3A_202 : i32
        %dma_start3A_204 = tpu.memref_slice %arg2[%add3A_203] : memref<160160xi32, #tpu.memory_space<hbm>> -> memref<160xi32, #tpu.memory_space<hbm>>
        %dma_start3A_205 = tpu.memref_slice %arg2[%add3A_203] : memref<160160xi32, #tpu.memory_space<hbm>> -> memref<160xi32, #tpu.memory_space<hbm>>
        tpu.enqueue_dma source(%dma_start3A_205 : memref<160xi32, #tpu.memory_space<hbm>>) target(%arg16 : memref<160xi32, #tpu.memory_space<vmem>>) target_semaphore(%arg33 : memref<!tpu.dma_semaphore, #tpu.memory_space<semaphore_mem>>)
        %dma_start3A_206 = tpu.memref_slice %arg3[%add3A_203] : memref<160160xi32, #tpu.memory_space<hbm>> -> memref<160xi32, #tpu.memory_space<hbm>>
        %dma_start3A_207 = tpu.memref_slice %arg3[%add3A_203] : memref<160160xi32, #tpu.memory_space<hbm>> -> memref<160xi32, #tpu.memory_space<hbm>>
        tpu.enqueue_dma source(%dma_start3A_207 : memref<160xi32, #tpu.memory_space<hbm>>) target(%arg17 : memref<160xi32, #tpu.memory_space<vmem>>) target_semaphore(%arg33 : memref<!tpu.dma_semaphore, #tpu.memory_space<semaphore_mem>>)
      } else {
      }
      %dma_wait3A_171 = arith.constant 0 : i32
      %dma_wait3A_172 = arith.constant 0 : i32
      %dma_wait3A_173 = tpu.memref_slice %arg4[%dma_wait3A_171, %dma_wait3A_172] : memref<20000x128xf32, #tpu.memory_space<hbm>> -> memref<20000x128xf32, #tpu.memory_space<hbm>>
      tpu.wait_indirect_dma semaphore(%arg29 : memref<!tpu.dma_semaphore, #tpu.memory_space<semaphore_mem>>) src(%dma_wait3A_173 : memref<20000x128xf32, #tpu.memory_space<hbm>>) dst(%arg22 : memref<80x128xf32, #tpu.memory_space<vmem>>)
      %dma_wait3A_174 = arith.constant 0 : i32
      %dma_wait3A_175 = arith.constant 0 : i32
      %dma_wait3A_176 = tpu.memref_slice %arg6[%dma_wait3A_174, %dma_wait3A_175] : memref<20000x16xf32, #tpu.memory_space<hbm>> -> memref<20000x16xf32, #tpu.memory_space<hbm>>
      tpu.wait_indirect_dma semaphore(%arg29 : memref<!tpu.dma_semaphore, #tpu.memory_space<semaphore_mem>>) src(%dma_wait3A_176 : memref<20000x16xf32, #tpu.memory_space<hbm>>) dst(%arg24 : memref<80x16xf32, #tpu.memory_space<vmem>>)
      %dma_wait3A_177 = arith.constant 0 : i32
      %dma_wait3A_178 = arith.constant 0 : i32
      %dma_wait3A_179 = tpu.memref_slice %arg8[%dma_wait3A_177, %dma_wait3A_178] : memref<10000x16xf32, #tpu.memory_space<hbm>> -> memref<10000x16xf32, #tpu.memory_space<hbm>>
      tpu.wait_indirect_dma semaphore(%arg29 : memref<!tpu.dma_semaphore, #tpu.memory_space<semaphore_mem>>) src(%dma_wait3A_179 : memref<10000x16xf32, #tpu.memory_space<hbm>>) dst(%arg26 : memref<80x16xf32, #tpu.memory_space<vmem>>)
      %scan3A_180 = arith.constant 0 : i32
      %scan3A_181 = arith.constant 0 : i32
      %scan3A_182 = arith.constant 40 : i32
      %scan3A_183 = arith.addi %scan3A_181, %scan3A_182 : i32
      %scan3A_184 = arith.constant 1 : i32
      scf.for %scan3A_197 = %scan3A_181 to %scan3A_183 step %scan3A_184  : i32 {
        %mul3A_198 = arith.constant 2 : i32
        %mul3A_199 = arith.muli %scan3A_197, %mul3A_198 : i32
        %add3A_200 = arith.constant 0 : i32
        %add3A_201 = arith.addi %mul3A_199, %add3A_200 : i32
        %get3A_202 = arith.index_cast %add3A_201 : i32 to index
        %get3A_203 = arith.constant 0 : index
        %get3A_204 = tpu.vector_load %arg24[%get3A_202, %get3A_203] {strides = array<i32>} : memref<80x16xf32, #tpu.memory_space<vmem>>, vector<16xf32>,
        %get3A_205 = arith.index_cast %add3A_201 : i32 to index
        %get3A_206 = arith.constant 0 : index
        %get3A_207 = tpu.vector_load %arg26[%get3A_205, %get3A_206] {strides = array<i32>} : memref<80x16xf32, #tpu.memory_space<vmem>>, vector<16xf32>,
        %add3A_208 = arith.addf %get3A_204, %get3A_207 : vector<16xf32>
        %mul3A_209 = arith.constant 2.000000e-01 : f32
        %mul3A_210 = vector.broadcast %mul3A_209 : f32 to vector<16xf32>
        %mul3A_211 = arith.mulf %add3A_208, %mul3A_210 : vector<16xf32>
        %max3A = arith.maximumf %add3A_208, %mul3A_211 : vector<16xf32>
        %exp3A = math.exp %max3A : vector<16xf32>
        %swap3A_212 = arith.index_cast %add3A_201 : i32 to index
        %swap3A_213 = arith.constant 0 : index
        %swap3A_214 = tpu.vector_load %arg24[%swap3A_212, %swap3A_213] {strides = array<i32>} : memref<80x16xf32, #tpu.memory_space<vmem>>, vector<16xf32>,
        tpu.vector_store %arg24[%swap3A_212, %swap3A_213], %exp3A {strides = array<i32>} : memref<80x16xf32, #tpu.memory_space<vmem>>, vector<16xf32>,
        %add3A_215 = arith.constant 0 : i32
        %add3A_216 = arith.addi %mul3A_2, %add3A_215 : i32
        %broadcast_in_dim3A = vector.broadcast %add3A_216 : i32 to vector<16x1xi32>
        %gather3A = vector.shape_cast %broadcast_in_dim3A : vector<16x1xi32> to vector<16xi32>
        %gather3A_217 = tpu.dynamic_gather %exp3A[%gather3A] in [0] : vector<16xf32>, vector<16xi32> -> vector<16xf32>
        %get3A_218 = arith.index_cast %add3A_201 : i32 to index
        %get3A_219 = arith.constant 0 : index
        %get3A_220 = tpu.vector_load %arg22[%get3A_218, %get3A_219] {strides = array<i32>} : memref<80x128xf32, #tpu.memory_space<vmem>>, vector<16xf32>,
        %mul3A_221 = arith.mulf %get3A_220, %gather3A_217 : vector<16xf32>
        %swap3A_222 = arith.index_cast %add3A_201 : i32 to index
        %swap3A_223 = arith.constant 0 : index
        %swap3A_224 = tpu.vector_load %arg22[%swap3A_222, %swap3A_223] {strides = array<i32>} : memref<80x128xf32, #tpu.memory_space<vmem>>, vector<16xf32>,
        tpu.vector_store %arg22[%swap3A_222, %swap3A_223], %mul3A_221 {strides = array<i32>} : memref<80x128xf32, #tpu.memory_space<vmem>>, vector<16xf32>,
        %get3A_225 = arith.index_cast %add3A_201 : i32 to index
        %get3A_226 = arith.constant 16 : index
        %get3A_227 = tpu.vector_load %arg22[%get3A_225, %get3A_226] {strides = array<i32>} : memref<80x128xf32, #tpu.memory_space<vmem>>, vector<16xf32>,
        %mul3A_228 = arith.mulf %get3A_227, %gather3A_217 : vector<16xf32>
        %swap3A_229 = arith.index_cast %add3A_201 : i32 to index
        %swap3A_230 = arith.constant 16 : index
        %swap3A_231 = tpu.vector_load %arg22[%swap3A_229, %swap3A_230] {strides = array<i32>} : memref<80x128xf32, #tpu.memory_space<vmem>>, vector<16xf32>,
        tpu.vector_store %arg22[%swap3A_229, %swap3A_230], %mul3A_228 {strides = array<i32>} : memref<80x128xf32, #tpu.memory_space<vmem>>, vector<16xf32>,
        %add3A_232 = arith.constant 1 : i32
        %add3A_233 = arith.addi %mul3A_2, %add3A_232 : i32
        %broadcast_in_dim3A_234 = vector.broadcast %add3A_233 : i32 to vector<16x1xi32>
        %gather3A_235 = vector.shape_cast %broadcast_in_dim3A_234 : vector<16x1xi32> to vector<16xi32>
        %gather3A_236 = tpu.dynamic_gather %exp3A[%gather3A_235] in [0] : vector<16xf32>, vector<16xi32> -> vector<16xf32>
        %get3A_237 = arith.index_cast %add3A_201 : i32 to index
        %get3A_238 = arith.constant 32 : index
        %get3A_239 = tpu.vector_load %arg22[%get3A_237, %get3A_238] {strides = array<i32>} : memref<80x128xf32, #tpu.memory_space<vmem>>, vector<16xf32>,
        %mul3A_240 = arith.mulf %get3A_239, %gather3A_236 : vector<16xf32>
        %swap3A_241 = arith.index_cast %add3A_201 : i32 to index
        %swap3A_242 = arith.constant 32 : index
        %swap3A_243 = tpu.vector_load %arg22[%swap3A_241, %swap3A_242] {strides = array<i32>} : memref<80x128xf32, #tpu.memory_space<vmem>>, vector<16xf32>,
        tpu.vector_store %arg22[%swap3A_241, %swap3A_242], %mul3A_240 {strides = array<i32>} : memref<80x128xf32, #tpu.memory_space<vmem>>, vector<16xf32>,
        %get3A_244 = arith.index_cast %add3A_201 : i32 to index
        %get3A_245 = arith.constant 48 : index
        %get3A_246 = tpu.vector_load %arg22[%get3A_244, %get3A_245] {strides = array<i32>} : memref<80x128xf32, #tpu.memory_space<vmem>>, vector<16xf32>,
        %mul3A_247 = arith.mulf %get3A_246, %gather3A_236 : vector<16xf32>
        %swap3A_248 = arith.index_cast %add3A_201 : i32 to index
        %swap3A_249 = arith.constant 48 : index
        %swap3A_250 = tpu.vector_load %arg22[%swap3A_248, %swap3A_249] {strides = array<i32>} : memref<80x128xf32, #tpu.memory_space<vmem>>, vector<16xf32>,
        tpu.vector_store %arg22[%swap3A_248, %swap3A_249], %mul3A_247 {strides = array<i32>} : memref<80x128xf32, #tpu.memory_space<vmem>>, vector<16xf32>,
        %add3A_251 = arith.constant 2 : i32
        %add3A_252 = arith.addi %mul3A_2, %add3A_251 : i32
        %broadcast_in_dim3A_253 = vector.broadcast %add3A_252 : i32 to vector<16x1xi32>
        %gather3A_254 = vector.shape_cast %broadcast_in_dim3A_253 : vector<16x1xi32> to vector<16xi32>
        %gather3A_255 = tpu.dynamic_gather %exp3A[%gather3A_254] in [0] : vector<16xf32>, vector<16xi32> -> vector<16xf32>
        %get3A_256 = arith.index_cast %add3A_201 : i32 to index
        %get3A_257 = arith.constant 64 : index
        %get3A_258 = tpu.vector_load %arg22[%get3A_256, %get3A_257] {strides = array<i32>} : memref<80x128xf32, #tpu.memory_space<vmem>>, vector<16xf32>,
        %mul3A_259 = arith.mulf %get3A_258, %gather3A_255 : vector<16xf32>
        %swap3A_260 = arith.index_cast %add3A_201 : i32 to index
        %swap3A_261 = arith.constant 64 : index
        %swap3A_262 = tpu.vector_load %arg22[%swap3A_260, %swap3A_261] {strides = array<i32>} : memref<80x128xf32, #tpu.memory_space<vmem>>, vector<16xf32>,
        tpu.vector_store %arg22[%swap3A_260, %swap3A_261], %mul3A_259 {strides = array<i32>} : memref<80x128xf32, #tpu.memory_space<vmem>>, vector<16xf32>,
        %get3A_263 = arith.index_cast %add3A_201 : i32 to index
        %get3A_264 = arith.constant 80 : index
        %get3A_265 = tpu.vector_load %arg22[%get3A_263, %get3A_264] {strides = array<i32>} : memref<80x128xf32, #tpu.memory_space<vmem>>, vector<16xf32>,
        %mul3A_266 = arith.mulf %get3A_265, %gather3A_255 : vector<16xf32>
        %swap3A_267 = arith.index_cast %add3A_201 : i32 to index
        %swap3A_268 = arith.constant 80 : index
        %swap3A_269 = tpu.vector_load %arg22[%swap3A_267, %swap3A_268] {strides = array<i32>} : memref<80x128xf32, #tpu.memory_space<vmem>>, vector<16xf32>,
        tpu.vector_store %arg22[%swap3A_267, %swap3A_268], %mul3A_266 {strides = array<i32>} : memref<80x128xf32, #tpu.memory_space<vmem>>, vector<16xf32>,
        %add3A_270 = arith.constant 3 : i32
        %add3A_271 = arith.addi %mul3A_2, %add3A_270 : i32
        %broadcast_in_dim3A_272 = vector.broadcast %add3A_271 : i32 to vector<16x1xi32>
        %gather3A_273 = vector.shape_cast %broadcast_in_dim3A_272 : vector<16x1xi32> to vector<16xi32>
        %gather3A_274 = tpu.dynamic_gather %exp3A[%gather3A_273] in [0] : vector<16xf32>, vector<16xi32> -> vector<16xf32>
        %get3A_275 = arith.index_cast %add3A_201 : i32 to index
        %get3A_276 = arith.constant 96 : index
        %get3A_277 = tpu.vector_load %arg22[%get3A_275, %get3A_276] {strides = array<i32>} : memref<80x128xf32, #tpu.memory_space<vmem>>, vector<16xf32>,
        %mul3A_278 = arith.mulf %get3A_277, %gather3A_274 : vector<16xf32>
        %swap3A_279 = arith.index_cast %add3A_201 : i32 to index
        %swap3A_280 = arith.constant 96 : index
        %swap3A_281 = tpu.vector_load %arg22[%swap3A_279, %swap3A_280] {strides = array<i32>} : memref<80x128xf32, #tpu.memory_space<vmem>>, vector<16xf32>,
        tpu.vector_store %arg22[%swap3A_279, %swap3A_280], %mul3A_278 {strides = array<i32>} : memref<80x128xf32, #tpu.memory_space<vmem>>, vector<16xf32>,
        %get3A_282 = arith.index_cast %add3A_201 : i32 to index
        %get3A_283 = arith.constant 112 : index
        %get3A_284 = tpu.vector_load %arg22[%get3A_282, %get3A_283] {strides = array<i32>} : memref<80x128xf32, #tpu.memory_space<vmem>>, vector<16xf32>,
        %mul3A_285 = arith.mulf %get3A_284, %gather3A_274 : vector<16xf32>
        %swap3A_286 = arith.index_cast %add3A_201 : i32 to index
        %swap3A_287 = arith.constant 112 : index
        %swap3A_288 = tpu.vector_load %arg22[%swap3A_286, %swap3A_287] {strides = array<i32>} : memref<80x128xf32, #tpu.memory_space<vmem>>, vector<16xf32>,
        tpu.vector_store %arg22[%swap3A_286, %swap3A_287], %mul3A_285 {strides = array<i32>} : memref<80x128xf32, #tpu.memory_space<vmem>>, vector<16xf32>,
        %mul3A_289 = arith.constant 2 : i32
        %mul3A_290 = arith.muli %scan3A_197, %mul3A_289 : i32
        %add3A_291 = arith.constant 1 : i32
        %add3A_292 = arith.addi %mul3A_290, %add3A_291 : i32
        %get3A_293 = arith.index_cast %add3A_292 : i32 to index
        %get3A_294 = arith.constant 0 : index
        %get3A_295 = tpu.vector_load %arg24[%get3A_293, %get3A_294] {strides = array<i32>} : memref<80x16xf32, #tpu.memory_space<vmem>>, vector<16xf32>,
        %get3A_296 = arith.index_cast %add3A_292 : i32 to index
        %get3A_297 = arith.constant 0 : index
        %get3A_298 = tpu.vector_load %arg26[%get3A_296, %get3A_297] {strides = array<i32>} : memref<80x16xf32, #tpu.memory_space<vmem>>, vector<16xf32>,
        %add3A_299 = arith.addf %get3A_295, %get3A_298 : vector<16xf32>
        %mul3A_300 = arith.constant 2.000000e-01 : f32
        %mul3A_301 = vector.broadcast %mul3A_300 : f32 to vector<16xf32>
        %mul3A_302 = arith.mulf %add3A_299, %mul3A_301 : vector<16xf32>
        %max3A_303 = arith.maximumf %add3A_299, %mul3A_302 : vector<16xf32>
        %exp3A_304 = math.exp %max3A_303 : vector<16xf32>
        %swap3A_305 = arith.index_cast %add3A_292 : i32 to index
        %swap3A_306 = arith.constant 0 : index
        %swap3A_307 = tpu.vector_load %arg24[%swap3A_305, %swap3A_306] {strides = array<i32>} : memref<80x16xf32, #tpu.memory_space<vmem>>, vector<16xf32>,
        tpu.vector_store %arg24[%swap3A_305, %swap3A_306], %exp3A_304 {strides = array<i32>} : memref<80x16xf32, #tpu.memory_space<vmem>>, vector<16xf32>,
        %add3A_308 = arith.constant 0 : i32
        %add3A_309 = arith.addi %mul3A_2, %add3A_308 : i32
        %broadcast_in_dim3A_310 = vector.broadcast %add3A_309 : i32 to vector<16x1xi32>
        %gather3A_311 = vector.shape_cast %broadcast_in_dim3A_310 : vector<16x1xi32> to vector<16xi32>
        %gather3A_312 = tpu.dynamic_gather %exp3A_304[%gather3A_311] in [0] : vector<16xf32>, vector<16xi32> -> vector<16xf32>
        %get3A_313 = arith.index_cast %add3A_292 : i32 to index
        %get3A_314 = arith.constant 0 : index
        %get3A_315 = tpu.vector_load %arg22[%get3A_313, %get3A_314] {strides = array<i32>} : memref<80x128xf32, #tpu.memory_space<vmem>>, vector<16xf32>,
        %mul3A_316 = arith.mulf %get3A_315, %gather3A_312 : vector<16xf32>
        %swap3A_317 = arith.index_cast %add3A_292 : i32 to index
        %swap3A_318 = arith.constant 0 : index
        %swap3A_319 = tpu.vector_load %arg22[%swap3A_317, %swap3A_318] {strides = array<i32>} : memref<80x128xf32, #tpu.memory_space<vmem>>, vector<16xf32>,
        tpu.vector_store %arg22[%swap3A_317, %swap3A_318], %mul3A_316 {strides = array<i32>} : memref<80x128xf32, #tpu.memory_space<vmem>>, vector<16xf32>,
        %get3A_320 = arith.index_cast %add3A_292 : i32 to index
        %get3A_321 = arith.constant 16 : index
        %get3A_322 = tpu.vector_load %arg22[%get3A_320, %get3A_321] {strides = array<i32>} : memref<80x128xf32, #tpu.memory_space<vmem>>, vector<16xf32>,
        %mul3A_323 = arith.mulf %get3A_322, %gather3A_312 : vector<16xf32>
        %swap3A_324 = arith.index_cast %add3A_292 : i32 to index
        %swap3A_325 = arith.constant 16 : index
        %swap3A_326 = tpu.vector_load %arg22[%swap3A_324, %swap3A_325] {strides = array<i32>} : memref<80x128xf32, #tpu.memory_space<vmem>>, vector<16xf32>,
        tpu.vector_store %arg22[%swap3A_324, %swap3A_325], %mul3A_323 {strides = array<i32>} : memref<80x128xf32, #tpu.memory_space<vmem>>, vector<16xf32>,
        %add3A_327 = arith.constant 1 : i32
        %add3A_328 = arith.addi %mul3A_2, %add3A_327 : i32
        %broadcast_in_dim3A_329 = vector.broadcast %add3A_328 : i32 to vector<16x1xi32>
        %gather3A_330 = vector.shape_cast %broadcast_in_dim3A_329 : vector<16x1xi32> to vector<16xi32>
        %gather3A_331 = tpu.dynamic_gather %exp3A_304[%gather3A_330] in [0] : vector<16xf32>, vector<16xi32> -> vector<16xf32>
        %get3A_332 = arith.index_cast %add3A_292 : i32 to index
        %get3A_333 = arith.constant 32 : index
        %get3A_334 = tpu.vector_load %arg22[%get3A_332, %get3A_333] {strides = array<i32>} : memref<80x128xf32, #tpu.memory_space<vmem>>, vector<16xf32>,
        %mul3A_335 = arith.mulf %get3A_334, %gather3A_331 : vector<16xf32>
        %swap3A_336 = arith.index_cast %add3A_292 : i32 to index
        %swap3A_337 = arith.constant 32 : index
        %swap3A_338 = tpu.vector_load %arg22[%swap3A_336, %swap3A_337] {strides = array<i32>} : memref<80x128xf32, #tpu.memory_space<vmem>>, vector<16xf32>,
        tpu.vector_store %arg22[%swap3A_336, %swap3A_337], %mul3A_335 {strides = array<i32>} : memref<80x128xf32, #tpu.memory_space<vmem>>, vector<16xf32>,
        %get3A_339 = arith.index_cast %add3A_292 : i32 to index
        %get3A_340 = arith.constant 48 : index
        %get3A_341 = tpu.vector_load %arg22[%get3A_339, %get3A_340] {strides = array<i32>} : memref<80x128xf32, #tpu.memory_space<vmem>>, vector<16xf32>,
        %mul3A_342 = arith.mulf %get3A_341, %gather3A_331 : vector<16xf32>
        %swap3A_343 = arith.index_cast %add3A_292 : i32 to index
        %swap3A_344 = arith.constant 48 : index
        %swap3A_345 = tpu.vector_load %arg22[%swap3A_343, %swap3A_344] {strides = array<i32>} : memref<80x128xf32, #tpu.memory_space<vmem>>, vector<16xf32>,
        tpu.vector_store %arg22[%swap3A_343, %swap3A_344], %mul3A_342 {strides = array<i32>} : memref<80x128xf32, #tpu.memory_space<vmem>>, vector<16xf32>,
        %add3A_346 = arith.constant 2 : i32
        %add3A_347 = arith.addi %mul3A_2, %add3A_346 : i32
        %broadcast_in_dim3A_348 = vector.broadcast %add3A_347 : i32 to vector<16x1xi32>
        %gather3A_349 = vector.shape_cast %broadcast_in_dim3A_348 : vector<16x1xi32> to vector<16xi32>
        %gather3A_350 = tpu.dynamic_gather %exp3A_304[%gather3A_349] in [0] : vector<16xf32>, vector<16xi32> -> vector<16xf32>
        %get3A_351 = arith.index_cast %add3A_292 : i32 to index
        %get3A_352 = arith.constant 64 : index
        %get3A_353 = tpu.vector_load %arg22[%get3A_351, %get3A_352] {strides = array<i32>} : memref<80x128xf32, #tpu.memory_space<vmem>>, vector<16xf32>,
        %mul3A_354 = arith.mulf %get3A_353, %gather3A_350 : vector<16xf32>
        %swap3A_355 = arith.index_cast %add3A_292 : i32 to index
        %swap3A_356 = arith.constant 64 : index
        %swap3A_357 = tpu.vector_load %arg22[%swap3A_355, %swap3A_356] {strides = array<i32>} : memref<80x128xf32, #tpu.memory_space<vmem>>, vector<16xf32>,
        tpu.vector_store %arg22[%swap3A_355, %swap3A_356], %mul3A_354 {strides = array<i32>} : memref<80x128xf32, #tpu.memory_space<vmem>>, vector<16xf32>,
        %get3A_358 = arith.index_cast %add3A_292 : i32 to index
        %get3A_359 = arith.constant 80 : index
        %get3A_360 = tpu.vector_load %arg22[%get3A_358, %get3A_359] {strides = array<i32>} : memref<80x128xf32, #tpu.memory_space<vmem>>, vector<16xf32>,
        %mul3A_361 = arith.mulf %get3A_360, %gather3A_350 : vector<16xf32>
        %swap3A_362 = arith.index_cast %add3A_292 : i32 to index
        %swap3A_363 = arith.constant 80 : index
        %swap3A_364 = tpu.vector_load %arg22[%swap3A_362, %swap3A_363] {strides = array<i32>} : memref<80x128xf32, #tpu.memory_space<vmem>>, vector<16xf32>,
        tpu.vector_store %arg22[%swap3A_362, %swap3A_363], %mul3A_361 {strides = array<i32>} : memref<80x128xf32, #tpu.memory_space<vmem>>, vector<16xf32>,
        %add3A_365 = arith.constant 3 : i32
        %add3A_366 = arith.addi %mul3A_2, %add3A_365 : i32
        %broadcast_in_dim3A_367 = vector.broadcast %add3A_366 : i32 to vector<16x1xi32>
        %gather3A_368 = vector.shape_cast %broadcast_in_dim3A_367 : vector<16x1xi32> to vector<16xi32>
        %gather3A_369 = tpu.dynamic_gather %exp3A_304[%gather3A_368] in [0] : vector<16xf32>, vector<16xi32> -> vector<16xf32>
        %get3A_370 = arith.index_cast %add3A_292 : i32 to index
        %get3A_371 = arith.constant 96 : index
        %get3A_372 = tpu.vector_load %arg22[%get3A_370, %get3A_371] {strides = array<i32>} : memref<80x128xf32, #tpu.memory_space<vmem>>, vector<16xf32>,
        %mul3A_373 = arith.mulf %get3A_372, %gather3A_369 : vector<16xf32>
        %swap3A_374 = arith.index_cast %add3A_292 : i32 to index
        %swap3A_375 = arith.constant 96 : index
        %swap3A_376 = tpu.vector_load %arg22[%swap3A_374, %swap3A_375] {strides = array<i32>} : memref<80x128xf32, #tpu.memory_space<vmem>>, vector<16xf32>,
        tpu.vector_store %arg22[%swap3A_374, %swap3A_375], %mul3A_373 {strides = array<i32>} : memref<80x128xf32, #tpu.memory_space<vmem>>, vector<16xf32>,
        %get3A_377 = arith.index_cast %add3A_292 : i32 to index
        %get3A_378 = arith.constant 112 : index
        %get3A_379 = tpu.vector_load %arg22[%get3A_377, %get3A_378] {strides = array<i32>} : memref<80x128xf32, #tpu.memory_space<vmem>>, vector<16xf32>,
        %mul3A_380 = arith.mulf %get3A_379, %gather3A_369 : vector<16xf32>
        %swap3A_381 = arith.index_cast %add3A_292 : i32 to index
        %swap3A_382 = arith.constant 112 : index
        %swap3A_383 = tpu.vector_load %arg22[%swap3A_381, %swap3A_382] {strides = array<i32>} : memref<80x128xf32, #tpu.memory_space<vmem>>, vector<16xf32>,
        tpu.vector_store %arg22[%swap3A_381, %swap3A_382], %mul3A_380 {strides = array<i32>} : memref<80x128xf32, #tpu.memory_space<vmem>>, vector<16xf32>,
      }
      %scan3A_185 = arith.constant 40 : i32
      %dma_start3A_186 = arith.constant 0 : i32
      %dma_start3A_187 = arith.constant 0 : i32
      %dma_start3A_188 = tpu.memref_slice %arg14[%dma_start3A_186, %dma_start3A_187] : memref<10000x128xf32, #tpu.memory_space<vmem_shared>> -> memref<10000x128xf32, #tpu.memory_space<vmem_shared>>
      tpu.enqueue_indirect_dma source(%arg22 : memref<80x128xf32, #tpu.memory_space<vmem>>) target(%dma_start3A_188 : memref<10000x128xf32, #tpu.memory_space<vmem_shared>>) offsets(%arg20 : memref<80xi32, #tpu.memory_space<vmem>>) semaphore(%arg31 : memref<!tpu.dma_semaphore, #tpu.memory_space<semaphore_mem>>) {add = true}
      %dma_start3A_189 = arith.constant 0 : i32
      %dma_start3A_190 = arith.constant 0 : i32
      %dma_start3A_191 = tpu.memref_slice %arg15[%dma_start3A_189, %dma_start3A_190] : memref<10000x16xf32, #tpu.memory_space<vmem_shared>> -> memref<10000x16xf32, #tpu.memory_space<vmem_shared>>
      tpu.enqueue_indirect_dma source(%arg24 : memref<80x16xf32, #tpu.memory_space<vmem>>) target(%dma_start3A_191 : memref<10000x16xf32, #tpu.memory_space<vmem_shared>>) offsets(%arg20 : memref<80xi32, #tpu.memory_space<vmem>>) semaphore(%arg31 : memref<!tpu.dma_semaphore, #tpu.memory_space<semaphore_mem>>) {add = true}
      %lt3A_192 = arith.constant 62 : i32
      %lt3A_193 = arith.cmpi slt, %scan3A_95, %lt3A_192 : i32
      %convert_element_type3A_194 = arith.extui %lt3A_193 : i1 to i32
      %cond3A_195 = arith.constant 0 : i32
      %cond3A_196 = arith.cmpi ne, %convert_element_type3A_194, %cond3A_195 : i32
      scf.if %cond3A_196 {
        %dma_wait3A_197 = arith.constant 0 : i32
        %dma_wait3A_198 = arith.constant 0 : i32
        %dma_wait3A_199 = tpu.memref_slice %arg4[%dma_wait3A_197, %dma_wait3A_198] : memref<20000x128xf32, #tpu.memory_space<hbm>> -> memref<20000x128xf32, #tpu.memory_space<hbm>>
        tpu.wait_indirect_dma semaphore(%arg30 : memref<!tpu.dma_semaphore, #tpu.memory_space<semaphore_mem>>) src(%dma_wait3A_199 : memref<20000x128xf32, #tpu.memory_space<hbm>>) dst(%arg23 : memref<80x128xf32, #tpu.memory_space<vmem>>)
        %dma_wait3A_200 = arith.constant 0 : i32
        %dma_wait3A_201 = arith.constant 0 : i32
        %dma_wait3A_202 = tpu.memref_slice %arg6[%dma_wait3A_200, %dma_wait3A_201] : memref<20000x16xf32, #tpu.memory_space<hbm>> -> memref<20000x16xf32, #tpu.memory_space<hbm>>
        tpu.wait_indirect_dma semaphore(%arg30 : memref<!tpu.dma_semaphore, #tpu.memory_space<semaphore_mem>>) src(%dma_wait3A_202 : memref<20000x16xf32, #tpu.memory_space<hbm>>) dst(%arg25 : memref<80x16xf32, #tpu.memory_space<vmem>>)
        %dma_wait3A_203 = arith.constant 0 : i32
        %dma_wait3A_204 = arith.constant 0 : i32
        %dma_wait3A_205 = tpu.memref_slice %arg8[%dma_wait3A_203, %dma_wait3A_204] : memref<10000x16xf32, #tpu.memory_space<hbm>> -> memref<10000x16xf32, #tpu.memory_space<hbm>>
        tpu.wait_indirect_dma semaphore(%arg30 : memref<!tpu.dma_semaphore, #tpu.memory_space<semaphore_mem>>) src(%dma_wait3A_205 : memref<10000x16xf32, #tpu.memory_space<hbm>>) dst(%arg27 : memref<80x16xf32, #tpu.memory_space<vmem>>)
        %scan3A_206 = arith.constant 0 : i32
        %scan3A_207 = arith.constant 0 : i32
        %scan3A_208 = arith.constant 40 : i32
        %scan3A_209 = arith.addi %scan3A_207, %scan3A_208 : i32
        %scan3A_210 = arith.constant 1 : i32
        scf.for %scan3A_218 = %scan3A_207 to %scan3A_209 step %scan3A_210  : i32 {
          %mul3A_219 = arith.constant 2 : i32
          %mul3A_220 = arith.muli %scan3A_218, %mul3A_219 : i32
          %add3A_221 = arith.constant 0 : i32
          %add3A_222 = arith.addi %mul3A_220, %add3A_221 : i32
          %get3A_223 = arith.index_cast %add3A_222 : i32 to index
          %get3A_224 = arith.constant 0 : index
          %get3A_225 = tpu.vector_load %arg25[%get3A_223, %get3A_224] {strides = array<i32>} : memref<80x16xf32, #tpu.memory_space<vmem>>, vector<16xf32>,
          %get3A_226 = arith.index_cast %add3A_222 : i32 to index
          %get3A_227 = arith.constant 0 : index
          %get3A_228 = tpu.vector_load %arg27[%get3A_226, %get3A_227] {strides = array<i32>} : memref<80x16xf32, #tpu.memory_space<vmem>>, vector<16xf32>,
          %add3A_229 = arith.addf %get3A_225, %get3A_228 : vector<16xf32>
          %mul3A_230 = arith.constant 2.000000e-01 : f32
          %mul3A_231 = vector.broadcast %mul3A_230 : f32 to vector<16xf32>
          %mul3A_232 = arith.mulf %add3A_229, %mul3A_231 : vector<16xf32>
          %max3A = arith.maximumf %add3A_229, %mul3A_232 : vector<16xf32>
          %exp3A = math.exp %max3A : vector<16xf32>
          %swap3A_233 = arith.index_cast %add3A_222 : i32 to index
          %swap3A_234 = arith.constant 0 : index
          %swap3A_235 = tpu.vector_load %arg25[%swap3A_233, %swap3A_234] {strides = array<i32>} : memref<80x16xf32, #tpu.memory_space<vmem>>, vector<16xf32>,
          tpu.vector_store %arg25[%swap3A_233, %swap3A_234], %exp3A {strides = array<i32>} : memref<80x16xf32, #tpu.memory_space<vmem>>, vector<16xf32>,
          %add3A_236 = arith.constant 0 : i32
          %add3A_237 = arith.addi %mul3A_2, %add3A_236 : i32
          %broadcast_in_dim3A = vector.broadcast %add3A_237 : i32 to vector<16x1xi32>
          %gather3A = vector.shape_cast %broadcast_in_dim3A : vector<16x1xi32> to vector<16xi32>
          %gather3A_238 = tpu.dynamic_gather %exp3A[%gather3A] in [0] : vector<16xf32>, vector<16xi32> -> vector<16xf32>
          %get3A_239 = arith.index_cast %add3A_222 : i32 to index
          %get3A_240 = arith.constant 0 : index
          %get3A_241 = tpu.vector_load %arg23[%get3A_239, %get3A_240] {strides = array<i32>} : memref<80x128xf32, #tpu.memory_space<vmem>>, vector<16xf32>,
          %mul3A_242 = arith.mulf %get3A_241, %gather3A_238 : vector<16xf32>
          %swap3A_243 = arith.index_cast %add3A_222 : i32 to index
          %swap3A_244 = arith.constant 0 : index
          %swap3A_245 = tpu.vector_load %arg23[%swap3A_243, %swap3A_244] {strides = array<i32>} : memref<80x128xf32, #tpu.memory_space<vmem>>, vector<16xf32>,
          tpu.vector_store %arg23[%swap3A_243, %swap3A_244], %mul3A_242 {strides = array<i32>} : memref<80x128xf32, #tpu.memory_space<vmem>>, vector<16xf32>,
          %get3A_246 = arith.index_cast %add3A_222 : i32 to index
          %get3A_247 = arith.constant 16 : index
          %get3A_248 = tpu.vector_load %arg23[%get3A_246, %get3A_247] {strides = array<i32>} : memref<80x128xf32, #tpu.memory_space<vmem>>, vector<16xf32>,
          %mul3A_249 = arith.mulf %get3A_248, %gather3A_238 : vector<16xf32>
          %swap3A_250 = arith.index_cast %add3A_222 : i32 to index
          %swap3A_251 = arith.constant 16 : index
          %swap3A_252 = tpu.vector_load %arg23[%swap3A_250, %swap3A_251] {strides = array<i32>} : memref<80x128xf32, #tpu.memory_space<vmem>>, vector<16xf32>,
          tpu.vector_store %arg23[%swap3A_250, %swap3A_251], %mul3A_249 {strides = array<i32>} : memref<80x128xf32, #tpu.memory_space<vmem>>, vector<16xf32>,
          %add3A_253 = arith.constant 1 : i32
          %add3A_254 = arith.addi %mul3A_2, %add3A_253 : i32
          %broadcast_in_dim3A_255 = vector.broadcast %add3A_254 : i32 to vector<16x1xi32>
          %gather3A_256 = vector.shape_cast %broadcast_in_dim3A_255 : vector<16x1xi32> to vector<16xi32>
          %gather3A_257 = tpu.dynamic_gather %exp3A[%gather3A_256] in [0] : vector<16xf32>, vector<16xi32> -> vector<16xf32>
          %get3A_258 = arith.index_cast %add3A_222 : i32 to index
          %get3A_259 = arith.constant 32 : index
          %get3A_260 = tpu.vector_load %arg23[%get3A_258, %get3A_259] {strides = array<i32>} : memref<80x128xf32, #tpu.memory_space<vmem>>, vector<16xf32>,
          %mul3A_261 = arith.mulf %get3A_260, %gather3A_257 : vector<16xf32>
          %swap3A_262 = arith.index_cast %add3A_222 : i32 to index
          %swap3A_263 = arith.constant 32 : index
          %swap3A_264 = tpu.vector_load %arg23[%swap3A_262, %swap3A_263] {strides = array<i32>} : memref<80x128xf32, #tpu.memory_space<vmem>>, vector<16xf32>,
          tpu.vector_store %arg23[%swap3A_262, %swap3A_263], %mul3A_261 {strides = array<i32>} : memref<80x128xf32, #tpu.memory_space<vmem>>, vector<16xf32>,
          %get3A_265 = arith.index_cast %add3A_222 : i32 to index
          %get3A_266 = arith.constant 48 : index
          %get3A_267 = tpu.vector_load %arg23[%get3A_265, %get3A_266] {strides = array<i32>} : memref<80x128xf32, #tpu.memory_space<vmem>>, vector<16xf32>,
          %mul3A_268 = arith.mulf %get3A_267, %gather3A_257 : vector<16xf32>
          %swap3A_269 = arith.index_cast %add3A_222 : i32 to index
          %swap3A_270 = arith.constant 48 : index
          %swap3A_271 = tpu.vector_load %arg23[%swap3A_269, %swap3A_270] {strides = array<i32>} : memref<80x128xf32, #tpu.memory_space<vmem>>, vector<16xf32>,
          tpu.vector_store %arg23[%swap3A_269, %swap3A_270], %mul3A_268 {strides = array<i32>} : memref<80x128xf32, #tpu.memory_space<vmem>>, vector<16xf32>,
          %add3A_272 = arith.constant 2 : i32
          %add3A_273 = arith.addi %mul3A_2, %add3A_272 : i32
          %broadcast_in_dim3A_274 = vector.broadcast %add3A_273 : i32 to vector<16x1xi32>
          %gather3A_275 = vector.shape_cast %broadcast_in_dim3A_274 : vector<16x1xi32> to vector<16xi32>
          %gather3A_276 = tpu.dynamic_gather %exp3A[%gather3A_275] in [0] : vector<16xf32>, vector<16xi32> -> vector<16xf32>
          %get3A_277 = arith.index_cast %add3A_222 : i32 to index
          %get3A_278 = arith.constant 64 : index
          %get3A_279 = tpu.vector_load %arg23[%get3A_277, %get3A_278] {strides = array<i32>} : memref<80x128xf32, #tpu.memory_space<vmem>>, vector<16xf32>,
          %mul3A_280 = arith.mulf %get3A_279, %gather3A_276 : vector<16xf32>
          %swap3A_281 = arith.index_cast %add3A_222 : i32 to index
          %swap3A_282 = arith.constant 64 : index
          %swap3A_283 = tpu.vector_load %arg23[%swap3A_281, %swap3A_282] {strides = array<i32>} : memref<80x128xf32, #tpu.memory_space<vmem>>, vector<16xf32>,
          tpu.vector_store %arg23[%swap3A_281, %swap3A_282], %mul3A_280 {strides = array<i32>} : memref<80x128xf32, #tpu.memory_space<vmem>>, vector<16xf32>,
          %get3A_284 = arith.index_cast %add3A_222 : i32 to index
          %get3A_285 = arith.constant 80 : index
          %get3A_286 = tpu.vector_load %arg23[%get3A_284, %get3A_285] {strides = array<i32>} : memref<80x128xf32, #tpu.memory_space<vmem>>, vector<16xf32>,
          %mul3A_287 = arith.mulf %get3A_286, %gather3A_276 : vector<16xf32>
          %swap3A_288 = arith.index_cast %add3A_222 : i32 to index
          %swap3A_289 = arith.constant 80 : index
          %swap3A_290 = tpu.vector_load %arg23[%swap3A_288, %swap3A_289] {strides = array<i32>} : memref<80x128xf32, #tpu.memory_space<vmem>>, vector<16xf32>,
          tpu.vector_store %arg23[%swap3A_288, %swap3A_289], %mul3A_287 {strides = array<i32>} : memref<80x128xf32, #tpu.memory_space<vmem>>, vector<16xf32>,
          %add3A_291 = arith.constant 3 : i32
          %add3A_292 = arith.addi %mul3A_2, %add3A_291 : i32
          %broadcast_in_dim3A_293 = vector.broadcast %add3A_292 : i32 to vector<16x1xi32>
          %gather3A_294 = vector.shape_cast %broadcast_in_dim3A_293 : vector<16x1xi32> to vector<16xi32>
          %gather3A_295 = tpu.dynamic_gather %exp3A[%gather3A_294] in [0] : vector<16xf32>, vector<16xi32> -> vector<16xf32>
          %get3A_296 = arith.index_cast %add3A_222 : i32 to index
          %get3A_297 = arith.constant 96 : index
          %get3A_298 = tpu.vector_load %arg23[%get3A_296, %get3A_297] {strides = array<i32>} : memref<80x128xf32, #tpu.memory_space<vmem>>, vector<16xf32>,
          %mul3A_299 = arith.mulf %get3A_298, %gather3A_295 : vector<16xf32>
          %swap3A_300 = arith.index_cast %add3A_222 : i32 to index
          %swap3A_301 = arith.constant 96 : index
          %swap3A_302 = tpu.vector_load %arg23[%swap3A_300, %swap3A_301] {strides = array<i32>} : memref<80x128xf32, #tpu.memory_space<vmem>>, vector<16xf32>,
          tpu.vector_store %arg23[%swap3A_300, %swap3A_301], %mul3A_299 {strides = array<i32>} : memref<80x128xf32, #tpu.memory_space<vmem>>, vector<16xf32>,
          %get3A_303 = arith.index_cast %add3A_222 : i32 to index
          %get3A_304 = arith.constant 112 : index
          %get3A_305 = tpu.vector_load %arg23[%get3A_303, %get3A_304] {strides = array<i32>} : memref<80x128xf32, #tpu.memory_space<vmem>>, vector<16xf32>,
          %mul3A_306 = arith.mulf %get3A_305, %gather3A_295 : vector<16xf32>
          %swap3A_307 = arith.index_cast %add3A_222 : i32 to index
          %swap3A_308 = arith.constant 112 : index
          %swap3A_309 = tpu.vector_load %arg23[%swap3A_307, %swap3A_308] {strides = array<i32>} : memref<80x128xf32, #tpu.memory_space<vmem>>, vector<16xf32>,
          tpu.vector_store %arg23[%swap3A_307, %swap3A_308], %mul3A_306 {strides = array<i32>} : memref<80x128xf32, #tpu.memory_space<vmem>>, vector<16xf32>,
          %mul3A_310 = arith.constant 2 : i32
          %mul3A_311 = arith.muli %scan3A_218, %mul3A_310 : i32
          %add3A_312 = arith.constant 1 : i32
          %add3A_313 = arith.addi %mul3A_311, %add3A_312 : i32
          %get3A_314 = arith.index_cast %add3A_313 : i32 to index
          %get3A_315 = arith.constant 0 : index
          %get3A_316 = tpu.vector_load %arg25[%get3A_314, %get3A_315] {strides = array<i32>} : memref<80x16xf32, #tpu.memory_space<vmem>>, vector<16xf32>,
          %get3A_317 = arith.index_cast %add3A_313 : i32 to index
          %get3A_318 = arith.constant 0 : index
          %get3A_319 = tpu.vector_load %arg27[%get3A_317, %get3A_318] {strides = array<i32>} : memref<80x16xf32, #tpu.memory_space<vmem>>, vector<16xf32>,
          %add3A_320 = arith.addf %get3A_316, %get3A_319 : vector<16xf32>
          %mul3A_321 = arith.constant 2.000000e-01 : f32
          %mul3A_322 = vector.broadcast %mul3A_321 : f32 to vector<16xf32>
          %mul3A_323 = arith.mulf %add3A_320, %mul3A_322 : vector<16xf32>
          %max3A_324 = arith.maximumf %add3A_320, %mul3A_323 : vector<16xf32>
          %exp3A_325 = math.exp %max3A_324 : vector<16xf32>
          %swap3A_326 = arith.index_cast %add3A_313 : i32 to index
          %swap3A_327 = arith.constant 0 : index
          %swap3A_328 = tpu.vector_load %arg25[%swap3A_326, %swap3A_327] {strides = array<i32>} : memref<80x16xf32, #tpu.memory_space<vmem>>, vector<16xf32>,
          tpu.vector_store %arg25[%swap3A_326, %swap3A_327], %exp3A_325 {strides = array<i32>} : memref<80x16xf32, #tpu.memory_space<vmem>>, vector<16xf32>,
          %add3A_329 = arith.constant 0 : i32
          %add3A_330 = arith.addi %mul3A_2, %add3A_329 : i32
          %broadcast_in_dim3A_331 = vector.broadcast %add3A_330 : i32 to vector<16x1xi32>
          %gather3A_332 = vector.shape_cast %broadcast_in_dim3A_331 : vector<16x1xi32> to vector<16xi32>
          %gather3A_333 = tpu.dynamic_gather %exp3A_325[%gather3A_332] in [0] : vector<16xf32>, vector<16xi32> -> vector<16xf32>
          %get3A_334 = arith.index_cast %add3A_313 : i32 to index
          %get3A_335 = arith.constant 0 : index
          %get3A_336 = tpu.vector_load %arg23[%get3A_334, %get3A_335] {strides = array<i32>} : memref<80x128xf32, #tpu.memory_space<vmem>>, vector<16xf32>,
          %mul3A_337 = arith.mulf %get3A_336, %gather3A_333 : vector<16xf32>
          %swap3A_338 = arith.index_cast %add3A_313 : i32 to index
          %swap3A_339 = arith.constant 0 : index
          %swap3A_340 = tpu.vector_load %arg23[%swap3A_338, %swap3A_339] {strides = array<i32>} : memref<80x128xf32, #tpu.memory_space<vmem>>, vector<16xf32>,
          tpu.vector_store %arg23[%swap3A_338, %swap3A_339], %mul3A_337 {strides = array<i32>} : memref<80x128xf32, #tpu.memory_space<vmem>>, vector<16xf32>,
          %get3A_341 = arith.index_cast %add3A_313 : i32 to index
          %get3A_342 = arith.constant 16 : index
          %get3A_343 = tpu.vector_load %arg23[%get3A_341, %get3A_342] {strides = array<i32>} : memref<80x128xf32, #tpu.memory_space<vmem>>, vector<16xf32>,
          %mul3A_344 = arith.mulf %get3A_343, %gather3A_333 : vector<16xf32>
          %swap3A_345 = arith.index_cast %add3A_313 : i32 to index
          %swap3A_346 = arith.constant 16 : index
          %swap3A_347 = tpu.vector_load %arg23[%swap3A_345, %swap3A_346] {strides = array<i32>} : memref<80x128xf32, #tpu.memory_space<vmem>>, vector<16xf32>,
          tpu.vector_store %arg23[%swap3A_345, %swap3A_346], %mul3A_344 {strides = array<i32>} : memref<80x128xf32, #tpu.memory_space<vmem>>, vector<16xf32>,
          %add3A_348 = arith.constant 1 : i32
          %add3A_349 = arith.addi %mul3A_2, %add3A_348 : i32
          %broadcast_in_dim3A_350 = vector.broadcast %add3A_349 : i32 to vector<16x1xi32>
          %gather3A_351 = vector.shape_cast %broadcast_in_dim3A_350 : vector<16x1xi32> to vector<16xi32>
          %gather3A_352 = tpu.dynamic_gather %exp3A_325[%gather3A_351] in [0] : vector<16xf32>, vector<16xi32> -> vector<16xf32>
          %get3A_353 = arith.index_cast %add3A_313 : i32 to index
          %get3A_354 = arith.constant 32 : index
          %get3A_355 = tpu.vector_load %arg23[%get3A_353, %get3A_354] {strides = array<i32>} : memref<80x128xf32, #tpu.memory_space<vmem>>, vector<16xf32>,
          %mul3A_356 = arith.mulf %get3A_355, %gather3A_352 : vector<16xf32>
          %swap3A_357 = arith.index_cast %add3A_313 : i32 to index
          %swap3A_358 = arith.constant 32 : index
          %swap3A_359 = tpu.vector_load %arg23[%swap3A_357, %swap3A_358] {strides = array<i32>} : memref<80x128xf32, #tpu.memory_space<vmem>>, vector<16xf32>,
          tpu.vector_store %arg23[%swap3A_357, %swap3A_358], %mul3A_356 {strides = array<i32>} : memref<80x128xf32, #tpu.memory_space<vmem>>, vector<16xf32>,
          %get3A_360 = arith.index_cast %add3A_313 : i32 to index
          %get3A_361 = arith.constant 48 : index
          %get3A_362 = tpu.vector_load %arg23[%get3A_360, %get3A_361] {strides = array<i32>} : memref<80x128xf32, #tpu.memory_space<vmem>>, vector<16xf32>,
          %mul3A_363 = arith.mulf %get3A_362, %gather3A_352 : vector<16xf32>
          %swap3A_364 = arith.index_cast %add3A_313 : i32 to index
          %swap3A_365 = arith.constant 48 : index
          %swap3A_366 = tpu.vector_load %arg23[%swap3A_364, %swap3A_365] {strides = array<i32>} : memref<80x128xf32, #tpu.memory_space<vmem>>, vector<16xf32>,
          tpu.vector_store %arg23[%swap3A_364, %swap3A_365], %mul3A_363 {strides = array<i32>} : memref<80x128xf32, #tpu.memory_space<vmem>>, vector<16xf32>,
          %add3A_367 = arith.constant 2 : i32
          %add3A_368 = arith.addi %mul3A_2, %add3A_367 : i32
          %broadcast_in_dim3A_369 = vector.broadcast %add3A_368 : i32 to vector<16x1xi32>
          %gather3A_370 = vector.shape_cast %broadcast_in_dim3A_369 : vector<16x1xi32> to vector<16xi32>
          %gather3A_371 = tpu.dynamic_gather %exp3A_325[%gather3A_370] in [0] : vector<16xf32>, vector<16xi32> -> vector<16xf32>
          %get3A_372 = arith.index_cast %add3A_313 : i32 to index
          %get3A_373 = arith.constant 64 : index
          %get3A_374 = tpu.vector_load %arg23[%get3A_372, %get3A_373] {strides = array<i32>} : memref<80x128xf32, #tpu.memory_space<vmem>>, vector<16xf32>,
          %mul3A_375 = arith.mulf %get3A_374, %gather3A_371 : vector<16xf32>
          %swap3A_376 = arith.index_cast %add3A_313 : i32 to index
          %swap3A_377 = arith.constant 64 : index
          %swap3A_378 = tpu.vector_load %arg23[%swap3A_376, %swap3A_377] {strides = array<i32>} : memref<80x128xf32, #tpu.memory_space<vmem>>, vector<16xf32>,
          tpu.vector_store %arg23[%swap3A_376, %swap3A_377], %mul3A_375 {strides = array<i32>} : memref<80x128xf32, #tpu.memory_space<vmem>>, vector<16xf32>,
          %get3A_379 = arith.index_cast %add3A_313 : i32 to index
          %get3A_380 = arith.constant 80 : index
          %get3A_381 = tpu.vector_load %arg23[%get3A_379, %get3A_380] {strides = array<i32>} : memref<80x128xf32, #tpu.memory_space<vmem>>, vector<16xf32>,
          %mul3A_382 = arith.mulf %get3A_381, %gather3A_371 : vector<16xf32>
          %swap3A_383 = arith.index_cast %add3A_313 : i32 to index
          %swap3A_384 = arith.constant 80 : index
          %swap3A_385 = tpu.vector_load %arg23[%swap3A_383, %swap3A_384] {strides = array<i32>} : memref<80x128xf32, #tpu.memory_space<vmem>>, vector<16xf32>,
          tpu.vector_store %arg23[%swap3A_383, %swap3A_384], %mul3A_382 {strides = array<i32>} : memref<80x128xf32, #tpu.memory_space<vmem>>, vector<16xf32>,
          %add3A_386 = arith.constant 3 : i32
          %add3A_387 = arith.addi %mul3A_2, %add3A_386 : i32
          %broadcast_in_dim3A_388 = vector.broadcast %add3A_387 : i32 to vector<16x1xi32>
          %gather3A_389 = vector.shape_cast %broadcast_in_dim3A_388 : vector<16x1xi32> to vector<16xi32>
          %gather3A_390 = tpu.dynamic_gather %exp3A_325[%gather3A_389] in [0] : vector<16xf32>, vector<16xi32> -> vector<16xf32>
          %get3A_391 = arith.index_cast %add3A_313 : i32 to index
          %get3A_392 = arith.constant 96 : index
          %get3A_393 = tpu.vector_load %arg23[%get3A_391, %get3A_392] {strides = array<i32>} : memref<80x128xf32, #tpu.memory_space<vmem>>, vector<16xf32>,
          %mul3A_394 = arith.mulf %get3A_393, %gather3A_390 : vector<16xf32>
          %swap3A_395 = arith.index_cast %add3A_313 : i32 to index
          %swap3A_396 = arith.constant 96 : index
          %swap3A_397 = tpu.vector_load %arg23[%swap3A_395, %swap3A_396] {strides = array<i32>} : memref<80x128xf32, #tpu.memory_space<vmem>>, vector<16xf32>,
          tpu.vector_store %arg23[%swap3A_395, %swap3A_396], %mul3A_394 {strides = array<i32>} : memref<80x128xf32, #tpu.memory_space<vmem>>, vector<16xf32>,
          %get3A_398 = arith.index_cast %add3A_313 : i32 to index
          %get3A_399 = arith.constant 112 : index
          %get3A_400 = tpu.vector_load %arg23[%get3A_398, %get3A_399] {strides = array<i32>} : memref<80x128xf32, #tpu.memory_space<vmem>>, vector<16xf32>,
          %mul3A_401 = arith.mulf %get3A_400, %gather3A_390 : vector<16xf32>
          %swap3A_402 = arith.index_cast %add3A_313 : i32 to index
          %swap3A_403 = arith.constant 112 : index
          %swap3A_404 = tpu.vector_load %arg23[%swap3A_402, %swap3A_403] {strides = array<i32>} : memref<80x128xf32, #tpu.memory_space<vmem>>, vector<16xf32>,
          tpu.vector_store %arg23[%swap3A_402, %swap3A_403], %mul3A_401 {strides = array<i32>} : memref<80x128xf32, #tpu.memory_space<vmem>>, vector<16xf32>,
        }
        %scan3A_211 = arith.constant 40 : i32
        %dma_start3A_212 = arith.constant 0 : i32
        %dma_start3A_213 = arith.constant 0 : i32
        %dma_start3A_214 = tpu.memref_slice %arg14[%dma_start3A_212, %dma_start3A_213] : memref<10000x128xf32, #tpu.memory_space<vmem_shared>> -> memref<10000x128xf32, #tpu.memory_space<vmem_shared>>
        tpu.enqueue_indirect_dma source(%arg23 : memref<80x128xf32, #tpu.memory_space<vmem>>) target(%dma_start3A_214 : memref<10000x128xf32, #tpu.memory_space<vmem_shared>>) offsets(%arg21 : memref<80xi32, #tpu.memory_space<vmem>>) semaphore(%arg32 : memref<!tpu.dma_semaphore, #tpu.memory_space<semaphore_mem>>) {add = true}
        %dma_start3A_215 = arith.constant 0 : i32
        %dma_start3A_216 = arith.constant 0 : i32
        %dma_start3A_217 = tpu.memref_slice %arg15[%dma_start3A_215, %dma_start3A_216] : memref<10000x16xf32, #tpu.memory_space<vmem_shared>> -> memref<10000x16xf32, #tpu.memory_space<vmem_shared>>
        tpu.enqueue_indirect_dma source(%arg25 : memref<80x16xf32, #tpu.memory_space<vmem>>) target(%dma_start3A_217 : memref<10000x16xf32, #tpu.memory_space<vmem_shared>>) offsets(%arg21 : memref<80xi32, #tpu.memory_space<vmem>>) semaphore(%arg32 : memref<!tpu.dma_semaphore, #tpu.memory_space<semaphore_mem>>) {add = true}
      } else {
      }
    }
    %scan3A_28 = arith.constant 63 : i32
    %dma_wait3A = arith.constant 0 : i32
    %dma_wait3A_29 = arith.constant 0 : i32
    %dma_wait3A_30 = tpu.memref_slice %arg14[%dma_wait3A, %dma_wait3A_29] : memref<10000x128xf32, #tpu.memory_space<vmem_shared>> -> memref<10000x128xf32, #tpu.memory_space<vmem_shared>>
    tpu.wait_indirect_dma semaphore(%arg31 : memref<!tpu.dma_semaphore, #tpu.memory_space<semaphore_mem>>) src(%arg22 : memref<80x128xf32, #tpu.memory_space<vmem>>) dst(%dma_wait3A_30 : memref<10000x128xf32, #tpu.memory_space<vmem_shared>>)
    %dma_wait3A_31 = arith.constant 0 : i32
    %dma_wait3A_32 = arith.constant 0 : i32
    %dma_wait3A_33 = tpu.memref_slice %arg15[%dma_wait3A_31, %dma_wait3A_32] : memref<10000x16xf32, #tpu.memory_space<vmem_shared>> -> memref<10000x16xf32, #tpu.memory_space<vmem_shared>>
    tpu.wait_indirect_dma semaphore(%arg31 : memref<!tpu.dma_semaphore, #tpu.memory_space<semaphore_mem>>) src(%arg24 : memref<80x16xf32, #tpu.memory_space<vmem>>) dst(%dma_wait3A_33 : memref<10000x16xf32, #tpu.memory_space<vmem_shared>>)
    %dma_wait3A_34 = arith.constant 0 : i32
    %dma_wait3A_35 = arith.constant 0 : i32
    %dma_wait3A_36 = tpu.memref_slice %arg14[%dma_wait3A_34, %dma_wait3A_35] : memref<10000x128xf32, #tpu.memory_space<vmem_shared>> -> memref<10000x128xf32, #tpu.memory_space<vmem_shared>>
    tpu.wait_indirect_dma semaphore(%arg32 : memref<!tpu.dma_semaphore, #tpu.memory_space<semaphore_mem>>) src(%arg23 : memref<80x128xf32, #tpu.memory_space<vmem>>) dst(%dma_wait3A_36 : memref<10000x128xf32, #tpu.memory_space<vmem_shared>>)
    %dma_wait3A_37 = arith.constant 0 : i32
    %dma_wait3A_38 = arith.constant 0 : i32
    %dma_wait3A_39 = tpu.memref_slice %arg15[%dma_wait3A_37, %dma_wait3A_38] : memref<10000x16xf32, #tpu.memory_space<vmem_shared>> -> memref<10000x16xf32, #tpu.memory_space<vmem_shared>>
    tpu.wait_indirect_dma semaphore(%arg32 : memref<!tpu.dma_semaphore, #tpu.memory_space<semaphore_mem>>) src(%arg25 : memref<80x16xf32, #tpu.memory_space<vmem>>) dst(%dma_wait3A_39 : memref<10000x16xf32, #tpu.memory_space<vmem_shared>>)
    %barrier3A_40 = arith.constant 0 : index
    tpu.barrier barrier_id(%barrier3A_40)
    %scan3A_41 = arith.constant 0 : i32
    %scan3A_42 = arith.constant 0 : i32
    %scan3A_43 = arith.constant 20 : i32
    %scan3A_44 = arith.addi %scan3A_42, %scan3A_43 : i32
    %scan3A_45 = arith.constant 1 : i32
    scf.for %scan3A_95 = %scan3A_42 to %scan3A_44 step %scan3A_45  : i32 {
      %mul3A_96 = arith.constant 32 : i32
      %mul3A_97 = arith.muli %scan3A_95, %mul3A_96 : i32
      %add3A = arith.addi %mul3A_9, %mul3A_97 : i32
      "tpu.region"() ({
        %run_scoped3A = tpu.sem_alloc : memref<!tpu.dma_semaphore, #tpu.memory_space<semaphore_mem>>
        %dma_start3A_100 = arith.constant 0 : i32
        %dma_start3A_101 = tpu.memref_slice %arg14[%add3A, %dma_start3A_100] : memref<10000x128xf32, #tpu.memory_space<vmem_shared>> -> memref<32x128xf32, #tpu.memory_space<vmem_shared>>
        %dma_start3A_102 = arith.constant 0 : i32
        %dma_start3A_103 = tpu.memref_slice %arg14[%add3A, %dma_start3A_102] : memref<10000x128xf32, #tpu.memory_space<vmem_shared>> -> memref<32x128xf32, #tpu.memory_space<vmem_shared>>
        tpu.enqueue_dma source(%dma_start3A_103 : memref<32x128xf32, #tpu.memory_space<vmem_shared>>) target(%arg28 : memref<32x128xf32, #tpu.memory_space<vmem>>) target_semaphore(%run_scoped3A : memref<!tpu.dma_semaphore, #tpu.memory_space<semaphore_mem>>)
        %dma_wait3A_104 = arith.constant 0 : i32
        %dma_wait3A_105 = tpu.memref_slice %arg14[%add3A, %dma_wait3A_104] : memref<10000x128xf32, #tpu.memory_space<vmem_shared>> -> memref<32x128xf32, #tpu.memory_space<vmem_shared>>
        %dma_wait3A_106 = arith.constant 0 : i32
        %dma_wait3A_107 = tpu.memref_slice %arg14[%add3A, %dma_wait3A_106] : memref<10000x128xf32, #tpu.memory_space<vmem_shared>> -> memref<32x128xf32, #tpu.memory_space<vmem_shared>>
        tpu.wait_dma2 semaphore(%run_scoped3A : memref<!tpu.dma_semaphore, #tpu.memory_space<semaphore_mem>>) src(%dma_wait3A_107 : memref<32x128xf32, #tpu.memory_space<vmem_shared>>) dst(%arg28 : memref<32x128xf32, #tpu.memory_space<vmem>>)
        tpu.yield
      }) : () -> ()
      %add3A_98 = arith.addi %mul3A_0, %add3A : i32
      "tpu.region"() ({
        %run_scoped3A = tpu.sem_alloc : memref<!tpu.dma_semaphore, #tpu.memory_space<semaphore_mem>>
        %dma_start3A_100 = arith.constant 0 : i32
        %dma_start3A_101 = tpu.memref_slice %arg10[%add3A_98, %dma_start3A_100] : memref<20000x128xf32, #tpu.memory_space<hbm>> -> memref<32x128xf32, #tpu.memory_space<hbm>>
        %dma_start3A_102 = arith.constant 0 : i32
        %dma_start3A_103 = tpu.memref_slice %arg10[%add3A_98, %dma_start3A_102] : memref<20000x128xf32, #tpu.memory_space<hbm>> -> memref<32x128xf32, #tpu.memory_space<hbm>>
        tpu.enqueue_dma source(%arg28 : memref<32x128xf32, #tpu.memory_space<vmem>>) target(%dma_start3A_103 : memref<32x128xf32, #tpu.memory_space<hbm>>) target_semaphore(%run_scoped3A : memref<!tpu.dma_semaphore, #tpu.memory_space<semaphore_mem>>)
        %dma_wait3A_104 = arith.constant 0 : i32
        %dma_wait3A_105 = tpu.memref_slice %arg10[%add3A_98, %dma_wait3A_104] : memref<20000x128xf32, #tpu.memory_space<hbm>> -> memref<32x128xf32, #tpu.memory_space<hbm>>
        %dma_wait3A_106 = arith.constant 0 : i32
        %dma_wait3A_107 = tpu.memref_slice %arg10[%add3A_98, %dma_wait3A_106] : memref<20000x128xf32, #tpu.memory_space<hbm>> -> memref<32x128xf32, #tpu.memory_space<hbm>>
        tpu.wait_dma2 semaphore(%run_scoped3A : memref<!tpu.dma_semaphore, #tpu.memory_space<semaphore_mem>>) src(%arg28 : memref<32x128xf32, #tpu.memory_space<vmem>>) dst(%dma_wait3A_107 : memref<32x128xf32, #tpu.memory_space<hbm>>)
        tpu.yield
      }) : () -> ()
      "tpu.region"() ({
        %run_scoped3A = tpu.sem_alloc : memref<!tpu.dma_semaphore, #tpu.memory_space<semaphore_mem>>
        %dma_start3A_100 = arith.constant 0 : i32
        %dma_start3A_101 = arith.constant 0 : i32
        %dma_start3A_102 = tpu.memref_slice %arg28[%dma_start3A_100, %dma_start3A_101] : memref<32x128xf32, #tpu.memory_space<vmem>> -> memref<32x16xf32, #tpu.memory_space<vmem>>
        %dma_start3A_103 = arith.constant 0 : i32
        %dma_start3A_104 = tpu.memref_slice %arg15[%add3A, %dma_start3A_103] : memref<10000x16xf32, #tpu.memory_space<vmem_shared>> -> memref<32x16xf32, #tpu.memory_space<vmem_shared>>
        %dma_start3A_105 = arith.constant 0 : i32
        %dma_start3A_106 = arith.constant 0 : i32
        %dma_start3A_107 = tpu.memref_slice %arg28[%dma_start3A_105, %dma_start3A_106] : memref<32x128xf32, #tpu.memory_space<vmem>> -> memref<32x16xf32, #tpu.memory_space<vmem>>
        %dma_start3A_108 = arith.constant 0 : i32
        %dma_start3A_109 = tpu.memref_slice %arg15[%add3A, %dma_start3A_108] : memref<10000x16xf32, #tpu.memory_space<vmem_shared>> -> memref<32x16xf32, #tpu.memory_space<vmem_shared>>
        tpu.enqueue_dma source(%dma_start3A_109 : memref<32x16xf32, #tpu.memory_space<vmem_shared>>) target(%dma_start3A_107 : memref<32x16xf32, #tpu.memory_space<vmem>>) target_semaphore(%run_scoped3A : memref<!tpu.dma_semaphore, #tpu.memory_space<semaphore_mem>>)
        %dma_wait3A_110 = arith.constant 0 : i32
        %dma_wait3A_111 = arith.constant 0 : i32
        %dma_wait3A_112 = tpu.memref_slice %arg28[%dma_wait3A_110, %dma_wait3A_111] : memref<32x128xf32, #tpu.memory_space<vmem>> -> memref<32x16xf32, #tpu.memory_space<vmem>>
        %dma_wait3A_113 = arith.constant 0 : i32
        %dma_wait3A_114 = tpu.memref_slice %arg15[%add3A, %dma_wait3A_113] : memref<10000x16xf32, #tpu.memory_space<vmem_shared>> -> memref<32x16xf32, #tpu.memory_space<vmem_shared>>
        %dma_wait3A_115 = arith.constant 0 : i32
        %dma_wait3A_116 = arith.constant 0 : i32
        %dma_wait3A_117 = tpu.memref_slice %arg28[%dma_wait3A_115, %dma_wait3A_116] : memref<32x128xf32, #tpu.memory_space<vmem>> -> memref<32x16xf32, #tpu.memory_space<vmem>>
        %dma_wait3A_118 = arith.constant 0 : i32
        %dma_wait3A_119 = tpu.memref_slice %arg15[%add3A, %dma_wait3A_118] : memref<10000x16xf32, #tpu.memory_space<vmem_shared>> -> memref<32x16xf32, #tpu.memory_space<vmem_shared>>
        tpu.wait_dma2 semaphore(%run_scoped3A : memref<!tpu.dma_semaphore, #tpu.memory_space<semaphore_mem>>) src(%dma_wait3A_119 : memref<32x16xf32, #tpu.memory_space<vmem_shared>>) dst(%dma_wait3A_117 : memref<32x16xf32, #tpu.memory_space<vmem>>)
        tpu.yield
      }) : () -> ()
      %add3A_99 = arith.addi %mul3A_0, %add3A : i32
      "tpu.region"() ({
        %run_scoped3A = tpu.sem_alloc : memref<!tpu.dma_semaphore, #tpu.memory_space<semaphore_mem>>
        %dma_start3A_100 = arith.constant 0 : i32
        %dma_start3A_101 = arith.constant 0 : i32
        %dma_start3A_102 = tpu.memref_slice %arg28[%dma_start3A_100, %dma_start3A_101] : memref<32x128xf32, #tpu.memory_space<vmem>> -> memref<32x16xf32, #tpu.memory_space<vmem>>
        %dma_start3A_103 = arith.constant 0 : i32
        %dma_start3A_104 = tpu.memref_slice %arg11[%add3A_99, %dma_start3A_103] : memref<20000x16xf32, #tpu.memory_space<hbm>> -> memref<32x16xf32, #tpu.memory_space<hbm>>
        %dma_start3A_105 = arith.constant 0 : i32
        %dma_start3A_106 = tpu.memref_slice %arg11[%add3A_99, %dma_start3A_105] : memref<20000x16xf32, #tpu.memory_space<hbm>> -> memref<32x16xf32, #tpu.memory_space<hbm>>
        %dma_start3A_107 = arith.constant 0 : i32
        %dma_start3A_108 = arith.constant 0 : i32
        %dma_start3A_109 = tpu.memref_slice %arg28[%dma_start3A_107, %dma_start3A_108] : memref<32x128xf32, #tpu.memory_space<vmem>> -> memref<32x16xf32, #tpu.memory_space<vmem>>
        tpu.enqueue_dma source(%dma_start3A_109 : memref<32x16xf32, #tpu.memory_space<vmem>>) target(%dma_start3A_106 : memref<32x16xf32, #tpu.memory_space<hbm>>) target_semaphore(%run_scoped3A : memref<!tpu.dma_semaphore, #tpu.memory_space<semaphore_mem>>)
        %dma_wait3A_110 = arith.constant 0 : i32
        %dma_wait3A_111 = arith.constant 0 : i32
        %dma_wait3A_112 = tpu.memref_slice %arg28[%dma_wait3A_110, %dma_wait3A_111] : memref<32x128xf32, #tpu.memory_space<vmem>> -> memref<32x16xf32, #tpu.memory_space<vmem>>
        %dma_wait3A_113 = arith.constant 0 : i32
        %dma_wait3A_114 = tpu.memref_slice %arg11[%add3A_99, %dma_wait3A_113] : memref<20000x16xf32, #tpu.memory_space<hbm>> -> memref<32x16xf32, #tpu.memory_space<hbm>>
        %dma_wait3A_115 = arith.constant 0 : i32
        %dma_wait3A_116 = tpu.memref_slice %arg11[%add3A_99, %dma_wait3A_115] : memref<20000x16xf32, #tpu.memory_space<hbm>> -> memref<32x16xf32, #tpu.memory_space<hbm>>
        %dma_wait3A_117 = arith.constant 0 : i32
        %dma_wait3A_118 = arith.constant 0 : i32
        %dma_wait3A_119 = tpu.memref_slice %arg28[%dma_wait3A_117, %dma_wait3A_118] : memref<32x128xf32, #tpu.memory_space<vmem>> -> memref<32x16xf32, #tpu.memory_space<vmem>>
        tpu.wait_dma2 semaphore(%run_scoped3A : memref<!tpu.dma_semaphore, #tpu.memory_space<semaphore_mem>>) src(%dma_wait3A_119 : memref<32x16xf32, #tpu.memory_space<vmem>>) dst(%dma_wait3A_116 : memref<32x16xf32, #tpu.memory_space<hbm>>)
        tpu.yield
      }) : () -> ()
    }
    %scan3A_46 = arith.constant 20 : i32
    %scan3A_47 = arith.constant 0 : i32
    %scan3A_48 = arith.constant 0 : i32
    %scan3A_49 = arith.constant 32 : i32
    %scan3A_50 = arith.addi %scan3A_48, %scan3A_49 : i32
    %scan3A_51 = arith.constant 1 : i32
    scf.for %scan3A_95 = %scan3A_48 to %scan3A_50 step %scan3A_51  : i32 {
      %broadcast_in_dim3A = arith.constant 0.000000e+00 : f32
      %broadcast_in_dim3A_96 = vector.broadcast %broadcast_in_dim3A : f32 to vector<16xf32>
      %swap3A = arith.index_cast %scan3A_95 : i32 to index
      %swap3A_97 = arith.constant 0 : index
      %swap3A_98 = tpu.vector_load %arg28[%swap3A, %swap3A_97] {strides = array<i32>} : memref<32x128xf32, #tpu.memory_space<vmem>>, vector<16xf32>,
      tpu.vector_store %arg28[%swap3A, %swap3A_97], %broadcast_in_dim3A_96 {strides = array<i32>} : memref<32x128xf32, #tpu.memory_space<vmem>>, vector<16xf32>,
      %broadcast_in_dim3A_99 = arith.constant 0.000000e+00 : f32
      %broadcast_in_dim3A_100 = vector.broadcast %broadcast_in_dim3A_99 : f32 to vector<16xf32>
      %swap3A_101 = arith.index_cast %scan3A_95 : i32 to index
      %swap3A_102 = arith.constant 16 : index
      %swap3A_103 = tpu.vector_load %arg28[%swap3A_101, %swap3A_102] {strides = array<i32>} : memref<32x128xf32, #tpu.memory_space<vmem>>, vector<16xf32>,
      tpu.vector_store %arg28[%swap3A_101, %swap3A_102], %broadcast_in_dim3A_100 {strides = array<i32>} : memref<32x128xf32, #tpu.memory_space<vmem>>, vector<16xf32>,
      %broadcast_in_dim3A_104 = arith.constant 0.000000e+00 : f32
      %broadcast_in_dim3A_105 = vector.broadcast %broadcast_in_dim3A_104 : f32 to vector<16xf32>
      %swap3A_106 = arith.index_cast %scan3A_95 : i32 to index
      %swap3A_107 = arith.constant 32 : index
      %swap3A_108 = tpu.vector_load %arg28[%swap3A_106, %swap3A_107] {strides = array<i32>} : memref<32x128xf32, #tpu.memory_space<vmem>>, vector<16xf32>,
      tpu.vector_store %arg28[%swap3A_106, %swap3A_107], %broadcast_in_dim3A_105 {strides = array<i32>} : memref<32x128xf32, #tpu.memory_space<vmem>>, vector<16xf32>,
      %broadcast_in_dim3A_109 = arith.constant 0.000000e+00 : f32
      %broadcast_in_dim3A_110 = vector.broadcast %broadcast_in_dim3A_109 : f32 to vector<16xf32>
      %swap3A_111 = arith.index_cast %scan3A_95 : i32 to index
      %swap3A_112 = arith.constant 48 : index
      %swap3A_113 = tpu.vector_load %arg28[%swap3A_111, %swap3A_112] {strides = array<i32>} : memref<32x128xf32, #tpu.memory_space<vmem>>, vector<16xf32>,
      tpu.vector_store %arg28[%swap3A_111, %swap3A_112], %broadcast_in_dim3A_110 {strides = array<i32>} : memref<32x128xf32, #tpu.memory_space<vmem>>, vector<16xf32>,
      %broadcast_in_dim3A_114 = arith.constant 0.000000e+00 : f32
      %broadcast_in_dim3A_115 = vector.broadcast %broadcast_in_dim3A_114 : f32 to vector<16xf32>
      %swap3A_116 = arith.index_cast %scan3A_95 : i32 to index
      %swap3A_117 = arith.constant 64 : index
      %swap3A_118 = tpu.vector_load %arg28[%swap3A_116, %swap3A_117] {strides = array<i32>} : memref<32x128xf32, #tpu.memory_space<vmem>>, vector<16xf32>,
      tpu.vector_store %arg28[%swap3A_116, %swap3A_117], %broadcast_in_dim3A_115 {strides = array<i32>} : memref<32x128xf32, #tpu.memory_space<vmem>>, vector<16xf32>,
      %broadcast_in_dim3A_119 = arith.constant 0.000000e+00 : f32
      %broadcast_in_dim3A_120 = vector.broadcast %broadcast_in_dim3A_119 : f32 to vector<16xf32>
      %swap3A_121 = arith.index_cast %scan3A_95 : i32 to index
      %swap3A_122 = arith.constant 80 : index
      %swap3A_123 = tpu.vector_load %arg28[%swap3A_121, %swap3A_122] {strides = array<i32>} : memref<32x128xf32, #tpu.memory_space<vmem>>, vector<16xf32>,
      tpu.vector_store %arg28[%swap3A_121, %swap3A_122], %broadcast_in_dim3A_120 {strides = array<i32>} : memref<32x128xf32, #tpu.memory_space<vmem>>, vector<16xf32>,
      %broadcast_in_dim3A_124 = arith.constant 0.000000e+00 : f32
      %broadcast_in_dim3A_125 = vector.broadcast %broadcast_in_dim3A_124 : f32 to vector<16xf32>
      %swap3A_126 = arith.index_cast %scan3A_95 : i32 to index
      %swap3A_127 = arith.constant 96 : index
      %swap3A_128 = tpu.vector_load %arg28[%swap3A_126, %swap3A_127] {strides = array<i32>} : memref<32x128xf32, #tpu.memory_space<vmem>>, vector<16xf32>,
      tpu.vector_store %arg28[%swap3A_126, %swap3A_127], %broadcast_in_dim3A_125 {strides = array<i32>} : memref<32x128xf32, #tpu.memory_space<vmem>>, vector<16xf32>,
      %broadcast_in_dim3A_129 = arith.constant 0.000000e+00 : f32
      %broadcast_in_dim3A_130 = vector.broadcast %broadcast_in_dim3A_129 : f32 to vector<16xf32>
      %swap3A_131 = arith.index_cast %scan3A_95 : i32 to index
      %swap3A_132 = arith.constant 112 : index
      %swap3A_133 = tpu.vector_load %arg28[%swap3A_131, %swap3A_132] {strides = array<i32>} : memref<32x128xf32, #tpu.memory_space<vmem>>, vector<16xf32>,
      tpu.vector_store %arg28[%swap3A_131, %swap3A_132], %broadcast_in_dim3A_130 {strides = array<i32>} : memref<32x128xf32, #tpu.memory_space<vmem>>, vector<16xf32>,
    }
    %scan3A_52 = arith.constant 32 : i32
    %mul3A_53 = arith.constant 624 : i32
    %mul3A_54 = arith.muli %arg1, %mul3A_53 : i32
    %scan3A_55 = arith.constant 0 : i32
    %scan3A_56 = arith.constant 0 : i32
    %scan3A_57 = arith.constant 20 : i32
    %scan3A_58 = arith.addi %scan3A_56, %scan3A_57 : i32
    %scan3A_59 = arith.constant 1 : i32
    scf.for %scan3A_95 = %scan3A_56 to %scan3A_58 step %scan3A_59  : i32 {
      %mul3A_96 = arith.constant 32 : i32
      %mul3A_97 = arith.muli %scan3A_95, %mul3A_96 : i32
      %add3A = arith.addi %mul3A_54, %mul3A_97 : i32
      "tpu.region"() ({
        %run_scoped3A = tpu.sem_alloc : memref<!tpu.dma_semaphore, #tpu.memory_space<semaphore_mem>>
        %dma_start3A_98 = arith.constant 0 : i32
        %dma_start3A_99 = tpu.memref_slice %arg14[%add3A, %dma_start3A_98] : memref<10000x128xf32, #tpu.memory_space<vmem_shared>> -> memref<32x128xf32, #tpu.memory_space<vmem_shared>>
        %dma_start3A_100 = arith.constant 0 : i32
        %dma_start3A_101 = tpu.memref_slice %arg14[%add3A, %dma_start3A_100] : memref<10000x128xf32, #tpu.memory_space<vmem_shared>> -> memref<32x128xf32, #tpu.memory_space<vmem_shared>>
        tpu.enqueue_dma source(%arg28 : memref<32x128xf32, #tpu.memory_space<vmem>>) target(%dma_start3A_101 : memref<32x128xf32, #tpu.memory_space<vmem_shared>>) target_semaphore(%run_scoped3A : memref<!tpu.dma_semaphore, #tpu.memory_space<semaphore_mem>>)
        %dma_wait3A_102 = arith.constant 0 : i32
        %dma_wait3A_103 = tpu.memref_slice %arg14[%add3A, %dma_wait3A_102] : memref<10000x128xf32, #tpu.memory_space<vmem_shared>> -> memref<32x128xf32, #tpu.memory_space<vmem_shared>>
        %dma_wait3A_104 = arith.constant 0 : i32
        %dma_wait3A_105 = tpu.memref_slice %arg14[%add3A, %dma_wait3A_104] : memref<10000x128xf32, #tpu.memory_space<vmem_shared>> -> memref<32x128xf32, #tpu.memory_space<vmem_shared>>
        tpu.wait_dma2 semaphore(%run_scoped3A : memref<!tpu.dma_semaphore, #tpu.memory_space<semaphore_mem>>) src(%arg28 : memref<32x128xf32, #tpu.memory_space<vmem>>) dst(%dma_wait3A_105 : memref<32x128xf32, #tpu.memory_space<vmem_shared>>)
        tpu.yield
      }) : () -> ()
      "tpu.region"() ({
        %run_scoped3A = tpu.sem_alloc : memref<!tpu.dma_semaphore, #tpu.memory_space<semaphore_mem>>
        %dma_start3A_98 = arith.constant 0 : i32
        %dma_start3A_99 = arith.constant 0 : i32
        %dma_start3A_100 = tpu.memref_slice %arg28[%dma_start3A_98, %dma_start3A_99] : memref<32x128xf32, #tpu.memory_space<vmem>> -> memref<32x16xf32, #tpu.memory_space<vmem>>
        %dma_start3A_101 = arith.constant 0 : i32
        %dma_start3A_102 = tpu.memref_slice %arg15[%add3A, %dma_start3A_101] : memref<10000x16xf32, #tpu.memory_space<vmem_shared>> -> memref<32x16xf32, #tpu.memory_space<vmem_shared>>
        %dma_start3A_103 = arith.constant 0 : i32
        %dma_start3A_104 = tpu.memref_slice %arg15[%add3A, %dma_start3A_103] : memref<10000x16xf32, #tpu.memory_space<vmem_shared>> -> memref<32x16xf32, #tpu.memory_space<vmem_shared>>
        %dma_start3A_105 = arith.constant 0 : i32
        %dma_start3A_106 = arith.constant 0 : i32
        %dma_start3A_107 = tpu.memref_slice %arg28[%dma_start3A_105, %dma_start3A_106] : memref<32x128xf32, #tpu.memory_space<vmem>> -> memref<32x16xf32, #tpu.memory_space<vmem>>
        tpu.enqueue_dma source(%dma_start3A_107 : memref<32x16xf32, #tpu.memory_space<vmem>>) target(%dma_start3A_104 : memref<32x16xf32, #tpu.memory_space<vmem_shared>>) target_semaphore(%run_scoped3A : memref<!tpu.dma_semaphore, #tpu.memory_space<semaphore_mem>>)
        %dma_wait3A_108 = arith.constant 0 : i32
        %dma_wait3A_109 = arith.constant 0 : i32
        %dma_wait3A_110 = tpu.memref_slice %arg28[%dma_wait3A_108, %dma_wait3A_109] : memref<32x128xf32, #tpu.memory_space<vmem>> -> memref<32x16xf32, #tpu.memory_space<vmem>>
        %dma_wait3A_111 = arith.constant 0 : i32
        %dma_wait3A_112 = tpu.memref_slice %arg15[%add3A, %dma_wait3A_111] : memref<10000x16xf32, #tpu.memory_space<vmem_shared>> -> memref<32x16xf32, #tpu.memory_space<vmem_shared>>
        %dma_wait3A_113 = arith.constant 0 : i32
        %dma_wait3A_114 = tpu.memref_slice %arg15[%add3A, %dma_wait3A_113] : memref<10000x16xf32, #tpu.memory_space<vmem_shared>> -> memref<32x16xf32, #tpu.memory_space<vmem_shared>>
        %dma_wait3A_115 = arith.constant 0 : i32
        %dma_wait3A_116 = arith.constant 0 : i32
        %dma_wait3A_117 = tpu.memref_slice %arg28[%dma_wait3A_115, %dma_wait3A_116] : memref<32x128xf32, #tpu.memory_space<vmem>> -> memref<32x16xf32, #tpu.memory_space<vmem>>
        tpu.wait_dma2 semaphore(%run_scoped3A : memref<!tpu.dma_semaphore, #tpu.memory_space<semaphore_mem>>) src(%dma_wait3A_117 : memref<32x16xf32, #tpu.memory_space<vmem>>) dst(%dma_wait3A_114 : memref<32x16xf32, #tpu.memory_space<vmem_shared>>)
        tpu.yield
      }) : () -> ()
    }
    %scan3A_60 = arith.constant 20 : i32
    %barrier3A_61 = arith.constant 0 : index
    tpu.barrier barrier_id(%barrier3A_61)
    %mul3A_62 = arith.constant 10000 : i32
    %mul3A_63 = arith.muli %arg1, %mul3A_62 : i32
    %dma_start3A_64 = tpu.memref_slice %arg3[%mul3A_63] : memref<160160xi32, #tpu.memory_space<hbm>> -> memref<160xi32, #tpu.memory_space<hbm>>
    %dma_start3A_65 = tpu.memref_slice %arg3[%mul3A_63] : memref<160160xi32, #tpu.memory_space<hbm>> -> memref<160xi32, #tpu.memory_space<hbm>>
    tpu.enqueue_dma source(%dma_start3A_65 : memref<160xi32, #tpu.memory_space<hbm>>) target(%arg16 : memref<160xi32, #tpu.memory_space<vmem>>) target_semaphore(%arg33 : memref<!tpu.dma_semaphore, #tpu.memory_space<semaphore_mem>>)
    %mul3A_66 = arith.constant 10000 : i32
    %mul3A_67 = arith.muli %arg1, %mul3A_66 : i32
    %dma_start3A_68 = tpu.memref_slice %arg2[%mul3A_67] : memref<160160xi32, #tpu.memory_space<hbm>> -> memref<160xi32, #tpu.memory_space<hbm>>
    %dma_start3A_69 = tpu.memref_slice %arg2[%mul3A_67] : memref<160160xi32, #tpu.memory_space<hbm>> -> memref<160xi32, #tpu.memory_space<hbm>>
    tpu.enqueue_dma source(%dma_start3A_69 : memref<160xi32, #tpu.memory_space<hbm>>) target(%arg17 : memref<160xi32, #tpu.memory_space<vmem>>) target_semaphore(%arg33 : memref<!tpu.dma_semaphore, #tpu.memory_space<semaphore_mem>>)
    %scan3A_70 = arith.constant 0 : i32
    %scan3A_71 = arith.constant 0 : i32
    %scan3A_72 = arith.constant 63 : i32
    %scan3A_73 = arith.addi %scan3A_71, %scan3A_72 : i32
    %scan3A_74 = arith.constant 1 : i32
    scf.for %scan3A_95 = %scan3A_71 to %scan3A_73 step %scan3A_74  : i32 {
      %mul3A_96 = arith.constant 10000 : i32
      %mul3A_97 = arith.muli %arg1, %mul3A_96 : i32
      %dma_wait3A_98 = tpu.memref_slice %arg3[%mul3A_97] : memref<160160xi32, #tpu.memory_space<hbm>> -> memref<160xi32, #tpu.memory_space<hbm>>
      %dma_wait3A_99 = tpu.memref_slice %arg3[%mul3A_97] : memref<160160xi32, #tpu.memory_space<hbm>> -> memref<160xi32, #tpu.memory_space<hbm>>
      tpu.wait_dma2 semaphore(%arg33 : memref<!tpu.dma_semaphore, #tpu.memory_space<semaphore_mem>>) src(%dma_wait3A_99 : memref<160xi32, #tpu.memory_space<hbm>>) dst(%arg16 : memref<160xi32, #tpu.memory_space<vmem>>)
      %mul3A_100 = arith.constant 10000 : i32
      %mul3A_101 = arith.muli %arg1, %mul3A_100 : i32
      %dma_wait3A_102 = tpu.memref_slice %arg2[%mul3A_101] : memref<160160xi32, #tpu.memory_space<hbm>> -> memref<160xi32, #tpu.memory_space<hbm>>
      %dma_wait3A_103 = tpu.memref_slice %arg2[%mul3A_101] : memref<160160xi32, #tpu.memory_space<hbm>> -> memref<160xi32, #tpu.memory_space<hbm>>
      tpu.wait_dma2 semaphore(%arg33 : memref<!tpu.dma_semaphore, #tpu.memory_space<semaphore_mem>>) src(%dma_wait3A_103 : memref<160xi32, #tpu.memory_space<hbm>>) dst(%arg17 : memref<160xi32, #tpu.memory_space<vmem>>)
      %gt3A = arith.constant 0 : i32
      %gt3A_104 = arith.cmpi sgt, %scan3A_95, %gt3A : i32
      %convert_element_type3A = arith.extui %gt3A_104 : i1 to i32
      %cond3A = arith.constant 0 : i32
      %cond3A_105 = arith.cmpi ne, %convert_element_type3A, %cond3A : i32
      scf.if %cond3A_105 {
        %dma_wait3A_197 = arith.constant 0 : i32
        %dma_wait3A_198 = arith.constant 0 : i32
        %dma_wait3A_199 = tpu.memref_slice %arg14[%dma_wait3A_197, %dma_wait3A_198] : memref<10000x128xf32, #tpu.memory_space<vmem_shared>> -> memref<10000x128xf32, #tpu.memory_space<vmem_shared>>
        tpu.wait_indirect_dma semaphore(%arg31 : memref<!tpu.dma_semaphore, #tpu.memory_space<semaphore_mem>>) src(%arg22 : memref<80x128xf32, #tpu.memory_space<vmem>>) dst(%dma_wait3A_199 : memref<10000x128xf32, #tpu.memory_space<vmem_shared>>)
        %dma_wait3A_200 = arith.constant 0 : i32
        %dma_wait3A_201 = arith.constant 0 : i32
        %dma_wait3A_202 = tpu.memref_slice %arg15[%dma_wait3A_200, %dma_wait3A_201] : memref<10000x16xf32, #tpu.memory_space<vmem_shared>> -> memref<10000x16xf32, #tpu.memory_space<vmem_shared>>
        tpu.wait_indirect_dma semaphore(%arg31 : memref<!tpu.dma_semaphore, #tpu.memory_space<semaphore_mem>>) src(%arg24 : memref<80x16xf32, #tpu.memory_space<vmem>>) dst(%dma_wait3A_202 : memref<10000x16xf32, #tpu.memory_space<vmem_shared>>)
      } else {
      }
      %get3A = arith.constant 0 : index
      %get3A_106 = tpu.vector_load %arg16[%get3A] {strides = array<i32>} : memref<160xi32, #tpu.memory_space<vmem>>, vector<16xi32>,
      %add3A = vector.broadcast %mul3A_0 : i32 to vector<16xi32>
      %add3A_107 = arith.addi %get3A_106, %add3A : vector<16xi32>
      %swap3A = arith.constant 0 : index
      %swap3A_108 = tpu.vector_load %arg18[%swap3A] {strides = array<i32>} : memref<80xi32, #tpu.memory_space<vmem>>, vector<16xi32>,
      tpu.vector_store %arg18[%swap3A], %add3A_107 {strides = array<i32>} : memref<80xi32, #tpu.memory_space<vmem>>, vector<16xi32>,
      %get3A_109 = arith.constant 0 : index
      %get3A_110 = tpu.vector_load %arg17[%get3A_109] {strides = array<i32>} : memref<160xi32, #tpu.memory_space<vmem>>, vector<16xi32>,
      %swap3A_111 = arith.constant 0 : index
      %swap3A_112 = tpu.vector_load %arg20[%swap3A_111] {strides = array<i32>} : memref<80xi32, #tpu.memory_space<vmem>>, vector<16xi32>,
      tpu.vector_store %arg20[%swap3A_111], %get3A_110 {strides = array<i32>} : memref<80xi32, #tpu.memory_space<vmem>>, vector<16xi32>,
      %get3A_113 = arith.constant 16 : index
      %get3A_114 = tpu.vector_load %arg16[%get3A_113] {strides = array<i32>} : memref<160xi32, #tpu.memory_space<vmem>>, vector<16xi32>,
      %add3A_115 = vector.broadcast %mul3A_0 : i32 to vector<16xi32>
      %add3A_116 = arith.addi %get3A_114, %add3A_115 : vector<16xi32>
      %swap3A_117 = arith.constant 16 : index
      %swap3A_118 = tpu.vector_load %arg18[%swap3A_117] {strides = array<i32>} : memref<80xi32, #tpu.memory_space<vmem>>, vector<16xi32>,
      tpu.vector_store %arg18[%swap3A_117], %add3A_116 {strides = array<i32>} : memref<80xi32, #tpu.memory_space<vmem>>, vector<16xi32>,
      %get3A_119 = arith.constant 16 : index
      %get3A_120 = tpu.vector_load %arg17[%get3A_119] {strides = array<i32>} : memref<160xi32, #tpu.memory_space<vmem>>, vector<16xi32>,
      %swap3A_121 = arith.constant 16 : index
      %swap3A_122 = tpu.vector_load %arg20[%swap3A_121] {strides = array<i32>} : memref<80xi32, #tpu.memory_space<vmem>>, vector<16xi32>,
      tpu.vector_store %arg20[%swap3A_121], %get3A_120 {strides = array<i32>} : memref<80xi32, #tpu.memory_space<vmem>>, vector<16xi32>,
      %get3A_123 = arith.constant 32 : index
      %get3A_124 = tpu.vector_load %arg16[%get3A_123] {strides = array<i32>} : memref<160xi32, #tpu.memory_space<vmem>>, vector<16xi32>,
      %add3A_125 = vector.broadcast %mul3A_0 : i32 to vector<16xi32>
      %add3A_126 = arith.addi %get3A_124, %add3A_125 : vector<16xi32>
      %swap3A_127 = arith.constant 32 : index
      %swap3A_128 = tpu.vector_load %arg18[%swap3A_127] {strides = array<i32>} : memref<80xi32, #tpu.memory_space<vmem>>, vector<16xi32>,
      tpu.vector_store %arg18[%swap3A_127], %add3A_126 {strides = array<i32>} : memref<80xi32, #tpu.memory_space<vmem>>, vector<16xi32>,
      %get3A_129 = arith.constant 32 : index
      %get3A_130 = tpu.vector_load %arg17[%get3A_129] {strides = array<i32>} : memref<160xi32, #tpu.memory_space<vmem>>, vector<16xi32>,
      %swap3A_131 = arith.constant 32 : index
      %swap3A_132 = tpu.vector_load %arg20[%swap3A_131] {strides = array<i32>} : memref<80xi32, #tpu.memory_space<vmem>>, vector<16xi32>,
      tpu.vector_store %arg20[%swap3A_131], %get3A_130 {strides = array<i32>} : memref<80xi32, #tpu.memory_space<vmem>>, vector<16xi32>,
      %get3A_133 = arith.constant 48 : index
      %get3A_134 = tpu.vector_load %arg16[%get3A_133] {strides = array<i32>} : memref<160xi32, #tpu.memory_space<vmem>>, vector<16xi32>,
      %add3A_135 = vector.broadcast %mul3A_0 : i32 to vector<16xi32>
      %add3A_136 = arith.addi %get3A_134, %add3A_135 : vector<16xi32>
      %swap3A_137 = arith.constant 48 : index
      %swap3A_138 = tpu.vector_load %arg18[%swap3A_137] {strides = array<i32>} : memref<80xi32, #tpu.memory_space<vmem>>, vector<16xi32>,
      tpu.vector_store %arg18[%swap3A_137], %add3A_136 {strides = array<i32>} : memref<80xi32, #tpu.memory_space<vmem>>, vector<16xi32>,
      %get3A_139 = arith.constant 48 : index
      %get3A_140 = tpu.vector_load %arg17[%get3A_139] {strides = array<i32>} : memref<160xi32, #tpu.memory_space<vmem>>, vector<16xi32>,
      %swap3A_141 = arith.constant 48 : index
      %swap3A_142 = tpu.vector_load %arg20[%swap3A_141] {strides = array<i32>} : memref<80xi32, #tpu.memory_space<vmem>>, vector<16xi32>,
      tpu.vector_store %arg20[%swap3A_141], %get3A_140 {strides = array<i32>} : memref<80xi32, #tpu.memory_space<vmem>>, vector<16xi32>,
      %get3A_143 = arith.constant 64 : index
      %get3A_144 = tpu.vector_load %arg16[%get3A_143] {strides = array<i32>} : memref<160xi32, #tpu.memory_space<vmem>>, vector<16xi32>,
      %add3A_145 = vector.broadcast %mul3A_0 : i32 to vector<16xi32>
      %add3A_146 = arith.addi %get3A_144, %add3A_145 : vector<16xi32>
      %swap3A_147 = arith.constant 64 : index
      %swap3A_148 = tpu.vector_load %arg18[%swap3A_147] {strides = array<i32>} : memref<80xi32, #tpu.memory_space<vmem>>, vector<16xi32>,
      tpu.vector_store %arg18[%swap3A_147], %add3A_146 {strides = array<i32>} : memref<80xi32, #tpu.memory_space<vmem>>, vector<16xi32>,
      %get3A_149 = arith.constant 64 : index
      %get3A_150 = tpu.vector_load %arg17[%get3A_149] {strides = array<i32>} : memref<160xi32, #tpu.memory_space<vmem>>, vector<16xi32>,
      %swap3A_151 = arith.constant 64 : index
      %swap3A_152 = tpu.vector_load %arg20[%swap3A_151] {strides = array<i32>} : memref<80xi32, #tpu.memory_space<vmem>>, vector<16xi32>,
      tpu.vector_store %arg20[%swap3A_151], %get3A_150 {strides = array<i32>} : memref<80xi32, #tpu.memory_space<vmem>>, vector<16xi32>,
      %dma_start3A_153 = arith.constant 0 : i32
      %dma_start3A_154 = arith.constant 0 : i32
      %dma_start3A_155 = tpu.memref_slice %arg5[%dma_start3A_153, %dma_start3A_154] : memref<20000x128xf32, #tpu.memory_space<hbm>> -> memref<20000x128xf32, #tpu.memory_space<hbm>>
      tpu.enqueue_indirect_dma source(%dma_start3A_155 : memref<20000x128xf32, #tpu.memory_space<hbm>>) target(%arg22 : memref<80x128xf32, #tpu.memory_space<vmem>>) offsets(%arg18 : memref<80xi32, #tpu.memory_space<vmem>>) semaphore(%arg29 : memref<!tpu.dma_semaphore, #tpu.memory_space<semaphore_mem>>)
      %dma_start3A_156 = arith.constant 0 : i32
      %dma_start3A_157 = arith.constant 0 : i32
      %dma_start3A_158 = tpu.memref_slice %arg7[%dma_start3A_156, %dma_start3A_157] : memref<20000x16xf32, #tpu.memory_space<hbm>> -> memref<20000x16xf32, #tpu.memory_space<hbm>>
      tpu.enqueue_indirect_dma source(%dma_start3A_158 : memref<20000x16xf32, #tpu.memory_space<hbm>>) target(%arg24 : memref<80x16xf32, #tpu.memory_space<vmem>>) offsets(%arg18 : memref<80xi32, #tpu.memory_space<vmem>>) semaphore(%arg29 : memref<!tpu.dma_semaphore, #tpu.memory_space<semaphore_mem>>)
      %dma_start3A_159 = arith.constant 0 : i32
      %dma_start3A_160 = arith.constant 0 : i32
      %dma_start3A_161 = tpu.memref_slice %arg9[%dma_start3A_159, %dma_start3A_160] : memref<10000x16xf32, #tpu.memory_space<hbm>> -> memref<10000x16xf32, #tpu.memory_space<hbm>>
      tpu.enqueue_indirect_dma source(%dma_start3A_161 : memref<10000x16xf32, #tpu.memory_space<hbm>>) target(%arg26 : memref<80x16xf32, #tpu.memory_space<vmem>>) offsets(%arg20 : memref<80xi32, #tpu.memory_space<vmem>>) semaphore(%arg29 : memref<!tpu.dma_semaphore, #tpu.memory_space<semaphore_mem>>)
      %lt3A = arith.constant 62 : i32
      %lt3A_162 = arith.cmpi slt, %scan3A_95, %lt3A : i32
      %convert_element_type3A_163 = arith.extui %lt3A_162 : i1 to i32
      %cond3A_164 = arith.constant 0 : i32
      %cond3A_165 = arith.cmpi ne, %convert_element_type3A_163, %cond3A_164 : i32
      scf.if %cond3A_165 {
        %gt3A_197 = arith.constant 0 : i32
        %gt3A_198 = arith.cmpi sgt, %scan3A_95, %gt3A_197 : i32
        %convert_element_type3A_199 = arith.extui %gt3A_198 : i1 to i32
        %cond3A_200 = arith.constant 0 : i32
        %cond3A_201 = arith.cmpi ne, %convert_element_type3A_199, %cond3A_200 : i32
        scf.if %cond3A_201 {
          %dma_wait3A_261 = arith.constant 0 : i32
          %dma_wait3A_262 = arith.constant 0 : i32
          %dma_wait3A_263 = tpu.memref_slice %arg14[%dma_wait3A_261, %dma_wait3A_262] : memref<10000x128xf32, #tpu.memory_space<vmem_shared>> -> memref<10000x128xf32, #tpu.memory_space<vmem_shared>>
          tpu.wait_indirect_dma semaphore(%arg32 : memref<!tpu.dma_semaphore, #tpu.memory_space<semaphore_mem>>) src(%arg23 : memref<80x128xf32, #tpu.memory_space<vmem>>) dst(%dma_wait3A_263 : memref<10000x128xf32, #tpu.memory_space<vmem_shared>>)
          %dma_wait3A_264 = arith.constant 0 : i32
          %dma_wait3A_265 = arith.constant 0 : i32
          %dma_wait3A_266 = tpu.memref_slice %arg15[%dma_wait3A_264, %dma_wait3A_265] : memref<10000x16xf32, #tpu.memory_space<vmem_shared>> -> memref<10000x16xf32, #tpu.memory_space<vmem_shared>>
          tpu.wait_indirect_dma semaphore(%arg32 : memref<!tpu.dma_semaphore, #tpu.memory_space<semaphore_mem>>) src(%arg25 : memref<80x16xf32, #tpu.memory_space<vmem>>) dst(%dma_wait3A_266 : memref<10000x16xf32, #tpu.memory_space<vmem_shared>>)
        } else {
        }
        %get3A_202 = arith.constant 80 : index
        %get3A_203 = tpu.vector_load %arg16[%get3A_202] {strides = array<i32>} : memref<160xi32, #tpu.memory_space<vmem>>, vector<16xi32>,
        %add3A_204 = vector.broadcast %mul3A_0 : i32 to vector<16xi32>
        %add3A_205 = arith.addi %get3A_203, %add3A_204 : vector<16xi32>
        %swap3A_206 = arith.constant 0 : index
        %swap3A_207 = tpu.vector_load %arg19[%swap3A_206] {strides = array<i32>} : memref<80xi32, #tpu.memory_space<vmem>>, vector<16xi32>,
        tpu.vector_store %arg19[%swap3A_206], %add3A_205 {strides = array<i32>} : memref<80xi32, #tpu.memory_space<vmem>>, vector<16xi32>,
        %get3A_208 = arith.constant 80 : index
        %get3A_209 = tpu.vector_load %arg17[%get3A_208] {strides = array<i32>} : memref<160xi32, #tpu.memory_space<vmem>>, vector<16xi32>,
        %swap3A_210 = arith.constant 0 : index
        %swap3A_211 = tpu.vector_load %arg21[%swap3A_210] {strides = array<i32>} : memref<80xi32, #tpu.memory_space<vmem>>, vector<16xi32>,
        tpu.vector_store %arg21[%swap3A_210], %get3A_209 {strides = array<i32>} : memref<80xi32, #tpu.memory_space<vmem>>, vector<16xi32>,
        %get3A_212 = arith.constant 96 : index
        %get3A_213 = tpu.vector_load %arg16[%get3A_212] {strides = array<i32>} : memref<160xi32, #tpu.memory_space<vmem>>, vector<16xi32>,
        %add3A_214 = vector.broadcast %mul3A_0 : i32 to vector<16xi32>
        %add3A_215 = arith.addi %get3A_213, %add3A_214 : vector<16xi32>
        %swap3A_216 = arith.constant 16 : index
        %swap3A_217 = tpu.vector_load %arg19[%swap3A_216] {strides = array<i32>} : memref<80xi32, #tpu.memory_space<vmem>>, vector<16xi32>,
        tpu.vector_store %arg19[%swap3A_216], %add3A_215 {strides = array<i32>} : memref<80xi32, #tpu.memory_space<vmem>>, vector<16xi32>,
        %get3A_218 = arith.constant 96 : index
        %get3A_219 = tpu.vector_load %arg17[%get3A_218] {strides = array<i32>} : memref<160xi32, #tpu.memory_space<vmem>>, vector<16xi32>,
        %swap3A_220 = arith.constant 16 : index
        %swap3A_221 = tpu.vector_load %arg21[%swap3A_220] {strides = array<i32>} : memref<80xi32, #tpu.memory_space<vmem>>, vector<16xi32>,
        tpu.vector_store %arg21[%swap3A_220], %get3A_219 {strides = array<i32>} : memref<80xi32, #tpu.memory_space<vmem>>, vector<16xi32>,
        %get3A_222 = arith.constant 112 : index
        %get3A_223 = tpu.vector_load %arg16[%get3A_222] {strides = array<i32>} : memref<160xi32, #tpu.memory_space<vmem>>, vector<16xi32>,
        %add3A_224 = vector.broadcast %mul3A_0 : i32 to vector<16xi32>
        %add3A_225 = arith.addi %get3A_223, %add3A_224 : vector<16xi32>
        %swap3A_226 = arith.constant 32 : index
        %swap3A_227 = tpu.vector_load %arg19[%swap3A_226] {strides = array<i32>} : memref<80xi32, #tpu.memory_space<vmem>>, vector<16xi32>,
        tpu.vector_store %arg19[%swap3A_226], %add3A_225 {strides = array<i32>} : memref<80xi32, #tpu.memory_space<vmem>>, vector<16xi32>,
        %get3A_228 = arith.constant 112 : index
        %get3A_229 = tpu.vector_load %arg17[%get3A_228] {strides = array<i32>} : memref<160xi32, #tpu.memory_space<vmem>>, vector<16xi32>,
        %swap3A_230 = arith.constant 32 : index
        %swap3A_231 = tpu.vector_load %arg21[%swap3A_230] {strides = array<i32>} : memref<80xi32, #tpu.memory_space<vmem>>, vector<16xi32>,
        tpu.vector_store %arg21[%swap3A_230], %get3A_229 {strides = array<i32>} : memref<80xi32, #tpu.memory_space<vmem>>, vector<16xi32>,
        %get3A_232 = arith.constant 128 : index
        %get3A_233 = tpu.vector_load %arg16[%get3A_232] {strides = array<i32>} : memref<160xi32, #tpu.memory_space<vmem>>, vector<16xi32>,
        %add3A_234 = vector.broadcast %mul3A_0 : i32 to vector<16xi32>
        %add3A_235 = arith.addi %get3A_233, %add3A_234 : vector<16xi32>
        %swap3A_236 = arith.constant 48 : index
        %swap3A_237 = tpu.vector_load %arg19[%swap3A_236] {strides = array<i32>} : memref<80xi32, #tpu.memory_space<vmem>>, vector<16xi32>,
        tpu.vector_store %arg19[%swap3A_236], %add3A_235 {strides = array<i32>} : memref<80xi32, #tpu.memory_space<vmem>>, vector<16xi32>,
        %get3A_238 = arith.constant 128 : index
        %get3A_239 = tpu.vector_load %arg17[%get3A_238] {strides = array<i32>} : memref<160xi32, #tpu.memory_space<vmem>>, vector<16xi32>,
        %swap3A_240 = arith.constant 48 : index
        %swap3A_241 = tpu.vector_load %arg21[%swap3A_240] {strides = array<i32>} : memref<80xi32, #tpu.memory_space<vmem>>, vector<16xi32>,
        tpu.vector_store %arg21[%swap3A_240], %get3A_239 {strides = array<i32>} : memref<80xi32, #tpu.memory_space<vmem>>, vector<16xi32>,
        %get3A_242 = arith.constant 144 : index
        %get3A_243 = tpu.vector_load %arg16[%get3A_242] {strides = array<i32>} : memref<160xi32, #tpu.memory_space<vmem>>, vector<16xi32>,
        %add3A_244 = vector.broadcast %mul3A_0 : i32 to vector<16xi32>
        %add3A_245 = arith.addi %get3A_243, %add3A_244 : vector<16xi32>
        %swap3A_246 = arith.constant 64 : index
        %swap3A_247 = tpu.vector_load %arg19[%swap3A_246] {strides = array<i32>} : memref<80xi32, #tpu.memory_space<vmem>>, vector<16xi32>,
        tpu.vector_store %arg19[%swap3A_246], %add3A_245 {strides = array<i32>} : memref<80xi32, #tpu.memory_space<vmem>>, vector<16xi32>,
        %get3A_248 = arith.constant 144 : index
        %get3A_249 = tpu.vector_load %arg17[%get3A_248] {strides = array<i32>} : memref<160xi32, #tpu.memory_space<vmem>>, vector<16xi32>,
        %swap3A_250 = arith.constant 64 : index
        %swap3A_251 = tpu.vector_load %arg21[%swap3A_250] {strides = array<i32>} : memref<80xi32, #tpu.memory_space<vmem>>, vector<16xi32>,
        tpu.vector_store %arg21[%swap3A_250], %get3A_249 {strides = array<i32>} : memref<80xi32, #tpu.memory_space<vmem>>, vector<16xi32>,
        %dma_start3A_252 = arith.constant 0 : i32
        %dma_start3A_253 = arith.constant 0 : i32
        %dma_start3A_254 = tpu.memref_slice %arg5[%dma_start3A_252, %dma_start3A_253] : memref<20000x128xf32, #tpu.memory_space<hbm>> -> memref<20000x128xf32, #tpu.memory_space<hbm>>
        tpu.enqueue_indirect_dma source(%dma_start3A_254 : memref<20000x128xf32, #tpu.memory_space<hbm>>) target(%arg23 : memref<80x128xf32, #tpu.memory_space<vmem>>) offsets(%arg19 : memref<80xi32, #tpu.memory_space<vmem>>) semaphore(%arg30 : memref<!tpu.dma_semaphore, #tpu.memory_space<semaphore_mem>>)
        %dma_start3A_255 = arith.constant 0 : i32
        %dma_start3A_256 = arith.constant 0 : i32
        %dma_start3A_257 = tpu.memref_slice %arg7[%dma_start3A_255, %dma_start3A_256] : memref<20000x16xf32, #tpu.memory_space<hbm>> -> memref<20000x16xf32, #tpu.memory_space<hbm>>
        tpu.enqueue_indirect_dma source(%dma_start3A_257 : memref<20000x16xf32, #tpu.memory_space<hbm>>) target(%arg25 : memref<80x16xf32, #tpu.memory_space<vmem>>) offsets(%arg19 : memref<80xi32, #tpu.memory_space<vmem>>) semaphore(%arg30 : memref<!tpu.dma_semaphore, #tpu.memory_space<semaphore_mem>>)
        %dma_start3A_258 = arith.constant 0 : i32
        %dma_start3A_259 = arith.constant 0 : i32
        %dma_start3A_260 = tpu.memref_slice %arg9[%dma_start3A_258, %dma_start3A_259] : memref<10000x16xf32, #tpu.memory_space<hbm>> -> memref<10000x16xf32, #tpu.memory_space<hbm>>
        tpu.enqueue_indirect_dma source(%dma_start3A_260 : memref<10000x16xf32, #tpu.memory_space<hbm>>) target(%arg27 : memref<80x16xf32, #tpu.memory_space<vmem>>) offsets(%arg21 : memref<80xi32, #tpu.memory_space<vmem>>) semaphore(%arg30 : memref<!tpu.dma_semaphore, #tpu.memory_space<semaphore_mem>>)
      } else {
      }
      %lt3A_166 = arith.constant 62 : i32
      %lt3A_167 = arith.cmpi slt, %scan3A_95, %lt3A_166 : i32
      %convert_element_type3A_168 = arith.extui %lt3A_167 : i1 to i32
      %cond3A_169 = arith.constant 0 : i32
      %cond3A_170 = arith.cmpi ne, %convert_element_type3A_168, %cond3A_169 : i32
      scf.if %cond3A_170 {
        %mul3A_197 = arith.constant 10000 : i32
        %mul3A_198 = arith.muli %arg1, %mul3A_197 : i32
        %add3A_199 = arith.constant 1 : i32
        %add3A_200 = arith.addi %scan3A_95, %add3A_199 : i32
        %mul3A_201 = arith.constant 160 : i32
        %mul3A_202 = arith.muli %add3A_200, %mul3A_201 : i32
        %add3A_203 = arith.addi %mul3A_198, %mul3A_202 : i32
        %dma_start3A_204 = tpu.memref_slice %arg3[%add3A_203] : memref<160160xi32, #tpu.memory_space<hbm>> -> memref<160xi32, #tpu.memory_space<hbm>>
        %dma_start3A_205 = tpu.memref_slice %arg3[%add3A_203] : memref<160160xi32, #tpu.memory_space<hbm>> -> memref<160xi32, #tpu.memory_space<hbm>>
        tpu.enqueue_dma source(%dma_start3A_205 : memref<160xi32, #tpu.memory_space<hbm>>) target(%arg16 : memref<160xi32, #tpu.memory_space<vmem>>) target_semaphore(%arg33 : memref<!tpu.dma_semaphore, #tpu.memory_space<semaphore_mem>>)
        %dma_start3A_206 = tpu.memref_slice %arg2[%add3A_203] : memref<160160xi32, #tpu.memory_space<hbm>> -> memref<160xi32, #tpu.memory_space<hbm>>
        %dma_start3A_207 = tpu.memref_slice %arg2[%add3A_203] : memref<160160xi32, #tpu.memory_space<hbm>> -> memref<160xi32, #tpu.memory_space<hbm>>
        tpu.enqueue_dma source(%dma_start3A_207 : memref<160xi32, #tpu.memory_space<hbm>>) target(%arg17 : memref<160xi32, #tpu.memory_space<vmem>>) target_semaphore(%arg33 : memref<!tpu.dma_semaphore, #tpu.memory_space<semaphore_mem>>)
      } else {
      }
      %dma_wait3A_171 = arith.constant 0 : i32
      %dma_wait3A_172 = arith.constant 0 : i32
      %dma_wait3A_173 = tpu.memref_slice %arg5[%dma_wait3A_171, %dma_wait3A_172] : memref<20000x128xf32, #tpu.memory_space<hbm>> -> memref<20000x128xf32, #tpu.memory_space<hbm>>
      tpu.wait_indirect_dma semaphore(%arg29 : memref<!tpu.dma_semaphore, #tpu.memory_space<semaphore_mem>>) src(%dma_wait3A_173 : memref<20000x128xf32, #tpu.memory_space<hbm>>) dst(%arg22 : memref<80x128xf32, #tpu.memory_space<vmem>>)
      %dma_wait3A_174 = arith.constant 0 : i32
      %dma_wait3A_175 = arith.constant 0 : i32
      %dma_wait3A_176 = tpu.memref_slice %arg7[%dma_wait3A_174, %dma_wait3A_175] : memref<20000x16xf32, #tpu.memory_space<hbm>> -> memref<20000x16xf32, #tpu.memory_space<hbm>>
      tpu.wait_indirect_dma semaphore(%arg29 : memref<!tpu.dma_semaphore, #tpu.memory_space<semaphore_mem>>) src(%dma_wait3A_176 : memref<20000x16xf32, #tpu.memory_space<hbm>>) dst(%arg24 : memref<80x16xf32, #tpu.memory_space<vmem>>)
      %dma_wait3A_177 = arith.constant 0 : i32
      %dma_wait3A_178 = arith.constant 0 : i32
      %dma_wait3A_179 = tpu.memref_slice %arg9[%dma_wait3A_177, %dma_wait3A_178] : memref<10000x16xf32, #tpu.memory_space<hbm>> -> memref<10000x16xf32, #tpu.memory_space<hbm>>
      tpu.wait_indirect_dma semaphore(%arg29 : memref<!tpu.dma_semaphore, #tpu.memory_space<semaphore_mem>>) src(%dma_wait3A_179 : memref<10000x16xf32, #tpu.memory_space<hbm>>) dst(%arg26 : memref<80x16xf32, #tpu.memory_space<vmem>>)
      %scan3A_180 = arith.constant 0 : i32
      %scan3A_181 = arith.constant 0 : i32
      %scan3A_182 = arith.constant 40 : i32
      %scan3A_183 = arith.addi %scan3A_181, %scan3A_182 : i32
      %scan3A_184 = arith.constant 1 : i32
      scf.for %scan3A_197 = %scan3A_181 to %scan3A_183 step %scan3A_184  : i32 {
        %mul3A_198 = arith.constant 2 : i32
        %mul3A_199 = arith.muli %scan3A_197, %mul3A_198 : i32
        %add3A_200 = arith.constant 0 : i32
        %add3A_201 = arith.addi %mul3A_199, %add3A_200 : i32
        %get3A_202 = arith.index_cast %add3A_201 : i32 to index
        %get3A_203 = arith.constant 0 : index
        %get3A_204 = tpu.vector_load %arg24[%get3A_202, %get3A_203] {strides = array<i32>} : memref<80x16xf32, #tpu.memory_space<vmem>>, vector<16xf32>,
        %get3A_205 = arith.index_cast %add3A_201 : i32 to index
        %get3A_206 = arith.constant 0 : index
        %get3A_207 = tpu.vector_load %arg26[%get3A_205, %get3A_206] {strides = array<i32>} : memref<80x16xf32, #tpu.memory_space<vmem>>, vector<16xf32>,
        %add3A_208 = arith.addf %get3A_204, %get3A_207 : vector<16xf32>
        %mul3A_209 = arith.constant 2.000000e-01 : f32
        %mul3A_210 = vector.broadcast %mul3A_209 : f32 to vector<16xf32>
        %mul3A_211 = arith.mulf %add3A_208, %mul3A_210 : vector<16xf32>
        %max3A = arith.maximumf %add3A_208, %mul3A_211 : vector<16xf32>
        %exp3A = math.exp %max3A : vector<16xf32>
        %swap3A_212 = arith.index_cast %add3A_201 : i32 to index
        %swap3A_213 = arith.constant 0 : index
        %swap3A_214 = tpu.vector_load %arg24[%swap3A_212, %swap3A_213] {strides = array<i32>} : memref<80x16xf32, #tpu.memory_space<vmem>>, vector<16xf32>,
        tpu.vector_store %arg24[%swap3A_212, %swap3A_213], %exp3A {strides = array<i32>} : memref<80x16xf32, #tpu.memory_space<vmem>>, vector<16xf32>,
        %add3A_215 = arith.constant 0 : i32
        %add3A_216 = arith.addi %mul3A_2, %add3A_215 : i32
        %broadcast_in_dim3A = vector.broadcast %add3A_216 : i32 to vector<16x1xi32>
        %gather3A = vector.shape_cast %broadcast_in_dim3A : vector<16x1xi32> to vector<16xi32>
        %gather3A_217 = tpu.dynamic_gather %exp3A[%gather3A] in [0] : vector<16xf32>, vector<16xi32> -> vector<16xf32>
        %get3A_218 = arith.index_cast %add3A_201 : i32 to index
        %get3A_219 = arith.constant 0 : index
        %get3A_220 = tpu.vector_load %arg22[%get3A_218, %get3A_219] {strides = array<i32>} : memref<80x128xf32, #tpu.memory_space<vmem>>, vector<16xf32>,
        %mul3A_221 = arith.mulf %get3A_220, %gather3A_217 : vector<16xf32>
        %swap3A_222 = arith.index_cast %add3A_201 : i32 to index
        %swap3A_223 = arith.constant 0 : index
        %swap3A_224 = tpu.vector_load %arg22[%swap3A_222, %swap3A_223] {strides = array<i32>} : memref<80x128xf32, #tpu.memory_space<vmem>>, vector<16xf32>,
        tpu.vector_store %arg22[%swap3A_222, %swap3A_223], %mul3A_221 {strides = array<i32>} : memref<80x128xf32, #tpu.memory_space<vmem>>, vector<16xf32>,
        %get3A_225 = arith.index_cast %add3A_201 : i32 to index
        %get3A_226 = arith.constant 16 : index
        %get3A_227 = tpu.vector_load %arg22[%get3A_225, %get3A_226] {strides = array<i32>} : memref<80x128xf32, #tpu.memory_space<vmem>>, vector<16xf32>,
        %mul3A_228 = arith.mulf %get3A_227, %gather3A_217 : vector<16xf32>
        %swap3A_229 = arith.index_cast %add3A_201 : i32 to index
        %swap3A_230 = arith.constant 16 : index
        %swap3A_231 = tpu.vector_load %arg22[%swap3A_229, %swap3A_230] {strides = array<i32>} : memref<80x128xf32, #tpu.memory_space<vmem>>, vector<16xf32>,
        tpu.vector_store %arg22[%swap3A_229, %swap3A_230], %mul3A_228 {strides = array<i32>} : memref<80x128xf32, #tpu.memory_space<vmem>>, vector<16xf32>,
        %add3A_232 = arith.constant 1 : i32
        %add3A_233 = arith.addi %mul3A_2, %add3A_232 : i32
        %broadcast_in_dim3A_234 = vector.broadcast %add3A_233 : i32 to vector<16x1xi32>
        %gather3A_235 = vector.shape_cast %broadcast_in_dim3A_234 : vector<16x1xi32> to vector<16xi32>
        %gather3A_236 = tpu.dynamic_gather %exp3A[%gather3A_235] in [0] : vector<16xf32>, vector<16xi32> -> vector<16xf32>
        %get3A_237 = arith.index_cast %add3A_201 : i32 to index
        %get3A_238 = arith.constant 32 : index
        %get3A_239 = tpu.vector_load %arg22[%get3A_237, %get3A_238] {strides = array<i32>} : memref<80x128xf32, #tpu.memory_space<vmem>>, vector<16xf32>,
        %mul3A_240 = arith.mulf %get3A_239, %gather3A_236 : vector<16xf32>
        %swap3A_241 = arith.index_cast %add3A_201 : i32 to index
        %swap3A_242 = arith.constant 32 : index
        %swap3A_243 = tpu.vector_load %arg22[%swap3A_241, %swap3A_242] {strides = array<i32>} : memref<80x128xf32, #tpu.memory_space<vmem>>, vector<16xf32>,
        tpu.vector_store %arg22[%swap3A_241, %swap3A_242], %mul3A_240 {strides = array<i32>} : memref<80x128xf32, #tpu.memory_space<vmem>>, vector<16xf32>,
        %get3A_244 = arith.index_cast %add3A_201 : i32 to index
        %get3A_245 = arith.constant 48 : index
        %get3A_246 = tpu.vector_load %arg22[%get3A_244, %get3A_245] {strides = array<i32>} : memref<80x128xf32, #tpu.memory_space<vmem>>, vector<16xf32>,
        %mul3A_247 = arith.mulf %get3A_246, %gather3A_236 : vector<16xf32>
        %swap3A_248 = arith.index_cast %add3A_201 : i32 to index
        %swap3A_249 = arith.constant 48 : index
        %swap3A_250 = tpu.vector_load %arg22[%swap3A_248, %swap3A_249] {strides = array<i32>} : memref<80x128xf32, #tpu.memory_space<vmem>>, vector<16xf32>,
        tpu.vector_store %arg22[%swap3A_248, %swap3A_249], %mul3A_247 {strides = array<i32>} : memref<80x128xf32, #tpu.memory_space<vmem>>, vector<16xf32>,
        %add3A_251 = arith.constant 2 : i32
        %add3A_252 = arith.addi %mul3A_2, %add3A_251 : i32
        %broadcast_in_dim3A_253 = vector.broadcast %add3A_252 : i32 to vector<16x1xi32>
        %gather3A_254 = vector.shape_cast %broadcast_in_dim3A_253 : vector<16x1xi32> to vector<16xi32>
        %gather3A_255 = tpu.dynamic_gather %exp3A[%gather3A_254] in [0] : vector<16xf32>, vector<16xi32> -> vector<16xf32>
        %get3A_256 = arith.index_cast %add3A_201 : i32 to index
        %get3A_257 = arith.constant 64 : index
        %get3A_258 = tpu.vector_load %arg22[%get3A_256, %get3A_257] {strides = array<i32>} : memref<80x128xf32, #tpu.memory_space<vmem>>, vector<16xf32>,
        %mul3A_259 = arith.mulf %get3A_258, %gather3A_255 : vector<16xf32>
        %swap3A_260 = arith.index_cast %add3A_201 : i32 to index
        %swap3A_261 = arith.constant 64 : index
        %swap3A_262 = tpu.vector_load %arg22[%swap3A_260, %swap3A_261] {strides = array<i32>} : memref<80x128xf32, #tpu.memory_space<vmem>>, vector<16xf32>,
        tpu.vector_store %arg22[%swap3A_260, %swap3A_261], %mul3A_259 {strides = array<i32>} : memref<80x128xf32, #tpu.memory_space<vmem>>, vector<16xf32>,
        %get3A_263 = arith.index_cast %add3A_201 : i32 to index
        %get3A_264 = arith.constant 80 : index
        %get3A_265 = tpu.vector_load %arg22[%get3A_263, %get3A_264] {strides = array<i32>} : memref<80x128xf32, #tpu.memory_space<vmem>>, vector<16xf32>,
        %mul3A_266 = arith.mulf %get3A_265, %gather3A_255 : vector<16xf32>
        %swap3A_267 = arith.index_cast %add3A_201 : i32 to index
        %swap3A_268 = arith.constant 80 : index
        %swap3A_269 = tpu.vector_load %arg22[%swap3A_267, %swap3A_268] {strides = array<i32>} : memref<80x128xf32, #tpu.memory_space<vmem>>, vector<16xf32>,
        tpu.vector_store %arg22[%swap3A_267, %swap3A_268], %mul3A_266 {strides = array<i32>} : memref<80x128xf32, #tpu.memory_space<vmem>>, vector<16xf32>,
        %add3A_270 = arith.constant 3 : i32
        %add3A_271 = arith.addi %mul3A_2, %add3A_270 : i32
        %broadcast_in_dim3A_272 = vector.broadcast %add3A_271 : i32 to vector<16x1xi32>
        %gather3A_273 = vector.shape_cast %broadcast_in_dim3A_272 : vector<16x1xi32> to vector<16xi32>
        %gather3A_274 = tpu.dynamic_gather %exp3A[%gather3A_273] in [0] : vector<16xf32>, vector<16xi32> -> vector<16xf32>
        %get3A_275 = arith.index_cast %add3A_201 : i32 to index
        %get3A_276 = arith.constant 96 : index
        %get3A_277 = tpu.vector_load %arg22[%get3A_275, %get3A_276] {strides = array<i32>} : memref<80x128xf32, #tpu.memory_space<vmem>>, vector<16xf32>,
        %mul3A_278 = arith.mulf %get3A_277, %gather3A_274 : vector<16xf32>
        %swap3A_279 = arith.index_cast %add3A_201 : i32 to index
        %swap3A_280 = arith.constant 96 : index
        %swap3A_281 = tpu.vector_load %arg22[%swap3A_279, %swap3A_280] {strides = array<i32>} : memref<80x128xf32, #tpu.memory_space<vmem>>, vector<16xf32>,
        tpu.vector_store %arg22[%swap3A_279, %swap3A_280], %mul3A_278 {strides = array<i32>} : memref<80x128xf32, #tpu.memory_space<vmem>>, vector<16xf32>,
        %get3A_282 = arith.index_cast %add3A_201 : i32 to index
        %get3A_283 = arith.constant 112 : index
        %get3A_284 = tpu.vector_load %arg22[%get3A_282, %get3A_283] {strides = array<i32>} : memref<80x128xf32, #tpu.memory_space<vmem>>, vector<16xf32>,
        %mul3A_285 = arith.mulf %get3A_284, %gather3A_274 : vector<16xf32>
        %swap3A_286 = arith.index_cast %add3A_201 : i32 to index
        %swap3A_287 = arith.constant 112 : index
        %swap3A_288 = tpu.vector_load %arg22[%swap3A_286, %swap3A_287] {strides = array<i32>} : memref<80x128xf32, #tpu.memory_space<vmem>>, vector<16xf32>,
        tpu.vector_store %arg22[%swap3A_286, %swap3A_287], %mul3A_285 {strides = array<i32>} : memref<80x128xf32, #tpu.memory_space<vmem>>, vector<16xf32>,
        %mul3A_289 = arith.constant 2 : i32
        %mul3A_290 = arith.muli %scan3A_197, %mul3A_289 : i32
        %add3A_291 = arith.constant 1 : i32
        %add3A_292 = arith.addi %mul3A_290, %add3A_291 : i32
        %get3A_293 = arith.index_cast %add3A_292 : i32 to index
        %get3A_294 = arith.constant 0 : index
        %get3A_295 = tpu.vector_load %arg24[%get3A_293, %get3A_294] {strides = array<i32>} : memref<80x16xf32, #tpu.memory_space<vmem>>, vector<16xf32>,
        %get3A_296 = arith.index_cast %add3A_292 : i32 to index
        %get3A_297 = arith.constant 0 : index
        %get3A_298 = tpu.vector_load %arg26[%get3A_296, %get3A_297] {strides = array<i32>} : memref<80x16xf32, #tpu.memory_space<vmem>>, vector<16xf32>,
        %add3A_299 = arith.addf %get3A_295, %get3A_298 : vector<16xf32>
        %mul3A_300 = arith.constant 2.000000e-01 : f32
        %mul3A_301 = vector.broadcast %mul3A_300 : f32 to vector<16xf32>
        %mul3A_302 = arith.mulf %add3A_299, %mul3A_301 : vector<16xf32>
        %max3A_303 = arith.maximumf %add3A_299, %mul3A_302 : vector<16xf32>
        %exp3A_304 = math.exp %max3A_303 : vector<16xf32>
        %swap3A_305 = arith.index_cast %add3A_292 : i32 to index
        %swap3A_306 = arith.constant 0 : index
        %swap3A_307 = tpu.vector_load %arg24[%swap3A_305, %swap3A_306] {strides = array<i32>} : memref<80x16xf32, #tpu.memory_space<vmem>>, vector<16xf32>,
        tpu.vector_store %arg24[%swap3A_305, %swap3A_306], %exp3A_304 {strides = array<i32>} : memref<80x16xf32, #tpu.memory_space<vmem>>, vector<16xf32>,
        %add3A_308 = arith.constant 0 : i32
        %add3A_309 = arith.addi %mul3A_2, %add3A_308 : i32
        %broadcast_in_dim3A_310 = vector.broadcast %add3A_309 : i32 to vector<16x1xi32>
        %gather3A_311 = vector.shape_cast %broadcast_in_dim3A_310 : vector<16x1xi32> to vector<16xi32>
        %gather3A_312 = tpu.dynamic_gather %exp3A_304[%gather3A_311] in [0] : vector<16xf32>, vector<16xi32> -> vector<16xf32>
        %get3A_313 = arith.index_cast %add3A_292 : i32 to index
        %get3A_314 = arith.constant 0 : index
        %get3A_315 = tpu.vector_load %arg22[%get3A_313, %get3A_314] {strides = array<i32>} : memref<80x128xf32, #tpu.memory_space<vmem>>, vector<16xf32>,
        %mul3A_316 = arith.mulf %get3A_315, %gather3A_312 : vector<16xf32>
        %swap3A_317 = arith.index_cast %add3A_292 : i32 to index
        %swap3A_318 = arith.constant 0 : index
        %swap3A_319 = tpu.vector_load %arg22[%swap3A_317, %swap3A_318] {strides = array<i32>} : memref<80x128xf32, #tpu.memory_space<vmem>>, vector<16xf32>,
        tpu.vector_store %arg22[%swap3A_317, %swap3A_318], %mul3A_316 {strides = array<i32>} : memref<80x128xf32, #tpu.memory_space<vmem>>, vector<16xf32>,
        %get3A_320 = arith.index_cast %add3A_292 : i32 to index
        %get3A_321 = arith.constant 16 : index
        %get3A_322 = tpu.vector_load %arg22[%get3A_320, %get3A_321] {strides = array<i32>} : memref<80x128xf32, #tpu.memory_space<vmem>>, vector<16xf32>,
        %mul3A_323 = arith.mulf %get3A_322, %gather3A_312 : vector<16xf32>
        %swap3A_324 = arith.index_cast %add3A_292 : i32 to index
        %swap3A_325 = arith.constant 16 : index
        %swap3A_326 = tpu.vector_load %arg22[%swap3A_324, %swap3A_325] {strides = array<i32>} : memref<80x128xf32, #tpu.memory_space<vmem>>, vector<16xf32>,
        tpu.vector_store %arg22[%swap3A_324, %swap3A_325], %mul3A_323 {strides = array<i32>} : memref<80x128xf32, #tpu.memory_space<vmem>>, vector<16xf32>,
        %add3A_327 = arith.constant 1 : i32
        %add3A_328 = arith.addi %mul3A_2, %add3A_327 : i32
        %broadcast_in_dim3A_329 = vector.broadcast %add3A_328 : i32 to vector<16x1xi32>
        %gather3A_330 = vector.shape_cast %broadcast_in_dim3A_329 : vector<16x1xi32> to vector<16xi32>
        %gather3A_331 = tpu.dynamic_gather %exp3A_304[%gather3A_330] in [0] : vector<16xf32>, vector<16xi32> -> vector<16xf32>
        %get3A_332 = arith.index_cast %add3A_292 : i32 to index
        %get3A_333 = arith.constant 32 : index
        %get3A_334 = tpu.vector_load %arg22[%get3A_332, %get3A_333] {strides = array<i32>} : memref<80x128xf32, #tpu.memory_space<vmem>>, vector<16xf32>,
        %mul3A_335 = arith.mulf %get3A_334, %gather3A_331 : vector<16xf32>
        %swap3A_336 = arith.index_cast %add3A_292 : i32 to index
        %swap3A_337 = arith.constant 32 : index
        %swap3A_338 = tpu.vector_load %arg22[%swap3A_336, %swap3A_337] {strides = array<i32>} : memref<80x128xf32, #tpu.memory_space<vmem>>, vector<16xf32>,
        tpu.vector_store %arg22[%swap3A_336, %swap3A_337], %mul3A_335 {strides = array<i32>} : memref<80x128xf32, #tpu.memory_space<vmem>>, vector<16xf32>,
        %get3A_339 = arith.index_cast %add3A_292 : i32 to index
        %get3A_340 = arith.constant 48 : index
        %get3A_341 = tpu.vector_load %arg22[%get3A_339, %get3A_340] {strides = array<i32>} : memref<80x128xf32, #tpu.memory_space<vmem>>, vector<16xf32>,
        %mul3A_342 = arith.mulf %get3A_341, %gather3A_331 : vector<16xf32>
        %swap3A_343 = arith.index_cast %add3A_292 : i32 to index
        %swap3A_344 = arith.constant 48 : index
        %swap3A_345 = tpu.vector_load %arg22[%swap3A_343, %swap3A_344] {strides = array<i32>} : memref<80x128xf32, #tpu.memory_space<vmem>>, vector<16xf32>,
        tpu.vector_store %arg22[%swap3A_343, %swap3A_344], %mul3A_342 {strides = array<i32>} : memref<80x128xf32, #tpu.memory_space<vmem>>, vector<16xf32>,
        %add3A_346 = arith.constant 2 : i32
        %add3A_347 = arith.addi %mul3A_2, %add3A_346 : i32
        %broadcast_in_dim3A_348 = vector.broadcast %add3A_347 : i32 to vector<16x1xi32>
        %gather3A_349 = vector.shape_cast %broadcast_in_dim3A_348 : vector<16x1xi32> to vector<16xi32>
        %gather3A_350 = tpu.dynamic_gather %exp3A_304[%gather3A_349] in [0] : vector<16xf32>, vector<16xi32> -> vector<16xf32>
        %get3A_351 = arith.index_cast %add3A_292 : i32 to index
        %get3A_352 = arith.constant 64 : index
        %get3A_353 = tpu.vector_load %arg22[%get3A_351, %get3A_352] {strides = array<i32>} : memref<80x128xf32, #tpu.memory_space<vmem>>, vector<16xf32>,
        %mul3A_354 = arith.mulf %get3A_353, %gather3A_350 : vector<16xf32>
        %swap3A_355 = arith.index_cast %add3A_292 : i32 to index
        %swap3A_356 = arith.constant 64 : index
        %swap3A_357 = tpu.vector_load %arg22[%swap3A_355, %swap3A_356] {strides = array<i32>} : memref<80x128xf32, #tpu.memory_space<vmem>>, vector<16xf32>,
        tpu.vector_store %arg22[%swap3A_355, %swap3A_356], %mul3A_354 {strides = array<i32>} : memref<80x128xf32, #tpu.memory_space<vmem>>, vector<16xf32>,
        %get3A_358 = arith.index_cast %add3A_292 : i32 to index
        %get3A_359 = arith.constant 80 : index
        %get3A_360 = tpu.vector_load %arg22[%get3A_358, %get3A_359] {strides = array<i32>} : memref<80x128xf32, #tpu.memory_space<vmem>>, vector<16xf32>,
        %mul3A_361 = arith.mulf %get3A_360, %gather3A_350 : vector<16xf32>
        %swap3A_362 = arith.index_cast %add3A_292 : i32 to index
        %swap3A_363 = arith.constant 80 : index
        %swap3A_364 = tpu.vector_load %arg22[%swap3A_362, %swap3A_363] {strides = array<i32>} : memref<80x128xf32, #tpu.memory_space<vmem>>, vector<16xf32>,
        tpu.vector_store %arg22[%swap3A_362, %swap3A_363], %mul3A_361 {strides = array<i32>} : memref<80x128xf32, #tpu.memory_space<vmem>>, vector<16xf32>,
        %add3A_365 = arith.constant 3 : i32
        %add3A_366 = arith.addi %mul3A_2, %add3A_365 : i32
        %broadcast_in_dim3A_367 = vector.broadcast %add3A_366 : i32 to vector<16x1xi32>
        %gather3A_368 = vector.shape_cast %broadcast_in_dim3A_367 : vector<16x1xi32> to vector<16xi32>
        %gather3A_369 = tpu.dynamic_gather %exp3A_304[%gather3A_368] in [0] : vector<16xf32>, vector<16xi32> -> vector<16xf32>
        %get3A_370 = arith.index_cast %add3A_292 : i32 to index
        %get3A_371 = arith.constant 96 : index
        %get3A_372 = tpu.vector_load %arg22[%get3A_370, %get3A_371] {strides = array<i32>} : memref<80x128xf32, #tpu.memory_space<vmem>>, vector<16xf32>,
        %mul3A_373 = arith.mulf %get3A_372, %gather3A_369 : vector<16xf32>
        %swap3A_374 = arith.index_cast %add3A_292 : i32 to index
        %swap3A_375 = arith.constant 96 : index
        %swap3A_376 = tpu.vector_load %arg22[%swap3A_374, %swap3A_375] {strides = array<i32>} : memref<80x128xf32, #tpu.memory_space<vmem>>, vector<16xf32>,
        tpu.vector_store %arg22[%swap3A_374, %swap3A_375], %mul3A_373 {strides = array<i32>} : memref<80x128xf32, #tpu.memory_space<vmem>>, vector<16xf32>,
        %get3A_377 = arith.index_cast %add3A_292 : i32 to index
        %get3A_378 = arith.constant 112 : index
        %get3A_379 = tpu.vector_load %arg22[%get3A_377, %get3A_378] {strides = array<i32>} : memref<80x128xf32, #tpu.memory_space<vmem>>, vector<16xf32>,
        %mul3A_380 = arith.mulf %get3A_379, %gather3A_369 : vector<16xf32>
        %swap3A_381 = arith.index_cast %add3A_292 : i32 to index
        %swap3A_382 = arith.constant 112 : index
        %swap3A_383 = tpu.vector_load %arg22[%swap3A_381, %swap3A_382] {strides = array<i32>} : memref<80x128xf32, #tpu.memory_space<vmem>>, vector<16xf32>,
        tpu.vector_store %arg22[%swap3A_381, %swap3A_382], %mul3A_380 {strides = array<i32>} : memref<80x128xf32, #tpu.memory_space<vmem>>, vector<16xf32>,
      }
      %scan3A_185 = arith.constant 40 : i32
      %dma_start3A_186 = arith.constant 0 : i32
      %dma_start3A_187 = arith.constant 0 : i32
      %dma_start3A_188 = tpu.memref_slice %arg14[%dma_start3A_186, %dma_start3A_187] : memref<10000x128xf32, #tpu.memory_space<vmem_shared>> -> memref<10000x128xf32, #tpu.memory_space<vmem_shared>>
      tpu.enqueue_indirect_dma source(%arg22 : memref<80x128xf32, #tpu.memory_space<vmem>>) target(%dma_start3A_188 : memref<10000x128xf32, #tpu.memory_space<vmem_shared>>) offsets(%arg20 : memref<80xi32, #tpu.memory_space<vmem>>) semaphore(%arg31 : memref<!tpu.dma_semaphore, #tpu.memory_space<semaphore_mem>>) {add = true}
      %dma_start3A_189 = arith.constant 0 : i32
      %dma_start3A_190 = arith.constant 0 : i32
      %dma_start3A_191 = tpu.memref_slice %arg15[%dma_start3A_189, %dma_start3A_190] : memref<10000x16xf32, #tpu.memory_space<vmem_shared>> -> memref<10000x16xf32, #tpu.memory_space<vmem_shared>>
      tpu.enqueue_indirect_dma source(%arg24 : memref<80x16xf32, #tpu.memory_space<vmem>>) target(%dma_start3A_191 : memref<10000x16xf32, #tpu.memory_space<vmem_shared>>) offsets(%arg20 : memref<80xi32, #tpu.memory_space<vmem>>) semaphore(%arg31 : memref<!tpu.dma_semaphore, #tpu.memory_space<semaphore_mem>>) {add = true}
      %lt3A_192 = arith.constant 62 : i32
      %lt3A_193 = arith.cmpi slt, %scan3A_95, %lt3A_192 : i32
      %convert_element_type3A_194 = arith.extui %lt3A_193 : i1 to i32
      %cond3A_195 = arith.constant 0 : i32
      %cond3A_196 = arith.cmpi ne, %convert_element_type3A_194, %cond3A_195 : i32
      scf.if %cond3A_196 {
        %dma_wait3A_197 = arith.constant 0 : i32
        %dma_wait3A_198 = arith.constant 0 : i32
        %dma_wait3A_199 = tpu.memref_slice %arg5[%dma_wait3A_197, %dma_wait3A_198] : memref<20000x128xf32, #tpu.memory_space<hbm>> -> memref<20000x128xf32, #tpu.memory_space<hbm>>
        tpu.wait_indirect_dma semaphore(%arg30 : memref<!tpu.dma_semaphore, #tpu.memory_space<semaphore_mem>>) src(%dma_wait3A_199 : memref<20000x128xf32, #tpu.memory_space<hbm>>) dst(%arg23 : memref<80x128xf32, #tpu.memory_space<vmem>>)
        %dma_wait3A_200 = arith.constant 0 : i32
        %dma_wait3A_201 = arith.constant 0 : i32
        %dma_wait3A_202 = tpu.memref_slice %arg7[%dma_wait3A_200, %dma_wait3A_201] : memref<20000x16xf32, #tpu.memory_space<hbm>> -> memref<20000x16xf32, #tpu.memory_space<hbm>>
        tpu.wait_indirect_dma semaphore(%arg30 : memref<!tpu.dma_semaphore, #tpu.memory_space<semaphore_mem>>) src(%dma_wait3A_202 : memref<20000x16xf32, #tpu.memory_space<hbm>>) dst(%arg25 : memref<80x16xf32, #tpu.memory_space<vmem>>)
        %dma_wait3A_203 = arith.constant 0 : i32
        %dma_wait3A_204 = arith.constant 0 : i32
        %dma_wait3A_205 = tpu.memref_slice %arg9[%dma_wait3A_203, %dma_wait3A_204] : memref<10000x16xf32, #tpu.memory_space<hbm>> -> memref<10000x16xf32, #tpu.memory_space<hbm>>
        tpu.wait_indirect_dma semaphore(%arg30 : memref<!tpu.dma_semaphore, #tpu.memory_space<semaphore_mem>>) src(%dma_wait3A_205 : memref<10000x16xf32, #tpu.memory_space<hbm>>) dst(%arg27 : memref<80x16xf32, #tpu.memory_space<vmem>>)
        %scan3A_206 = arith.constant 0 : i32
        %scan3A_207 = arith.constant 0 : i32
        %scan3A_208 = arith.constant 40 : i32
        %scan3A_209 = arith.addi %scan3A_207, %scan3A_208 : i32
        %scan3A_210 = arith.constant 1 : i32
        scf.for %scan3A_218 = %scan3A_207 to %scan3A_209 step %scan3A_210  : i32 {
          %mul3A_219 = arith.constant 2 : i32
          %mul3A_220 = arith.muli %scan3A_218, %mul3A_219 : i32
          %add3A_221 = arith.constant 0 : i32
          %add3A_222 = arith.addi %mul3A_220, %add3A_221 : i32
          %get3A_223 = arith.index_cast %add3A_222 : i32 to index
          %get3A_224 = arith.constant 0 : index
          %get3A_225 = tpu.vector_load %arg25[%get3A_223, %get3A_224] {strides = array<i32>} : memref<80x16xf32, #tpu.memory_space<vmem>>, vector<16xf32>,
          %get3A_226 = arith.index_cast %add3A_222 : i32 to index
          %get3A_227 = arith.constant 0 : index
          %get3A_228 = tpu.vector_load %arg27[%get3A_226, %get3A_227] {strides = array<i32>} : memref<80x16xf32, #tpu.memory_space<vmem>>, vector<16xf32>,
          %add3A_229 = arith.addf %get3A_225, %get3A_228 : vector<16xf32>
          %mul3A_230 = arith.constant 2.000000e-01 : f32
          %mul3A_231 = vector.broadcast %mul3A_230 : f32 to vector<16xf32>
          %mul3A_232 = arith.mulf %add3A_229, %mul3A_231 : vector<16xf32>
          %max3A = arith.maximumf %add3A_229, %mul3A_232 : vector<16xf32>
          %exp3A = math.exp %max3A : vector<16xf32>
          %swap3A_233 = arith.index_cast %add3A_222 : i32 to index
          %swap3A_234 = arith.constant 0 : index
          %swap3A_235 = tpu.vector_load %arg25[%swap3A_233, %swap3A_234] {strides = array<i32>} : memref<80x16xf32, #tpu.memory_space<vmem>>, vector<16xf32>,
          tpu.vector_store %arg25[%swap3A_233, %swap3A_234], %exp3A {strides = array<i32>} : memref<80x16xf32, #tpu.memory_space<vmem>>, vector<16xf32>,
          %add3A_236 = arith.constant 0 : i32
          %add3A_237 = arith.addi %mul3A_2, %add3A_236 : i32
          %broadcast_in_dim3A = vector.broadcast %add3A_237 : i32 to vector<16x1xi32>
          %gather3A = vector.shape_cast %broadcast_in_dim3A : vector<16x1xi32> to vector<16xi32>
          %gather3A_238 = tpu.dynamic_gather %exp3A[%gather3A] in [0] : vector<16xf32>, vector<16xi32> -> vector<16xf32>
          %get3A_239 = arith.index_cast %add3A_222 : i32 to index
          %get3A_240 = arith.constant 0 : index
          %get3A_241 = tpu.vector_load %arg23[%get3A_239, %get3A_240] {strides = array<i32>} : memref<80x128xf32, #tpu.memory_space<vmem>>, vector<16xf32>,
          %mul3A_242 = arith.mulf %get3A_241, %gather3A_238 : vector<16xf32>
          %swap3A_243 = arith.index_cast %add3A_222 : i32 to index
          %swap3A_244 = arith.constant 0 : index
          %swap3A_245 = tpu.vector_load %arg23[%swap3A_243, %swap3A_244] {strides = array<i32>} : memref<80x128xf32, #tpu.memory_space<vmem>>, vector<16xf32>,
          tpu.vector_store %arg23[%swap3A_243, %swap3A_244], %mul3A_242 {strides = array<i32>} : memref<80x128xf32, #tpu.memory_space<vmem>>, vector<16xf32>,
          %get3A_246 = arith.index_cast %add3A_222 : i32 to index
          %get3A_247 = arith.constant 16 : index
          %get3A_248 = tpu.vector_load %arg23[%get3A_246, %get3A_247] {strides = array<i32>} : memref<80x128xf32, #tpu.memory_space<vmem>>, vector<16xf32>,
          %mul3A_249 = arith.mulf %get3A_248, %gather3A_238 : vector<16xf32>
          %swap3A_250 = arith.index_cast %add3A_222 : i32 to index
          %swap3A_251 = arith.constant 16 : index
          %swap3A_252 = tpu.vector_load %arg23[%swap3A_250, %swap3A_251] {strides = array<i32>} : memref<80x128xf32, #tpu.memory_space<vmem>>, vector<16xf32>,
          tpu.vector_store %arg23[%swap3A_250, %swap3A_251], %mul3A_249 {strides = array<i32>} : memref<80x128xf32, #tpu.memory_space<vmem>>, vector<16xf32>,
          %add3A_253 = arith.constant 1 : i32
          %add3A_254 = arith.addi %mul3A_2, %add3A_253 : i32
          %broadcast_in_dim3A_255 = vector.broadcast %add3A_254 : i32 to vector<16x1xi32>
          %gather3A_256 = vector.shape_cast %broadcast_in_dim3A_255 : vector<16x1xi32> to vector<16xi32>
          %gather3A_257 = tpu.dynamic_gather %exp3A[%gather3A_256] in [0] : vector<16xf32>, vector<16xi32> -> vector<16xf32>
          %get3A_258 = arith.index_cast %add3A_222 : i32 to index
          %get3A_259 = arith.constant 32 : index
          %get3A_260 = tpu.vector_load %arg23[%get3A_258, %get3A_259] {strides = array<i32>} : memref<80x128xf32, #tpu.memory_space<vmem>>, vector<16xf32>,
          %mul3A_261 = arith.mulf %get3A_260, %gather3A_257 : vector<16xf32>
          %swap3A_262 = arith.index_cast %add3A_222 : i32 to index
          %swap3A_263 = arith.constant 32 : index
          %swap3A_264 = tpu.vector_load %arg23[%swap3A_262, %swap3A_263] {strides = array<i32>} : memref<80x128xf32, #tpu.memory_space<vmem>>, vector<16xf32>,
          tpu.vector_store %arg23[%swap3A_262, %swap3A_263], %mul3A_261 {strides = array<i32>} : memref<80x128xf32, #tpu.memory_space<vmem>>, vector<16xf32>,
          %get3A_265 = arith.index_cast %add3A_222 : i32 to index
          %get3A_266 = arith.constant 48 : index
          %get3A_267 = tpu.vector_load %arg23[%get3A_265, %get3A_266] {strides = array<i32>} : memref<80x128xf32, #tpu.memory_space<vmem>>, vector<16xf32>,
          %mul3A_268 = arith.mulf %get3A_267, %gather3A_257 : vector<16xf32>
          %swap3A_269 = arith.index_cast %add3A_222 : i32 to index
          %swap3A_270 = arith.constant 48 : index
          %swap3A_271 = tpu.vector_load %arg23[%swap3A_269, %swap3A_270] {strides = array<i32>} : memref<80x128xf32, #tpu.memory_space<vmem>>, vector<16xf32>,
          tpu.vector_store %arg23[%swap3A_269, %swap3A_270], %mul3A_268 {strides = array<i32>} : memref<80x128xf32, #tpu.memory_space<vmem>>, vector<16xf32>,
          %add3A_272 = arith.constant 2 : i32
          %add3A_273 = arith.addi %mul3A_2, %add3A_272 : i32
          %broadcast_in_dim3A_274 = vector.broadcast %add3A_273 : i32 to vector<16x1xi32>
          %gather3A_275 = vector.shape_cast %broadcast_in_dim3A_274 : vector<16x1xi32> to vector<16xi32>
          %gather3A_276 = tpu.dynamic_gather %exp3A[%gather3A_275] in [0] : vector<16xf32>, vector<16xi32> -> vector<16xf32>
          %get3A_277 = arith.index_cast %add3A_222 : i32 to index
          %get3A_278 = arith.constant 64 : index
          %get3A_279 = tpu.vector_load %arg23[%get3A_277, %get3A_278] {strides = array<i32>} : memref<80x128xf32, #tpu.memory_space<vmem>>, vector<16xf32>,
          %mul3A_280 = arith.mulf %get3A_279, %gather3A_276 : vector<16xf32>
          %swap3A_281 = arith.index_cast %add3A_222 : i32 to index
          %swap3A_282 = arith.constant 64 : index
          %swap3A_283 = tpu.vector_load %arg23[%swap3A_281, %swap3A_282] {strides = array<i32>} : memref<80x128xf32, #tpu.memory_space<vmem>>, vector<16xf32>,
          tpu.vector_store %arg23[%swap3A_281, %swap3A_282], %mul3A_280 {strides = array<i32>} : memref<80x128xf32, #tpu.memory_space<vmem>>, vector<16xf32>,
          %get3A_284 = arith.index_cast %add3A_222 : i32 to index
          %get3A_285 = arith.constant 80 : index
          %get3A_286 = tpu.vector_load %arg23[%get3A_284, %get3A_285] {strides = array<i32>} : memref<80x128xf32, #tpu.memory_space<vmem>>, vector<16xf32>,
          %mul3A_287 = arith.mulf %get3A_286, %gather3A_276 : vector<16xf32>
          %swap3A_288 = arith.index_cast %add3A_222 : i32 to index
          %swap3A_289 = arith.constant 80 : index
          %swap3A_290 = tpu.vector_load %arg23[%swap3A_288, %swap3A_289] {strides = array<i32>} : memref<80x128xf32, #tpu.memory_space<vmem>>, vector<16xf32>,
          tpu.vector_store %arg23[%swap3A_288, %swap3A_289], %mul3A_287 {strides = array<i32>} : memref<80x128xf32, #tpu.memory_space<vmem>>, vector<16xf32>,
          %add3A_291 = arith.constant 3 : i32
          %add3A_292 = arith.addi %mul3A_2, %add3A_291 : i32
          %broadcast_in_dim3A_293 = vector.broadcast %add3A_292 : i32 to vector<16x1xi32>
          %gather3A_294 = vector.shape_cast %broadcast_in_dim3A_293 : vector<16x1xi32> to vector<16xi32>
          %gather3A_295 = tpu.dynamic_gather %exp3A[%gather3A_294] in [0] : vector<16xf32>, vector<16xi32> -> vector<16xf32>
          %get3A_296 = arith.index_cast %add3A_222 : i32 to index
          %get3A_297 = arith.constant 96 : index
          %get3A_298 = tpu.vector_load %arg23[%get3A_296, %get3A_297] {strides = array<i32>} : memref<80x128xf32, #tpu.memory_space<vmem>>, vector<16xf32>,
          %mul3A_299 = arith.mulf %get3A_298, %gather3A_295 : vector<16xf32>
          %swap3A_300 = arith.index_cast %add3A_222 : i32 to index
          %swap3A_301 = arith.constant 96 : index
          %swap3A_302 = tpu.vector_load %arg23[%swap3A_300, %swap3A_301] {strides = array<i32>} : memref<80x128xf32, #tpu.memory_space<vmem>>, vector<16xf32>,
          tpu.vector_store %arg23[%swap3A_300, %swap3A_301], %mul3A_299 {strides = array<i32>} : memref<80x128xf32, #tpu.memory_space<vmem>>, vector<16xf32>,
          %get3A_303 = arith.index_cast %add3A_222 : i32 to index
          %get3A_304 = arith.constant 112 : index
          %get3A_305 = tpu.vector_load %arg23[%get3A_303, %get3A_304] {strides = array<i32>} : memref<80x128xf32, #tpu.memory_space<vmem>>, vector<16xf32>,
          %mul3A_306 = arith.mulf %get3A_305, %gather3A_295 : vector<16xf32>
          %swap3A_307 = arith.index_cast %add3A_222 : i32 to index
          %swap3A_308 = arith.constant 112 : index
          %swap3A_309 = tpu.vector_load %arg23[%swap3A_307, %swap3A_308] {strides = array<i32>} : memref<80x128xf32, #tpu.memory_space<vmem>>, vector<16xf32>,
          tpu.vector_store %arg23[%swap3A_307, %swap3A_308], %mul3A_306 {strides = array<i32>} : memref<80x128xf32, #tpu.memory_space<vmem>>, vector<16xf32>,
          %mul3A_310 = arith.constant 2 : i32
          %mul3A_311 = arith.muli %scan3A_218, %mul3A_310 : i32
          %add3A_312 = arith.constant 1 : i32
          %add3A_313 = arith.addi %mul3A_311, %add3A_312 : i32
          %get3A_314 = arith.index_cast %add3A_313 : i32 to index
          %get3A_315 = arith.constant 0 : index
          %get3A_316 = tpu.vector_load %arg25[%get3A_314, %get3A_315] {strides = array<i32>} : memref<80x16xf32, #tpu.memory_space<vmem>>, vector<16xf32>,
          %get3A_317 = arith.index_cast %add3A_313 : i32 to index
          %get3A_318 = arith.constant 0 : index
          %get3A_319 = tpu.vector_load %arg27[%get3A_317, %get3A_318] {strides = array<i32>} : memref<80x16xf32, #tpu.memory_space<vmem>>, vector<16xf32>,
          %add3A_320 = arith.addf %get3A_316, %get3A_319 : vector<16xf32>
          %mul3A_321 = arith.constant 2.000000e-01 : f32
          %mul3A_322 = vector.broadcast %mul3A_321 : f32 to vector<16xf32>
          %mul3A_323 = arith.mulf %add3A_320, %mul3A_322 : vector<16xf32>
          %max3A_324 = arith.maximumf %add3A_320, %mul3A_323 : vector<16xf32>
          %exp3A_325 = math.exp %max3A_324 : vector<16xf32>
          %swap3A_326 = arith.index_cast %add3A_313 : i32 to index
          %swap3A_327 = arith.constant 0 : index
          %swap3A_328 = tpu.vector_load %arg25[%swap3A_326, %swap3A_327] {strides = array<i32>} : memref<80x16xf32, #tpu.memory_space<vmem>>, vector<16xf32>,
          tpu.vector_store %arg25[%swap3A_326, %swap3A_327], %exp3A_325 {strides = array<i32>} : memref<80x16xf32, #tpu.memory_space<vmem>>, vector<16xf32>,
          %add3A_329 = arith.constant 0 : i32
          %add3A_330 = arith.addi %mul3A_2, %add3A_329 : i32
          %broadcast_in_dim3A_331 = vector.broadcast %add3A_330 : i32 to vector<16x1xi32>
          %gather3A_332 = vector.shape_cast %broadcast_in_dim3A_331 : vector<16x1xi32> to vector<16xi32>
          %gather3A_333 = tpu.dynamic_gather %exp3A_325[%gather3A_332] in [0] : vector<16xf32>, vector<16xi32> -> vector<16xf32>
          %get3A_334 = arith.index_cast %add3A_313 : i32 to index
          %get3A_335 = arith.constant 0 : index
          %get3A_336 = tpu.vector_load %arg23[%get3A_334, %get3A_335] {strides = array<i32>} : memref<80x128xf32, #tpu.memory_space<vmem>>, vector<16xf32>,
          %mul3A_337 = arith.mulf %get3A_336, %gather3A_333 : vector<16xf32>
          %swap3A_338 = arith.index_cast %add3A_313 : i32 to index
          %swap3A_339 = arith.constant 0 : index
          %swap3A_340 = tpu.vector_load %arg23[%swap3A_338, %swap3A_339] {strides = array<i32>} : memref<80x128xf32, #tpu.memory_space<vmem>>, vector<16xf32>,
          tpu.vector_store %arg23[%swap3A_338, %swap3A_339], %mul3A_337 {strides = array<i32>} : memref<80x128xf32, #tpu.memory_space<vmem>>, vector<16xf32>,
          %get3A_341 = arith.index_cast %add3A_313 : i32 to index
          %get3A_342 = arith.constant 16 : index
          %get3A_343 = tpu.vector_load %arg23[%get3A_341, %get3A_342] {strides = array<i32>} : memref<80x128xf32, #tpu.memory_space<vmem>>, vector<16xf32>,
          %mul3A_344 = arith.mulf %get3A_343, %gather3A_333 : vector<16xf32>
          %swap3A_345 = arith.index_cast %add3A_313 : i32 to index
          %swap3A_346 = arith.constant 16 : index
          %swap3A_347 = tpu.vector_load %arg23[%swap3A_345, %swap3A_346] {strides = array<i32>} : memref<80x128xf32, #tpu.memory_space<vmem>>, vector<16xf32>,
          tpu.vector_store %arg23[%swap3A_345, %swap3A_346], %mul3A_344 {strides = array<i32>} : memref<80x128xf32, #tpu.memory_space<vmem>>, vector<16xf32>,
          %add3A_348 = arith.constant 1 : i32
          %add3A_349 = arith.addi %mul3A_2, %add3A_348 : i32
          %broadcast_in_dim3A_350 = vector.broadcast %add3A_349 : i32 to vector<16x1xi32>
          %gather3A_351 = vector.shape_cast %broadcast_in_dim3A_350 : vector<16x1xi32> to vector<16xi32>
          %gather3A_352 = tpu.dynamic_gather %exp3A_325[%gather3A_351] in [0] : vector<16xf32>, vector<16xi32> -> vector<16xf32>
          %get3A_353 = arith.index_cast %add3A_313 : i32 to index
          %get3A_354 = arith.constant 32 : index
          %get3A_355 = tpu.vector_load %arg23[%get3A_353, %get3A_354] {strides = array<i32>} : memref<80x128xf32, #tpu.memory_space<vmem>>, vector<16xf32>,
          %mul3A_356 = arith.mulf %get3A_355, %gather3A_352 : vector<16xf32>
          %swap3A_357 = arith.index_cast %add3A_313 : i32 to index
          %swap3A_358 = arith.constant 32 : index
          %swap3A_359 = tpu.vector_load %arg23[%swap3A_357, %swap3A_358] {strides = array<i32>} : memref<80x128xf32, #tpu.memory_space<vmem>>, vector<16xf32>,
          tpu.vector_store %arg23[%swap3A_357, %swap3A_358], %mul3A_356 {strides = array<i32>} : memref<80x128xf32, #tpu.memory_space<vmem>>, vector<16xf32>,
          %get3A_360 = arith.index_cast %add3A_313 : i32 to index
          %get3A_361 = arith.constant 48 : index
          %get3A_362 = tpu.vector_load %arg23[%get3A_360, %get3A_361] {strides = array<i32>} : memref<80x128xf32, #tpu.memory_space<vmem>>, vector<16xf32>,
          %mul3A_363 = arith.mulf %get3A_362, %gather3A_352 : vector<16xf32>
          %swap3A_364 = arith.index_cast %add3A_313 : i32 to index
          %swap3A_365 = arith.constant 48 : index
          %swap3A_366 = tpu.vector_load %arg23[%swap3A_364, %swap3A_365] {strides = array<i32>} : memref<80x128xf32, #tpu.memory_space<vmem>>, vector<16xf32>,
          tpu.vector_store %arg23[%swap3A_364, %swap3A_365], %mul3A_363 {strides = array<i32>} : memref<80x128xf32, #tpu.memory_space<vmem>>, vector<16xf32>,
          %add3A_367 = arith.constant 2 : i32
          %add3A_368 = arith.addi %mul3A_2, %add3A_367 : i32
          %broadcast_in_dim3A_369 = vector.broadcast %add3A_368 : i32 to vector<16x1xi32>
          %gather3A_370 = vector.shape_cast %broadcast_in_dim3A_369 : vector<16x1xi32> to vector<16xi32>
          %gather3A_371 = tpu.dynamic_gather %exp3A_325[%gather3A_370] in [0] : vector<16xf32>, vector<16xi32> -> vector<16xf32>
          %get3A_372 = arith.index_cast %add3A_313 : i32 to index
          %get3A_373 = arith.constant 64 : index
          %get3A_374 = tpu.vector_load %arg23[%get3A_372, %get3A_373] {strides = array<i32>} : memref<80x128xf32, #tpu.memory_space<vmem>>, vector<16xf32>,
          %mul3A_375 = arith.mulf %get3A_374, %gather3A_371 : vector<16xf32>
          %swap3A_376 = arith.index_cast %add3A_313 : i32 to index
          %swap3A_377 = arith.constant 64 : index
          %swap3A_378 = tpu.vector_load %arg23[%swap3A_376, %swap3A_377] {strides = array<i32>} : memref<80x128xf32, #tpu.memory_space<vmem>>, vector<16xf32>,
          tpu.vector_store %arg23[%swap3A_376, %swap3A_377], %mul3A_375 {strides = array<i32>} : memref<80x128xf32, #tpu.memory_space<vmem>>, vector<16xf32>,
          %get3A_379 = arith.index_cast %add3A_313 : i32 to index
          %get3A_380 = arith.constant 80 : index
          %get3A_381 = tpu.vector_load %arg23[%get3A_379, %get3A_380] {strides = array<i32>} : memref<80x128xf32, #tpu.memory_space<vmem>>, vector<16xf32>,
          %mul3A_382 = arith.mulf %get3A_381, %gather3A_371 : vector<16xf32>
          %swap3A_383 = arith.index_cast %add3A_313 : i32 to index
          %swap3A_384 = arith.constant 80 : index
          %swap3A_385 = tpu.vector_load %arg23[%swap3A_383, %swap3A_384] {strides = array<i32>} : memref<80x128xf32, #tpu.memory_space<vmem>>, vector<16xf32>,
          tpu.vector_store %arg23[%swap3A_383, %swap3A_384], %mul3A_382 {strides = array<i32>} : memref<80x128xf32, #tpu.memory_space<vmem>>, vector<16xf32>,
          %add3A_386 = arith.constant 3 : i32
          %add3A_387 = arith.addi %mul3A_2, %add3A_386 : i32
          %broadcast_in_dim3A_388 = vector.broadcast %add3A_387 : i32 to vector<16x1xi32>
          %gather3A_389 = vector.shape_cast %broadcast_in_dim3A_388 : vector<16x1xi32> to vector<16xi32>
          %gather3A_390 = tpu.dynamic_gather %exp3A_325[%gather3A_389] in [0] : vector<16xf32>, vector<16xi32> -> vector<16xf32>
          %get3A_391 = arith.index_cast %add3A_313 : i32 to index
          %get3A_392 = arith.constant 96 : index
          %get3A_393 = tpu.vector_load %arg23[%get3A_391, %get3A_392] {strides = array<i32>} : memref<80x128xf32, #tpu.memory_space<vmem>>, vector<16xf32>,
          %mul3A_394 = arith.mulf %get3A_393, %gather3A_390 : vector<16xf32>
          %swap3A_395 = arith.index_cast %add3A_313 : i32 to index
          %swap3A_396 = arith.constant 96 : index
          %swap3A_397 = tpu.vector_load %arg23[%swap3A_395, %swap3A_396] {strides = array<i32>} : memref<80x128xf32, #tpu.memory_space<vmem>>, vector<16xf32>,
          tpu.vector_store %arg23[%swap3A_395, %swap3A_396], %mul3A_394 {strides = array<i32>} : memref<80x128xf32, #tpu.memory_space<vmem>>, vector<16xf32>,
          %get3A_398 = arith.index_cast %add3A_313 : i32 to index
          %get3A_399 = arith.constant 112 : index
          %get3A_400 = tpu.vector_load %arg23[%get3A_398, %get3A_399] {strides = array<i32>} : memref<80x128xf32, #tpu.memory_space<vmem>>, vector<16xf32>,
          %mul3A_401 = arith.mulf %get3A_400, %gather3A_390 : vector<16xf32>
          %swap3A_402 = arith.index_cast %add3A_313 : i32 to index
          %swap3A_403 = arith.constant 112 : index
          %swap3A_404 = tpu.vector_load %arg23[%swap3A_402, %swap3A_403] {strides = array<i32>} : memref<80x128xf32, #tpu.memory_space<vmem>>, vector<16xf32>,
          tpu.vector_store %arg23[%swap3A_402, %swap3A_403], %mul3A_401 {strides = array<i32>} : memref<80x128xf32, #tpu.memory_space<vmem>>, vector<16xf32>,
        }
        %scan3A_211 = arith.constant 40 : i32
        %dma_start3A_212 = arith.constant 0 : i32
        %dma_start3A_213 = arith.constant 0 : i32
        %dma_start3A_214 = tpu.memref_slice %arg14[%dma_start3A_212, %dma_start3A_213] : memref<10000x128xf32, #tpu.memory_space<vmem_shared>> -> memref<10000x128xf32, #tpu.memory_space<vmem_shared>>
        tpu.enqueue_indirect_dma source(%arg23 : memref<80x128xf32, #tpu.memory_space<vmem>>) target(%dma_start3A_214 : memref<10000x128xf32, #tpu.memory_space<vmem_shared>>) offsets(%arg21 : memref<80xi32, #tpu.memory_space<vmem>>) semaphore(%arg32 : memref<!tpu.dma_semaphore, #tpu.memory_space<semaphore_mem>>) {add = true}
        %dma_start3A_215 = arith.constant 0 : i32
        %dma_start3A_216 = arith.constant 0 : i32
        %dma_start3A_217 = tpu.memref_slice %arg15[%dma_start3A_215, %dma_start3A_216] : memref<10000x16xf32, #tpu.memory_space<vmem_shared>> -> memref<10000x16xf32, #tpu.memory_space<vmem_shared>>
        tpu.enqueue_indirect_dma source(%arg25 : memref<80x16xf32, #tpu.memory_space<vmem>>) target(%dma_start3A_217 : memref<10000x16xf32, #tpu.memory_space<vmem_shared>>) offsets(%arg21 : memref<80xi32, #tpu.memory_space<vmem>>) semaphore(%arg32 : memref<!tpu.dma_semaphore, #tpu.memory_space<semaphore_mem>>) {add = true}
      } else {
      }
    }
    %scan3A_75 = arith.constant 63 : i32
    %dma_wait3A_76 = arith.constant 0 : i32
    %dma_wait3A_77 = arith.constant 0 : i32
    %dma_wait3A_78 = tpu.memref_slice %arg14[%dma_wait3A_76, %dma_wait3A_77] : memref<10000x128xf32, #tpu.memory_space<vmem_shared>> -> memref<10000x128xf32, #tpu.memory_space<vmem_shared>>
    tpu.wait_indirect_dma semaphore(%arg31 : memref<!tpu.dma_semaphore, #tpu.memory_space<semaphore_mem>>) src(%arg22 : memref<80x128xf32, #tpu.memory_space<vmem>>) dst(%dma_wait3A_78 : memref<10000x128xf32, #tpu.memory_space<vmem_shared>>)
    %dma_wait3A_79 = arith.constant 0 : i32
    %dma_wait3A_80 = arith.constant 0 : i32
    %dma_wait3A_81 = tpu.memref_slice %arg15[%dma_wait3A_79, %dma_wait3A_80] : memref<10000x16xf32, #tpu.memory_space<vmem_shared>> -> memref<10000x16xf32, #tpu.memory_space<vmem_shared>>
    tpu.wait_indirect_dma semaphore(%arg31 : memref<!tpu.dma_semaphore, #tpu.memory_space<semaphore_mem>>) src(%arg24 : memref<80x16xf32, #tpu.memory_space<vmem>>) dst(%dma_wait3A_81 : memref<10000x16xf32, #tpu.memory_space<vmem_shared>>)
    %dma_wait3A_82 = arith.constant 0 : i32
    %dma_wait3A_83 = arith.constant 0 : i32
    %dma_wait3A_84 = tpu.memref_slice %arg14[%dma_wait3A_82, %dma_wait3A_83] : memref<10000x128xf32, #tpu.memory_space<vmem_shared>> -> memref<10000x128xf32, #tpu.memory_space<vmem_shared>>
    tpu.wait_indirect_dma semaphore(%arg32 : memref<!tpu.dma_semaphore, #tpu.memory_space<semaphore_mem>>) src(%arg23 : memref<80x128xf32, #tpu.memory_space<vmem>>) dst(%dma_wait3A_84 : memref<10000x128xf32, #tpu.memory_space<vmem_shared>>)
    %dma_wait3A_85 = arith.constant 0 : i32
    %dma_wait3A_86 = arith.constant 0 : i32
    %dma_wait3A_87 = tpu.memref_slice %arg15[%dma_wait3A_85, %dma_wait3A_86] : memref<10000x16xf32, #tpu.memory_space<vmem_shared>> -> memref<10000x16xf32, #tpu.memory_space<vmem_shared>>
    tpu.wait_indirect_dma semaphore(%arg32 : memref<!tpu.dma_semaphore, #tpu.memory_space<semaphore_mem>>) src(%arg25 : memref<80x16xf32, #tpu.memory_space<vmem>>) dst(%dma_wait3A_87 : memref<10000x16xf32, #tpu.memory_space<vmem_shared>>)
    %barrier3A_88 = arith.constant 0 : index
    tpu.barrier barrier_id(%barrier3A_88)
    %scan3A_89 = arith.constant 0 : i32
    %scan3A_90 = arith.constant 0 : i32
    %scan3A_91 = arith.constant 20 : i32
    %scan3A_92 = arith.addi %scan3A_90, %scan3A_91 : i32
    %scan3A_93 = arith.constant 1 : i32
    scf.for %scan3A_95 = %scan3A_90 to %scan3A_92 step %scan3A_93  : i32 {
      %mul3A_96 = arith.constant 32 : i32
      %mul3A_97 = arith.muli %scan3A_95, %mul3A_96 : i32
      %add3A = arith.addi %mul3A_54, %mul3A_97 : i32
      "tpu.region"() ({
        %run_scoped3A = tpu.sem_alloc : memref<!tpu.dma_semaphore, #tpu.memory_space<semaphore_mem>>
        %dma_start3A_100 = arith.constant 0 : i32
        %dma_start3A_101 = tpu.memref_slice %arg14[%add3A, %dma_start3A_100] : memref<10000x128xf32, #tpu.memory_space<vmem_shared>> -> memref<32x128xf32, #tpu.memory_space<vmem_shared>>
        %dma_start3A_102 = arith.constant 0 : i32
        %dma_start3A_103 = tpu.memref_slice %arg14[%add3A, %dma_start3A_102] : memref<10000x128xf32, #tpu.memory_space<vmem_shared>> -> memref<32x128xf32, #tpu.memory_space<vmem_shared>>
        tpu.enqueue_dma source(%dma_start3A_103 : memref<32x128xf32, #tpu.memory_space<vmem_shared>>) target(%arg28 : memref<32x128xf32, #tpu.memory_space<vmem>>) target_semaphore(%run_scoped3A : memref<!tpu.dma_semaphore, #tpu.memory_space<semaphore_mem>>)
        %dma_wait3A_104 = arith.constant 0 : i32
        %dma_wait3A_105 = tpu.memref_slice %arg14[%add3A, %dma_wait3A_104] : memref<10000x128xf32, #tpu.memory_space<vmem_shared>> -> memref<32x128xf32, #tpu.memory_space<vmem_shared>>
        %dma_wait3A_106 = arith.constant 0 : i32
        %dma_wait3A_107 = tpu.memref_slice %arg14[%add3A, %dma_wait3A_106] : memref<10000x128xf32, #tpu.memory_space<vmem_shared>> -> memref<32x128xf32, #tpu.memory_space<vmem_shared>>
        tpu.wait_dma2 semaphore(%run_scoped3A : memref<!tpu.dma_semaphore, #tpu.memory_space<semaphore_mem>>) src(%dma_wait3A_107 : memref<32x128xf32, #tpu.memory_space<vmem_shared>>) dst(%arg28 : memref<32x128xf32, #tpu.memory_space<vmem>>)
        tpu.yield
      }) : () -> ()
      %add3A_98 = arith.addi %mul3A_0, %add3A : i32
      "tpu.region"() ({
        %run_scoped3A = tpu.sem_alloc : memref<!tpu.dma_semaphore, #tpu.memory_space<semaphore_mem>>
        %dma_start3A_100 = arith.constant 0 : i32
        %dma_start3A_101 = tpu.memref_slice %arg12[%add3A_98, %dma_start3A_100] : memref<20000x128xf32, #tpu.memory_space<hbm>> -> memref<32x128xf32, #tpu.memory_space<hbm>>
        %dma_start3A_102 = arith.constant 0 : i32
        %dma_start3A_103 = tpu.memref_slice %arg12[%add3A_98, %dma_start3A_102] : memref<20000x128xf32, #tpu.memory_space<hbm>> -> memref<32x128xf32, #tpu.memory_space<hbm>>
        tpu.enqueue_dma source(%arg28 : memref<32x128xf32, #tpu.memory_space<vmem>>) target(%dma_start3A_103 : memref<32x128xf32, #tpu.memory_space<hbm>>) target_semaphore(%run_scoped3A : memref<!tpu.dma_semaphore, #tpu.memory_space<semaphore_mem>>)
        %dma_wait3A_104 = arith.constant 0 : i32
        %dma_wait3A_105 = tpu.memref_slice %arg12[%add3A_98, %dma_wait3A_104] : memref<20000x128xf32, #tpu.memory_space<hbm>> -> memref<32x128xf32, #tpu.memory_space<hbm>>
        %dma_wait3A_106 = arith.constant 0 : i32
        %dma_wait3A_107 = tpu.memref_slice %arg12[%add3A_98, %dma_wait3A_106] : memref<20000x128xf32, #tpu.memory_space<hbm>> -> memref<32x128xf32, #tpu.memory_space<hbm>>
        tpu.wait_dma2 semaphore(%run_scoped3A : memref<!tpu.dma_semaphore, #tpu.memory_space<semaphore_mem>>) src(%arg28 : memref<32x128xf32, #tpu.memory_space<vmem>>) dst(%dma_wait3A_107 : memref<32x128xf32, #tpu.memory_space<hbm>>)
        tpu.yield
      }) : () -> ()
      "tpu.region"() ({
        %run_scoped3A = tpu.sem_alloc : memref<!tpu.dma_semaphore, #tpu.memory_space<semaphore_mem>>
        %dma_start3A_100 = arith.constant 0 : i32
        %dma_start3A_101 = arith.constant 0 : i32
        %dma_start3A_102 = tpu.memref_slice %arg28[%dma_start3A_100, %dma_start3A_101] : memref<32x128xf32, #tpu.memory_space<vmem>> -> memref<32x16xf32, #tpu.memory_space<vmem>>
        %dma_start3A_103 = arith.constant 0 : i32
        %dma_start3A_104 = tpu.memref_slice %arg15[%add3A, %dma_start3A_103] : memref<10000x16xf32, #tpu.memory_space<vmem_shared>> -> memref<32x16xf32, #tpu.memory_space<vmem_shared>>
        %dma_start3A_105 = arith.constant 0 : i32
        %dma_start3A_106 = arith.constant 0 : i32
        %dma_start3A_107 = tpu.memref_slice %arg28[%dma_start3A_105, %dma_start3A_106] : memref<32x128xf32, #tpu.memory_space<vmem>> -> memref<32x16xf32, #tpu.memory_space<vmem>>
        %dma_start3A_108 = arith.constant 0 : i32
        %dma_start3A_109 = tpu.memref_slice %arg15[%add3A, %dma_start3A_108] : memref<10000x16xf32, #tpu.memory_space<vmem_shared>> -> memref<32x16xf32, #tpu.memory_space<vmem_shared>>
        tpu.enqueue_dma source(%dma_start3A_109 : memref<32x16xf32, #tpu.memory_space<vmem_shared>>) target(%dma_start3A_107 : memref<32x16xf32, #tpu.memory_space<vmem>>) target_semaphore(%run_scoped3A : memref<!tpu.dma_semaphore, #tpu.memory_space<semaphore_mem>>)
        %dma_wait3A_110 = arith.constant 0 : i32
        %dma_wait3A_111 = arith.constant 0 : i32
        %dma_wait3A_112 = tpu.memref_slice %arg28[%dma_wait3A_110, %dma_wait3A_111] : memref<32x128xf32, #tpu.memory_space<vmem>> -> memref<32x16xf32, #tpu.memory_space<vmem>>
        %dma_wait3A_113 = arith.constant 0 : i32
        %dma_wait3A_114 = tpu.memref_slice %arg15[%add3A, %dma_wait3A_113] : memref<10000x16xf32, #tpu.memory_space<vmem_shared>> -> memref<32x16xf32, #tpu.memory_space<vmem_shared>>
        %dma_wait3A_115 = arith.constant 0 : i32
        %dma_wait3A_116 = arith.constant 0 : i32
        %dma_wait3A_117 = tpu.memref_slice %arg28[%dma_wait3A_115, %dma_wait3A_116] : memref<32x128xf32, #tpu.memory_space<vmem>> -> memref<32x16xf32, #tpu.memory_space<vmem>>
        %dma_wait3A_118 = arith.constant 0 : i32
        %dma_wait3A_119 = tpu.memref_slice %arg15[%add3A, %dma_wait3A_118] : memref<10000x16xf32, #tpu.memory_space<vmem_shared>> -> memref<32x16xf32, #tpu.memory_space<vmem_shared>>
        tpu.wait_dma2 semaphore(%run_scoped3A : memref<!tpu.dma_semaphore, #tpu.memory_space<semaphore_mem>>) src(%dma_wait3A_119 : memref<32x16xf32, #tpu.memory_space<vmem_shared>>) dst(%dma_wait3A_117 : memref<32x16xf32, #tpu.memory_space<vmem>>)
        tpu.yield
      }) : () -> ()
      %add3A_99 = arith.addi %mul3A_0, %add3A : i32
      "tpu.region"() ({
        %run_scoped3A = tpu.sem_alloc : memref<!tpu.dma_semaphore, #tpu.memory_space<semaphore_mem>>
        %dma_start3A_100 = arith.constant 0 : i32
        %dma_start3A_101 = arith.constant 0 : i32
        %dma_start3A_102 = tpu.memref_slice %arg28[%dma_start3A_100, %dma_start3A_101] : memref<32x128xf32, #tpu.memory_space<vmem>> -> memref<32x16xf32, #tpu.memory_space<vmem>>
        %dma_start3A_103 = arith.constant 0 : i32
        %dma_start3A_104 = tpu.memref_slice %arg13[%add3A_99, %dma_start3A_103] : memref<20000x16xf32, #tpu.memory_space<hbm>> -> memref<32x16xf32, #tpu.memory_space<hbm>>
        %dma_start3A_105 = arith.constant 0 : i32
        %dma_start3A_106 = tpu.memref_slice %arg13[%add3A_99, %dma_start3A_105] : memref<20000x16xf32, #tpu.memory_space<hbm>> -> memref<32x16xf32, #tpu.memory_space<hbm>>
        %dma_start3A_107 = arith.constant 0 : i32
        %dma_start3A_108 = arith.constant 0 : i32
        %dma_start3A_109 = tpu.memref_slice %arg28[%dma_start3A_107, %dma_start3A_108] : memref<32x128xf32, #tpu.memory_space<vmem>> -> memref<32x16xf32, #tpu.memory_space<vmem>>
        tpu.enqueue_dma source(%dma_start3A_109 : memref<32x16xf32, #tpu.memory_space<vmem>>) target(%dma_start3A_106 : memref<32x16xf32, #tpu.memory_space<hbm>>) target_semaphore(%run_scoped3A : memref<!tpu.dma_semaphore, #tpu.memory_space<semaphore_mem>>)
        %dma_wait3A_110 = arith.constant 0 : i32
        %dma_wait3A_111 = arith.constant 0 : i32
        %dma_wait3A_112 = tpu.memref_slice %arg28[%dma_wait3A_110, %dma_wait3A_111] : memref<32x128xf32, #tpu.memory_space<vmem>> -> memref<32x16xf32, #tpu.memory_space<vmem>>
        %dma_wait3A_113 = arith.constant 0 : i32
        %dma_wait3A_114 = tpu.memref_slice %arg13[%add3A_99, %dma_wait3A_113] : memref<20000x16xf32, #tpu.memory_space<hbm>> -> memref<32x16xf32, #tpu.memory_space<hbm>>
        %dma_wait3A_115 = arith.constant 0 : i32
        %dma_wait3A_116 = tpu.memref_slice %arg13[%add3A_99, %dma_wait3A_115] : memref<20000x16xf32, #tpu.memory_space<hbm>> -> memref<32x16xf32, #tpu.memory_space<hbm>>
        %dma_wait3A_117 = arith.constant 0 : i32
        %dma_wait3A_118 = arith.constant 0 : i32
        %dma_wait3A_119 = tpu.memref_slice %arg28[%dma_wait3A_117, %dma_wait3A_118] : memref<32x128xf32, #tpu.memory_space<vmem>> -> memref<32x16xf32, #tpu.memory_space<vmem>>
        tpu.wait_dma2 semaphore(%run_scoped3A : memref<!tpu.dma_semaphore, #tpu.memory_space<semaphore_mem>>) src(%dma_wait3A_119 : memref<32x16xf32, #tpu.memory_space<vmem>>) dst(%dma_wait3A_116 : memref<32x16xf32, #tpu.memory_space<hbm>>)
        tpu.yield
      }) : () -> ()
    }
    %scan3A_94 = arith.constant 20 : i32
    return
  }
}

module attributes {stable_mosaic.version = 14 : i64} {
  func.func @_tc_transform_body(%arg0: i32, %arg1: i32, %arg2: memref<1000x128xf32, #tpu.memory_space<vmem>>, %arg3: memref<1000x128xf32, #tpu.memory_space<vmem>>, %arg4: memref<256x256xf32, #tpu.memory_space<vmem>>, %arg5: memref<256x256xf32, #tpu.memory_space<vmem>>, %arg6: memref<1x256xf32, #tpu.memory_space<vmem>>, %arg7: memref<1x256xf32, #tpu.memory_space<vmem>>, %arg8: memref<1000x128xf32, #tpu.memory_space<vmem>>, %arg9: memref<1000x16xf32, #tpu.memory_space<vmem>>, %arg10: memref<1000x16xf32, #tpu.memory_space<vmem>>, %arg11: memref<1000x512xf32, #tpu.memory_space<vmem>>) attributes {dimension_semantics = [#tpu.dimension_semantics<arbitrary>, #tpu.dimension_semantics<arbitrary>], iteration_bounds = array<i64: 10, 2>, scalar_prefetch = 0 : i64, scratch_operands = 1 : i64, tpu.core_type = #tpu.core_type<tc>, window_params = [{transform_indices = @transform_0, window_bounds = array<i64: 1000, 128>}, {transform_indices = @transform_1, window_bounds = array<i64: 1000, 128>}, {pipeline_mode = #tpu.pipeline_mode<synchronous>, transform_indices = @transform_2, window_bounds = array<i64: 256, 256>}, {pipeline_mode = #tpu.pipeline_mode<synchronous>, transform_indices = @transform_3, window_bounds = array<i64: 256, 256>}, {pipeline_mode = #tpu.pipeline_mode<synchronous>, transform_indices = @transform_4, window_bounds = array<i64: 1, 256>}, {pipeline_mode = #tpu.pipeline_mode<synchronous>, transform_indices = @transform_5, window_bounds = array<i64: 1, 256>}, {transform_indices = @transform_6, window_bounds = array<i64: 1000, 128>}, {transform_indices = @transform_7, window_bounds = array<i64: 1000, 16>}, {transform_indices = @transform_8, window_bounds = array<i64: 1000, 16>}]} {
    %eq3A = arith.constant 0 : i32
    %eq3A_0 = arith.cmpi eq, %arg1, %eq3A : i32
    %convert_element_type3A = arith.extui %eq3A_0 : i1 to i32
    %cond3A = arith.constant 0 : i32
    %cond3A_1 = arith.cmpi ne, %convert_element_type3A, %cond3A : i32
    scf.if %cond3A_1 {
      %get3A_49 = arith.constant 0 : index
      %get3A_50 = arith.constant 0 : index
      %get3A_51 = vector.load %arg2[%get3A_49, %get3A_50] : memref<1000x128xf32, #tpu.memory_space<vmem>>, vector<1000x128xf32>
      %get3A_52 = arith.constant 0 : index
      %get3A_53 = arith.constant 0 : index
      %get3A_54 = vector.load %arg3[%get3A_52, %get3A_53] : memref<1000x128xf32, #tpu.memory_space<vmem>>, vector<1000x128xf32>
      %concatenate3A = tpu.concatenate %get3A_51, %get3A_54 in 1 : vector<1000x128xf32>, vector<1000x128xf32> -> vector<1000x256xf32>
      %get3A_55 = arith.constant 0 : index
      %get3A_56 = arith.constant 0 : index
      %get3A_57 = vector.load %arg4[%get3A_55, %get3A_56] : memref<256x256xf32, #tpu.memory_space<vmem>>, vector<256x256xf32>
      %dot_general3A_58 = arith.constant dense<0.000000e+00> : vector<1000x256xf32>
      %dot_general3A_59 = tpu.matmul %concatenate3A, %get3A_57, %dot_general3A_58 {dimension_numbers = #tpu.dot_dimension_numbers<[1], [0], [0], [1], [0, 0, 1, 1], [], []>, transpose_lhs_hint = false} : vector<1000x256xf32>, vector<256x256xf32>, vector<1000x256xf32> -> vector<1000x256xf32>
      %swap3A = arith.constant 0 : index
      %swap3A_60 = arith.constant 0 : index
      %swap3A_61 = vector.load %arg11[%swap3A, %swap3A_60] : memref<1000x512xf32, #tpu.memory_space<vmem>>, vector<1000x256xf32>
      tpu.vector_store %arg11[%swap3A, %swap3A_60], %dot_general3A_59 {strides = array<i32>} : memref<1000x512xf32, #tpu.memory_space<vmem>>, vector<1000x256xf32>,
      %get3A_62 = arith.constant 0 : index
      %get3A_63 = arith.constant 0 : index
      %get3A_64 = vector.load %arg5[%get3A_62, %get3A_63] : memref<256x256xf32, #tpu.memory_space<vmem>>, vector<256x256xf32>
      %dot_general3A_65 = arith.constant dense<0.000000e+00> : vector<1000x256xf32>
      %dot_general3A_66 = tpu.matmul %concatenate3A, %get3A_64, %dot_general3A_65 {dimension_numbers = #tpu.dot_dimension_numbers<[1], [0], [0], [1], [0, 0, 1, 1], [], []>, transpose_lhs_hint = false} : vector<1000x256xf32>, vector<256x256xf32>, vector<1000x256xf32> -> vector<1000x256xf32>
      %swap3A_67 = arith.constant 0 : index
      %swap3A_68 = arith.constant 256 : index
      %swap3A_69 = vector.load %arg11[%swap3A_67, %swap3A_68] : memref<1000x512xf32, #tpu.memory_space<vmem>>, vector<1000x256xf32>
      tpu.vector_store %arg11[%swap3A_67, %swap3A_68], %dot_general3A_66 {strides = array<i32>} : memref<1000x512xf32, #tpu.memory_space<vmem>>, vector<1000x256xf32>,
    } else {
    }
    %get3A = arith.constant 0 : index
    %get3A_2 = arith.constant 0 : index
    %get3A_3 = vector.load %arg11[%get3A, %get3A_2] : memref<1000x512xf32, #tpu.memory_space<vmem>>, vector<1000x256xf32>
    %get3A_4 = arith.constant 0 : index
    %get3A_5 = arith.constant 256 : index
    %get3A_6 = vector.load %arg11[%get3A_4, %get3A_5] : memref<1000x512xf32, #tpu.memory_space<vmem>>, vector<1000x256xf32>
    %iota3A = tpu.iota {dimensions = array<i32: 0>} : vector<256x8xi32>
    %jit3A = arith.constant 32 : i32
    %div3A = vector.broadcast %jit3A : i32 to vector<256x8xi32>
    %div3A_7 = arith.divsi %iota3A, %div3A : vector<256x8xi32>
    %sign3A = arith.constant 0 : i32
    %sign3A_8 = vector.broadcast %sign3A : i32 to vector<256x8xi32>
    %sign3A_9 = arith.cmpi sgt, %iota3A, %sign3A_8 : vector<256x8xi32>
    %sign3A_10 = arith.extui %sign3A_9 : vector<256x8xi1> to vector<256x8xi32>
    %sign3A_11 = arith.constant 0 : i32
    %sign3A_12 = vector.broadcast %sign3A_11 : i32 to vector<256x8xi32>
    %sign3A_13 = arith.cmpi slt, %iota3A, %sign3A_12 : vector<256x8xi32>
    %sign3A_14 = arith.extui %sign3A_13 : vector<256x8xi1> to vector<256x8xi32>
    %sign3A_15 = arith.subi %sign3A_10, %sign3A_14 : vector<256x8xi32>
    %sign3A_16 = arith.constant 0 : i32
    %sign3A_17 = arith.cmpi sgt, %jit3A, %sign3A_16 : i32
    %sign3A_18 = arith.extui %sign3A_17 : i1 to i32
    %sign3A_19 = arith.constant 0 : i32
    %sign3A_20 = arith.cmpi slt, %jit3A, %sign3A_19 : i32
    %sign3A_21 = arith.extui %sign3A_20 : i1 to i32
    %sign3A_22 = arith.subi %sign3A_18, %sign3A_21 : i32
    %ne3A = vector.broadcast %sign3A_22 : i32 to vector<256x8xi32>
    %ne3A_23 = arith.cmpi ne, %sign3A_15, %ne3A : vector<256x8xi32>
    %rem3A = vector.broadcast %jit3A : i32 to vector<256x8xi32>
    %rem3A_24 = arith.remsi %iota3A, %rem3A : vector<256x8xi32>
    %ne3A_25 = arith.constant 0 : i32
    %ne3A_26 = vector.broadcast %ne3A_25 : i32 to vector<256x8xi32>
    %ne3A_27 = arith.cmpi ne, %rem3A_24, %ne3A_26 : vector<256x8xi32>
    %and3A = arith.andi %ne3A_23, %ne3A_27 : vector<256x8xi1>
    %sub3A = arith.constant 1 : i32
    %sub3A_28 = vector.broadcast %sub3A : i32 to vector<256x8xi32>
    %sub3A_29 = arith.subi %div3A_7, %sub3A_28 : vector<256x8xi32>
    %select_n3A = arith.select %and3A, %sub3A_29, %div3A_7 : vector<256x8xi1>, vector<256x8xi32>
    %iota3A_30 = tpu.iota {dimensions = array<i32: 1>} : vector<256x8xi32>
    %eq3A_31 = arith.cmpi eq, %select_n3A, %iota3A_30 : vector<256x8xi32>
    %convert_element_type3A_32 = arith.extui %eq3A_31 : vector<256x8xi1> to vector<256x8xi32>
    %convert_element_type3A_33 = arith.sitofp %convert_element_type3A_32 : vector<256x8xi32> to vector<256x8xf32>
    %get3A_34 = arith.constant 0 : index
    %get3A_35 = arith.constant 0 : index
    %get3A_36 = vector.load %arg6[%get3A_34, %get3A_35] : memref<1x256xf32, #tpu.memory_space<vmem>>, vector<1x256xf32>
    %mul3A = vector.broadcast %get3A_36 : vector<1x256xf32> to vector<1000x256xf32>
    %mul3A_37 = arith.mulf %get3A_3, %mul3A : vector<1000x256xf32>
    %dot_general3A = arith.constant dense<0.000000e+00> : vector<1000x8xf32>
    %dot_general3A_38 = tpu.matmul %mul3A_37, %convert_element_type3A_33, %dot_general3A {dimension_numbers = #tpu.dot_dimension_numbers<[1], [0], [0], [1], [0, 0, 1, 1], [], []>, transpose_lhs_hint = false} : vector<1000x256xf32>, vector<256x8xf32>, vector<1000x8xf32> -> vector<1000x8xf32>
    %eq3A_39 = arith.constant 0 : i32
    %eq3A_40 = arith.cmpi eq, %arg1, %eq3A_39 : i32
    %convert_element_type3A_41 = arith.extui %eq3A_40 : i1 to i32
    %cond3A_42 = arith.constant 0 : i32
    %cond3A_43 = arith.cmpi ne, %convert_element_type3A_41, %cond3A_42 : i32
    scf.if %cond3A_43 {
      %get3A_49 = arith.constant 0 : index
      %get3A_50 = arith.constant 0 : index
      %get3A_51 = vector.load %arg7[%get3A_49, %get3A_50] : memref<1x256xf32, #tpu.memory_space<vmem>>, vector<1x256xf32>
      %mul3A_52 = vector.broadcast %get3A_51 : vector<1x256xf32> to vector<1000x256xf32>
      %mul3A_53 = arith.mulf %get3A_6, %mul3A_52 : vector<1000x256xf32>
      %dot_general3A_54 = arith.constant dense<0.000000e+00> : vector<1000x8xf32>
      %dot_general3A_55 = tpu.matmul %mul3A_53, %convert_element_type3A_33, %dot_general3A_54 {dimension_numbers = #tpu.dot_dimension_numbers<[1], [0], [0], [1], [0, 0, 1, 1], [], []>, transpose_lhs_hint = false} : vector<1000x256xf32>, vector<256x8xf32>, vector<1000x8xf32> -> vector<1000x8xf32>
      %broadcast_in_dim3A = arith.constant 0.000000e+00 : f32
      %broadcast_in_dim3A_56 = vector.broadcast %broadcast_in_dim3A : f32 to vector<1000x8xf32>
      %concatenate3A = tpu.concatenate %dot_general3A_55, %broadcast_in_dim3A_56 in 1 : vector<1000x8xf32>, vector<1000x8xf32> -> vector<1000x16xf32>
      %swap3A = arith.constant 0 : index
      %swap3A_57 = arith.constant 0 : index
      %swap3A_58 = vector.load %arg10[%swap3A, %swap3A_57] : memref<1000x16xf32, #tpu.memory_space<vmem>>, vector<1000x16xf32>
      tpu.vector_store %arg10[%swap3A, %swap3A_57], %concatenate3A {strides = array<i32>} : memref<1000x16xf32, #tpu.memory_space<vmem>>, vector<1000x16xf32>,
      %slice3A = vector.extract_strided_slice %get3A_3 {offsets = [0, 0], sizes = [1000, 128], strides = [1, 1]} : vector<1000x256xf32> to vector<1000x128xf32>
      %swap3A_59 = arith.constant 0 : index
      %swap3A_60 = arith.constant 0 : index
      %swap3A_61 = vector.load %arg8[%swap3A_59, %swap3A_60] : memref<1000x128xf32, #tpu.memory_space<vmem>>, vector<1000x128xf32>
      tpu.vector_store %arg8[%swap3A_59, %swap3A_60], %slice3A {strides = array<i32>} : memref<1000x128xf32, #tpu.memory_space<vmem>>, vector<1000x128xf32>,
      %slice3A_62 = vector.extract_strided_slice %dot_general3A_38 {offsets = [0, 0], sizes = [1000, 4], strides = [1, 1]} : vector<1000x8xf32> to vector<1000x4xf32>
      %broadcast_in_dim3A_63 = arith.constant 0.000000e+00 : f32
      %broadcast_in_dim3A_64 = vector.broadcast %broadcast_in_dim3A_63 : f32 to vector<1000x12xf32>
      %concatenate3A_65 = tpu.concatenate %slice3A_62, %broadcast_in_dim3A_64 in 1 : vector<1000x4xf32>, vector<1000x12xf32> -> vector<1000x16xf32>
      %swap3A_66 = arith.constant 0 : index
      %swap3A_67 = arith.constant 0 : index
      %swap3A_68 = vector.load %arg9[%swap3A_66, %swap3A_67] : memref<1000x16xf32, #tpu.memory_space<vmem>>, vector<1000x16xf32>
      tpu.vector_store %arg9[%swap3A_66, %swap3A_67], %concatenate3A_65 {strides = array<i32>} : memref<1000x16xf32, #tpu.memory_space<vmem>>, vector<1000x16xf32>,
    } else {
    }
    %eq3A_44 = arith.constant 1 : i32
    %eq3A_45 = arith.cmpi eq, %arg1, %eq3A_44 : i32
    %convert_element_type3A_46 = arith.extui %eq3A_45 : i1 to i32
    %cond3A_47 = arith.constant 0 : i32
    %cond3A_48 = arith.cmpi ne, %convert_element_type3A_46, %cond3A_47 : i32
    scf.if %cond3A_48 {
      %slice3A = vector.extract_strided_slice %get3A_3 {offsets = [0, 128], sizes = [1000, 128], strides = [1, 1]} : vector<1000x256xf32> to vector<1000x128xf32>
      %swap3A = arith.constant 0 : index
      %swap3A_49 = arith.constant 0 : index
      %swap3A_50 = vector.load %arg8[%swap3A, %swap3A_49] : memref<1000x128xf32, #tpu.memory_space<vmem>>, vector<1000x128xf32>
      tpu.vector_store %arg8[%swap3A, %swap3A_49], %slice3A {strides = array<i32>} : memref<1000x128xf32, #tpu.memory_space<vmem>>, vector<1000x128xf32>,
      %broadcast_in_dim3A = arith.constant 0.000000e+00 : f32
      %broadcast_in_dim3A_51 = vector.broadcast %broadcast_in_dim3A : f32 to vector<1000x4xf32>
      %slice3A_52 = vector.extract_strided_slice %dot_general3A_38 {offsets = [0, 4], sizes = [1000, 4], strides = [1, 1]} : vector<1000x8xf32> to vector<1000x4xf32>
      %broadcast_in_dim3A_53 = arith.constant 0.000000e+00 : f32
      %broadcast_in_dim3A_54 = vector.broadcast %broadcast_in_dim3A_53 : f32 to vector<1000x8xf32>
      %concatenate3A = tpu.concatenate %broadcast_in_dim3A_51, %slice3A_52, %broadcast_in_dim3A_54 in 1 : vector<1000x4xf32>, vector<1000x4xf32>, vector<1000x8xf32> -> vector<1000x16xf32>
      %swap3A_55 = arith.constant 0 : index
      %swap3A_56 = arith.constant 0 : index
      %swap3A_57 = vector.load %arg9[%swap3A_55, %swap3A_56] : memref<1000x16xf32, #tpu.memory_space<vmem>>, vector<1000x16xf32>
      tpu.vector_store %arg9[%swap3A_55, %swap3A_56], %concatenate3A {strides = array<i32>} : memref<1000x16xf32, #tpu.memory_space<vmem>>, vector<1000x16xf32>,
    } else {
    }
    return
  }
  func.func @transform_0(%arg0: i32, %arg1: i32) -> (i32, i32) {
    %add3A = arith.constant 10 : i32
    %add3A_0 = arith.addi %add3A, %arg0 : i32
    %c0_i32 = arith.constant 0 : i32
    %c0_i32_1 = arith.constant 0 : i32
    return %add3A_0, %c0_i32 : i32, i32
  }
  func.func @transform_1(%arg0: i32, %arg1: i32) -> (i32, i32) {
    %add3A = arith.constant 10 : i32
    %add3A_0 = arith.addi %add3A, %arg0 : i32
    %c0_i32 = arith.constant 0 : i32
    %c0_i32_1 = arith.constant 0 : i32
    return %add3A_0, %c0_i32 : i32, i32
  }
  func.func @transform_2(%arg0: i32, %arg1: i32) -> (i32, i32) {
    %c0_i32 = arith.constant 0 : i32
    %c0_i32_0 = arith.constant 0 : i32
    %c0_i32_1 = arith.constant 0 : i32
    return %c0_i32, %c0_i32_0 : i32, i32
  }
  func.func @transform_3(%arg0: i32, %arg1: i32) -> (i32, i32) {
    %c0_i32 = arith.constant 0 : i32
    %c0_i32_0 = arith.constant 0 : i32
    %c0_i32_1 = arith.constant 0 : i32
    return %c0_i32, %c0_i32_0 : i32, i32
  }
  func.func @transform_4(%arg0: i32, %arg1: i32) -> (i32, i32) {
    %c0_i32 = arith.constant 0 : i32
    %c0_i32_0 = arith.constant 0 : i32
    %c0_i32_1 = arith.constant 0 : i32
    return %c0_i32, %c0_i32_0 : i32, i32
  }
  func.func @transform_5(%arg0: i32, %arg1: i32) -> (i32, i32) {
    %c0_i32 = arith.constant 0 : i32
    %c0_i32_0 = arith.constant 0 : i32
    %c0_i32_1 = arith.constant 0 : i32
    return %c0_i32, %c0_i32_0 : i32, i32
  }
  func.func @transform_6(%arg0: i32, %arg1: i32) -> (i32, i32) {
    %mul3A = arith.constant 10 : i32
    %mul3A_0 = arith.muli %arg1, %mul3A : i32
    %add3A = arith.addi %mul3A_0, %arg0 : i32
    %c0_i32 = arith.constant 0 : i32
    %c0_i32_1 = arith.constant 0 : i32
    return %add3A, %c0_i32 : i32, i32
  }
  func.func @transform_7(%arg0: i32, %arg1: i32) -> (i32, i32) {
    %mul3A = arith.constant 10 : i32
    %mul3A_0 = arith.muli %arg1, %mul3A : i32
    %add3A = arith.addi %mul3A_0, %arg0 : i32
    %c0_i32 = arith.constant 0 : i32
    %c0_i32_1 = arith.constant 0 : i32
    return %add3A, %c0_i32 : i32, i32
  }
  func.func @transform_8(%arg0: i32, %arg1: i32) -> (i32, i32) {
    %c0_i32 = arith.constant 0 : i32
    %c0_i32_0 = arith.constant 0 : i32
    return %arg0, %c0_i32 : i32, i32
  }
}

module attributes {stable_mosaic.version = 14 : i64} {
  func.func @_tc_transform_body(%arg0: i32, %arg1: i32, %arg2: memref<1000x128xf32, #tpu.memory_space<vmem>>, %arg3: memref<1000x128xf32, #tpu.memory_space<vmem>>, %arg4: memref<256x256xf32, #tpu.memory_space<vmem>>, %arg5: memref<256x256xf32, #tpu.memory_space<vmem>>, %arg6: memref<1x256xf32, #tpu.memory_space<vmem>>, %arg7: memref<1x256xf32, #tpu.memory_space<vmem>>, %arg8: memref<1000x128xf32, #tpu.memory_space<vmem>>, %arg9: memref<1000x16xf32, #tpu.memory_space<vmem>>, %arg10: memref<1000x16xf32, #tpu.memory_space<vmem>>, %arg11: memref<1000x512xf32, #tpu.memory_space<vmem>>) attributes {dimension_semantics = [#tpu.dimension_semantics<arbitrary>, #tpu.dimension_semantics<arbitrary>], iteration_bounds = array<i64: 10, 2>, scalar_prefetch = 0 : i64, scratch_operands = 1 : i64, tpu.core_type = #tpu.core_type<tc>, window_params = [{transform_indices = @transform_0, window_bounds = array<i64: 1000, 128>}, {transform_indices = @transform_1, window_bounds = array<i64: 1000, 128>}, {pipeline_mode = #tpu.pipeline_mode<synchronous>, transform_indices = @transform_2, window_bounds = array<i64: 256, 256>}, {pipeline_mode = #tpu.pipeline_mode<synchronous>, transform_indices = @transform_3, window_bounds = array<i64: 256, 256>}, {pipeline_mode = #tpu.pipeline_mode<synchronous>, transform_indices = @transform_4, window_bounds = array<i64: 1, 256>}, {pipeline_mode = #tpu.pipeline_mode<synchronous>, transform_indices = @transform_5, window_bounds = array<i64: 1, 256>}, {transform_indices = @transform_6, window_bounds = array<i64: 1000, 128>}, {transform_indices = @transform_7, window_bounds = array<i64: 1000, 16>}, {transform_indices = @transform_8, window_bounds = array<i64: 1000, 16>}]} {
    %eq3A = arith.constant 0 : i32
    %eq3A_0 = arith.cmpi eq, %arg1, %eq3A : i32
    %convert_element_type3A = arith.extui %eq3A_0 : i1 to i32
    %cond3A = arith.constant 0 : i32
    %cond3A_1 = arith.cmpi ne, %convert_element_type3A, %cond3A : i32
    scf.if %cond3A_1 {
      %get3A_49 = arith.constant 0 : index
      %get3A_50 = arith.constant 0 : index
      %get3A_51 = vector.load %arg2[%get3A_49, %get3A_50] : memref<1000x128xf32, #tpu.memory_space<vmem>>, vector<1000x128xf32>
      %get3A_52 = arith.constant 0 : index
      %get3A_53 = arith.constant 0 : index
      %get3A_54 = vector.load %arg3[%get3A_52, %get3A_53] : memref<1000x128xf32, #tpu.memory_space<vmem>>, vector<1000x128xf32>
      %concatenate3A = tpu.concatenate %get3A_51, %get3A_54 in 1 : vector<1000x128xf32>, vector<1000x128xf32> -> vector<1000x256xf32>
      %get3A_55 = arith.constant 0 : index
      %get3A_56 = arith.constant 0 : index
      %get3A_57 = vector.load %arg4[%get3A_55, %get3A_56] : memref<256x256xf32, #tpu.memory_space<vmem>>, vector<256x256xf32>
      %dot_general3A_58 = arith.constant dense<0.000000e+00> : vector<1000x256xf32>
      %dot_general3A_59 = tpu.matmul %concatenate3A, %get3A_57, %dot_general3A_58 {dimension_numbers = #tpu.dot_dimension_numbers<[1], [0], [0], [1], [0, 0, 1, 1], [], []>, transpose_lhs_hint = false} : vector<1000x256xf32>, vector<256x256xf32>, vector<1000x256xf32> -> vector<1000x256xf32>
      %swap3A = arith.constant 0 : index
      %swap3A_60 = arith.constant 0 : index
      %swap3A_61 = vector.load %arg11[%swap3A, %swap3A_60] : memref<1000x512xf32, #tpu.memory_space<vmem>>, vector<1000x256xf32>
      tpu.vector_store %arg11[%swap3A, %swap3A_60], %dot_general3A_59 {strides = array<i32>} : memref<1000x512xf32, #tpu.memory_space<vmem>>, vector<1000x256xf32>,
      %get3A_62 = arith.constant 0 : index
      %get3A_63 = arith.constant 0 : index
      %get3A_64 = vector.load %arg5[%get3A_62, %get3A_63] : memref<256x256xf32, #tpu.memory_space<vmem>>, vector<256x256xf32>
      %dot_general3A_65 = arith.constant dense<0.000000e+00> : vector<1000x256xf32>
      %dot_general3A_66 = tpu.matmul %concatenate3A, %get3A_64, %dot_general3A_65 {dimension_numbers = #tpu.dot_dimension_numbers<[1], [0], [0], [1], [0, 0, 1, 1], [], []>, transpose_lhs_hint = false} : vector<1000x256xf32>, vector<256x256xf32>, vector<1000x256xf32> -> vector<1000x256xf32>
      %swap3A_67 = arith.constant 0 : index
      %swap3A_68 = arith.constant 256 : index
      %swap3A_69 = vector.load %arg11[%swap3A_67, %swap3A_68] : memref<1000x512xf32, #tpu.memory_space<vmem>>, vector<1000x256xf32>
      tpu.vector_store %arg11[%swap3A_67, %swap3A_68], %dot_general3A_66 {strides = array<i32>} : memref<1000x512xf32, #tpu.memory_space<vmem>>, vector<1000x256xf32>,
    } else {
    }
    %get3A = arith.constant 0 : index
    %get3A_2 = arith.constant 0 : index
    %get3A_3 = vector.load %arg11[%get3A, %get3A_2] : memref<1000x512xf32, #tpu.memory_space<vmem>>, vector<1000x256xf32>
    %get3A_4 = arith.constant 0 : index
    %get3A_5 = arith.constant 256 : index
    %get3A_6 = vector.load %arg11[%get3A_4, %get3A_5] : memref<1000x512xf32, #tpu.memory_space<vmem>>, vector<1000x256xf32>
    %iota3A = tpu.iota {dimensions = array<i32: 0>} : vector<256x8xi32>
    %jit3A = arith.constant 32 : i32
    %div3A = vector.broadcast %jit3A : i32 to vector<256x8xi32>
    %div3A_7 = arith.divsi %iota3A, %div3A : vector<256x8xi32>
    %sign3A = arith.constant 0 : i32
    %sign3A_8 = vector.broadcast %sign3A : i32 to vector<256x8xi32>
    %sign3A_9 = arith.cmpi sgt, %iota3A, %sign3A_8 : vector<256x8xi32>
    %sign3A_10 = arith.extui %sign3A_9 : vector<256x8xi1> to vector<256x8xi32>
    %sign3A_11 = arith.constant 0 : i32
    %sign3A_12 = vector.broadcast %sign3A_11 : i32 to vector<256x8xi32>
    %sign3A_13 = arith.cmpi slt, %iota3A, %sign3A_12 : vector<256x8xi32>
    %sign3A_14 = arith.extui %sign3A_13 : vector<256x8xi1> to vector<256x8xi32>
    %sign3A_15 = arith.subi %sign3A_10, %sign3A_14 : vector<256x8xi32>
    %sign3A_16 = arith.constant 0 : i32
    %sign3A_17 = arith.cmpi sgt, %jit3A, %sign3A_16 : i32
    %sign3A_18 = arith.extui %sign3A_17 : i1 to i32
    %sign3A_19 = arith.constant 0 : i32
    %sign3A_20 = arith.cmpi slt, %jit3A, %sign3A_19 : i32
    %sign3A_21 = arith.extui %sign3A_20 : i1 to i32
    %sign3A_22 = arith.subi %sign3A_18, %sign3A_21 : i32
    %ne3A = vector.broadcast %sign3A_22 : i32 to vector<256x8xi32>
    %ne3A_23 = arith.cmpi ne, %sign3A_15, %ne3A : vector<256x8xi32>
    %rem3A = vector.broadcast %jit3A : i32 to vector<256x8xi32>
    %rem3A_24 = arith.remsi %iota3A, %rem3A : vector<256x8xi32>
    %ne3A_25 = arith.constant 0 : i32
    %ne3A_26 = vector.broadcast %ne3A_25 : i32 to vector<256x8xi32>
    %ne3A_27 = arith.cmpi ne, %rem3A_24, %ne3A_26 : vector<256x8xi32>
    %and3A = arith.andi %ne3A_23, %ne3A_27 : vector<256x8xi1>
    %sub3A = arith.constant 1 : i32
    %sub3A_28 = vector.broadcast %sub3A : i32 to vector<256x8xi32>
    %sub3A_29 = arith.subi %div3A_7, %sub3A_28 : vector<256x8xi32>
    %select_n3A = arith.select %and3A, %sub3A_29, %div3A_7 : vector<256x8xi1>, vector<256x8xi32>
    %iota3A_30 = tpu.iota {dimensions = array<i32: 1>} : vector<256x8xi32>
    %eq3A_31 = arith.cmpi eq, %select_n3A, %iota3A_30 : vector<256x8xi32>
    %convert_element_type3A_32 = arith.extui %eq3A_31 : vector<256x8xi1> to vector<256x8xi32>
    %convert_element_type3A_33 = arith.sitofp %convert_element_type3A_32 : vector<256x8xi32> to vector<256x8xf32>
    %get3A_34 = arith.constant 0 : index
    %get3A_35 = arith.constant 0 : index
    %get3A_36 = vector.load %arg6[%get3A_34, %get3A_35] : memref<1x256xf32, #tpu.memory_space<vmem>>, vector<1x256xf32>
    %mul3A = vector.broadcast %get3A_36 : vector<1x256xf32> to vector<1000x256xf32>
    %mul3A_37 = arith.mulf %get3A_3, %mul3A : vector<1000x256xf32>
    %dot_general3A = arith.constant dense<0.000000e+00> : vector<1000x8xf32>
    %dot_general3A_38 = tpu.matmul %mul3A_37, %convert_element_type3A_33, %dot_general3A {dimension_numbers = #tpu.dot_dimension_numbers<[1], [0], [0], [1], [0, 0, 1, 1], [], []>, transpose_lhs_hint = false} : vector<1000x256xf32>, vector<256x8xf32>, vector<1000x8xf32> -> vector<1000x8xf32>
    %eq3A_39 = arith.constant 0 : i32
    %eq3A_40 = arith.cmpi eq, %arg1, %eq3A_39 : i32
    %convert_element_type3A_41 = arith.extui %eq3A_40 : i1 to i32
    %cond3A_42 = arith.constant 0 : i32
    %cond3A_43 = arith.cmpi ne, %convert_element_type3A_41, %cond3A_42 : i32
    scf.if %cond3A_43 {
      %get3A_49 = arith.constant 0 : index
      %get3A_50 = arith.constant 0 : index
      %get3A_51 = vector.load %arg7[%get3A_49, %get3A_50] : memref<1x256xf32, #tpu.memory_space<vmem>>, vector<1x256xf32>
      %mul3A_52 = vector.broadcast %get3A_51 : vector<1x256xf32> to vector<1000x256xf32>
      %mul3A_53 = arith.mulf %get3A_6, %mul3A_52 : vector<1000x256xf32>
      %dot_general3A_54 = arith.constant dense<0.000000e+00> : vector<1000x8xf32>
      %dot_general3A_55 = tpu.matmul %mul3A_53, %convert_element_type3A_33, %dot_general3A_54 {dimension_numbers = #tpu.dot_dimension_numbers<[1], [0], [0], [1], [0, 0, 1, 1], [], []>, transpose_lhs_hint = false} : vector<1000x256xf32>, vector<256x8xf32>, vector<1000x8xf32> -> vector<1000x8xf32>
      %broadcast_in_dim3A = arith.constant 0.000000e+00 : f32
      %broadcast_in_dim3A_56 = vector.broadcast %broadcast_in_dim3A : f32 to vector<1000x8xf32>
      %concatenate3A = tpu.concatenate %dot_general3A_55, %broadcast_in_dim3A_56 in 1 : vector<1000x8xf32>, vector<1000x8xf32> -> vector<1000x16xf32>
      %swap3A = arith.constant 0 : index
      %swap3A_57 = arith.constant 0 : index
      %swap3A_58 = vector.load %arg10[%swap3A, %swap3A_57] : memref<1000x16xf32, #tpu.memory_space<vmem>>, vector<1000x16xf32>
      tpu.vector_store %arg10[%swap3A, %swap3A_57], %concatenate3A {strides = array<i32>} : memref<1000x16xf32, #tpu.memory_space<vmem>>, vector<1000x16xf32>,
      %slice3A = vector.extract_strided_slice %get3A_3 {offsets = [0, 0], sizes = [1000, 128], strides = [1, 1]} : vector<1000x256xf32> to vector<1000x128xf32>
      %swap3A_59 = arith.constant 0 : index
      %swap3A_60 = arith.constant 0 : index
      %swap3A_61 = vector.load %arg8[%swap3A_59, %swap3A_60] : memref<1000x128xf32, #tpu.memory_space<vmem>>, vector<1000x128xf32>
      tpu.vector_store %arg8[%swap3A_59, %swap3A_60], %slice3A {strides = array<i32>} : memref<1000x128xf32, #tpu.memory_space<vmem>>, vector<1000x128xf32>,
      %slice3A_62 = vector.extract_strided_slice %dot_general3A_38 {offsets = [0, 0], sizes = [1000, 4], strides = [1, 1]} : vector<1000x8xf32> to vector<1000x4xf32>
      %broadcast_in_dim3A_63 = arith.constant 0.000000e+00 : f32
      %broadcast_in_dim3A_64 = vector.broadcast %broadcast_in_dim3A_63 : f32 to vector<1000x12xf32>
      %concatenate3A_65 = tpu.concatenate %slice3A_62, %broadcast_in_dim3A_64 in 1 : vector<1000x4xf32>, vector<1000x12xf32> -> vector<1000x16xf32>
      %swap3A_66 = arith.constant 0 : index
      %swap3A_67 = arith.constant 0 : index
      %swap3A_68 = vector.load %arg9[%swap3A_66, %swap3A_67] : memref<1000x16xf32, #tpu.memory_space<vmem>>, vector<1000x16xf32>
      tpu.vector_store %arg9[%swap3A_66, %swap3A_67], %concatenate3A_65 {strides = array<i32>} : memref<1000x16xf32, #tpu.memory_space<vmem>>, vector<1000x16xf32>,
    } else {
    }
    %eq3A_44 = arith.constant 1 : i32
    %eq3A_45 = arith.cmpi eq, %arg1, %eq3A_44 : i32
    %convert_element_type3A_46 = arith.extui %eq3A_45 : i1 to i32
    %cond3A_47 = arith.constant 0 : i32
    %cond3A_48 = arith.cmpi ne, %convert_element_type3A_46, %cond3A_47 : i32
    scf.if %cond3A_48 {
      %slice3A = vector.extract_strided_slice %get3A_3 {offsets = [0, 128], sizes = [1000, 128], strides = [1, 1]} : vector<1000x256xf32> to vector<1000x128xf32>
      %swap3A = arith.constant 0 : index
      %swap3A_49 = arith.constant 0 : index
      %swap3A_50 = vector.load %arg8[%swap3A, %swap3A_49] : memref<1000x128xf32, #tpu.memory_space<vmem>>, vector<1000x128xf32>
      tpu.vector_store %arg8[%swap3A, %swap3A_49], %slice3A {strides = array<i32>} : memref<1000x128xf32, #tpu.memory_space<vmem>>, vector<1000x128xf32>,
      %broadcast_in_dim3A = arith.constant 0.000000e+00 : f32
      %broadcast_in_dim3A_51 = vector.broadcast %broadcast_in_dim3A : f32 to vector<1000x4xf32>
      %slice3A_52 = vector.extract_strided_slice %dot_general3A_38 {offsets = [0, 4], sizes = [1000, 4], strides = [1, 1]} : vector<1000x8xf32> to vector<1000x4xf32>
      %broadcast_in_dim3A_53 = arith.constant 0.000000e+00 : f32
      %broadcast_in_dim3A_54 = vector.broadcast %broadcast_in_dim3A_53 : f32 to vector<1000x8xf32>
      %concatenate3A = tpu.concatenate %broadcast_in_dim3A_51, %slice3A_52, %broadcast_in_dim3A_54 in 1 : vector<1000x4xf32>, vector<1000x4xf32>, vector<1000x8xf32> -> vector<1000x16xf32>
      %swap3A_55 = arith.constant 0 : index
      %swap3A_56 = arith.constant 0 : index
      %swap3A_57 = vector.load %arg9[%swap3A_55, %swap3A_56] : memref<1000x16xf32, #tpu.memory_space<vmem>>, vector<1000x16xf32>
      tpu.vector_store %arg9[%swap3A_55, %swap3A_56], %concatenate3A {strides = array<i32>} : memref<1000x16xf32, #tpu.memory_space<vmem>>, vector<1000x16xf32>,
    } else {
    }
    return
  }
  func.func @transform_0(%arg0: i32, %arg1: i32) -> (i32, i32) {
    %add3A = arith.constant 0 : i32
    %add3A_0 = arith.addi %add3A, %arg0 : i32
    %c0_i32 = arith.constant 0 : i32
    %c0_i32_1 = arith.constant 0 : i32
    return %add3A_0, %c0_i32 : i32, i32
  }
  func.func @transform_1(%arg0: i32, %arg1: i32) -> (i32, i32) {
    %add3A = arith.constant 0 : i32
    %add3A_0 = arith.addi %add3A, %arg0 : i32
    %c0_i32 = arith.constant 0 : i32
    %c0_i32_1 = arith.constant 0 : i32
    return %add3A_0, %c0_i32 : i32, i32
  }
  func.func @transform_2(%arg0: i32, %arg1: i32) -> (i32, i32) {
    %c0_i32 = arith.constant 0 : i32
    %c0_i32_0 = arith.constant 0 : i32
    %c0_i32_1 = arith.constant 0 : i32
    return %c0_i32, %c0_i32_0 : i32, i32
  }
  func.func @transform_3(%arg0: i32, %arg1: i32) -> (i32, i32) {
    %c0_i32 = arith.constant 0 : i32
    %c0_i32_0 = arith.constant 0 : i32
    %c0_i32_1 = arith.constant 0 : i32
    return %c0_i32, %c0_i32_0 : i32, i32
  }
  func.func @transform_4(%arg0: i32, %arg1: i32) -> (i32, i32) {
    %c0_i32 = arith.constant 0 : i32
    %c0_i32_0 = arith.constant 0 : i32
    %c0_i32_1 = arith.constant 0 : i32
    return %c0_i32, %c0_i32_0 : i32, i32
  }
  func.func @transform_5(%arg0: i32, %arg1: i32) -> (i32, i32) {
    %c0_i32 = arith.constant 0 : i32
    %c0_i32_0 = arith.constant 0 : i32
    %c0_i32_1 = arith.constant 0 : i32
    return %c0_i32, %c0_i32_0 : i32, i32
  }
  func.func @transform_6(%arg0: i32, %arg1: i32) -> (i32, i32) {
    %mul3A = arith.constant 10 : i32
    %mul3A_0 = arith.muli %arg1, %mul3A : i32
    %add3A = arith.addi %mul3A_0, %arg0 : i32
    %c0_i32 = arith.constant 0 : i32
    %c0_i32_1 = arith.constant 0 : i32
    return %add3A, %c0_i32 : i32, i32
  }
  func.func @transform_7(%arg0: i32, %arg1: i32) -> (i32, i32) {
    %mul3A = arith.constant 10 : i32
    %mul3A_0 = arith.muli %arg1, %mul3A : i32
    %add3A = arith.addi %mul3A_0, %arg0 : i32
    %c0_i32 = arith.constant 0 : i32
    %c0_i32_1 = arith.constant 0 : i32
    return %add3A, %c0_i32 : i32, i32
  }
  func.func @transform_8(%arg0: i32, %arg1: i32) -> (i32, i32) {
    %c0_i32 = arith.constant 0 : i32
    %c0_i32_0 = arith.constant 0 : i32
    return %arg0, %c0_i32 : i32, i32
  }
}

module attributes {stable_mosaic.version = 14 : i64} {
  func.func @_tc_final_body(%arg0: i32, %arg1: i32, %arg2: memref<1000x128xf32, #tpu.memory_space<vmem>>, %arg3: memref<1000x128xf32, #tpu.memory_space<vmem>>, %arg4: memref<1000x16xf32, #tpu.memory_space<vmem>>, %arg5: memref<1000x16xf32, #tpu.memory_space<vmem>>, %arg6: memref<1000x128xf32, #tpu.memory_space<vmem>>, %arg7: memref<1000x128xf32, #tpu.memory_space<vmem>>, %arg8: memref<1000x16xf32, #tpu.memory_space<vmem>>, %arg9: memref<1000x16xf32, #tpu.memory_space<vmem>>, %arg10: memref<1x256xf32, #tpu.memory_space<vmem>>, %arg11: memref<1x256xf32, #tpu.memory_space<vmem>>, %arg12: memref<1000x512xf32, #tpu.memory_space<vmem>>, %arg13: memref<8x256xf32, #tpu.memory_space<vmem>>) attributes {dimension_semantics = [#tpu.dimension_semantics<arbitrary>, #tpu.dimension_semantics<arbitrary>], iteration_bounds = array<i64: 2, 10>, scalar_prefetch = 0 : i64, scratch_operands = 1 : i64, tpu.core_type = #tpu.core_type<tc>, window_params = [{transform_indices = @transform_0, window_bounds = array<i64: 1000, 128>}, {transform_indices = @transform_1, window_bounds = array<i64: 1000, 128>}, {transform_indices = @transform_2, window_bounds = array<i64: 1000, 16>}, {transform_indices = @transform_3, window_bounds = array<i64: 1000, 16>}, {transform_indices = @transform_4, window_bounds = array<i64: 1000, 128>}, {transform_indices = @transform_5, window_bounds = array<i64: 1000, 128>}, {transform_indices = @transform_6, window_bounds = array<i64: 1000, 16>}, {transform_indices = @transform_7, window_bounds = array<i64: 1000, 16>}, {pipeline_mode = #tpu.pipeline_mode<synchronous>, transform_indices = @transform_8, window_bounds = array<i64: 1, 256>}, {pipeline_mode = #tpu.pipeline_mode<synchronous>, transform_indices = @transform_9, window_bounds = array<i64: 1, 256>}, {transform_indices = @transform_10, window_bounds = array<i64: 1000, 512>}]} {
    %iota3A = tpu.iota {dimensions = array<i32: 0>} : vector<8x256xi32>
    %iota3A_0 = tpu.iota {dimensions = array<i32: 1>} : vector<8x256xi32>
    %jit3A = arith.constant 32 : i32
    %div3A = vector.broadcast %jit3A : i32 to vector<8x256xi32>
    %div3A_1 = arith.divsi %iota3A_0, %div3A : vector<8x256xi32>
    %sign3A = arith.constant 0 : i32
    %sign3A_2 = vector.broadcast %sign3A : i32 to vector<8x256xi32>
    %sign3A_3 = arith.cmpi sgt, %iota3A_0, %sign3A_2 : vector<8x256xi32>
    %sign3A_4 = arith.extui %sign3A_3 : vector<8x256xi1> to vector<8x256xi32>
    %sign3A_5 = arith.constant 0 : i32
    %sign3A_6 = vector.broadcast %sign3A_5 : i32 to vector<8x256xi32>
    %sign3A_7 = arith.cmpi slt, %iota3A_0, %sign3A_6 : vector<8x256xi32>
    %sign3A_8 = arith.extui %sign3A_7 : vector<8x256xi1> to vector<8x256xi32>
    %sign3A_9 = arith.subi %sign3A_4, %sign3A_8 : vector<8x256xi32>
    %sign3A_10 = arith.constant 0 : i32
    %sign3A_11 = arith.cmpi sgt, %jit3A, %sign3A_10 : i32
    %sign3A_12 = arith.extui %sign3A_11 : i1 to i32
    %sign3A_13 = arith.constant 0 : i32
    %sign3A_14 = arith.cmpi slt, %jit3A, %sign3A_13 : i32
    %sign3A_15 = arith.extui %sign3A_14 : i1 to i32
    %sign3A_16 = arith.subi %sign3A_12, %sign3A_15 : i32
    %ne3A = vector.broadcast %sign3A_16 : i32 to vector<8x256xi32>
    %ne3A_17 = arith.cmpi ne, %sign3A_9, %ne3A : vector<8x256xi32>
    %rem3A = vector.broadcast %jit3A : i32 to vector<8x256xi32>
    %rem3A_18 = arith.remsi %iota3A_0, %rem3A : vector<8x256xi32>
    %ne3A_19 = arith.constant 0 : i32
    %ne3A_20 = vector.broadcast %ne3A_19 : i32 to vector<8x256xi32>
    %ne3A_21 = arith.cmpi ne, %rem3A_18, %ne3A_20 : vector<8x256xi32>
    %and3A = arith.andi %ne3A_17, %ne3A_21 : vector<8x256xi1>
    %sub3A = arith.constant 1 : i32
    %sub3A_22 = vector.broadcast %sub3A : i32 to vector<8x256xi32>
    %sub3A_23 = arith.subi %div3A_1, %sub3A_22 : vector<8x256xi32>
    %select_n3A = arith.select %and3A, %sub3A_23, %div3A_1 : vector<8x256xi1>, vector<8x256xi32>
    %eq3A = arith.cmpi eq, %iota3A, %select_n3A : vector<8x256xi32>
    %convert_element_type3A = arith.extui %eq3A : vector<8x256xi1> to vector<8x256xi32>
    %convert_element_type3A_24 = arith.sitofp %convert_element_type3A : vector<8x256xi32> to vector<8x256xf32>
    %eq3A_25 = arith.constant 0 : i32
    %eq3A_26 = arith.cmpi eq, %arg0, %eq3A_25 : i32
    %convert_element_type3A_27 = arith.extui %eq3A_26 : i1 to i32
    %cond3A = arith.constant 0 : i32
    %cond3A_28 = arith.cmpi ne, %convert_element_type3A_27, %cond3A : i32
    scf.if %cond3A_28 {
      %get3A = arith.constant 0 : index
      %get3A_34 = arith.constant 0 : index
      %get3A_35 = vector.load %arg4[%get3A, %get3A_34] : memref<1000x16xf32, #tpu.memory_space<vmem>>, vector<1000x4xf32>
      %get3A_36 = arith.constant 0 : index
      %get3A_37 = arith.constant 4 : index
      %get3A_38 = vector.load %arg5[%get3A_36, %get3A_37] : memref<1000x16xf32, #tpu.memory_space<vmem>>, vector<1000x4xf32>
      %concatenate3A = tpu.concatenate %get3A_35, %get3A_38 in 1 : vector<1000x4xf32>, vector<1000x4xf32> -> vector<1000x8xf32>
      %dot_general3A = arith.constant dense<0.000000e+00> : vector<1000x256xf32>
      %dot_general3A_39 = tpu.matmul %concatenate3A, %convert_element_type3A_24, %dot_general3A {dimension_numbers = #tpu.dot_dimension_numbers<[1], [0], [0], [1], [0, 0, 1, 1], [], []>, transpose_lhs_hint = false} : vector<1000x8xf32>, vector<8x256xf32>, vector<1000x256xf32> -> vector<1000x256xf32>
      %get3A_40 = arith.constant 0 : index
      %get3A_41 = arith.constant 0 : index
      %get3A_42 = vector.load %arg2[%get3A_40, %get3A_41] : memref<1000x128xf32, #tpu.memory_space<vmem>>, vector<1000x128xf32>
      %get3A_43 = arith.constant 0 : index
      %get3A_44 = arith.constant 0 : index
      %get3A_45 = vector.load %arg3[%get3A_43, %get3A_44] : memref<1000x128xf32, #tpu.memory_space<vmem>>, vector<1000x128xf32>
      %concatenate3A_46 = tpu.concatenate %get3A_42, %get3A_45 in 1 : vector<1000x128xf32>, vector<1000x128xf32> -> vector<1000x256xf32>
      %max3A = arith.constant 9.99999971E-10 : f32
      %max3A_47 = vector.broadcast %max3A : f32 to vector<1000x256xf32>
      %max3A_48 = arith.maximumf %dot_general3A_39, %max3A_47 : vector<1000x256xf32>
      %div3A_49 = arith.divf %concatenate3A_46, %max3A_48 : vector<1000x256xf32>
      %reduce_sum3A = arith.constant dense<0.000000e+00> : vector<256xf32>
      %reduce_sum3A_50 = vector.multi_reduction <add>, %div3A_49, %reduce_sum3A [0] : vector<1000x256xf32> to vector<256xf32>
      %broadcast_in_dim3A = vector.shape_cast %reduce_sum3A_50 : vector<256xf32> to vector<1x256xf32>
      %eq3A_51 = arith.constant 0 : i32
      %eq3A_52 = arith.cmpi eq, %arg1, %eq3A_51 : i32
      %convert_element_type3A_53 = arith.extui %eq3A_52 : i1 to i32
      %cond3A_54 = arith.constant 0 : i32
      %cond3A_55 = arith.cmpi ne, %convert_element_type3A_53, %cond3A_54 : i32
      scf.if %cond3A_55 {
        %swap3A = arith.constant 0 : index
        %swap3A_61 = arith.constant 0 : index
        %swap3A_62 = vector.load %arg13[%swap3A, %swap3A_61] : memref<8x256xf32, #tpu.memory_space<vmem>>, vector<1x256xf32>
        tpu.vector_store %arg13[%swap3A, %swap3A_61], %broadcast_in_dim3A {strides = array<i32>} : memref<8x256xf32, #tpu.memory_space<vmem>>, vector<1x256xf32>,
      } else {
      }
      %ne3A_56 = arith.constant 0 : i32
      %ne3A_57 = arith.cmpi ne, %arg1, %ne3A_56 : i32
      %convert_element_type3A_58 = arith.extui %ne3A_57 : i1 to i32
      %cond3A_59 = arith.constant 0 : i32
      %cond3A_60 = arith.cmpi ne, %convert_element_type3A_58, %cond3A_59 : i32
      scf.if %cond3A_60 {
        %get3A_61 = arith.constant 0 : index
        %get3A_62 = arith.constant 0 : index
        %get3A_63 = vector.load %arg13[%get3A_61, %get3A_62] : memref<8x256xf32, #tpu.memory_space<vmem>>, vector<1x256xf32>
        %add3A = arith.addf %get3A_63, %broadcast_in_dim3A : vector<1x256xf32>
        %swap3A = arith.constant 0 : index
        %swap3A_64 = arith.constant 0 : index
        %swap3A_65 = vector.load %arg13[%swap3A, %swap3A_64] : memref<8x256xf32, #tpu.memory_space<vmem>>, vector<1x256xf32>
        tpu.vector_store %arg13[%swap3A, %swap3A_64], %add3A {strides = array<i32>} : memref<8x256xf32, #tpu.memory_space<vmem>>, vector<1x256xf32>,
      } else {
      }
    } else {
    }
    %eq3A_29 = arith.constant 1 : i32
    %eq3A_30 = arith.cmpi eq, %arg0, %eq3A_29 : i32
    %convert_element_type3A_31 = arith.extui %eq3A_30 : i1 to i32
    %cond3A_32 = arith.constant 0 : i32
    %cond3A_33 = arith.cmpi ne, %convert_element_type3A_31, %cond3A_32 : i32
    scf.if %cond3A_33 {
      %get3A = arith.constant 0 : index
      %get3A_34 = arith.constant 0 : index
      %get3A_35 = vector.load %arg8[%get3A, %get3A_34] : memref<1000x16xf32, #tpu.memory_space<vmem>>, vector<1000x4xf32>
      %get3A_36 = arith.constant 0 : index
      %get3A_37 = arith.constant 4 : index
      %get3A_38 = vector.load %arg9[%get3A_36, %get3A_37] : memref<1000x16xf32, #tpu.memory_space<vmem>>, vector<1000x4xf32>
      %concatenate3A = tpu.concatenate %get3A_35, %get3A_38 in 1 : vector<1000x4xf32>, vector<1000x4xf32> -> vector<1000x8xf32>
      %dot_general3A = arith.constant dense<0.000000e+00> : vector<1000x256xf32>
      %dot_general3A_39 = tpu.matmul %concatenate3A, %convert_element_type3A_24, %dot_general3A {dimension_numbers = #tpu.dot_dimension_numbers<[1], [0], [0], [1], [0, 0, 1, 1], [], []>, transpose_lhs_hint = false} : vector<1000x8xf32>, vector<8x256xf32>, vector<1000x256xf32> -> vector<1000x256xf32>
      %get3A_40 = arith.constant 0 : index
      %get3A_41 = arith.constant 0 : index
      %get3A_42 = vector.load %arg6[%get3A_40, %get3A_41] : memref<1000x128xf32, #tpu.memory_space<vmem>>, vector<1000x128xf32>
      %get3A_43 = arith.constant 0 : index
      %get3A_44 = arith.constant 0 : index
      %get3A_45 = vector.load %arg7[%get3A_43, %get3A_44] : memref<1000x128xf32, #tpu.memory_space<vmem>>, vector<1000x128xf32>
      %concatenate3A_46 = tpu.concatenate %get3A_42, %get3A_45 in 1 : vector<1000x128xf32>, vector<1000x128xf32> -> vector<1000x256xf32>
      %max3A = arith.constant 9.99999971E-10 : f32
      %max3A_47 = vector.broadcast %max3A : f32 to vector<1000x256xf32>
      %max3A_48 = arith.maximumf %dot_general3A_39, %max3A_47 : vector<1000x256xf32>
      %div3A_49 = arith.divf %concatenate3A_46, %max3A_48 : vector<1000x256xf32>
      %get3A_50 = arith.constant 0 : index
      %get3A_51 = arith.constant 0 : index
      %get3A_52 = vector.load %arg11[%get3A_50, %get3A_51] : memref<1x256xf32, #tpu.memory_space<vmem>>, vector<1x256xf32>
      %add3A = vector.broadcast %get3A_52 : vector<1x256xf32> to vector<1000x256xf32>
      %add3A_53 = arith.addf %div3A_49, %add3A : vector<1000x256xf32>
      %get3A_54 = arith.constant 0 : index
      %get3A_55 = arith.constant 0 : index
      %get3A_56 = vector.load %arg13[%get3A_54, %get3A_55] : memref<8x256xf32, #tpu.memory_space<vmem>>, vector<1x256xf32>
      %mul3A = arith.constant 9.99999974E-5 : f32
      %mul3A_57 = vector.broadcast %mul3A : f32 to vector<1x256xf32>
      %mul3A_58 = arith.mulf %get3A_56, %mul3A_57 : vector<1x256xf32>
      %get3A_59 = arith.constant 0 : index
      %get3A_60 = arith.constant 0 : index
      %get3A_61 = vector.load %arg10[%get3A_59, %get3A_60] : memref<1x256xf32, #tpu.memory_space<vmem>>, vector<1x256xf32>
      %add3A_62 = arith.addf %mul3A_58, %get3A_61 : vector<1x256xf32>
      %broadcast_in_dim3A = vector.shape_cast %add3A_62 : vector<1x256xf32> to vector<1x256xf32>
      %broadcast_in_dim3A_63 = vector.broadcast %broadcast_in_dim3A : vector<1x256xf32> to vector<1000x256xf32>
      %concatenate3A_64 = tpu.concatenate %add3A_53, %broadcast_in_dim3A_63 in 1 : vector<1000x256xf32>, vector<1000x256xf32> -> vector<1000x512xf32>
      %swap3A = arith.constant 0 : index
      %swap3A_65 = arith.constant 0 : index
      %swap3A_66 = vector.load %arg12[%swap3A, %swap3A_65] : memref<1000x512xf32, #tpu.memory_space<vmem>>, vector<1000x512xf32>
      tpu.vector_store %arg12[%swap3A, %swap3A_65], %concatenate3A_64 {strides = array<i32>} : memref<1000x512xf32, #tpu.memory_space<vmem>>, vector<1000x512xf32>,
    } else {
    }
    return
  }
  func.func @transform_0(%arg0: i32, %arg1: i32) -> (i32, i32) {
    %c0_i32 = arith.constant 0 : i32
    %c0_i32_0 = arith.constant 0 : i32
    return %arg1, %c0_i32 : i32, i32
  }
  func.func @transform_1(%arg0: i32, %arg1: i32) -> (i32, i32) {
    %add3A = arith.constant 10 : i32
    %add3A_0 = arith.addi %arg1, %add3A : i32
    %c0_i32 = arith.constant 0 : i32
    %c0_i32_1 = arith.constant 0 : i32
    return %add3A_0, %c0_i32 : i32, i32
  }
  func.func @transform_2(%arg0: i32, %arg1: i32) -> (i32, i32) {
    %c0_i32 = arith.constant 0 : i32
    %c0_i32_0 = arith.constant 0 : i32
    return %arg1, %c0_i32 : i32, i32
  }
  func.func @transform_3(%arg0: i32, %arg1: i32) -> (i32, i32) {
    %add3A = arith.constant 10 : i32
    %add3A_0 = arith.addi %arg1, %add3A : i32
    %c0_i32 = arith.constant 0 : i32
    %c0_i32_1 = arith.constant 0 : i32
    return %add3A_0, %c0_i32 : i32, i32
  }
  func.func @transform_4(%arg0: i32, %arg1: i32) -> (i32, i32) {
    %c0_i32 = arith.constant 0 : i32
    %c0_i32_0 = arith.constant 0 : i32
    return %arg1, %c0_i32 : i32, i32
  }
  func.func @transform_5(%arg0: i32, %arg1: i32) -> (i32, i32) {
    %add3A = arith.constant 10 : i32
    %add3A_0 = arith.addi %arg1, %add3A : i32
    %c0_i32 = arith.constant 0 : i32
    %c0_i32_1 = arith.constant 0 : i32
    return %add3A_0, %c0_i32 : i32, i32
  }
  func.func @transform_6(%arg0: i32, %arg1: i32) -> (i32, i32) {
    %c0_i32 = arith.constant 0 : i32
    %c0_i32_0 = arith.constant 0 : i32
    return %arg1, %c0_i32 : i32, i32
  }
  func.func @transform_7(%arg0: i32, %arg1: i32) -> (i32, i32) {
    %add3A = arith.constant 10 : i32
    %add3A_0 = arith.addi %arg1, %add3A : i32
    %c0_i32 = arith.constant 0 : i32
    %c0_i32_1 = arith.constant 0 : i32
    return %add3A_0, %c0_i32 : i32, i32
  }
  func.func @transform_8(%arg0: i32, %arg1: i32) -> (i32, i32) {
    %c0_i32 = arith.constant 0 : i32
    %c0_i32_0 = arith.constant 0 : i32
    %c0_i32_1 = arith.constant 0 : i32
    return %c0_i32, %c0_i32_0 : i32, i32
  }
  func.func @transform_9(%arg0: i32, %arg1: i32) -> (i32, i32) {
    %c0_i32 = arith.constant 0 : i32
    %c0_i32_0 = arith.constant 0 : i32
    %c0_i32_1 = arith.constant 0 : i32
    return %c0_i32, %c0_i32_0 : i32, i32
  }
  func.func @transform_10(%arg0: i32, %arg1: i32) -> (i32, i32) {
    %c0_i32 = arith.constant 0 : i32
    %c0_i32_0 = arith.constant 0 : i32
    return %arg1, %c0_i32 : i32, i32
  }
}

</mosaic_0001>

<sc_bundles>
// kernel: kernel.10.cloned.1.call-start
scs
__scs_entry_jumppad:
0x0: {  	(pc) =	sbr.rel $0x88, $3  }
0x1: {  	(tag) =	ssettag $0x0;
	lr =	simm.s32 $0x1  }
0x2: {  	[smem:$0x3F93] =	sst lr;
	_ =	strace $0xD0000000  }
0x3: {  	_ = 	snop  }
0x4: {  	_ = 	snop  }
0x5: {  	_ = 	snop  }
0x6: {  	_ = 	snop  }
0x7: {  	_ = 	snop  }
__scs_overlays_trampoline_lowered:
0x8: {  	[smem:$0x3FA2] =	sst s0  }
0x9: {  	[smem:$0x3FA3] =	sst s1  }
0xa: {  	[smem:$0x3FA4] =	sst s2  }
0xb: {  	[smem:$0x3FA5] =	sst s3  }
0xc: {  	[smem:$0x3FA6] =	sst s4  }
0xd: {  	[smem:$0x3FA7] =	sst s5  }
0xe: {  	[smem:$0x3FA8] =	sst s6  }
0xf: {  	[smem:$0x3FA9] =	sst s7  }
0x10: {  	[smem:$0x3FAA] =	sst s8  }
0x11: {  	[smem:$0x3FAB] =	sst s9;
	s0 =	simm.s32 @!p0 $0x0  }
0x12: {  	s1 =	sld [smem:$0x3F91];
	s0 =	simm.s32 @p0 $0x1  }
0x13: {  	[smem:$0x3FAC] =	sst s0;
	s0 =	simm.s32 @!p1 $0x0  }
0x14: {  	s2 =	sld [smem:$0x3F90];
	s0 =	simm.s32 @p1 $0x1  }
0x15: {  	[smem:$0x3FAD] =	sst s0;
	s0 =	simm.s32 @!p2 $0x0  }
0x16: {  	s3 =	sld [smem:$0x3FDB];
	s0 =	simm.s32 @p2 $0x1  }
0x17: {  	s4 =	simm.s32 $0x1BF5;
	[smem:$0x3FAF] =	sst s0  }
0x18: {  	s0 =	sld [smem:$0x3F92];
	_ =	swait.ge [sflag:s4], $0x0  }
0x19: {  	s7 =	sld [smem:$0x3F93]  }
0x1a: {  	s8 =	sadd.s32 $0xFFFFE003, lr  }
0x1b: {  	s9 =	sadd.s32 $0xFFFFFEF7, lr;
	s5 =	simm.s32 $0xFFFFFFFF;
	p2 =	slt.u32 s8, $0xFFFFF086  }
0x1c: {  	p1 =	slt.u32 s9, $0xF7A;
	s5 =	simm.s32 @!p2 $0x0  }
0x1d: {  	s5 =	simm.s32 @p1 $0x1;
	p0 =	seq.s32 s7, s2  }
0x1e: {  	s7 =	smul.u32 @!p0 $0xF7A, s2;
	p2 =	seq.s32 @!p0 s5, $0x0  }
0x1f: {  	s9 =	smul.u32 $0xF7A, s1;
	s8 =	simm.s32 @!p0 $0x1BF5;
	p2 =	por !p2, p0  }
0x20: {  	[sflag:s8] =	ssyncset.s32 @!p0 $0xFFFFF086;
	s6 =	sadd.s32 @!p0 s3, s7;
	s7 =	simm.s32 @!p0 $0x108  }
0x21: {  	s3 =	sadd.s32 s3, s9;
	s6 =	sadd.s32 @!p0 $0x88, s6;
	s7 =	simm.s32 @p2 $0x1082  }
0x22: {  	[simem:s7], [sflag:s8] =	dma.local @!p0 [hbm:s6], $0xF7A  }
0x23: {  	s9 =	sor.u32 $0xD0000000, s2;
	s6 =	simm.s32 $0x108;
	_ =	swait.ge @!p0 [sflag:s8], $0x0  }
0x24: {  	s3 =	sadd.s32 $0x88, s3;
	s6 =	simm.s32 @!p1 $0x1082;
	[sflag:s4] =	ssyncset.s32 $0xFFFFF086  }
0x25: {  	[simem:s6], [sflag:s4] =	dma.local [hbm:s3], $0xF7A  }
0x26: {  	[smem:$0x3F93] =	sst s1;
	(tag) =	ssettag s2;
	_ =	strace s9  }
0x27: {  	s1 =	sld [smem:$0x3FA3]  }
0x28: {  	s2 =	sld [smem:$0x3FA4]  }
0x29: {  	s4 =	sld [smem:$0x3FA6]  }
0x2a: {  	p0 =	seq.s32 s5, $0x0;
	s5 =	sld [smem:$0x3FA7]  }
0x2b: {  	s6 =	sld [smem:$0x3FA8]  }
0x2c: {  	s7 =	sld [smem:$0x3FA9]  }
0x2d: {  	s3 =	simm.s32 $0x108;
	s8 =	sld [smem:$0x3FAA]  }
0x2e: {  	s3 =	simm.s32 @!p0 $0x1082;
	s9 =	sld [smem:$0x3FAB]  }
0x2f: {  	lr =	sadd.s32 s0, s3;
	s0 =	sld [smem:$0x3FA2]  }
0x30: {  	s3 =	sld [smem:$0x3FA5]  }
0x31: {  	[smem:$0x3FAE] =	sst s10  }
0x32: {  	s10 =	sld [smem:$0x3FAC];
	_ =	sdelay $0x3  }
0x33: {  	p0 =	seq.s32 s10, $0x1;
	s10 =	sld [smem:$0x3FAE];
	_ =	sdelay $0x3  }
0x34: {  	[smem:$0x3FAE] =	sst s10  }
0x35: {  	s10 =	sld [smem:$0x3FAD];
	_ =	sdelay $0x3  }
0x36: {  	p1 =	seq.s32 s10, $0x1;
	s10 =	sld [smem:$0x3FAE];
	_ =	sdelay $0x3  }
0x37: {  	[smem:$0x3FAE] =	sst s10  }
0x38: {  	s10 =	sld [smem:$0x3FAF]  }
0x39: {  	_ = 	snop;
	(pc) =	sbr.ind lr, $3  }
0x3a: {  	_ = 	snop  }
0x3b: {  	_ = 	snop  }
0x3c: {  	p2 =	seq.s32 s10, $0x1;
	s10 =	sld [smem:$0x3FAE]  }
0x3d: {  	_ =	shalt  }
0x3e: {  	_ =	shalt  }
0x3f: {  	_ =	shalt  }
0x40: {  	_ =	shalt  }
0x41: {  	_ =	shalt  }
0x42: {  	_ =	shalt  }
0x43: {  	_ =	shalt  }
0x44: {  	_ =	shalt  }
0x45: {  	_ =	shalt  }
0x46: {  	_ =	shalt  }
0x47: {  	_ =	shalt  }
0x48: {  	_ =	shalt  }
0x49: {  	_ =	shalt  }
0x4a: {  	_ =	shalt  }
0x4b: {  	_ =	shalt  }
0x4c: {  	_ =	shalt  }
0x4d: {  	_ =	shalt  }
0x4e: {  	_ =	shalt  }
0x4f: {  	_ =	shalt  }
0x50: {  	_ =	shalt  }
0x51: {  	_ =	shalt  }
0x52: {  	_ =	shalt  }
0x53: {  	_ =	shalt  }
0x54: {  	_ =	shalt  }
0x55: {  	_ =	shalt  }
0x56: {  	_ =	shalt  }
0x57: {  	_ =	shalt  }
0x58: {  	_ =	shalt  }
0x59: {  	_ =	shalt  }
0x5a: {  	_ =	shalt  }
0x5b: {  	_ =	shalt  }
0x5c: {  	_ =	shalt  }
0x5d: {  	_ =	shalt  }
0x5e: {  	_ =	shalt  }
0x5f: {  	_ =	shalt  }
0x60: {  	_ =	shalt  }
0x61: {  	_ =	shalt  }
0x62: {  	_ =	shalt  }
0x63: {  	_ =	shalt  }
0x64: {  	_ =	shalt  }
0x65: {  	_ =	shalt  }
0x66: {  	_ =	shalt  }
0x67: {  	_ =	shalt  }
0x68: {  	_ =	shalt  }
0x69: {  	_ =	shalt  }
0x6a: {  	_ =	shalt  }
0x6b: {  	_ =	shalt  }
0x6c: {  	_ =	shalt  }
0x6d: {  	_ =	shalt  }
0x6e: {  	_ =	shalt  }
0x6f: {  	_ =	shalt  }
0x70: {  	_ =	shalt  }
0x71: {  	_ =	shalt  }
0x72: {  	_ =	shalt  }
0x73: {  	_ =	shalt  }
0x74: {  	_ =	shalt  }
0x75: {  	_ =	shalt  }
0x76: {  	_ =	shalt  }
0x77: {  	_ =	shalt  }
0x78: {  	_ =	shalt  }
0x79: {  	_ =	shalt  }
0x7a: {  	_ =	shalt  }
0x7b: {  	_ =	shalt  }
0x7c: {  	_ =	shalt  }
0x7d: {  	_ =	shalt  }
0x7e: {  	_ =	shalt  }
0x7f: {  	_ =	shalt  }
0x80: {  	_ =	shalt  }
0x81: {  	_ =	shalt  }
0x82: {  	_ =	shalt  }
0x83: {  	_ =	shalt  }
0x84: {  	_ =	shalt  }
0x85: {  	_ =	shalt  }
0x86: {  	_ =	shalt  }
0x87: {  	_ =	shalt  }
.Lfunc_end0:
.L_simem_size_0:
called_computation.1_lowered:
.L_overlay_start_0:
0x88: {  	s2 =	sld [smem:$0x3FD9]  }
0x89: {  	s3 =	sld [smem:$0x3FFE];
	_ =	sdelay $0x1  }
0x8a: {  	s1 =	srdreg.scid  }
0x8b: {  	s0 =	sand.u32 $0x1, s1  }
0x8c: {  	s17 =	sshll.u32 s0, $0xA;
	s2 =	sadd.s32 s3, s2  }
0x8d: {  	s2 =	sadd.s32 s2, s17  }
0x8e: {  	[smem:$0x3FBA] =	sst s2  }
0x8f: {  	_ = 	snop  }
0x90: {  	s2 =	sld [smem:$0x3FD0];
	(tm) =	ssettm $0x1  }
0x91: {  	s18 =	sld [smem:$0x3FFB];
	_ =	sdelay $0x3  }
0x92: {  	_ =	strace s18  }
0x93: {  	s3 =	sld [smem:$0x3FFC];
	_ =	sdelay $0x3  }
0x94: {  	_ =	strace s3  }
0x95: {  	s3 =	sld [smem:$0x3FFD];
	_ =	sdelay $0x3  }
0x96: {  	_ =	strace s3  }
0x97: {  	_ =	strace $0x8FFFFFFF  }
0x98: {  	s19 =	sld [smem:$0x3FDB];
	_ =	sdelay $0x1  }
0x99: {  	s4 =	simm.s32 $_scs_section_size  }
0x9a: {  	s5 =	simm.s32 $_size__tile_overlayer_lowered;
	s6 =	simm.s32 $_tile_overlayer_lowered  }
0x9b: {  	s22 =	simm.s32 $0x1BFF;
	s21 =	sshll.u32 s6, $0x1;
	s3 =	sadd.s32 s4, s19  }
0x9c: {  	s7 =	simm.s32 $0x0;
	s20 =	sshll.u32 s5, $0x1;
	s5 =	sadd.s32 s21, s3  }
0x9d: {  	[timem:s7], [sflag:s22] =	dma.local [hbm:s5], s20  }
0x9e: {  	_ =	swait.ge [sflag:s22], s20  }
0x9f: {  	s4 =	ssub.s32 $0x0, s20;
	[sflag:s22] =	ssyncset.done $0x0  }
0xa0: {  	[sflag:s22] =	ssyncadd.s32 s4;
	_ =	sdelay $0x1  }
0xa1: {  	s23 =	simm.s32 $0x1B8B  }
0xa2: {  	_ =	swait.ge [sflag:s23], $0x1  }
0xa3: {  	[sflag:s23] =	ssyncset.done $0x0  }
0xa4: {  	s25 =	simm.s32 $0x1B8E;
	s24 =	sld [smem:$0x3FFE];
	[sflag:s23] =	ssyncadd.s32 $0xFFFFFFFF  }
0xa5: {  	s26 =	simm.s32 $execute0_lowered;
	[smem:$0x3FD2] =	sst s25  }
0xa6: {  	s5 =	sshll.u32 s26, $0x1;
	_ =	strace $0x80000049;
	[dreg:$0x1] =	wrdreg $0xFFFFFFFF  }
0xa7: {  	s28 =	simm.s32 $_size_execute0_lowered;
	s3 =	sadd.s32 s3, s5;
	[dreg:$0x0] =	wrdreg $0x0  }
0xa8: {  	s5 =	sshll.u32 s28, $0x1;
	[dreg:$0x2] =	wrdreg s3  }
0xa9: {  	[dreg:$0x3] =	wrdreg s5  }
0xaa: {  	[dreg:$0x4] =	wrdreg $0xC0  }
0xab: {  	_ =	task [dreg:s7], $0x5FFFF  }
0xac: {  	[dreg:$0x1] =	wrdreg $0xFFFFFFFF  }
0xad: {  	[dreg:$0x0] =	wrdreg $0x60  }
0xae: {  	[dreg:$0x2] =	wrdreg s24  }
0xaf: {  	[dreg:$0x3] =	wrdreg s2  }
0xb0: {  	[dreg:$0x4] =	wrdreg $0x0  }
0xb1: {  	[dreg:$0x5] =	wrdreg $0x138800  }
0xb2: {  	[dreg:$0x6] =	wrdreg $0x9  }
0xb3: {  	_ =	task.clear_ibuf [dreg:s7], $0x7FFFF;
	_ =	strace $0x90000049  }
0xb4: {  	s29 =	simm.s32 $0x9;
	_ =	strace $0x8000004B  }
0xb5: {  	_ =	swait.ge [sflag:s29], $0x1  }
0xb6: {  	[sflag:s29] =	ssyncadd.s32 $0xFFFFFFFF  }
0xb7: {  	_ =	strace $0x9000004B  }
0xb8: {  	_ =	sfence  }
0xb9: {  	s30 =	sld [smem:$0x0];
	_ =	sdelay $0x2  }
0xba: {  	s31 =	sshll.u32 s1, $0xD;
	s1 =	sshrl.u32 s1, $0x2  }
0xbb: {  	s3 =	sand.u32 $0x4000, s31;
	s1 =	sadd.s32 s1, s30  }
0xbc: {  	s0 =	sor.u32 s3, s0;
	s1 =	sshll.u32 s1, $0x11  }
0xbd: {  	s0 =	sor.u32 s1, s0  }
0xbe: {  	s0 =	sadd.s32 $0x8F2B, s0  }
0xbf: {  	[sflag:s0] =	ssyncadd.remote.s32 $0x1  }
0xc0: {  	_ =	sfence.sel $0xFFFF  }
0xc1: {  	[dreg:$0x0] =	wrdreg $0xFFFFFFFF;
	(pc) =	sbr.abs _section_cstart, $3  }
0xc2: {  	[dreg:$0x1] =	wrdreg $0xFFFFFFFF  }
0xc3: {  	_ =	task.clear_ibuf [dreg:s7], $0x2FFFF;
	_ =	strace $0x9FFFFFFF  }
0xc4: {  	(tm) =	ssettm $0x7FFFFFFF  }
0xc5: {  	_ =	shalt  }
tec
execute0_lowered:
.L_overlay_start_1:
0x0: {  	(tag) =	ssettag $0x1  }
0x1: {  	s0 =	rddreg [dreg:$0x0]  }
0x2: {  	s23 =	rddreg [dreg:$0x2]  }
0x3: {  	s7 =	rddreg [dreg:$0x3];
	s4 =	simm.s32 $0x0  }
0x4: {  	[smem:$0x7FF] =	sst s4;
	s1 =	sadd.s32 $0x51400, s0  }
0x5: {  	s12 =	sadd.s32 $0x3200, s0;
	_ =	strace $0x8000004A;
	[dreg:$0x7] =	wrdreg s1  }
0x6: {  	s13 =	sadd.s32 $0xA4600, s0;
	[dreg:$0x8] =	wrdreg s12  }
0x7: {  	s14 =	sadd.s32 $0xFC800, s0;
	[dreg:$0x9] =	wrdreg s13  }
0x8: {  	s17 =	srdreg.scid;
	s15 =	sadd.s32 $0xF7800, s0;
	[dreg:$0xa] =	wrdreg s14  }
0x9: {  	s9 =	stileid.u32;
	s16 =	sadd.s32 $0x9F600, s0;
	[dreg:$0xb] =	wrdreg s15  }
0xa: {  	s6 =	sadd.s32 $0xED800, s0;
	s2 =	sadd.s32 $0xAE400, s0;
	[dreg:$0xc] =	wrdreg s16  }
0xb: {  	s8 =	sadd.s32 $0xF2800, s0;
	s18 =	sadd.s32 $0x106600, s0;
	[dreg:$0xd] =	wrdreg s2  }
0xc: {  	s3 =	smul.u32 $0x2710, s9;
	s0 =	sadd.s32 $0xB8200, s0;
	[dreg:$0xe] =	wrdreg s18  }
0xd: {  	s5 =	smul.u32 $0x9C00, s9;
	[dreg:$0xf] =	wrdreg s0  }
0xe: {  	s24 =	smul.u32 $0x4E000, s9;
	s1 =	sand.u32 $0x1, s17;
	[dreg:$0x5] =	wrdreg s6  }
0xf: {  	s30 =	smul.u32 $0x270, s9;
	[dreg:$0x6] =	wrdreg s8;
	s19 =	ssub.s32 $0x2, s1  }
0x10: {  	s21 =	smul.u32 $0x2710, s1;
	s22 =	sshrl.u32 s3, $0x3;
	s11 =	sshll.u32 s1, $0x2  }
0x11: {  	s25 =	sadd.s32 $0xA0, s3;
	s18 =	sshllo.u32 s1, $0x2;
	[dreg:$0x16] =	wrdreg s30  }
0x12: {  	s26 =	sshrl.u32 s5, $0x2;
	s6 =	sadd.s32 s6, s22;
	[dreg:$0x13] =	wrdreg s25  }
0x13: {  	s28 =	sshrl.u32 s24, $0x2;
	s2 =	sadd.s32 s8, s22;
	[dreg:$0x11] =	wrdreg s6  }
0x14: {  	s1 =	simm.s32 $0x1C610;
	s29 =	sadd.s32 s28, s23;
	[dreg:$0x12] =	wrdreg s2  }
0x15: {  	s20 =	sshrl.u32 s19, $0x1;
	s25 =	sadd.s32 s26, s7;
	[dreg:$0x15] =	wrdreg s29  }
0x16: {  	s31 =	sor.u32 $0x1, s11;
	s0 =	ssub.s32 s19, s20;
	[dreg:$0x10] =	wrdreg s21  }
0x17: {  	v5 =	vimm.f32 $0.0e+00;
	v0 =	vmov s11;
	v3 =	vmov s18;
	s19 =	sor.u32 $0x2, s11;
	[dreg:$0x17] =	wrdreg s25;
	s0 =	smax.u32 s0, $0x1  }
0x18: {  	s26 =	simm.s32 $0x6;
	v1 =	vmov s31;
	v4 =	vmov s21;
	s2 =	simm.s32 $0x0;
	v2 =	vmov s19;
	[dreg:$0x14] =	wrdreg s0  }
.LBB2_1:
0x19: {  	[dreg:$0x18] =	wrdreg s2;
	s0 =	simm.s32 $0x0;
	s11 =	simm.s32 $0x200  }
.LBB2_2:
0x1a: {  	p0 =	sne.s32 s11, $0x3E00;
	[tilespmem:s0+$0x1C680] =	vst v5  }
0x1b: {  	[tilespmem:s0+$0x1C610] =	vst v5  }
0x1c: {  	[tilespmem:s0+$0x1C620] =	vst v5  }
.Ltmp0:
0x1d: {  	[tilespmem:s0+$0x1C630] =	vst v5;
	(pc) =	sbr.rel @p0 .LBB2_2-.Ltmp0, $4  }
0x1e: {  	[tilespmem:s0+$0x1C640] =	vst v5  }
0x1f: {  	[tilespmem:s0+$0x1C650] =	vst v5  }
0x20: {  	[tilespmem:s0+$0x1C660] =	vst v5  }
0x21: {  	[tilespmem:s0+$0x1C670] =	vst v5;
	s0 =	sshra.s32 s11, $0x2;
	s11 =	sadd.s32 $0x200, s11  }
0x22: {  	[tilespmem:s0+$0x1C680] =	vst v5  }
0x23: {  	[tilespmem:s0+$0x1C610] =	vst v5  }
0x24: {  	[tilespmem:s0+$0x1C620] =	vst v5  }
0x25: {  	[tilespmem:s0+$0x1C630] =	vst v5  }
0x26: {  	[tilespmem:s0+$0x1C640] =	vst v5  }
0x27: {  	[tilespmem:s0+$0x1C650] =	vst v5  }
0x28: {  	[tilespmem:s0+$0x1C660] =	vst v5  }
0x29: {  	[tilespmem:s0+$0x1C670] =	vst v5;
	s18 =	rddreg [dreg:$0x15]  }
0x2a: {  	[spmem:s18] =	stream.linear.scatter [tilespmem:s1], [sflag:$0x6], $0x1000, $0x38;
	[tilespmem:$0x1D610] =	vst v63  }
0x2b: {  	_ =	swait.ge [sflag:s26], $0x1000  }
0x2c: {  	[sflag:s26] =	ssyncset.done $0x0  }
0x2d: {  	s0 =	sadd.s32 $0x0, s25;
	[sflag:s26] =	ssyncadd.s32 $0xFFFFF000  }
0x2e: {  	[spmem:s0] =	stream.linear.scatter [tilespmem:s1], [sflag:$0x6], $0x10, $0x38;
	[tilespmem:$0x1D610] =	vst v63  }
0x2f: {  	s5 =	simm.s32 $0x1C690;
	s11 =	sadd.s32 $0x10, s0  }
0x30: {  	[spmem:s11] =	stream.linear.scatter [tilespmem:s5], [sflag:$0x6], $0x10, $0x38;
	[tilespmem:$0x1D610] =	vst v63  }
0x31: {  	s7 =	simm.s32 $0x1C710;
	s6 =	sadd.s32 $0x20, s0  }
0x32: {  	[spmem:s6] =	stream.linear.scatter [tilespmem:s7], [sflag:$0x6], $0x10, $0x38;
	[tilespmem:$0x1D610] =	vst v63  }
0x33: {  	s9 =	simm.s32 $0x1C790;
	s8 =	sadd.s32 $0x30, s0  }
0x34: {  	[spmem:s8] =	stream.linear.scatter [tilespmem:s9], [sflag:$0x6], $0x10, $0x38;
	[tilespmem:$0x1D610] =	vst v63  }
0x35: {  	s12 =	simm.s32 $0x1C810;
	s10 =	sadd.s32 $0x40, s0  }
0x36: {  	[spmem:s10] =	stream.linear.scatter [tilespmem:s12], [sflag:$0x6], $0x10, $0x38;
	[tilespmem:$0x1D610] =	vst v63  }
0x37: {  	s14 =	simm.s32 $0x1C890;
	s13 =	sadd.s32 $0x50, s0  }
0x38: {  	[spmem:s13] =	stream.linear.scatter [tilespmem:s14], [sflag:$0x6], $0x10, $0x38;
	[tilespmem:$0x1D610] =	vst v63  }
0x39: {  	s16 =	simm.s32 $0x1C910;
	s15 =	sadd.s32 $0x60, s0  }
0x3a: {  	[spmem:s15] =	stream.linear.scatter [tilespmem:s16], [sflag:$0x6], $0x10, $0x38;
	[tilespmem:$0x1D610] =	vst v63  }
0x3b: {  	s19 =	simm.s32 $0x1C990;
	s17 =	sadd.s32 $0x70, s0  }
0x3c: {  	[spmem:s17] =	stream.linear.scatter [tilespmem:s19], [sflag:$0x6], $0x10, $0x38;
	[tilespmem:$0x1D610] =	vst v63  }
0x3d: {  	s22 =	simm.s32 $0x1CA10;
	s20 =	sadd.s32 $0x80, s0  }
0x3e: {  	[spmem:s20] =	stream.linear.scatter [tilespmem:s22], [sflag:$0x6], $0x10, $0x38;
	[tilespmem:$0x1D610] =	vst v63  }
0x3f: {  	s23 =	sadd.s32 $0x90, s0;
	s20 =	simm.s32 $0x1CA90  }
0x40: {  	[spmem:s23] =	stream.linear.scatter [tilespmem:s20], [sflag:$0x6], $0x10, $0x38;
	[tilespmem:$0x1D610] =	vst v63  }
0x41: {  	s24 =	sadd.s32 $0xA0, s0;
	s7 =	simm.s32 $0x1CB10  }
0x42: {  	[spmem:s24] =	stream.linear.scatter [tilespmem:s7], [sflag:$0x6], $0x10, $0x38;
	[tilespmem:$0x1D610] =	vst v63  }
0x43: {  	s1 =	sadd.s32 $0xB0, s0;
	s8 =	simm.s32 $0x1CB90  }
0x44: {  	[spmem:s1] =	stream.linear.scatter [tilespmem:s8], [sflag:$0x6], $0x10, $0x38;
	[tilespmem:$0x1D610] =	vst v63  }
0x45: {  	s2 =	sadd.s32 $0xC0, s0;
	s9 =	simm.s32 $0x1CC10  }
0x46: {  	[spmem:s2] =	stream.linear.scatter [tilespmem:s9], [sflag:$0x6], $0x10, $0x38;
	[tilespmem:$0x1D610] =	vst v63  }
0x47: {  	s3 =	sadd.s32 $0xD0, s0;
	s10 =	simm.s32 $0x1CC90  }
0x48: {  	[spmem:s3] =	stream.linear.scatter [tilespmem:s10], [sflag:$0x6], $0x10, $0x38;
	[tilespmem:$0x1D610] =	vst v63  }
0x49: {  	s5 =	sadd.s32 $0xE0, s0;
	s12 =	simm.s32 $0x1CD10  }
0x4a: {  	[spmem:s5] =	stream.linear.scatter [tilespmem:s12], [sflag:$0x6], $0x10, $0x38;
	[tilespmem:$0x1D610] =	vst v63  }
0x4b: {  	s6 =	sadd.s32 $0xF0, s0;
	s13 =	simm.s32 $0x1CD90  }
0x4c: {  	[spmem:s6] =	stream.linear.scatter [tilespmem:s13], [sflag:$0x6], $0x10, $0x38;
	[tilespmem:$0x1D610] =	vst v63  }
0x4d: {  	s14 =	sadd.s32 $0x100, s0;
	s17 =	simm.s32 $0x1CE10  }
0x4e: {  	[spmem:s14] =	stream.linear.scatter [tilespmem:s17], [sflag:$0x6], $0x10, $0x38;
	[tilespmem:$0x1D610] =	vst v63  }
0x4f: {  	s15 =	sadd.s32 $0x110, s0;
	s24 =	simm.s32 $0x1CE90  }
0x50: {  	[spmem:s15] =	stream.linear.scatter [tilespmem:s24], [sflag:$0x6], $0x10, $0x38;
	[tilespmem:$0x1D610] =	vst v63  }
0x51: {  	s16 =	sadd.s32 $0x120, s0;
	s2 =	simm.s32 $0x1CF10  }
0x52: {  	[spmem:s16] =	stream.linear.scatter [tilespmem:s2], [sflag:$0x6], $0x10, $0x38;
	[tilespmem:$0x1D610] =	vst v63  }
0x53: {  	s19 =	sadd.s32 $0x130, s0;
	s3 =	simm.s32 $0x1CF90  }
0x54: {  	[spmem:s19] =	stream.linear.scatter [tilespmem:s3], [sflag:$0x6], $0x10, $0x38;
	[tilespmem:$0x1D610] =	vst v63  }
0x55: {  	s28 =	simm.s32 $0x1D010;
	s22 =	sadd.s32 $0x140, s0  }
0x56: {  	[spmem:s22] =	stream.linear.scatter [tilespmem:s28], [sflag:$0x6], $0x10, $0x38;
	[tilespmem:$0x1D610] =	vst v63  }
0x57: {  	s29 =	simm.s32 $0x1D090;
	s23 =	sadd.s32 $0x150, s0  }
0x58: {  	[spmem:s23] =	stream.linear.scatter [tilespmem:s29], [sflag:$0x6], $0x10, $0x38;
	[tilespmem:$0x1D610] =	vst v63  }
0x59: {  	s30 =	simm.s32 $0x1D110;
	s1 =	sadd.s32 $0x160, s0  }
0x5a: {  	[spmem:s1] =	stream.linear.scatter [tilespmem:s30], [sflag:$0x6], $0x10, $0x38;
	[tilespmem:$0x1D610] =	vst v63  }
0x5b: {  	s31 =	simm.s32 $0x1D190;
	s5 =	sadd.s32 $0x170, s0  }
0x5c: {  	[spmem:s5] =	stream.linear.scatter [tilespmem:s31], [sflag:$0x6], $0x10, $0x38;
	[tilespmem:$0x1D610] =	vst v63  }
0x5d: {  	s6 =	sadd.s32 $0x180, s0;
	s22 =	simm.s32 $0x1D210  }
0x5e: {  	[spmem:s6] =	stream.linear.scatter [tilespmem:s22], [sflag:$0x6], $0x10, $0x38;
	[tilespmem:$0x1D610] =	vst v63  }
0x5f: {  	s14 =	sadd.s32 $0x190, s0;
	s23 =	simm.s32 $0x1D290  }
0x60: {  	[spmem:s14] =	stream.linear.scatter [tilespmem:s23], [sflag:$0x6], $0x10, $0x38;
	[tilespmem:$0x1D610] =	vst v63  }
0x61: {  	s15 =	sadd.s32 $0x1A0, s0;
	s1 =	simm.s32 $0x1D310  }
0x62: {  	[spmem:s15] =	stream.linear.scatter [tilespmem:s1], [sflag:$0x6], $0x10, $0x38;
	[tilespmem:$0x1D610] =	vst v63  }
0x63: {  	s16 =	sadd.s32 $0x1B0, s0;
	s14 =	simm.s32 $0x1D390  }
0x64: {  	[spmem:s16] =	stream.linear.scatter [tilespmem:s14], [sflag:$0x6], $0x10, $0x38;
	[tilespmem:$0x1D610] =	vst v63  }
0x65: {  	s19 =	sadd.s32 $0x1C0, s0;
	s15 =	simm.s32 $0x1D410  }
0x66: {  	[spmem:s19] =	stream.linear.scatter [tilespmem:s15], [sflag:$0x6], $0x10, $0x38;
	[tilespmem:$0x1D610] =	vst v63  }
0x67: {  	s5 =	sadd.s32 $0x1D0, s0;
	s16 =	simm.s32 $0x1D490  }
0x68: {  	[spmem:s5] =	stream.linear.scatter [tilespmem:s16], [sflag:$0x6], $0x10, $0x38;
	[tilespmem:$0x1D610] =	vst v63  }
0x69: {  	s6 =	sadd.s32 $0x1E0, s0;
	s5 =	simm.s32 $0x1D510  }
0x6a: {  	[spmem:s6] =	stream.linear.scatter [tilespmem:s5], [sflag:$0x6], $0x10, $0x38;
	[tilespmem:$0x1D610] =	vst v63  }
0x6b: {  	s0 =	sadd.s32 $0x1F0, s0;
	s19 =	simm.s32 $0x1D590  }
0x6c: {  	[spmem:s0] =	stream.linear.scatter [tilespmem:s19], [sflag:$0x6], $0x10, $0x38;
	[tilespmem:$0x1D610] =	vst v63  }
0x6d: {  	s21 =	simm.s32 $0x1C610;
	_ =	swait.ge [sflag:s26], $0x200  }
0x6e: {  	s11 =	smov.u32 s18;
	s0 =	simm.s32 $0x800;
	[sflag:s26] =	ssyncset.done $0x0  }
.LBB2_4:
0x6f: {  	p0 =	sne.s32 s0, $0x9800;
	[sflag:s26] =	ssyncadd.s32 $0xFFFFFE00;
	s11 =	sadd.s32 $0x1000, s11  }
0x70: {  	s18 =	smov.u32 s0;
	s0 =	sadd.s32 $0x800, s0  }
0x71: {  	[spmem:s11] =	stream.linear.scatter [tilespmem:s21], [sflag:$0x6], $0x1000, $0x38;
	[tilespmem:$0x1D610] =	vst v63  }
0x72: {  	_ =	swait.ge [sflag:s26], $0x1000  }
0x73: {  	s18 =	sshra.s32 s18, $0x2;
	[sflag:s26] =	ssyncset.done $0x0  }
0x74: {  	s18 =	sadd.s32 s18, s25;
	[sflag:s26] =	ssyncadd.s32 $0xFFFFF000  }
0x75: {  	[spmem:s18] =	stream.linear.scatter [tilespmem:s21], [sflag:$0x6], $0x10, $0x38;
	[tilespmem:$0x1D610] =	vst v63  }
0x76: {  	s5 =	simm.s32 $0x1D510;
	s6 =	simm.s32 $0x1C690;
	s19 =	sadd.s32 $0x10, s18  }
0x77: {  	[spmem:s19] =	stream.linear.scatter [tilespmem:s6], [sflag:$0x6], $0x10, $0x38;
	[tilespmem:$0x1D610] =	vst v63  }
0x78: {  	s19 =	sadd.s32 $0x20, s18;
	s6 =	simm.s32 $0x1C710  }
0x79: {  	[spmem:s19] =	stream.linear.scatter [tilespmem:s6], [sflag:$0x6], $0x10, $0x38;
	[tilespmem:$0x1D610] =	vst v63  }
0x7a: {  	s19 =	sadd.s32 $0x30, s18;
	s6 =	simm.s32 $0x1C790  }
0x7b: {  	[spmem:s19] =	stream.linear.scatter [tilespmem:s6], [sflag:$0x6], $0x10, $0x38;
	[tilespmem:$0x1D610] =	vst v63  }
0x7c: {  	s19 =	sadd.s32 $0x40, s18;
	s6 =	simm.s32 $0x1C810  }
0x7d: {  	[spmem:s19] =	stream.linear.scatter [tilespmem:s6], [sflag:$0x6], $0x10, $0x38;
	[tilespmem:$0x1D610] =	vst v63  }
0x7e: {  	s19 =	sadd.s32 $0x50, s18;
	s6 =	simm.s32 $0x1C890  }
0x7f: {  	[spmem:s19] =	stream.linear.scatter [tilespmem:s6], [sflag:$0x6], $0x10, $0x38;
	[tilespmem:$0x1D610] =	vst v63  }
0x80: {  	s19 =	sadd.s32 $0x60, s18;
	s6 =	simm.s32 $0x1C910  }
0x81: {  	[spmem:s19] =	stream.linear.scatter [tilespmem:s6], [sflag:$0x6], $0x10, $0x38;
	[tilespmem:$0x1D610] =	vst v63  }
0x82: {  	s19 =	sadd.s32 $0x70, s18;
	s6 =	simm.s32 $0x1C990  }
0x83: {  	[spmem:s19] =	stream.linear.scatter [tilespmem:s6], [sflag:$0x6], $0x10, $0x38;
	[tilespmem:$0x1D610] =	vst v63  }
0x84: {  	s19 =	sadd.s32 $0x80, s18;
	s6 =	simm.s32 $0x1CA10  }
0x85: {  	[spmem:s19] =	stream.linear.scatter [tilespmem:s6], [sflag:$0x6], $0x10, $0x38;
	[tilespmem:$0x1D610] =	vst v63  }
0x86: {  	s19 =	sadd.s32 $0x90, s18  }
0x87: {  	[spmem:s19] =	stream.linear.scatter [tilespmem:s20], [sflag:$0x6], $0x10, $0x38;
	[tilespmem:$0x1D610] =	vst v63  }
0x88: {  	s19 =	sadd.s32 $0xA0, s18  }
0x89: {  	[spmem:s19] =	stream.linear.scatter [tilespmem:s7], [sflag:$0x6], $0x10, $0x38;
	[tilespmem:$0x1D610] =	vst v63  }
0x8a: {  	s19 =	sadd.s32 $0xB0, s18  }
0x8b: {  	[spmem:s19] =	stream.linear.scatter [tilespmem:s8], [sflag:$0x6], $0x10, $0x38;
	[tilespmem:$0x1D610] =	vst v63  }
0x8c: {  	s19 =	sadd.s32 $0xC0, s18  }
0x8d: {  	[spmem:s19] =	stream.linear.scatter [tilespmem:s9], [sflag:$0x6], $0x10, $0x38;
	[tilespmem:$0x1D610] =	vst v63  }
0x8e: {  	s19 =	sadd.s32 $0xD0, s18  }
0x8f: {  	[spmem:s19] =	stream.linear.scatter [tilespmem:s10], [sflag:$0x6], $0x10, $0x38;
	[tilespmem:$0x1D610] =	vst v63  }
0x90: {  	s19 =	sadd.s32 $0xE0, s18  }
0x91: {  	[spmem:s19] =	stream.linear.scatter [tilespmem:s12], [sflag:$0x6], $0x10, $0x38;
	[tilespmem:$0x1D610] =	vst v63  }
0x92: {  	s19 =	sadd.s32 $0xF0, s18  }
0x93: {  	[spmem:s19] =	stream.linear.scatter [tilespmem:s13], [sflag:$0x6], $0x10, $0x38;
	[tilespmem:$0x1D610] =	vst v63  }
0x94: {  	s19 =	sadd.s32 $0x100, s18  }
0x95: {  	[spmem:s19] =	stream.linear.scatter [tilespmem:s17], [sflag:$0x6], $0x10, $0x38;
	[tilespmem:$0x1D610] =	vst v63  }
0x96: {  	s19 =	sadd.s32 $0x110, s18  }
0x97: {  	[spmem:s19] =	stream.linear.scatter [tilespmem:s24], [sflag:$0x6], $0x10, $0x38;
	[tilespmem:$0x1D610] =	vst v63  }
0x98: {  	s19 =	sadd.s32 $0x120, s18  }
0x99: {  	[spmem:s19] =	stream.linear.scatter [tilespmem:s2], [sflag:$0x6], $0x10, $0x38;
	[tilespmem:$0x1D610] =	vst v63  }
0x9a: {  	s19 =	sadd.s32 $0x130, s18  }
0x9b: {  	[spmem:s19] =	stream.linear.scatter [tilespmem:s3], [sflag:$0x6], $0x10, $0x38;
	[tilespmem:$0x1D610] =	vst v63  }
0x9c: {  	s19 =	sadd.s32 $0x140, s18  }
0x9d: {  	[spmem:s19] =	stream.linear.scatter [tilespmem:s28], [sflag:$0x6], $0x10, $0x38;
	[tilespmem:$0x1D610] =	vst v63  }
0x9e: {  	s19 =	sadd.s32 $0x150, s18  }
0x9f: {  	[spmem:s19] =	stream.linear.scatter [tilespmem:s29], [sflag:$0x6], $0x10, $0x38;
	[tilespmem:$0x1D610] =	vst v63  }
0xa0: {  	s19 =	sadd.s32 $0x160, s18  }
0xa1: {  	[spmem:s19] =	stream.linear.scatter [tilespmem:s30], [sflag:$0x6], $0x10, $0x38;
	[tilespmem:$0x1D610] =	vst v63  }
0xa2: {  	s19 =	sadd.s32 $0x170, s18  }
0xa3: {  	[spmem:s19] =	stream.linear.scatter [tilespmem:s31], [sflag:$0x6], $0x10, $0x38;
	[tilespmem:$0x1D610] =	vst v63  }
0xa4: {  	s19 =	sadd.s32 $0x180, s18  }
0xa5: {  	[spmem:s19] =	stream.linear.scatter [tilespmem:s22], [sflag:$0x6], $0x10, $0x38;
	[tilespmem:$0x1D610] =	vst v63  }
0xa6: {  	s19 =	sadd.s32 $0x190, s18  }
0xa7: {  	[spmem:s19] =	stream.linear.scatter [tilespmem:s23], [sflag:$0x6], $0x10, $0x38;
	[tilespmem:$0x1D610] =	vst v63  }
0xa8: {  	s19 =	sadd.s32 $0x1A0, s18  }
0xa9: {  	[spmem:s19] =	stream.linear.scatter [tilespmem:s1], [sflag:$0x6], $0x10, $0x38;
	[tilespmem:$0x1D610] =	vst v63  }
0xaa: {  	s19 =	sadd.s32 $0x1B0, s18  }
0xab: {  	[spmem:s19] =	stream.linear.scatter [tilespmem:s14], [sflag:$0x6], $0x10, $0x38;
	[tilespmem:$0x1D610] =	vst v63  }
0xac: {  	s19 =	sadd.s32 $0x1C0, s18  }
0xad: {  	[spmem:s19] =	stream.linear.scatter [tilespmem:s15], [sflag:$0x6], $0x10, $0x38;
	[tilespmem:$0x1D610] =	vst v63  }
0xae: {  	s19 =	sadd.s32 $0x1D0, s18  }
0xaf: {  	[spmem:s19] =	stream.linear.scatter [tilespmem:s16], [sflag:$0x6], $0x10, $0x38;
	[tilespmem:$0x1D610] =	vst v63  }
0xb0: {  	s19 =	sadd.s32 $0x1E0, s18  }
0xb1: {  	[spmem:s19] =	stream.linear.scatter [tilespmem:s5], [sflag:$0x6], $0x10, $0x38;
	[tilespmem:$0x1D610] =	vst v63  }
.Ltmp1:
0xb2: {  	s5 =	simm.s32 $0x1D590;
	(pc) =	sbr.rel @p0 .LBB2_4-.Ltmp1, $4  }
0xb3: {  	s18 =	sadd.s32 $0x1F0, s18  }
0xb4: {  	[spmem:s18] =	stream.linear.scatter [tilespmem:s5], [sflag:$0x6], $0x10, $0x38;
	[tilespmem:$0x1D610] =	vst v63  }
0xb5: {  	_ =	swait.ge [sflag:s26], $0x200  }
0xb6: {  	[sflag:s26] =	ssyncset.done $0x0  }
0xb7: {  	[sflag:s26] =	ssyncadd.s32 $0xFFFFFE00  }
0xb8: {  	s1 =	simm.s32 $0x0;
	s2 =	simm.s32 $0x15F90;
	s23 =	simm.s32 $0x16030  }
0xb9: {  	s16 =	simm.s32 $0x1C990;
	s5 =	simm.s32 $0x1CA10;
	s6 =	simm.s32 $0x1CA90  }
0xba: {  	s20 =	simm.s32 $0x1CB10;
	s7 =	simm.s32 $0x1CB90;
	s8 =	simm.s32 $0x1CC10  }
0xbb: {  	s9 =	simm.s32 $0x1CC90;
	s10 =	simm.s32 $0x1CD10;
	s12 =	simm.s32 $0x1CD90  }
0xbc: {  	s13 =	simm.s32 $0x1CE10;
	s17 =	simm.s32 $0x1CE90;
	s24 =	simm.s32 $0x1CF10  }
0xbd: {  	s3 =	simm.s32 $0x1D010;
	s28 =	simm.s32 $0x1D090;
	[bflag:$0x0] =	sbarrier.arrive $0xFFFF  }
0xbe: {  	s29 =	simm.s32 $0x1D110;
	s30 =	simm.s32 $0x1D190;
	s0 =	rddreg [dreg:$0x11]  }
0xbf: {  	[tilespmem:s2], [sflag:$0x5] =	stream.linear.gather [hbm4b:s0+s1], $0xA0, $0x38;
	[tilespmem:$0x1D610] =	vst v63  }
0xc0: {  	s31 =	simm.s32 $0x1D210;
	s22 =	simm.s32 $0x1D290;
	s25 =	rddreg [dreg:$0x12]  }
0xc1: {  	[tilespmem:s23], [sflag:$0x5] =	stream.linear.gather [hbm4b:s25+s1], $0xA0, $0x38;
	[tilespmem:$0x1D610] =	vst v63  }
0xc2: {  	s14 =	simm.s32 $0x50;
	s2 =	simm.s32 $0x1CF90;
	s25 =	simm.s32 $0x1D310  }
.LBB2_6:
0xc3: {  	s0 =	simm.s32 $0x5  }
0xc4: {  	_ =	swait.ge [sflag:s0], $0xA0  }
0xc5: {  	[sflag:s0] =	ssyncset.done $0x0  }
0xc6: {  	[sflag:s0] =	ssyncadd.s32 $0xFFFFFF60  }
0xc7: {  	_ =	swait.ge [sflag:s0], $0xA0  }
0xc8: {  	p0 =	seq.s32 s1, $0x0;
	[sflag:s0] =	ssyncset.done $0x0  }
0xc9: {  	[sflag:s0] =	ssyncadd.s32 $0xFFFFFF60;
	s0 =	simm.s32 @!p0 $0x3  }
0xca: {  	_ =	swait.ge @!p0 [sflag:s0], $0x2800  }
0xcb: {  	[sflag:s0] =	ssyncset.done @!p0 $0x0  }
0xcc: {  	[sflag:s0] =	ssyncadd.s32 @!p0 $0xFFFFD800  }
0xcd: {  	_ =	swait.ge @!p0 [sflag:s0], $0x500  }
0xce: {  	[sflag:s0] =	ssyncset.done @!p0 $0x0  }
0xcf: {  	[sflag:s0] =	ssyncadd.s32 @!p0 $0xFFFFFB00  }
0xd0: {  	v6 =	vld [tilespmem:$0x15F90]  }
0xd1: {  	v7 =	vld [tilespmem:$0x16030]  }
0xd2: {  	v9 =	vld [tilespmem:$0x16040]  }
0xd3: {  	v8 =	vld [tilespmem:$0x15FA0]  }
0xd4: {  	v10 =	vld [tilespmem:$0x15FB0]  }
0xd5: {  	v11 =	vld [tilespmem:$0x16050]  }
0xd6: {  	v61 =	vld [tilespmem:$0x16060];
	[tilespmem:$0x16170] =	vst v7  }
0xd7: {  	v63 =	vld [tilespmem:$0x16070];
	v6 =	vadd.s32 v4, v6;
	[tilespmem:$0x16180] =	vst v9  }
0xd8: {  	v7 =	vadd.s32 v4, v8;
	[tilespmem:$0x160D0] =	vst v6;
	v6 =	vld [tilespmem:$0x15FC0]  }
0xd9: {  	[tilespmem:$0x160E0] =	vst v7;
	v7 =	vld [tilespmem:$0x15FD0]  }
0xda: {  	[tilespmem:$0x16190] =	vst v11  }
0xdb: {  	[tilespmem:$0x161A0] =	vst v61  }
0xdc: {  	v62 =	vadd.s32 v4, v10;
	[tilespmem:$0x161B0] =	vst v63  }
0xdd: {  	[tilespmem:$0x160F0] =	vst v62;
	v6 =	vadd.s32 v4, v6  }
0xde: {  	[tilespmem:$0x16100] =	vst v6;
	v6 =	vadd.s32 v4, v7  }
0xdf: {  	s11 =	simm.s32 $0x160D0;
	s15 =	simm.s32 $0x16210;
	s18 =	rddreg [dreg:$0x7];
	[tilespmem:$0x16110] =	vst v6  }
0xe0: {  	[tilespmem:s15], [sflag:$0x1] =	stream.indirect.gather [hbm4b:s18+s14], $0x80, s11, s14, $0xb8;
	[tilespmem:$0x1D610] =	vst v63  }
.Ltmp2:
0xe1: {  	_ = 	snop;
	(pc) =	sbr.rel @p0 .LBB2_9-.Ltmp2, $4  }
0xe2: {  	s21 =	simm.s32 $0x1B210;
	s19 =	rddreg [dreg:$0x9]  }
0xe3: {  	[tilespmem:s21], [sflag:$0x1] =	stream.indirect.gather [hbm4b:s19+s14], $0x10, s11, s14, $0xb8;
	[tilespmem:$0x1D610] =	vst v63  }
0xe4: {  	s18 =	rddreg [dreg:$0xb];
	s19 =	simm.s32 $0x16170;
	s21 =	simm.s32 $0x1BC10  }
0xe5: {  	[tilespmem:s21], [sflag:$0x1] =	stream.indirect.gather [hbm4b:s18+s14], $0x10, s19, s14, $0xb8;
	[tilespmem:$0x1D610] =	vst v63  }
0xe6: {  	p0 =	seq.s32 s1, $0x3E  }
.Ltmp3:
0xe7: {  	_ = 	snop;
	(pc) =	sbr.rel @p0 .LBB2_10-.Ltmp3, $1  }
0xe8: {  	_ =	sdelay $0x3  }
0xe9: {  	s0 =	simm.s32 $0x4  }
0xea: {  	_ =	swait.ge [sflag:s0], $0x2800  }
0xeb: {  	[sflag:s0] =	ssyncset.done $0x0  }
0xec: {  	[sflag:s0] =	ssyncadd.s32 $0xFFFFD800  }
0xed: {  	_ =	swait.ge [sflag:s0], $0x500  }
0xee: {  	[sflag:s0] =	ssyncset.done $0x0  }
0xef: {  	[sflag:s0] =	ssyncadd.s32 $0xFFFFFB00  }
.LBB2_9:
0xf0: {  	v6 =	vld [tilespmem:$0x15FE0]  }
0xf1: {  	v7 =	vld [tilespmem:$0x16080]  }
0xf2: {  	v9 =	vld [tilespmem:$0x16090]  }
0xf3: {  	v8 =	vld [tilespmem:$0x15FF0]  }
0xf4: {  	v10 =	vld [tilespmem:$0x16000]  }
0xf5: {  	v11 =	vld [tilespmem:$0x160A0]  }
0xf6: {  	v61 =	vld [tilespmem:$0x160B0];
	[tilespmem:$0x161C0] =	vst v7  }
0xf7: {  	v63 =	vld [tilespmem:$0x160C0];
	v6 =	vadd.s32 v4, v6;
	[tilespmem:$0x161D0] =	vst v9  }
0xf8: {  	v7 =	vadd.s32 v4, v8;
	[tilespmem:$0x16120] =	vst v6;
	v6 =	vld [tilespmem:$0x16010]  }
0xf9: {  	[tilespmem:$0x16130] =	vst v7;
	v7 =	vld [tilespmem:$0x16020]  }
0xfa: {  	[tilespmem:$0x161E0] =	vst v11  }
0xfb: {  	[tilespmem:$0x161F0] =	vst v61  }
0xfc: {  	v62 =	vadd.s32 v4, v10;
	[tilespmem:$0x16200] =	vst v63  }
0xfd: {  	[tilespmem:$0x16140] =	vst v62;
	v6 =	vadd.s32 v4, v6  }
0xfe: {  	s0 =	rddreg [dreg:$0x7];
	[tilespmem:$0x16150] =	vst v6;
	v6 =	vadd.s32 v4, v7  }
0xff: {  	s11 =	simm.s32 $0x16120;
	s15 =	simm.s32 $0x18A10;
	s19 =	rddreg [dreg:$0xb];
	[tilespmem:$0x16160] =	vst v6  }
0x100: {  	[tilespmem:s15], [sflag:$0x2] =	stream.indirect.gather [hbm4b:s0+s14], $0x80, s11, s14, $0xb8;
	[tilespmem:$0x1D610] =	vst v63  }
0x101: {  	s18 =	simm.s32 $0x1B710;
	s15 =	rddreg [dreg:$0x9];
	s0 =	smul.u32 $0xA0, s1  }
0x102: {  	[tilespmem:s18], [sflag:$0x2] =	stream.indirect.gather [hbm4b:s15+s14], $0x10, s11, s14, $0xb8;
	[tilespmem:$0x1D610] =	vst v63  }
0x103: {  	s15 =	rddreg [dreg:$0x13]  }
0x104: {  	s21 =	simm.s32 $0x161C0;
	s18 =	simm.s32 $0x1C110;
	s0 =	sadd.s32 s0, s15  }
0x105: {  	[tilespmem:s18], [sflag:$0x2] =	stream.indirect.gather [hbm4b:s19+s14], $0x10, s21, s14, $0xb8;
	[tilespmem:$0x1D610] =	vst v63  }
0x106: {  	s0 =	sshrl.u32 s0, $0x3;
	s18 =	rddreg [dreg:$0x5]  }
0x107: {  	s19 =	simm.s32 $0x15F90;
	s21 =	rddreg [dreg:$0x6];
	s11 =	sadd.s32 s18, s0  }
0x108: {  	[tilespmem:s19], [sflag:$0x5] =	stream.linear.gather [hbm4b:s11+s4], $0xA0, $0x38;
	[tilespmem:$0x1D610] =	vst v63  }
0x109: {  	s0 =	sadd.s32 s21, s0  }
0x10a: {  	[tilespmem:s23], [sflag:$0x5] =	stream.linear.gather [hbm4b:s0+s4], $0xA0, $0x38;
	[tilespmem:$0x1D610] =	vst v63  }
.LBB2_10:
0x10b: {  	s0 =	simm.s32 $0x1  }
0x10c: {  	_ =	swait.ge [sflag:s0], $0x2800  }
0x10d: {  	[sflag:s0] =	ssyncset.done $0x0  }
0x10e: {  	[sflag:s0] =	ssyncadd.s32 $0xFFFFD800  }
0x10f: {  	_ =	swait.ge [sflag:s0], $0x500  }
0x110: {  	[sflag:s0] =	ssyncset.done $0x0  }
0x111: {  	[sflag:s0] =	ssyncadd.s32 $0xFFFFFB00  }
0x112: {  	_ =	swait.ge [sflag:s0], $0x500  }
0x113: {  	[sflag:s0] =	ssyncset.done $0x0  }
0x114: {  	s21 =	simm.s32 $0x10;
	[sflag:s0] =	ssyncadd.s32 $0xFFFFFB00  }
0x115: {  	v6 =	vld [tilespmem:s21+$0x1B200]  }
0x116: {  	v7 =	vld [tilespmem:s21+$0x1BC00];
	_ =	sdelay $0x4  }
0x117: {  	v6 =	vadd.f32 v7, v6;
	_ =	sdelay $0x1  }
0x118: {  	v7 =	vmul.f32 $2.000000030e-01, v6;
	_ =	sdelay $0x1  }
0x119: {  	v6 =	vmax.f32 v6, v7  }
0x11a: {  	v6 =	vmul.f32 $1.442695020e+00, v6;
	_ =	sdelay $0x1  }
0x11b: {  	(erf) = vpow2.f32 v6;
	_ =	sdelay $0x8  }
0x11c: {  	v6 =	vpop (erf)  }
0x11d: {  	s0 =	simm.s32 $0x16290;
	[tilespmem:s21+$0x1B200] =	vst v6  }
0x11e: {  	v7 =	vld [tilespmem:s0+$0xFFFFFFF0]  }
0x11f: {  	v8 =	vld [tilespmem:s0+$0xFFFFFFC0]  }
0x120: {  	v9 =	vld [tilespmem:s0+$0xFFFFFFA0]  }
0x121: {  	v11 =	vperm.xlane v6, v3;
	v13 =	vld [tilespmem:s0+$0xFFFFFF90]  }
0x122: {  	v12 =	vperm.xlane v6, v2;
	v15 =	vld [tilespmem:s0+$0xFFFFFFD0]  }
0x123: {  	v14 =	vperm.xlane v6, v1;
	v10 =	vld [tilespmem:s0+$0xFFFFFFE0];
	v7 =	vmul.f32 v7, v11  }
0x124: {  	v6 =	vperm.xlane v6, v0;
	v16 =	vld [tilespmem:s0+$0xFFFFFF80];
	v8 =	vmul.f32 v8, v12  }
0x125: {  	v17 =	vld [tilespmem:s0+$0xFFFFFFB0];
	v9 =	vmul.f32 v9, v14;
	[tilespmem:s0+$0xFFFFFFF0] =	vst v7  }
0x126: {  	v62 =	vmul.f32 v13, v6;
	[tilespmem:s0+$0xFFFFFFC0] =	vst v8  }
0x127: {  	v63 =	vmul.f32 v15, v12;
	[tilespmem:s0+$0xFFFFFFA0] =	vst v9  }
0x128: {  	v7 =	vmul.f32 v10, v11;
	[tilespmem:s0+$0xFFFFFF90] =	vst v62  }
0x129: {  	v6 =	vmul.f32 v16, v6;
	[tilespmem:s0+$0xFFFFFFD0] =	vst v63  }
0x12a: {  	[tilespmem:s0+$0xFFFFFFE0] =	vst v7;
	v7 =	vmul.f32 v17, v14  }
0x12b: {  	[tilespmem:s0+$0xFFFFFF80] =	vst v6  }
0x12c: {  	[tilespmem:s0+$0xFFFFFFB0] =	vst v7  }
0x12d: {  	v6 =	vld [tilespmem:s21+$0x1B210]  }
0x12e: {  	v7 =	vld [tilespmem:s21+$0x1BC10];
	_ =	sdelay $0x4  }
0x12f: {  	v6 =	vadd.f32 v7, v6;
	_ =	sdelay $0x1  }
0x130: {  	v7 =	vmul.f32 $2.000000030e-01, v6;
	_ =	sdelay $0x1  }
0x131: {  	v6 =	vmax.f32 v6, v7  }
0x132: {  	v6 =	vmul.f32 $1.442695020e+00, v6  }
0x133: {  	s15 =	simm.s32 $0x1D590  }
0x134: {  	s14 =	simm.s32 $0x1D510;
	s18 =	simm.s32 $0xC0;
	s11 =	simm.s32 $0x16290;
	(erf) = vpow2.f32 v6  }
.LBB2_11:
0x135: {  	_ =	sdelay $0x4  }
0x136: {  	p0 =	sne.s32 s18, $0x13C0  }
0x137: {  	s0 =	sadd.s32 $0x100, s0;
	s19 =	smov.u32 s18;
	s18 =	sadd.s32 $0x80, s18  }
0x138: {  	_ = 	snop  }
0x139: {  	v6 =	vpop (erf)  }
0x13a: {  	[tilespmem:s21+$0x1B210] =	vst v6  }
0x13b: {  	v7 =	vld [tilespmem:s11+$0x0]  }
0x13c: {  	v8 =	vld [tilespmem:s11+$0x10]  }
0x13d: {  	v9 =	vld [tilespmem:s11+$0x20]  }
0x13e: {  	v10 =	vperm.xlane v6, v0;
	v11 =	vld [tilespmem:s11+$0x30]  }
0x13f: {  	v12 =	vld [tilespmem:s11+$0x40]  }
0x140: {  	v13 =	vperm.xlane v6, v1;
	v7 =	vmul.f32 v7, v10;
	v14 =	vld [tilespmem:s11+$0x50]  }
0x141: {  	v8 =	vmul.f32 v8, v10;
	v10 =	vld [tilespmem:s11+$0x60]  }
0x142: {  	[tilespmem:s11+$0x0] =	vst v7;
	v7 =	vmul.f32 v9, v13;
	v9 =	vperm.xlane v6, v2;
	v15 =	vld [tilespmem:s11+$0x70]  }
0x143: {  	[tilespmem:s11+$0x10] =	vst v8;
	v8 =	vmul.f32 v11, v13  }
0x144: {  	v6 =	vperm.xlane v6, v3;
	[tilespmem:s11+$0x20] =	vst v7;
	v7 =	vmul.f32 v12, v9  }
0x145: {  	[tilespmem:s11+$0x30] =	vst v8;
	v8 =	vmul.f32 v14, v9  }
0x146: {  	[tilespmem:s11+$0x40] =	vst v7;
	v7 =	vmul.f32 v10, v6  }
0x147: {  	[tilespmem:s11+$0x50] =	vst v8;
	v6 =	vmul.f32 v15, v6  }
0x148: {  	[tilespmem:s11+$0x60] =	vst v7  }
0x149: {  	s21 =	sshra.s32 s19, $0x2;
	[tilespmem:s11+$0x70] =	vst v6;
	s11 =	smov.u32 s0;
	_ =	sdelay $0x1  }
0x14a: {  	v6 =	vld [tilespmem:s21+$0x1B200]  }
0x14b: {  	v7 =	vld [tilespmem:s21+$0x1BC00];
	_ =	sdelay $0x4  }
0x14c: {  	v6 =	vadd.f32 v7, v6;
	_ =	sdelay $0x1  }
0x14d: {  	v7 =	vmul.f32 $2.000000030e-01, v6;
	_ =	sdelay $0x1  }
0x14e: {  	v6 =	vmax.f32 v6, v7  }
0x14f: {  	v6 =	vmul.f32 $1.442695020e+00, v6;
	_ =	sdelay $0x1  }
0x150: {  	(erf) = vpow2.f32 v6;
	_ =	sdelay $0x8  }
0x151: {  	v6 =	vpop (erf)  }
0x152: {  	[tilespmem:s21+$0x1B200] =	vst v6;
	v7 =	vperm.xlane v6, v0  }
0x153: {  	v8 =	vld [tilespmem:s0+$0xFFFFFFF0]  }
0x154: {  	v9 =	vld [tilespmem:s0+$0xFFFFFFA0]  }
0x155: {  	v10 =	vld [tilespmem:s0+$0xFFFFFFC0]  }
0x156: {  	v11 =	vperm.xlane v6, v1;
	v12 =	vperm.xlane v6, v2;
	v13 =	vld [tilespmem:s0+$0xFFFFFFE0]  }
0x157: {  	v6 =	vperm.xlane v6, v3;
	v14 =	vld [tilespmem:s0+$0xFFFFFF80]  }
0x158: {  	v15 =	vld [tilespmem:s0+$0xFFFFFF90]  }
0x159: {  	v8 =	vmul.f32 v8, v6;
	v9 =	vmul.f32 v9, v11;
	v16 =	vld [tilespmem:s0+$0xFFFFFFD0]  }
0x15a: {  	v17 =	vld [tilespmem:s0+$0xFFFFFFB0];
	v10 =	vmul.f32 v10, v12  }
0x15b: {  	v6 =	vmul.f32 v13, v6;
	[tilespmem:s0+$0xFFFFFFF0] =	vst v8  }
0x15c: {  	[tilespmem:s0+$0xFFFFFFC0] =	vst v10  }
0x15d: {  	v8 =	vmul.f32 v14, v7;
	v7 =	vmul.f32 v15, v7;
	[tilespmem:s0+$0xFFFFFFA0] =	vst v9  }
0x15e: {  	v9 =	vmul.f32 v16, v12;
	[tilespmem:s0+$0xFFFFFFE0] =	vst v6  }
0x15f: {  	[tilespmem:s0+$0xFFFFFF90] =	vst v7;
	v6 =	vmul.f32 v17, v11  }
0x160: {  	[tilespmem:s0+$0xFFFFFFD0] =	vst v9  }
0x161: {  	[tilespmem:s0+$0xFFFFFF80] =	vst v8  }
0x162: {  	[tilespmem:s0+$0xFFFFFFB0] =	vst v6  }
0x163: {  	v6 =	vld [tilespmem:s21+$0x1B210]  }
0x164: {  	v7 =	vld [tilespmem:s21+$0x1BC10];
	_ =	sdelay $0x4  }
0x165: {  	v6 =	vadd.f32 v7, v6;
	_ =	sdelay $0x1  }
0x166: {  	v7 =	vmul.f32 $2.000000030e-01, v6  }
.Ltmp4:
0x167: {  	(pc) =	sbr.rel @p0 .LBB2_11-.Ltmp4, $3  }
0x168: {  	v6 =	vmax.f32 v6, v7  }
0x169: {  	v6 =	vmul.f32 $1.442695020e+00, v6;
	_ =	sdelay $0x1  }
0x16a: {  	(erf) = vpow2.f32 v6  }
0x16b: {  	_ =	sdelay $0x7  }
0x16c: {  	v6 =	vpop (erf)  }
0x16d: {  	[tilespmem:s21+$0x1B210] =	vst v6  }
0x16e: {  	v7 =	vld [tilespmem:s11+$0x0]  }
0x16f: {  	v8 =	vld [tilespmem:s11+$0x10]  }
0x170: {  	v9 =	vld [tilespmem:s11+$0x20]  }
0x171: {  	v10 =	vperm.xlane v6, v0;
	v11 =	vld [tilespmem:s11+$0x30]  }
0x172: {  	v12 =	vld [tilespmem:s11+$0x40]  }
0x173: {  	v13 =	vperm.xlane v6, v1;
	v14 =	vld [tilespmem:s11+$0x50];
	v7 =	vmul.f32 v7, v10  }
0x174: {  	v60 =	vld [tilespmem:s11+$0x60];
	v8 =	vmul.f32 v8, v10  }
0x175: {  	v61 =	vperm.xlane v6, v2;
	v15 =	vld [tilespmem:s11+$0x70];
	[tilespmem:s11+$0x0] =	vst v7;
	v7 =	vmul.f32 v9, v13  }
0x176: {  	v62 =	vmul.f32 v11, v13;
	[tilespmem:s11+$0x10] =	vst v8  }
0x177: {  	v6 =	vperm.xlane v6, v3;
	[tilespmem:s11+$0x20] =	vst v7;
	v7 =	vmul.f32 v12, v61  }
0x178: {  	v63 =	vmul.f32 v14, v61;
	[tilespmem:s11+$0x30] =	vst v62  }
0x179: {  	[tilespmem:s11+$0x40] =	vst v7;
	v7 =	vmul.f32 v60, v6  }
0x17a: {  	p0 =	seq.s32 s1, $0x3E;
	[tilespmem:s11+$0x50] =	vst v63;
	v6 =	vmul.f32 v15, v6  }
.Ltmp5:
0x17b: {  	s0 =	simm.s32 $0x16210;
	[tilespmem:s11+$0x60] =	vst v7;
	(pc) =	sbr.rel @p0 .LBB2_16-.Ltmp5, $4  }
0x17c: {  	s19 =	simm.s32 $0x16170;
	s18 =	rddreg [dreg:$0x2];
	[tilespmem:s11+$0x70] =	vst v6;
	s11 =	simm.s32 $0x50  }
0x17d: {  	[spmem:s18] =	stream.indirect.scatter.add.f32 [tilespmem:s0], [sflag:$0x3], $0x80, s19, s11, $0xb8;
	[tilespmem:$0x1D610] =	vst v63  }
0x17e: {  	s21 =	simm.s32 $0x1B210;
	s18 =	rddreg [dreg:$0x3]  }
0x17f: {  	[spmem:s18] =	stream.indirect.scatter.add.f32 [tilespmem:s21], [sflag:$0x3], $0x10, s19, s11, $0xb8;
	[tilespmem:$0x1D610] =	vst v63  }
0x180: {  	s0 =	simm.s32 $0x2  }
0x181: {  	_ =	swait.ge [sflag:s0], $0x2800  }
0x182: {  	[sflag:s0] =	ssyncset.done $0x0  }
0x183: {  	[sflag:s0] =	ssyncadd.s32 $0xFFFFD800  }
0x184: {  	_ =	swait.ge [sflag:s0], $0x500  }
0x185: {  	[sflag:s0] =	ssyncset.done $0x0  }
0x186: {  	[sflag:s0] =	ssyncadd.s32 $0xFFFFFB00  }
0x187: {  	_ =	swait.ge [sflag:s0], $0x500  }
0x188: {  	[sflag:s0] =	ssyncset.done $0x0  }
0x189: {  	s21 =	simm.s32 $0x10;
	[sflag:s0] =	ssyncadd.s32 $0xFFFFFB00  }
0x18a: {  	v6 =	vld [tilespmem:s21+$0x1B700]  }
0x18b: {  	v7 =	vld [tilespmem:s21+$0x1C100];
	_ =	sdelay $0x4  }
0x18c: {  	v6 =	vadd.f32 v7, v6;
	_ =	sdelay $0x1  }
0x18d: {  	v7 =	vmul.f32 $2.000000030e-01, v6;
	_ =	sdelay $0x1  }
0x18e: {  	v6 =	vmax.f32 v6, v7  }
0x18f: {  	v6 =	vmul.f32 $1.442695020e+00, v6;
	_ =	sdelay $0x1  }
0x190: {  	(erf) = vpow2.f32 v6;
	_ =	sdelay $0x8  }
0x191: {  	v6 =	vpop (erf)  }
0x192: {  	s0 =	simm.s32 $0x18A90;
	[tilespmem:s21+$0x1B700] =	vst v6  }
0x193: {  	v7 =	vld [tilespmem:s0+$0xFFFFFFF0]  }
0x194: {  	v8 =	vld [tilespmem:s0+$0xFFFFFFC0]  }
0x195: {  	v9 =	vld [tilespmem:s0+$0xFFFFFFA0]  }
0x196: {  	v11 =	vperm.xlane v6, v3;
	v13 =	vld [tilespmem:s0+$0xFFFFFF90]  }
0x197: {  	v12 =	vperm.xlane v6, v2;
	v15 =	vld [tilespmem:s0+$0xFFFFFFD0]  }
0x198: {  	v14 =	vperm.xlane v6, v1;
	v10 =	vld [tilespmem:s0+$0xFFFFFFE0];
	v7 =	vmul.f32 v7, v11  }
0x199: {  	v6 =	vperm.xlane v6, v0;
	v16 =	vld [tilespmem:s0+$0xFFFFFF80];
	v8 =	vmul.f32 v8, v12  }
0x19a: {  	v17 =	vld [tilespmem:s0+$0xFFFFFFB0];
	v9 =	vmul.f32 v9, v14;
	[tilespmem:s0+$0xFFFFFFF0] =	vst v7  }
0x19b: {  	v62 =	vmul.f32 v13, v6;
	[tilespmem:s0+$0xFFFFFFC0] =	vst v8  }
0x19c: {  	v63 =	vmul.f32 v15, v12;
	[tilespmem:s0+$0xFFFFFFA0] =	vst v9  }
0x19d: {  	v7 =	vmul.f32 v10, v11;
	[tilespmem:s0+$0xFFFFFF90] =	vst v62  }
0x19e: {  	v6 =	vmul.f32 v16, v6;
	[tilespmem:s0+$0xFFFFFFD0] =	vst v63  }
0x19f: {  	[tilespmem:s0+$0xFFFFFFE0] =	vst v7;
	v7 =	vmul.f32 v17, v14  }
0x1a0: {  	[tilespmem:s0+$0xFFFFFF80] =	vst v6  }
0x1a1: {  	[tilespmem:s0+$0xFFFFFFB0] =	vst v7  }
0x1a2: {  	v6 =	vld [tilespmem:s21+$0x1B710]  }
0x1a3: {  	v7 =	vld [tilespmem:s21+$0x1C110];
	_ =	sdelay $0x4  }
0x1a4: {  	v6 =	vadd.f32 v7, v6;
	_ =	sdelay $0x1  }
0x1a5: {  	v7 =	vmul.f32 $2.000000030e-01, v6;
	_ =	sdelay $0x1  }
0x1a6: {  	v6 =	vmax.f32 v6, v7  }
0x1a7: {  	v6 =	vmul.f32 $1.442695020e+00, v6;
	_ =	sdelay $0x1  }
0x1a8: {  	s18 =	simm.s32 $0xC0;
	s11 =	simm.s32 $0x18A90;
	(erf) = vpow2.f32 v6  }
.LBB2_14:
0x1a9: {  	_ =	sdelay $0x4  }
0x1aa: {  	p0 =	sne.s32 s18, $0x13C0  }
0x1ab: {  	s0 =	sadd.s32 $0x100, s0;
	s19 =	smov.u32 s18;
	s18 =	sadd.s32 $0x80, s18  }
0x1ac: {  	_ = 	snop  }
0x1ad: {  	v6 =	vpop (erf)  }
0x1ae: {  	[tilespmem:s21+$0x1B710] =	vst v6  }
0x1af: {  	v7 =	vld [tilespmem:s11+$0x0]  }
0x1b0: {  	v8 =	vld [tilespmem:s11+$0x10]  }
0x1b1: {  	v9 =	vld [tilespmem:s11+$0x20]  }
0x1b2: {  	v10 =	vperm.xlane v6, v0;
	v11 =	vld [tilespmem:s11+$0x30]  }
0x1b3: {  	v12 =	vld [tilespmem:s11+$0x40]  }
0x1b4: {  	v13 =	vperm.xlane v6, v1;
	v7 =	vmul.f32 v7, v10;
	v14 =	vld [tilespmem:s11+$0x50]  }
0x1b5: {  	v8 =	vmul.f32 v8, v10;
	v10 =	vld [tilespmem:s11+$0x60]  }
0x1b6: {  	[tilespmem:s11+$0x0] =	vst v7;
	v7 =	vmul.f32 v9, v13;
	v9 =	vperm.xlane v6, v2;
	v15 =	vld [tilespmem:s11+$0x70]  }
0x1b7: {  	[tilespmem:s11+$0x10] =	vst v8;
	v8 =	vmul.f32 v11, v13  }
0x1b8: {  	v6 =	vperm.xlane v6, v3;
	[tilespmem:s11+$0x20] =	vst v7;
	v7 =	vmul.f32 v12, v9  }
0x1b9: {  	[tilespmem:s11+$0x30] =	vst v8;
	v8 =	vmul.f32 v14, v9  }
0x1ba: {  	[tilespmem:s11+$0x40] =	vst v7;
	v7 =	vmul.f32 v10, v6  }
0x1bb: {  	[tilespmem:s11+$0x50] =	vst v8;
	v6 =	vmul.f32 v15, v6  }
0x1bc: {  	[tilespmem:s11+$0x60] =	vst v7  }
0x1bd: {  	s21 =	sshra.s32 s19, $0x2;
	[tilespmem:s11+$0x70] =	vst v6;
	s11 =	smov.u32 s0;
	_ =	sdelay $0x1  }
0x1be: {  	v6 =	vld [tilespmem:s21+$0x1B700]  }
0x1bf: {  	v7 =	vld [tilespmem:s21+$0x1C100];
	_ =	sdelay $0x4  }
0x1c0: {  	v6 =	vadd.f32 v7, v6;
	_ =	sdelay $0x1  }
0x1c1: {  	v7 =	vmul.f32 $2.000000030e-01, v6;
	_ =	sdelay $0x1  }
0x1c2: {  	v6 =	vmax.f32 v6, v7  }
0x1c3: {  	v6 =	vmul.f32 $1.442695020e+00, v6;
	_ =	sdelay $0x1  }
0x1c4: {  	(erf) = vpow2.f32 v6;
	_ =	sdelay $0x8  }
0x1c5: {  	v6 =	vpop (erf)  }
0x1c6: {  	[tilespmem:s21+$0x1B700] =	vst v6;
	v7 =	vperm.xlane v6, v0  }
0x1c7: {  	v8 =	vld [tilespmem:s0+$0xFFFFFFF0]  }
0x1c8: {  	v9 =	vld [tilespmem:s0+$0xFFFFFFA0]  }
0x1c9: {  	v10 =	vld [tilespmem:s0+$0xFFFFFFC0]  }
0x1ca: {  	v11 =	vperm.xlane v6, v1;
	v12 =	vperm.xlane v6, v2;
	v13 =	vld [tilespmem:s0+$0xFFFFFFE0]  }
0x1cb: {  	v6 =	vperm.xlane v6, v3;
	v14 =	vld [tilespmem:s0+$0xFFFFFF80]  }
0x1cc: {  	v15 =	vld [tilespmem:s0+$0xFFFFFF90]  }
0x1cd: {  	v8 =	vmul.f32 v8, v6;
	v9 =	vmul.f32 v9, v11;
	v16 =	vld [tilespmem:s0+$0xFFFFFFD0]  }
0x1ce: {  	v17 =	vld [tilespmem:s0+$0xFFFFFFB0];
	v10 =	vmul.f32 v10, v12  }
0x1cf: {  	v6 =	vmul.f32 v13, v6;
	[tilespmem:s0+$0xFFFFFFF0] =	vst v8  }
0x1d0: {  	[tilespmem:s0+$0xFFFFFFC0] =	vst v10  }
0x1d1: {  	v8 =	vmul.f32 v14, v7;
	v7 =	vmul.f32 v15, v7;
	[tilespmem:s0+$0xFFFFFFA0] =	vst v9  }
0x1d2: {  	v9 =	vmul.f32 v16, v12;
	[tilespmem:s0+$0xFFFFFFE0] =	vst v6  }
0x1d3: {  	[tilespmem:s0+$0xFFFFFF90] =	vst v7;
	v6 =	vmul.f32 v17, v11  }
0x1d4: {  	[tilespmem:s0+$0xFFFFFFD0] =	vst v9  }
0x1d5: {  	[tilespmem:s0+$0xFFFFFF80] =	vst v8  }
0x1d6: {  	[tilespmem:s0+$0xFFFFFFB0] =	vst v6  }
0x1d7: {  	v6 =	vld [tilespmem:s21+$0x1B710]  }
0x1d8: {  	v7 =	vld [tilespmem:s21+$0x1C110];
	_ =	sdelay $0x4  }
0x1d9: {  	v6 =	vadd.f32 v7, v6;
	_ =	sdelay $0x1  }
0x1da: {  	v7 =	vmul.f32 $2.000000030e-01, v6  }
.Ltmp6:
0x1db: {  	(pc) =	sbr.rel @p0 .LBB2_14-.Ltmp6, $3  }
0x1dc: {  	v6 =	vmax.f32 v6, v7  }
0x1dd: {  	v6 =	vmul.f32 $1.442695020e+00, v6;
	_ =	sdelay $0x1  }
0x1de: {  	(erf) = vpow2.f32 v6  }
0x1df: {  	_ =	sdelay $0x7  }
0x1e0: {  	v6 =	vpop (erf)  }
0x1e1: {  	[tilespmem:s21+$0x1B710] =	vst v6  }
0x1e2: {  	v7 =	vld [tilespmem:s11+$0x0]  }
0x1e3: {  	v8 =	vld [tilespmem:s11+$0x10]  }
0x1e4: {  	v9 =	vld [tilespmem:s11+$0x20]  }
0x1e5: {  	v10 =	vperm.xlane v6, v0;
	v11 =	vld [tilespmem:s11+$0x30]  }
0x1e6: {  	v12 =	vld [tilespmem:s11+$0x40]  }
0x1e7: {  	v13 =	vperm.xlane v6, v1;
	v14 =	vld [tilespmem:s11+$0x50];
	v7 =	vmul.f32 v7, v10  }
0x1e8: {  	v60 =	vld [tilespmem:s11+$0x60];
	v8 =	vmul.f32 v8, v10  }
0x1e9: {  	v61 =	vperm.xlane v6, v2;
	v15 =	vld [tilespmem:s11+$0x70];
	[tilespmem:s11+$0x0] =	vst v7;
	v7 =	vmul.f32 v9, v13  }
0x1ea: {  	v62 =	vmul.f32 v11, v13;
	[tilespmem:s11+$0x10] =	vst v8  }
0x1eb: {  	v6 =	vperm.xlane v6, v3;
	[tilespmem:s11+$0x20] =	vst v7;
	v7 =	vmul.f32 v12, v61  }
0x1ec: {  	v63 =	vmul.f32 v14, v61;
	[tilespmem:s11+$0x30] =	vst v62  }
0x1ed: {  	[tilespmem:s11+$0x40] =	vst v7;
	v7 =	vmul.f32 v60, v6  }
0x1ee: {  	[tilespmem:s11+$0x50] =	vst v63;
	v6 =	vmul.f32 v15, v6  }
.Ltmp7:
0x1ef: {  	s14 =	simm.s32 $0x50;
	[tilespmem:s11+$0x60] =	vst v7;
	(pc) =	sbr.rel .LBB2_6-.Ltmp7, $4  }
0x1f0: {  	s0 =	simm.s32 $0x18A10;
	s15 =	simm.s32 $0x161C0;
	s18 =	rddreg [dreg:$0x2];
	[tilespmem:s11+$0x70] =	vst v6  }
0x1f1: {  	[spmem:s18] =	stream.indirect.scatter.add.f32 [tilespmem:s0], [sflag:$0x4], $0x80, s15, s14, $0xb8;
	[tilespmem:$0x1D610] =	vst v63  }
0x1f2: {  	s19 =	rddreg [dreg:$0x3];
	s1 =	sadd.s32 $0x1, s1;
	s21 =	simm.s32 $0x1B710  }
0x1f3: {  	[spmem:s19] =	stream.indirect.scatter.add.f32 [tilespmem:s21], [sflag:$0x4], $0x10, s15, s14, $0xb8;
	[tilespmem:$0x1D610] =	vst v63  }
.LBB2_16:
0x1f4: {  	s0 =	simm.s32 $0x3  }
0x1f5: {  	_ =	swait.ge [sflag:s0], $0x2800  }
0x1f6: {  	[sflag:s0] =	ssyncset.done $0x0  }
0x1f7: {  	[sflag:s0] =	ssyncadd.s32 $0xFFFFD800  }
0x1f8: {  	_ =	swait.ge [sflag:s0], $0x500  }
0x1f9: {  	[sflag:s0] =	ssyncset.done $0x0  }
0x1fa: {  	s23 =	simm.s32 $0x4;
	[sflag:s0] =	ssyncadd.s32 $0xFFFFFB00  }
0x1fb: {  	_ =	swait.ge [sflag:s23], $0x2800  }
0x1fc: {  	[sflag:s23] =	ssyncset.done $0x0  }
0x1fd: {  	[sflag:s23] =	ssyncadd.s32 $0xFFFFD800  }
0x1fe: {  	_ =	swait.ge [sflag:s23], $0x500  }
0x1ff: {  	[sflag:s23] =	ssyncset.done $0x0  }
0x200: {  	[sflag:s23] =	ssyncadd.s32 $0xFFFFFB00  }
0x201: {  	[bflag:$0x0] =	sbarrier.arrive $0xFFFF  }
0x202: {  	s11 =	simm.s32 $0x0;
	s23 =	rddreg [dreg:$0x2]  }
.LBB2_17:
0x203: {  	s0 =	sshll.u32 s11, $0x5;
	s18 =	rddreg [dreg:$0x16]  }
0x204: {  	s0 =	sadd.s32 s18, s0  }
0x205: {  	s18 =	sshll.u32 s0, $0x7  }
0x206: {  	s18 =	sand.u32 $0x3FFFFF80, s18  }
0x207: {  	s19 =	sadd.s32 s18, s23;
	s18 =	simm.s32 $0x1C610  }
0x208: {  	[tilespmem:s18], [sflag:$0x6] =	stream.linear.gather [spmem:s19], $0x1000, $0x38;
	[tilespmem:$0x1D610] =	vst v63  }
0x209: {  	_ =	swait.ge [sflag:s26], $0x1000  }
0x20a: {  	s23 =	rddreg [dreg:$0x10];
	[sflag:s26] =	ssyncset.done $0x0  }
0x20b: {  	s21 =	sadd.s32 s23, s0;
	[sflag:s26] =	ssyncadd.s32 $0xFFFFF000  }
0x20c: {  	s19 =	sshll.u32 s21, $0x4;
	s1 =	rddreg [dreg:$0x1]  }
0x20d: {  	s19 =	sadd.s32 s1, s19;
	s1 =	simm.s32 $0x0  }
0x20e: {  	[hbm4b:s19+s1] =	stream.linear.scatter [tilespmem:s18], [sflag:$0x6], $0x1000, $0x38;
	[tilespmem:$0x1D610] =	vst v63  }
0x20f: {  	_ =	swait.ge [sflag:s26], $0x1000  }
0x210: {  	[sflag:s26] =	ssyncset.done $0x0  }
0x211: {  	s0 =	sshll.u32 s0, $0x4;
	[sflag:s26] =	ssyncadd.s32 $0xFFFFF000  }
0x212: {  	s0 =	sand.u32 $0x3FFFFFF0, s0;
	s23 =	rddreg [dreg:$0x3]  }
0x213: {  	s0 =	sadd.s32 s0, s23  }
0x214: {  	[tilespmem:s18], [sflag:$0x6] =	stream.linear.gather [spmem:s0], $0x10, $0x38;
	[tilespmem:$0x1D610] =	vst v63  }
0x215: {  	s1 =	simm.s32 $0x1C690;
	s19 =	sadd.s32 $0x10, s0  }
0x216: {  	[tilespmem:s1], [sflag:$0x6] =	stream.linear.gather [spmem:s19], $0x10, $0x38;
	[tilespmem:$0x1D610] =	vst v63  }
0x217: {  	s23 =	sadd.s32 $0x20, s0;
	s1 =	simm.s32 $0x1C710  }
0x218: {  	[tilespmem:s1], [sflag:$0x6] =	stream.linear.gather [spmem:s23], $0x10, $0x38;
	[tilespmem:$0x1D610] =	vst v63  }
0x219: {  	s1 =	sadd.s32 $0x30, s0;
	s23 =	simm.s32 $0x1C790  }
0x21a: {  	[tilespmem:s23], [sflag:$0x6] =	stream.linear.gather [spmem:s1], $0x10, $0x38;
	[tilespmem:$0x1D610] =	vst v63  }
0x21b: {  	s1 =	sadd.s32 $0x40, s0;
	s23 =	simm.s32 $0x1C810  }
0x21c: {  	[tilespmem:s23], [sflag:$0x6] =	stream.linear.gather [spmem:s1], $0x10, $0x38;
	[tilespmem:$0x1D610] =	vst v63  }
0x21d: {  	s1 =	sadd.s32 $0x50, s0;
	s23 =	simm.s32 $0x1C890  }
0x21e: {  	[tilespmem:s23], [sflag:$0x6] =	stream.linear.gather [spmem:s1], $0x10, $0x38;
	[tilespmem:$0x1D610] =	vst v63  }
0x21f: {  	s1 =	sadd.s32 $0x60, s0;
	s23 =	simm.s32 $0x1C910  }
0x220: {  	[tilespmem:s23], [sflag:$0x6] =	stream.linear.gather [spmem:s1], $0x10, $0x38;
	[tilespmem:$0x1D610] =	vst v63  }
0x221: {  	s1 =	sadd.s32 $0x70, s0  }
0x222: {  	[tilespmem:s16], [sflag:$0x6] =	stream.linear.gather [spmem:s1], $0x10, $0x38;
	[tilespmem:$0x1D610] =	vst v63  }
0x223: {  	s23 =	sadd.s32 $0x80, s0  }
0x224: {  	[tilespmem:s5], [sflag:$0x6] =	stream.linear.gather [spmem:s23], $0x10, $0x38;
	[tilespmem:$0x1D610] =	vst v63  }
0x225: {  	s1 =	sadd.s32 $0x90, s0  }
0x226: {  	[tilespmem:s6], [sflag:$0x6] =	stream.linear.gather [spmem:s1], $0x10, $0x38;
	[tilespmem:$0x1D610] =	vst v63  }
0x227: {  	s23 =	sadd.s32 $0xA0, s0  }
0x228: {  	[tilespmem:s20], [sflag:$0x6] =	stream.linear.gather [spmem:s23], $0x10, $0x38;
	[tilespmem:$0x1D610] =	vst v63  }
0x229: {  	s1 =	sadd.s32 $0xB0, s0  }
0x22a: {  	[tilespmem:s7], [sflag:$0x6] =	stream.linear.gather [spmem:s1], $0x10, $0x38;
	[tilespmem:$0x1D610] =	vst v63  }
0x22b: {  	s23 =	sadd.s32 $0xC0, s0  }
0x22c: {  	[tilespmem:s8], [sflag:$0x6] =	stream.linear.gather [spmem:s23], $0x10, $0x38;
	[tilespmem:$0x1D610] =	vst v63  }
0x22d: {  	s1 =	sadd.s32 $0xD0, s0  }
0x22e: {  	[tilespmem:s9], [sflag:$0x6] =	stream.linear.gather [spmem:s1], $0x10, $0x38;
	[tilespmem:$0x1D610] =	vst v63  }
0x22f: {  	s23 =	sadd.s32 $0xE0, s0  }
0x230: {  	[tilespmem:s10], [sflag:$0x6] =	stream.linear.gather [spmem:s23], $0x10, $0x38;
	[tilespmem:$0x1D610] =	vst v63  }
0x231: {  	s1 =	sadd.s32 $0xF0, s0  }
0x232: {  	[tilespmem:s12], [sflag:$0x6] =	stream.linear.gather [spmem:s1], $0x10, $0x38;
	[tilespmem:$0x1D610] =	vst v63  }
0x233: {  	s23 =	sadd.s32 $0x100, s0  }
0x234: {  	[tilespmem:s13], [sflag:$0x6] =	stream.linear.gather [spmem:s23], $0x10, $0x38;
	[tilespmem:$0x1D610] =	vst v63  }
0x235: {  	s1 =	sadd.s32 $0x110, s0  }
0x236: {  	[tilespmem:s17], [sflag:$0x6] =	stream.linear.gather [spmem:s1], $0x10, $0x38;
	[tilespmem:$0x1D610] =	vst v63  }
0x237: {  	s23 =	sadd.s32 $0x120, s0  }
0x238: {  	[tilespmem:s24], [sflag:$0x6] =	stream.linear.gather [spmem:s23], $0x10, $0x38;
	[tilespmem:$0x1D610] =	vst v63  }
0x239: {  	s1 =	sadd.s32 $0x130, s0  }
0x23a: {  	[tilespmem:s2], [sflag:$0x6] =	stream.linear.gather [spmem:s1], $0x10, $0x38;
	[tilespmem:$0x1D610] =	vst v63  }
0x23b: {  	s23 =	sadd.s32 $0x140, s0  }
0x23c: {  	[tilespmem:s3], [sflag:$0x6] =	stream.linear.gather [spmem:s23], $0x10, $0x38;
	[tilespmem:$0x1D610] =	vst v63  }
0x23d: {  	s1 =	sadd.s32 $0x150, s0  }
0x23e: {  	[tilespmem:s28], [sflag:$0x6] =	stream.linear.gather [spmem:s1], $0x10, $0x38;
	[tilespmem:$0x1D610] =	vst v63  }
0x23f: {  	s23 =	sadd.s32 $0x160, s0  }
0x240: {  	[tilespmem:s29], [sflag:$0x6] =	stream.linear.gather [spmem:s23], $0x10, $0x38;
	[tilespmem:$0x1D610] =	vst v63  }
0x241: {  	s1 =	sadd.s32 $0x170, s0  }
0x242: {  	[tilespmem:s30], [sflag:$0x6] =	stream.linear.gather [spmem:s1], $0x10, $0x38;
	[tilespmem:$0x1D610] =	vst v63  }
0x243: {  	s23 =	sadd.s32 $0x180, s0  }
0x244: {  	[tilespmem:s31], [sflag:$0x6] =	stream.linear.gather [spmem:s23], $0x10, $0x38;
	[tilespmem:$0x1D610] =	vst v63  }
0x245: {  	s1 =	sadd.s32 $0x190, s0  }
0x246: {  	[tilespmem:s22], [sflag:$0x6] =	stream.linear.gather [spmem:s1], $0x10, $0x38;
	[tilespmem:$0x1D610] =	vst v63  }
0x247: {  	s23 =	sadd.s32 $0x1A0, s0  }
0x248: {  	[tilespmem:s25], [sflag:$0x6] =	stream.linear.gather [spmem:s23], $0x10, $0x38;
	[tilespmem:$0x1D610] =	vst v63  }
0x249: {  	s1 =	sadd.s32 $0x1B0, s0;
	s23 =	simm.s32 $0x1D390  }
0x24a: {  	[tilespmem:s23], [sflag:$0x6] =	stream.linear.gather [spmem:s1], $0x10, $0x38;
	[tilespmem:$0x1D610] =	vst v63  }
0x24b: {  	s1 =	sadd.s32 $0x1C0, s0;
	s23 =	simm.s32 $0x1D410  }
0x24c: {  	[tilespmem:s23], [sflag:$0x6] =	stream.linear.gather [spmem:s1], $0x10, $0x38;
	[tilespmem:$0x1D610] =	vst v63  }
0x24d: {  	s1 =	sadd.s32 $0x1D0, s0;
	s23 =	simm.s32 $0x1D490  }
0x24e: {  	[tilespmem:s23], [sflag:$0x6] =	stream.linear.gather [spmem:s1], $0x10, $0x38;
	[tilespmem:$0x1D610] =	vst v63  }
0x24f: {  	s1 =	sadd.s32 $0x1E0, s0  }
0x250: {  	[tilespmem:s14], [sflag:$0x6] =	stream.linear.gather [spmem:s1], $0x10, $0x38;
	[tilespmem:$0x1D610] =	vst v63  }
0x251: {  	s0 =	sadd.s32 $0x1F0, s0  }
0x252: {  	[tilespmem:s15], [sflag:$0x6] =	stream.linear.gather [spmem:s0], $0x10, $0x38;
	[tilespmem:$0x1D610] =	vst v63  }
0x253: {  	_ =	swait.ge [sflag:s26], $0x200  }
0x254: {  	s21 =	sshll.u32 s21, $0x1;
	s23 =	rddreg [dreg:$0xd]  }
0x255: {  	s19 =	simm.s32 $0x1C690;
	[sflag:s26] =	ssyncset.done $0x0;
	s21 =	sadd.s32 s23, s21  }
0x256: {  	s0 =	simm.s32 $0x2;
	[sflag:s26] =	ssyncadd.s32 $0xFFFFFE00;
	s23 =	sadd.s32 $0x0, s21  }
.LBB2_18:
0x257: {  	[hbm4b:s23+s4] =	stream.linear.scatter [tilespmem:s18], [sflag:$0x6], $0x10, $0x38;
	[tilespmem:$0x1D610] =	vst v63  }
0x258: {  	s23 =	smov.u32 s0;
	s18 =	smov.u32 s19;
	p0 =	sne.s32 s0, $0x3E  }
.Ltmp8:
0x259: {  	s0 =	sadd.s32 $0x2, s0;
	(pc) =	sbr.rel @p0 .LBB2_18-.Ltmp8, $2  }
0x25a: {  	_ =	sdelay $0x2  }
0x25b: {  	s19 =	sadd.s32 $0x80, s19;
	s23 =	sadd.s32 s23, s21  }
0x25c: {  	[hbm4b:s23+s4] =	stream.linear.scatter [tilespmem:s18], [sflag:$0x6], $0x10, $0x38;
	[tilespmem:$0x1D610] =	vst v63  }
0x25d: {  	s11 =	sadd.s32 $0x1, s11  }
0x25e: {  	p0 =	sne.s32 s11, $0x14  }
.Ltmp9:
0x25f: {  	_ = 	snop;
	(pc) =	sbr.rel @p0 .LBB2_17-.Ltmp9, $4  }
0x260: {  	_ =	swait.ge [sflag:s26], $0x200  }
0x261: {  	[sflag:s26] =	ssyncset.done $0x0  }
0x262: {  	[sflag:s26] =	ssyncadd.s32 $0xFFFFFE00  }
0x263: {  	s18 =	simm.s32 $0x0;
	s23 =	rddreg [dreg:$0x2]  }
0x264: {  	s0 =	sshra.s32 s18, $0x2;
	s11 =	sadd.s32 $0x200, s18  }
.LBB2_21:
0x265: {  	p0 =	sne.s32 s11, $0x3E00;
	[tilespmem:s0+$0x1C680] =	vst v5  }
0x266: {  	[tilespmem:s0+$0x1C610] =	vst v5  }
0x267: {  	[tilespmem:s0+$0x1C620] =	vst v5  }
.Ltmp10:
0x268: {  	[tilespmem:s0+$0x1C630] =	vst v5;
	(pc) =	sbr.rel @p0 .LBB2_21-.Ltmp10, $4  }
0x269: {  	[tilespmem:s0+$0x1C640] =	vst v5  }
0x26a: {  	[tilespmem:s0+$0x1C650] =	vst v5  }
0x26b: {  	[tilespmem:s0+$0x1C660] =	vst v5  }
0x26c: {  	[tilespmem:s0+$0x1C670] =	vst v5;
	s0 =	sshra.s32 s11, $0x2;
	s11 =	sadd.s32 $0x200, s11  }
0x26d: {  	[tilespmem:s0+$0x1C680] =	vst v5  }
0x26e: {  	[tilespmem:s0+$0x1C610] =	vst v5  }
0x26f: {  	[tilespmem:s0+$0x1C620] =	vst v5  }
0x270: {  	[tilespmem:s0+$0x1C630] =	vst v5  }
0x271: {  	[tilespmem:s0+$0x1C640] =	vst v5  }
0x272: {  	[tilespmem:s0+$0x1C650] =	vst v5  }
0x273: {  	[tilespmem:s0+$0x1C660] =	vst v5  }
0x274: {  	[tilespmem:s0+$0x1C670] =	vst v5;
	s18 =	rddreg [dreg:$0x15];
	s21 =	simm.s32 $0x1C610  }
0x275: {  	[spmem:s18] =	stream.linear.scatter [tilespmem:s21], [sflag:$0x6], $0x1000, $0x38;
	[tilespmem:$0x1D610] =	vst v63  }
0x276: {  	_ =	swait.ge [sflag:s26], $0x1000  }
0x277: {  	[sflag:s26] =	ssyncset.done $0x0;
	s25 =	rddreg [dreg:$0x17]  }
0x278: {  	[sflag:s26] =	ssyncadd.s32 $0xFFFFF000;
	s0 =	sadd.s32 $0x0, s25  }
0x279: {  	[spmem:s0] =	stream.linear.scatter [tilespmem:s21], [sflag:$0x6], $0x10, $0x38;
	[tilespmem:$0x1D610] =	vst v63  }
0x27a: {  	s1 =	simm.s32 $0x1C690;
	s11 =	sadd.s32 $0x10, s0  }
0x27b: {  	[spmem:s11] =	stream.linear.scatter [tilespmem:s1], [sflag:$0x6], $0x10, $0x38;
	[tilespmem:$0x1D610] =	vst v63  }
0x27c: {  	s7 =	simm.s32 $0x1C710;
	s6 =	sadd.s32 $0x20, s0  }
0x27d: {  	[spmem:s6] =	stream.linear.scatter [tilespmem:s7], [sflag:$0x6], $0x10, $0x38;
	[tilespmem:$0x1D610] =	vst v63  }
0x27e: {  	s9 =	simm.s32 $0x1C790;
	s8 =	sadd.s32 $0x30, s0  }
0x27f: {  	[spmem:s8] =	stream.linear.scatter [tilespmem:s9], [sflag:$0x6], $0x10, $0x38;
	[tilespmem:$0x1D610] =	vst v63  }
0x280: {  	s12 =	simm.s32 $0x1C810;
	s10 =	sadd.s32 $0x40, s0  }
0x281: {  	[spmem:s10] =	stream.linear.scatter [tilespmem:s12], [sflag:$0x6], $0x10, $0x38;
	[tilespmem:$0x1D610] =	vst v63  }
0x282: {  	s14 =	simm.s32 $0x1C890;
	s13 =	sadd.s32 $0x50, s0  }
0x283: {  	[spmem:s13] =	stream.linear.scatter [tilespmem:s14], [sflag:$0x6], $0x10, $0x38;
	[tilespmem:$0x1D610] =	vst v63  }
0x284: {  	s16 =	simm.s32 $0x1C910;
	s15 =	sadd.s32 $0x60, s0  }
0x285: {  	[spmem:s15] =	stream.linear.scatter [tilespmem:s16], [sflag:$0x6], $0x10, $0x38;
	[tilespmem:$0x1D610] =	vst v63  }
0x286: {  	s19 =	simm.s32 $0x1C990;
	s17 =	sadd.s32 $0x70, s0  }
0x287: {  	[spmem:s17] =	stream.linear.scatter [tilespmem:s19], [sflag:$0x6], $0x10, $0x38;
	[tilespmem:$0x1D610] =	vst v63  }
0x288: {  	s22 =	simm.s32 $0x1CA10;
	s20 =	sadd.s32 $0x80, s0  }
0x289: {  	[spmem:s20] =	stream.linear.scatter [tilespmem:s22], [sflag:$0x6], $0x10, $0x38;
	[tilespmem:$0x1D610] =	vst v63  }
0x28a: {  	s23 =	sadd.s32 $0x90, s0;
	s20 =	simm.s32 $0x1CA90  }
0x28b: {  	[spmem:s23] =	stream.linear.scatter [tilespmem:s20], [sflag:$0x6], $0x10, $0x38;
	[tilespmem:$0x1D610] =	vst v63  }
0x28c: {  	s24 =	sadd.s32 $0xA0, s0;
	s7 =	simm.s32 $0x1CB10  }
0x28d: {  	[spmem:s24] =	stream.linear.scatter [tilespmem:s7], [sflag:$0x6], $0x10, $0x38;
	[tilespmem:$0x1D610] =	vst v63  }
0x28e: {  	s1 =	sadd.s32 $0xB0, s0;
	s8 =	simm.s32 $0x1CB90  }
0x28f: {  	[spmem:s1] =	stream.linear.scatter [tilespmem:s8], [sflag:$0x6], $0x10, $0x38;
	[tilespmem:$0x1D610] =	vst v63  }
0x290: {  	s2 =	sadd.s32 $0xC0, s0;
	s9 =	simm.s32 $0x1CC10  }
0x291: {  	[spmem:s2] =	stream.linear.scatter [tilespmem:s9], [sflag:$0x6], $0x10, $0x38;
	[tilespmem:$0x1D610] =	vst v63  }
0x292: {  	s3 =	sadd.s32 $0xD0, s0;
	s10 =	simm.s32 $0x1CC90  }
0x293: {  	[spmem:s3] =	stream.linear.scatter [tilespmem:s10], [sflag:$0x6], $0x10, $0x38;
	[tilespmem:$0x1D610] =	vst v63  }
0x294: {  	s5 =	sadd.s32 $0xE0, s0;
	s12 =	simm.s32 $0x1CD10  }
0x295: {  	[spmem:s5] =	stream.linear.scatter [tilespmem:s12], [sflag:$0x6], $0x10, $0x38;
	[tilespmem:$0x1D610] =	vst v63  }
0x296: {  	s6 =	sadd.s32 $0xF0, s0;
	s13 =	simm.s32 $0x1CD90  }
0x297: {  	[spmem:s6] =	stream.linear.scatter [tilespmem:s13], [sflag:$0x6], $0x10, $0x38;
	[tilespmem:$0x1D610] =	vst v63  }
0x298: {  	s14 =	sadd.s32 $0x100, s0;
	s17 =	simm.s32 $0x1CE10  }
0x299: {  	[spmem:s14] =	stream.linear.scatter [tilespmem:s17], [sflag:$0x6], $0x10, $0x38;
	[tilespmem:$0x1D610] =	vst v63  }
0x29a: {  	s15 =	sadd.s32 $0x110, s0;
	s24 =	simm.s32 $0x1CE90  }
0x29b: {  	[spmem:s15] =	stream.linear.scatter [tilespmem:s24], [sflag:$0x6], $0x10, $0x38;
	[tilespmem:$0x1D610] =	vst v63  }
0x29c: {  	s16 =	sadd.s32 $0x120, s0;
	s2 =	simm.s32 $0x1CF10  }
0x29d: {  	[spmem:s16] =	stream.linear.scatter [tilespmem:s2], [sflag:$0x6], $0x10, $0x38;
	[tilespmem:$0x1D610] =	vst v63  }
0x29e: {  	s19 =	sadd.s32 $0x130, s0;
	s3 =	simm.s32 $0x1CF90  }
0x29f: {  	[spmem:s19] =	stream.linear.scatter [tilespmem:s3], [sflag:$0x6], $0x10, $0x38;
	[tilespmem:$0x1D610] =	vst v63  }
0x2a0: {  	s28 =	simm.s32 $0x1D010;
	s22 =	sadd.s32 $0x140, s0  }
0x2a1: {  	[spmem:s22] =	stream.linear.scatter [tilespmem:s28], [sflag:$0x6], $0x10, $0x38;
	[tilespmem:$0x1D610] =	vst v63  }
0x2a2: {  	s29 =	simm.s32 $0x1D090;
	s23 =	sadd.s32 $0x150, s0  }
0x2a3: {  	[spmem:s23] =	stream.linear.scatter [tilespmem:s29], [sflag:$0x6], $0x10, $0x38;
	[tilespmem:$0x1D610] =	vst v63  }
0x2a4: {  	s30 =	simm.s32 $0x1D110;
	s1 =	sadd.s32 $0x160, s0  }
0x2a5: {  	[spmem:s1] =	stream.linear.scatter [tilespmem:s30], [sflag:$0x6], $0x10, $0x38;
	[tilespmem:$0x1D610] =	vst v63  }
0x2a6: {  	s31 =	simm.s32 $0x1D190;
	s5 =	sadd.s32 $0x170, s0  }
0x2a7: {  	[spmem:s5] =	stream.linear.scatter [tilespmem:s31], [sflag:$0x6], $0x10, $0x38;
	[tilespmem:$0x1D610] =	vst v63  }
0x2a8: {  	s6 =	sadd.s32 $0x180, s0;
	s22 =	simm.s32 $0x1D210  }
0x2a9: {  	[spmem:s6] =	stream.linear.scatter [tilespmem:s22], [sflag:$0x6], $0x10, $0x38;
	[tilespmem:$0x1D610] =	vst v63  }
0x2aa: {  	s14 =	sadd.s32 $0x190, s0;
	s23 =	simm.s32 $0x1D290  }
0x2ab: {  	[spmem:s14] =	stream.linear.scatter [tilespmem:s23], [sflag:$0x6], $0x10, $0x38;
	[tilespmem:$0x1D610] =	vst v63  }
0x2ac: {  	s15 =	sadd.s32 $0x1A0, s0;
	s1 =	simm.s32 $0x1D310  }
0x2ad: {  	[spmem:s15] =	stream.linear.scatter [tilespmem:s1], [sflag:$0x6], $0x10, $0x38;
	[tilespmem:$0x1D610] =	vst v63  }
0x2ae: {  	s16 =	sadd.s32 $0x1B0, s0;
	s14 =	simm.s32 $0x1D390  }
0x2af: {  	[spmem:s16] =	stream.linear.scatter [tilespmem:s14], [sflag:$0x6], $0x10, $0x38;
	[tilespmem:$0x1D610] =	vst v63  }
0x2b0: {  	s19 =	sadd.s32 $0x1C0, s0;
	s15 =	simm.s32 $0x1D410  }
0x2b1: {  	[spmem:s19] =	stream.linear.scatter [tilespmem:s15], [sflag:$0x6], $0x10, $0x38;
	[tilespmem:$0x1D610] =	vst v63  }
0x2b2: {  	s5 =	sadd.s32 $0x1D0, s0;
	s16 =	simm.s32 $0x1D490  }
0x2b3: {  	[spmem:s5] =	stream.linear.scatter [tilespmem:s16], [sflag:$0x6], $0x10, $0x38;
	[tilespmem:$0x1D610] =	vst v63  }
0x2b4: {  	s6 =	sadd.s32 $0x1E0, s0;
	s5 =	simm.s32 $0x1D510  }
0x2b5: {  	[spmem:s6] =	stream.linear.scatter [tilespmem:s5], [sflag:$0x6], $0x10, $0x38;
	[tilespmem:$0x1D610] =	vst v63  }
0x2b6: {  	s0 =	sadd.s32 $0x1F0, s0;
	s19 =	simm.s32 $0x1D590  }
0x2b7: {  	[spmem:s0] =	stream.linear.scatter [tilespmem:s19], [sflag:$0x6], $0x10, $0x38;
	[tilespmem:$0x1D610] =	vst v63  }
0x2b8: {  	_ =	swait.ge [sflag:s26], $0x200  }
0x2b9: {  	s11 =	smov.u32 s18;
	s0 =	simm.s32 $0x800;
	[sflag:s26] =	ssyncset.done $0x0  }
.LBB2_23:
0x2ba: {  	p0 =	sne.s32 s0, $0x9800;
	[sflag:s26] =	ssyncadd.s32 $0xFFFFFE00;
	s11 =	sadd.s32 $0x1000, s11  }
0x2bb: {  	s18 =	smov.u32 s0;
	s0 =	sadd.s32 $0x800, s0  }
0x2bc: {  	[spmem:s11] =	stream.linear.scatter [tilespmem:s21], [sflag:$0x6], $0x1000, $0x38;
	[tilespmem:$0x1D610] =	vst v63  }
0x2bd: {  	_ =	swait.ge [sflag:s26], $0x1000  }
0x2be: {  	s18 =	sshra.s32 s18, $0x2;
	[sflag:s26] =	ssyncset.done $0x0  }
0x2bf: {  	s18 =	sadd.s32 s18, s25;
	[sflag:s26] =	ssyncadd.s32 $0xFFFFF000  }
0x2c0: {  	[spmem:s18] =	stream.linear.scatter [tilespmem:s21], [sflag:$0x6], $0x10, $0x38;
	[tilespmem:$0x1D610] =	vst v63  }
0x2c1: {  	s5 =	simm.s32 $0x1D510;
	s6 =	simm.s32 $0x1C690;
	s19 =	sadd.s32 $0x10, s18  }
0x2c2: {  	[spmem:s19] =	stream.linear.scatter [tilespmem:s6], [sflag:$0x6], $0x10, $0x38;
	[tilespmem:$0x1D610] =	vst v63  }
0x2c3: {  	s19 =	sadd.s32 $0x20, s18;
	s6 =	simm.s32 $0x1C710  }
0x2c4: {  	[spmem:s19] =	stream.linear.scatter [tilespmem:s6], [sflag:$0x6], $0x10, $0x38;
	[tilespmem:$0x1D610] =	vst v63  }
0x2c5: {  	s19 =	sadd.s32 $0x30, s18;
	s6 =	simm.s32 $0x1C790  }
0x2c6: {  	[spmem:s19] =	stream.linear.scatter [tilespmem:s6], [sflag:$0x6], $0x10, $0x38;
	[tilespmem:$0x1D610] =	vst v63  }
0x2c7: {  	s19 =	sadd.s32 $0x40, s18;
	s6 =	simm.s32 $0x1C810  }
0x2c8: {  	[spmem:s19] =	stream.linear.scatter [tilespmem:s6], [sflag:$0x6], $0x10, $0x38;
	[tilespmem:$0x1D610] =	vst v63  }
0x2c9: {  	s19 =	sadd.s32 $0x50, s18;
	s6 =	simm.s32 $0x1C890  }
0x2ca: {  	[spmem:s19] =	stream.linear.scatter [tilespmem:s6], [sflag:$0x6], $0x10, $0x38;
	[tilespmem:$0x1D610] =	vst v63  }
0x2cb: {  	s19 =	sadd.s32 $0x60, s18;
	s6 =	simm.s32 $0x1C910  }
0x2cc: {  	[spmem:s19] =	stream.linear.scatter [tilespmem:s6], [sflag:$0x6], $0x10, $0x38;
	[tilespmem:$0x1D610] =	vst v63  }
0x2cd: {  	s19 =	sadd.s32 $0x70, s18;
	s6 =	simm.s32 $0x1C990  }
0x2ce: {  	[spmem:s19] =	stream.linear.scatter [tilespmem:s6], [sflag:$0x6], $0x10, $0x38;
	[tilespmem:$0x1D610] =	vst v63  }
0x2cf: {  	s19 =	sadd.s32 $0x80, s18;
	s6 =	simm.s32 $0x1CA10  }
0x2d0: {  	[spmem:s19] =	stream.linear.scatter [tilespmem:s6], [sflag:$0x6], $0x10, $0x38;
	[tilespmem:$0x1D610] =	vst v63  }
0x2d1: {  	s19 =	sadd.s32 $0x90, s18  }
0x2d2: {  	[spmem:s19] =	stream.linear.scatter [tilespmem:s20], [sflag:$0x6], $0x10, $0x38;
	[tilespmem:$0x1D610] =	vst v63  }
0x2d3: {  	s19 =	sadd.s32 $0xA0, s18  }
0x2d4: {  	[spmem:s19] =	stream.linear.scatter [tilespmem:s7], [sflag:$0x6], $0x10, $0x38;
	[tilespmem:$0x1D610] =	vst v63  }
0x2d5: {  	s19 =	sadd.s32 $0xB0, s18  }
0x2d6: {  	[spmem:s19] =	stream.linear.scatter [tilespmem:s8], [sflag:$0x6], $0x10, $0x38;
	[tilespmem:$0x1D610] =	vst v63  }
0x2d7: {  	s19 =	sadd.s32 $0xC0, s18  }
0x2d8: {  	[spmem:s19] =	stream.linear.scatter [tilespmem:s9], [sflag:$0x6], $0x10, $0x38;
	[tilespmem:$0x1D610] =	vst v63  }
0x2d9: {  	s19 =	sadd.s32 $0xD0, s18  }
0x2da: {  	[spmem:s19] =	stream.linear.scatter [tilespmem:s10], [sflag:$0x6], $0x10, $0x38;
	[tilespmem:$0x1D610] =	vst v63  }
0x2db: {  	s19 =	sadd.s32 $0xE0, s18  }
0x2dc: {  	[spmem:s19] =	stream.linear.scatter [tilespmem:s12], [sflag:$0x6], $0x10, $0x38;
	[tilespmem:$0x1D610] =	vst v63  }
0x2dd: {  	s19 =	sadd.s32 $0xF0, s18  }
0x2de: {  	[spmem:s19] =	stream.linear.scatter [tilespmem:s13], [sflag:$0x6], $0x10, $0x38;
	[tilespmem:$0x1D610] =	vst v63  }
0x2df: {  	s19 =	sadd.s32 $0x100, s18  }
0x2e0: {  	[spmem:s19] =	stream.linear.scatter [tilespmem:s17], [sflag:$0x6], $0x10, $0x38;
	[tilespmem:$0x1D610] =	vst v63  }
0x2e1: {  	s19 =	sadd.s32 $0x110, s18  }
0x2e2: {  	[spmem:s19] =	stream.linear.scatter [tilespmem:s24], [sflag:$0x6], $0x10, $0x38;
	[tilespmem:$0x1D610] =	vst v63  }
0x2e3: {  	s19 =	sadd.s32 $0x120, s18  }
0x2e4: {  	[spmem:s19] =	stream.linear.scatter [tilespmem:s2], [sflag:$0x6], $0x10, $0x38;
	[tilespmem:$0x1D610] =	vst v63  }
0x2e5: {  	s19 =	sadd.s32 $0x130, s18  }
0x2e6: {  	[spmem:s19] =	stream.linear.scatter [tilespmem:s3], [sflag:$0x6], $0x10, $0x38;
	[tilespmem:$0x1D610] =	vst v63  }
0x2e7: {  	s19 =	sadd.s32 $0x140, s18  }
0x2e8: {  	[spmem:s19] =	stream.linear.scatter [tilespmem:s28], [sflag:$0x6], $0x10, $0x38;
	[tilespmem:$0x1D610] =	vst v63  }
0x2e9: {  	s19 =	sadd.s32 $0x150, s18  }
0x2ea: {  	[spmem:s19] =	stream.linear.scatter [tilespmem:s29], [sflag:$0x6], $0x10, $0x38;
	[tilespmem:$0x1D610] =	vst v63  }
0x2eb: {  	s19 =	sadd.s32 $0x160, s18  }
0x2ec: {  	[spmem:s19] =	stream.linear.scatter [tilespmem:s30], [sflag:$0x6], $0x10, $0x38;
	[tilespmem:$0x1D610] =	vst v63  }
0x2ed: {  	s19 =	sadd.s32 $0x170, s18  }
0x2ee: {  	[spmem:s19] =	stream.linear.scatter [tilespmem:s31], [sflag:$0x6], $0x10, $0x38;
	[tilespmem:$0x1D610] =	vst v63  }
0x2ef: {  	s19 =	sadd.s32 $0x180, s18  }
0x2f0: {  	[spmem:s19] =	stream.linear.scatter [tilespmem:s22], [sflag:$0x6], $0x10, $0x38;
	[tilespmem:$0x1D610] =	vst v63  }
0x2f1: {  	s19 =	sadd.s32 $0x190, s18  }
0x2f2: {  	[spmem:s19] =	stream.linear.scatter [tilespmem:s23], [sflag:$0x6], $0x10, $0x38;
	[tilespmem:$0x1D610] =	vst v63  }
0x2f3: {  	s19 =	sadd.s32 $0x1A0, s18  }
0x2f4: {  	[spmem:s19] =	stream.linear.scatter [tilespmem:s1], [sflag:$0x6], $0x10, $0x38;
	[tilespmem:$0x1D610] =	vst v63  }
0x2f5: {  	s19 =	sadd.s32 $0x1B0, s18  }
0x2f6: {  	[spmem:s19] =	stream.linear.scatter [tilespmem:s14], [sflag:$0x6], $0x10, $0x38;
	[tilespmem:$0x1D610] =	vst v63  }
0x2f7: {  	s19 =	sadd.s32 $0x1C0, s18  }
0x2f8: {  	[spmem:s19] =	stream.linear.scatter [tilespmem:s15], [sflag:$0x6], $0x10, $0x38;
	[tilespmem:$0x1D610] =	vst v63  }
0x2f9: {  	s19 =	sadd.s32 $0x1D0, s18  }
0x2fa: {  	[spmem:s19] =	stream.linear.scatter [tilespmem:s16], [sflag:$0x6], $0x10, $0x38;
	[tilespmem:$0x1D610] =	vst v63  }
0x2fb: {  	s19 =	sadd.s32 $0x1E0, s18  }
0x2fc: {  	[spmem:s19] =	stream.linear.scatter [tilespmem:s5], [sflag:$0x6], $0x10, $0x38;
	[tilespmem:$0x1D610] =	vst v63  }
.Ltmp11:
0x2fd: {  	s5 =	simm.s32 $0x1D590;
	(pc) =	sbr.rel @p0 .LBB2_23-.Ltmp11, $4  }
0x2fe: {  	s18 =	sadd.s32 $0x1F0, s18  }
0x2ff: {  	[spmem:s18] =	stream.linear.scatter [tilespmem:s5], [sflag:$0x6], $0x10, $0x38;
	[tilespmem:$0x1D610] =	vst v63  }
0x300: {  	_ =	swait.ge [sflag:s26], $0x200  }
0x301: {  	[sflag:s26] =	ssyncset.done $0x0  }
0x302: {  	[sflag:s26] =	ssyncadd.s32 $0xFFFFFE00  }
0x303: {  	s1 =	simm.s32 $0x0;
	s2 =	simm.s32 $0x15F90;
	s23 =	simm.s32 $0x16030  }
0x304: {  	s16 =	simm.s32 $0x1C990;
	s5 =	simm.s32 $0x1CA10;
	s6 =	simm.s32 $0x1CA90  }
0x305: {  	s20 =	simm.s32 $0x1CB10;
	s7 =	simm.s32 $0x1CB90;
	s8 =	simm.s32 $0x1CC10  }
0x306: {  	s9 =	simm.s32 $0x1CC90;
	s10 =	simm.s32 $0x1CD10;
	s12 =	simm.s32 $0x1CD90  }
0x307: {  	s13 =	simm.s32 $0x1CE10;
	s17 =	simm.s32 $0x1CE90;
	s24 =	simm.s32 $0x1CF10  }
0x308: {  	s3 =	simm.s32 $0x1D010;
	s28 =	simm.s32 $0x1D090;
	[bflag:$0x0] =	sbarrier.arrive $0xFFFF  }
0x309: {  	s29 =	simm.s32 $0x1D110;
	s30 =	simm.s32 $0x1D190;
	s0 =	rddreg [dreg:$0x12]  }
0x30a: {  	[tilespmem:s2], [sflag:$0x5] =	stream.linear.gather [hbm4b:s0+s1], $0xA0, $0x38;
	[tilespmem:$0x1D610] =	vst v63  }
0x30b: {  	s31 =	simm.s32 $0x1D210;
	s22 =	simm.s32 $0x1D290;
	s25 =	rddreg [dreg:$0x11]  }
0x30c: {  	[tilespmem:s23], [sflag:$0x5] =	stream.linear.gather [hbm4b:s25+s1], $0xA0, $0x38;
	[tilespmem:$0x1D610] =	vst v63  }
0x30d: {  	s14 =	simm.s32 $0x50;
	s2 =	simm.s32 $0x1CF90;
	s25 =	simm.s32 $0x1D310  }
.LBB2_25:
0x30e: {  	s0 =	simm.s32 $0x5  }
0x30f: {  	_ =	swait.ge [sflag:s0], $0xA0  }
0x310: {  	[sflag:s0] =	ssyncset.done $0x0  }
0x311: {  	[sflag:s0] =	ssyncadd.s32 $0xFFFFFF60  }
0x312: {  	_ =	swait.ge [sflag:s0], $0xA0  }
0x313: {  	p0 =	seq.s32 s1, $0x0;
	[sflag:s0] =	ssyncset.done $0x0  }
0x314: {  	[sflag:s0] =	ssyncadd.s32 $0xFFFFFF60;
	s0 =	simm.s32 @!p0 $0x3  }
0x315: {  	_ =	swait.ge @!p0 [sflag:s0], $0x2800  }
0x316: {  	[sflag:s0] =	ssyncset.done @!p0 $0x0  }
0x317: {  	[sflag:s0] =	ssyncadd.s32 @!p0 $0xFFFFD800  }
0x318: {  	_ =	swait.ge @!p0 [sflag:s0], $0x500  }
0x319: {  	[sflag:s0] =	ssyncset.done @!p0 $0x0  }
0x31a: {  	[sflag:s0] =	ssyncadd.s32 @!p0 $0xFFFFFB00  }
0x31b: {  	v6 =	vld [tilespmem:$0x15F90]  }
0x31c: {  	v7 =	vld [tilespmem:$0x16030]  }
0x31d: {  	v9 =	vld [tilespmem:$0x16040]  }
0x31e: {  	v8 =	vld [tilespmem:$0x15FA0]  }
0x31f: {  	v10 =	vld [tilespmem:$0x15FB0]  }
0x320: {  	v11 =	vld [tilespmem:$0x16050]  }
0x321: {  	v61 =	vld [tilespmem:$0x16060];
	[tilespmem:$0x16170] =	vst v7  }
0x322: {  	v63 =	vld [tilespmem:$0x16070];
	v6 =	vadd.s32 v4, v6;
	[tilespmem:$0x16180] =	vst v9  }
0x323: {  	v7 =	vadd.s32 v4, v8;
	[tilespmem:$0x160D0] =	vst v6;
	v6 =	vld [tilespmem:$0x15FC0]  }
0x324: {  	[tilespmem:$0x160E0] =	vst v7;
	v7 =	vld [tilespmem:$0x15FD0]  }
0x325: {  	[tilespmem:$0x16190] =	vst v11  }
0x326: {  	[tilespmem:$0x161A0] =	vst v61  }
0x327: {  	v62 =	vadd.s32 v4, v10;
	[tilespmem:$0x161B0] =	vst v63  }
0x328: {  	[tilespmem:$0x160F0] =	vst v62;
	v6 =	vadd.s32 v4, v6  }
0x329: {  	[tilespmem:$0x16100] =	vst v6;
	v6 =	vadd.s32 v4, v7  }
0x32a: {  	s11 =	simm.s32 $0x160D0;
	s15 =	simm.s32 $0x16210;
	s18 =	rddreg [dreg:$0x8];
	[tilespmem:$0x16110] =	vst v6  }
0x32b: {  	[tilespmem:s15], [sflag:$0x1] =	stream.indirect.gather [hbm4b:s18+s14], $0x80, s11, s14, $0xb8;
	[tilespmem:$0x1D610] =	vst v63  }
.Ltmp12:
0x32c: {  	_ = 	snop;
	(pc) =	sbr.rel @p0 .LBB2_28-.Ltmp12, $4  }
0x32d: {  	s21 =	simm.s32 $0x1B210;
	s19 =	rddreg [dreg:$0xa]  }
0x32e: {  	[tilespmem:s21], [sflag:$0x1] =	stream.indirect.gather [hbm4b:s19+s14], $0x10, s11, s14, $0xb8;
	[tilespmem:$0x1D610] =	vst v63  }
0x32f: {  	s18 =	rddreg [dreg:$0xc];
	s19 =	simm.s32 $0x16170;
	s21 =	simm.s32 $0x1BC10  }
0x330: {  	[tilespmem:s21], [sflag:$0x1] =	stream.indirect.gather [hbm4b:s18+s14], $0x10, s19, s14, $0xb8;
	[tilespmem:$0x1D610] =	vst v63  }
0x331: {  	p0 =	seq.s32 s1, $0x3E  }
.Ltmp13:
0x332: {  	_ = 	snop;
	(pc) =	sbr.rel @p0 .LBB2_29-.Ltmp13, $1  }
0x333: {  	_ =	sdelay $0x3  }
0x334: {  	s0 =	simm.s32 $0x4  }
0x335: {  	_ =	swait.ge [sflag:s0], $0x2800  }
0x336: {  	[sflag:s0] =	ssyncset.done $0x0  }
0x337: {  	[sflag:s0] =	ssyncadd.s32 $0xFFFFD800  }
0x338: {  	_ =	swait.ge [sflag:s0], $0x500  }
0x339: {  	[sflag:s0] =	ssyncset.done $0x0  }
0x33a: {  	[sflag:s0] =	ssyncadd.s32 $0xFFFFFB00  }
.LBB2_28:
0x33b: {  	v6 =	vld [tilespmem:$0x15FE0]  }
0x33c: {  	v7 =	vld [tilespmem:$0x16080]  }
0x33d: {  	v9 =	vld [tilespmem:$0x16090]  }
0x33e: {  	v8 =	vld [tilespmem:$0x15FF0]  }
0x33f: {  	v10 =	vld [tilespmem:$0x16000]  }
0x340: {  	v11 =	vld [tilespmem:$0x160A0]  }
0x341: {  	v61 =	vld [tilespmem:$0x160B0];
	[tilespmem:$0x161C0] =	vst v7  }
0x342: {  	v63 =	vld [tilespmem:$0x160C0];
	v6 =	vadd.s32 v4, v6;
	[tilespmem:$0x161D0] =	vst v9  }
0x343: {  	v7 =	vadd.s32 v4, v8;
	[tilespmem:$0x16120] =	vst v6;
	v6 =	vld [tilespmem:$0x16010]  }
0x344: {  	[tilespmem:$0x16130] =	vst v7;
	v7 =	vld [tilespmem:$0x16020]  }
0x345: {  	[tilespmem:$0x161E0] =	vst v11  }
0x346: {  	[tilespmem:$0x161F0] =	vst v61  }
0x347: {  	v62 =	vadd.s32 v4, v10;
	[tilespmem:$0x16200] =	vst v63  }
0x348: {  	[tilespmem:$0x16140] =	vst v62;
	v6 =	vadd.s32 v4, v6  }
0x349: {  	s0 =	rddreg [dreg:$0x8];
	[tilespmem:$0x16150] =	vst v6;
	v6 =	vadd.s32 v4, v7  }
0x34a: {  	s11 =	simm.s32 $0x16120;
	s15 =	simm.s32 $0x18A10;
	s19 =	rddreg [dreg:$0xc];
	[tilespmem:$0x16160] =	vst v6  }
0x34b: {  	[tilespmem:s15], [sflag:$0x2] =	stream.indirect.gather [hbm4b:s0+s14], $0x80, s11, s14, $0xb8;
	[tilespmem:$0x1D610] =	vst v63  }
0x34c: {  	s18 =	simm.s32 $0x1B710;
	s15 =	rddreg [dreg:$0xa];
	s0 =	smul.u32 $0xA0, s1  }
0x34d: {  	[tilespmem:s18], [sflag:$0x2] =	stream.indirect.gather [hbm4b:s15+s14], $0x10, s11, s14, $0xb8;
	[tilespmem:$0x1D610] =	vst v63  }
0x34e: {  	s15 =	rddreg [dreg:$0x13]  }
0x34f: {  	s21 =	simm.s32 $0x161C0;
	s18 =	simm.s32 $0x1C110;
	s0 =	sadd.s32 s0, s15  }
0x350: {  	[tilespmem:s18], [sflag:$0x2] =	stream.indirect.gather [hbm4b:s19+s14], $0x10, s21, s14, $0xb8;
	[tilespmem:$0x1D610] =	vst v63  }
0x351: {  	s0 =	sshrl.u32 s0, $0x3;
	s18 =	rddreg [dreg:$0x6]  }
0x352: {  	s19 =	simm.s32 $0x15F90;
	s21 =	rddreg [dreg:$0x5];
	s11 =	sadd.s32 s18, s0  }
0x353: {  	[tilespmem:s19], [sflag:$0x5] =	stream.linear.gather [hbm4b:s11+s4], $0xA0, $0x38;
	[tilespmem:$0x1D610] =	vst v63  }
0x354: {  	s0 =	sadd.s32 s21, s0  }
0x355: {  	[tilespmem:s23], [sflag:$0x5] =	stream.linear.gather [hbm4b:s0+s4], $0xA0, $0x38;
	[tilespmem:$0x1D610] =	vst v63  }
.LBB2_29:
0x356: {  	s0 =	simm.s32 $0x1  }
0x357: {  	_ =	swait.ge [sflag:s0], $0x2800  }
0x358: {  	[sflag:s0] =	ssyncset.done $0x0  }
0x359: {  	[sflag:s0] =	ssyncadd.s32 $0xFFFFD800  }
0x35a: {  	_ =	swait.ge [sflag:s0], $0x500  }
0x35b: {  	[sflag:s0] =	ssyncset.done $0x0  }
0x35c: {  	[sflag:s0] =	ssyncadd.s32 $0xFFFFFB00  }
0x35d: {  	_ =	swait.ge [sflag:s0], $0x500  }
0x35e: {  	[sflag:s0] =	ssyncset.done $0x0  }
0x35f: {  	s21 =	simm.s32 $0x10;
	[sflag:s0] =	ssyncadd.s32 $0xFFFFFB00  }
0x360: {  	v6 =	vld [tilespmem:s21+$0x1B200]  }
0x361: {  	v7 =	vld [tilespmem:s21+$0x1BC00];
	_ =	sdelay $0x4  }
0x362: {  	v6 =	vadd.f32 v7, v6;
	_ =	sdelay $0x1  }
0x363: {  	v7 =	vmul.f32 $2.000000030e-01, v6;
	_ =	sdelay $0x1  }
0x364: {  	v6 =	vmax.f32 v6, v7  }
0x365: {  	v6 =	vmul.f32 $1.442695020e+00, v6;
	_ =	sdelay $0x1  }
0x366: {  	(erf) = vpow2.f32 v6;
	_ =	sdelay $0x8  }
0x367: {  	v6 =	vpop (erf)  }
0x368: {  	s0 =	simm.s32 $0x16290;
	[tilespmem:s21+$0x1B200] =	vst v6  }
0x369: {  	v7 =	vld [tilespmem:s0+$0xFFFFFFF0]  }
0x36a: {  	v8 =	vld [tilespmem:s0+$0xFFFFFFC0]  }
0x36b: {  	v9 =	vld [tilespmem:s0+$0xFFFFFFA0]  }
0x36c: {  	v11 =	vperm.xlane v6, v3;
	v13 =	vld [tilespmem:s0+$0xFFFFFF90]  }
0x36d: {  	v12 =	vperm.xlane v6, v2;
	v15 =	vld [tilespmem:s0+$0xFFFFFFD0]  }
0x36e: {  	v14 =	vperm.xlane v6, v1;
	v10 =	vld [tilespmem:s0+$0xFFFFFFE0];
	v7 =	vmul.f32 v7, v11  }
0x36f: {  	v6 =	vperm.xlane v6, v0;
	v16 =	vld [tilespmem:s0+$0xFFFFFF80];
	v8 =	vmul.f32 v8, v12  }
0x370: {  	v17 =	vld [tilespmem:s0+$0xFFFFFFB0];
	v9 =	vmul.f32 v9, v14;
	[tilespmem:s0+$0xFFFFFFF0] =	vst v7  }
0x371: {  	v62 =	vmul.f32 v13, v6;
	[tilespmem:s0+$0xFFFFFFC0] =	vst v8  }
0x372: {  	v63 =	vmul.f32 v15, v12;
	[tilespmem:s0+$0xFFFFFFA0] =	vst v9  }
0x373: {  	v7 =	vmul.f32 v10, v11;
	[tilespmem:s0+$0xFFFFFF90] =	vst v62  }
0x374: {  	v6 =	vmul.f32 v16, v6;
	[tilespmem:s0+$0xFFFFFFD0] =	vst v63  }
0x375: {  	[tilespmem:s0+$0xFFFFFFE0] =	vst v7;
	v7 =	vmul.f32 v17, v14  }
0x376: {  	[tilespmem:s0+$0xFFFFFF80] =	vst v6  }
0x377: {  	[tilespmem:s0+$0xFFFFFFB0] =	vst v7  }
0x378: {  	v6 =	vld [tilespmem:s21+$0x1B210]  }
0x379: {  	v7 =	vld [tilespmem:s21+$0x1BC10];
	_ =	sdelay $0x4  }
0x37a: {  	v6 =	vadd.f32 v7, v6;
	_ =	sdelay $0x1  }
0x37b: {  	v7 =	vmul.f32 $2.000000030e-01, v6;
	_ =	sdelay $0x1  }
0x37c: {  	v6 =	vmax.f32 v6, v7  }
0x37d: {  	v6 =	vmul.f32 $1.442695020e+00, v6  }
0x37e: {  	s15 =	simm.s32 $0x1D590  }
0x37f: {  	s14 =	simm.s32 $0x1D510;
	s18 =	simm.s32 $0xC0;
	s11 =	simm.s32 $0x16290;
	(erf) = vpow2.f32 v6  }
.LBB2_30:
0x380: {  	_ =	sdelay $0x4  }
0x381: {  	p0 =	sne.s32 s18, $0x13C0  }
0x382: {  	s0 =	sadd.s32 $0x100, s0;
	s19 =	smov.u32 s18;
	s18 =	sadd.s32 $0x80, s18  }
0x383: {  	_ = 	snop  }
0x384: {  	v6 =	vpop (erf)  }
0x385: {  	[tilespmem:s21+$0x1B210] =	vst v6  }
0x386: {  	v7 =	vld [tilespmem:s11+$0x0]  }
0x387: {  	v8 =	vld [tilespmem:s11+$0x10]  }
0x388: {  	v9 =	vld [tilespmem:s11+$0x20]  }
0x389: {  	v10 =	vperm.xlane v6, v0;
	v11 =	vld [tilespmem:s11+$0x30]  }
0x38a: {  	v12 =	vld [tilespmem:s11+$0x40]  }
0x38b: {  	v13 =	vperm.xlane v6, v1;
	v7 =	vmul.f32 v7, v10;
	v14 =	vld [tilespmem:s11+$0x50]  }
0x38c: {  	v8 =	vmul.f32 v8, v10;
	v10 =	vld [tilespmem:s11+$0x60]  }
0x38d: {  	[tilespmem:s11+$0x0] =	vst v7;
	v7 =	vmul.f32 v9, v13;
	v9 =	vperm.xlane v6, v2;
	v15 =	vld [tilespmem:s11+$0x70]  }
0x38e: {  	[tilespmem:s11+$0x10] =	vst v8;
	v8 =	vmul.f32 v11, v13  }
0x38f: {  	v6 =	vperm.xlane v6, v3;
	[tilespmem:s11+$0x20] =	vst v7;
	v7 =	vmul.f32 v12, v9  }
0x390: {  	[tilespmem:s11+$0x30] =	vst v8;
	v8 =	vmul.f32 v14, v9  }
0x391: {  	[tilespmem:s11+$0x40] =	vst v7;
	v7 =	vmul.f32 v10, v6  }
0x392: {  	[tilespmem:s11+$0x50] =	vst v8;
	v6 =	vmul.f32 v15, v6  }
0x393: {  	[tilespmem:s11+$0x60] =	vst v7  }
0x394: {  	s21 =	sshra.s32 s19, $0x2;
	[tilespmem:s11+$0x70] =	vst v6;
	s11 =	smov.u32 s0;
	_ =	sdelay $0x1  }
0x395: {  	v6 =	vld [tilespmem:s21+$0x1B200]  }
0x396: {  	v7 =	vld [tilespmem:s21+$0x1BC00];
	_ =	sdelay $0x4  }
0x397: {  	v6 =	vadd.f32 v7, v6;
	_ =	sdelay $0x1  }
0x398: {  	v7 =	vmul.f32 $2.000000030e-01, v6;
	_ =	sdelay $0x1  }
0x399: {  	v6 =	vmax.f32 v6, v7  }
0x39a: {  	v6 =	vmul.f32 $1.442695020e+00, v6;
	_ =	sdelay $0x1  }
0x39b: {  	(erf) = vpow2.f32 v6;
	_ =	sdelay $0x8  }
0x39c: {  	v6 =	vpop (erf)  }
0x39d: {  	[tilespmem:s21+$0x1B200] =	vst v6;
	v7 =	vperm.xlane v6, v0  }
0x39e: {  	v8 =	vld [tilespmem:s0+$0xFFFFFFF0]  }
0x39f: {  	v9 =	vld [tilespmem:s0+$0xFFFFFFA0]  }
0x3a0: {  	v10 =	vld [tilespmem:s0+$0xFFFFFFC0]  }
0x3a1: {  	v11 =	vperm.xlane v6, v1;
	v12 =	vperm.xlane v6, v2;
	v13 =	vld [tilespmem:s0+$0xFFFFFFE0]  }
0x3a2: {  	v6 =	vperm.xlane v6, v3;
	v14 =	vld [tilespmem:s0+$0xFFFFFF80]  }
0x3a3: {  	v15 =	vld [tilespmem:s0+$0xFFFFFF90]  }
0x3a4: {  	v8 =	vmul.f32 v8, v6;
	v9 =	vmul.f32 v9, v11;
	v16 =	vld [tilespmem:s0+$0xFFFFFFD0]  }
0x3a5: {  	v17 =	vld [tilespmem:s0+$0xFFFFFFB0];
	v10 =	vmul.f32 v10, v12  }
0x3a6: {  	v6 =	vmul.f32 v13, v6;
	[tilespmem:s0+$0xFFFFFFF0] =	vst v8  }
0x3a7: {  	[tilespmem:s0+$0xFFFFFFC0] =	vst v10  }
0x3a8: {  	v8 =	vmul.f32 v14, v7;
	v7 =	vmul.f32 v15, v7;
	[tilespmem:s0+$0xFFFFFFA0] =	vst v9  }
0x3a9: {  	v9 =	vmul.f32 v16, v12;
	[tilespmem:s0+$0xFFFFFFE0] =	vst v6  }
0x3aa: {  	[tilespmem:s0+$0xFFFFFF90] =	vst v7;
	v6 =	vmul.f32 v17, v11  }
0x3ab: {  	[tilespmem:s0+$0xFFFFFFD0] =	vst v9  }
0x3ac: {  	[tilespmem:s0+$0xFFFFFF80] =	vst v8  }
0x3ad: {  	[tilespmem:s0+$0xFFFFFFB0] =	vst v6  }
0x3ae: {  	v6 =	vld [tilespmem:s21+$0x1B210]  }
0x3af: {  	v7 =	vld [tilespmem:s21+$0x1BC10];
	_ =	sdelay $0x4  }
0x3b0: {  	v6 =	vadd.f32 v7, v6;
	_ =	sdelay $0x1  }
0x3b1: {  	v7 =	vmul.f32 $2.000000030e-01, v6  }
.Ltmp14:
0x3b2: {  	(pc) =	sbr.rel @p0 .LBB2_30-.Ltmp14, $3  }
0x3b3: {  	v6 =	vmax.f32 v6, v7  }
0x3b4: {  	v6 =	vmul.f32 $1.442695020e+00, v6;
	_ =	sdelay $0x1  }
0x3b5: {  	(erf) = vpow2.f32 v6  }
0x3b6: {  	_ =	sdelay $0x7  }
0x3b7: {  	v6 =	vpop (erf)  }
0x3b8: {  	[tilespmem:s21+$0x1B210] =	vst v6  }
0x3b9: {  	v7 =	vld [tilespmem:s11+$0x0]  }
0x3ba: {  	v8 =	vld [tilespmem:s11+$0x10]  }
0x3bb: {  	v9 =	vld [tilespmem:s11+$0x20]  }
0x3bc: {  	v10 =	vperm.xlane v6, v0;
	v11 =	vld [tilespmem:s11+$0x30]  }
0x3bd: {  	v12 =	vld [tilespmem:s11+$0x40]  }
0x3be: {  	v13 =	vperm.xlane v6, v1;
	v14 =	vld [tilespmem:s11+$0x50];
	v7 =	vmul.f32 v7, v10  }
0x3bf: {  	v60 =	vld [tilespmem:s11+$0x60];
	v8 =	vmul.f32 v8, v10  }
0x3c0: {  	v61 =	vperm.xlane v6, v2;
	v15 =	vld [tilespmem:s11+$0x70];
	[tilespmem:s11+$0x0] =	vst v7;
	v7 =	vmul.f32 v9, v13  }
0x3c1: {  	v62 =	vmul.f32 v11, v13;
	[tilespmem:s11+$0x10] =	vst v8  }
0x3c2: {  	v6 =	vperm.xlane v6, v3;
	[tilespmem:s11+$0x20] =	vst v7;
	v7 =	vmul.f32 v12, v61  }
0x3c3: {  	v63 =	vmul.f32 v14, v61;
	[tilespmem:s11+$0x30] =	vst v62  }
0x3c4: {  	[tilespmem:s11+$0x40] =	vst v7;
	v7 =	vmul.f32 v60, v6  }
0x3c5: {  	p0 =	seq.s32 s1, $0x3E;
	[tilespmem:s11+$0x50] =	vst v63;
	v6 =	vmul.f32 v15, v6  }
.Ltmp15:
0x3c6: {  	s0 =	simm.s32 $0x16210;
	[tilespmem:s11+$0x60] =	vst v7;
	(pc) =	sbr.rel @p0 .LBB2_35-.Ltmp15, $4  }
0x3c7: {  	s19 =	simm.s32 $0x16170;
	s18 =	rddreg [dreg:$0x2];
	[tilespmem:s11+$0x70] =	vst v6;
	s11 =	simm.s32 $0x50  }
0x3c8: {  	[spmem:s18] =	stream.indirect.scatter.add.f32 [tilespmem:s0], [sflag:$0x3], $0x80, s19, s11, $0xb8;
	[tilespmem:$0x1D610] =	vst v63  }
0x3c9: {  	s21 =	simm.s32 $0x1B210;
	s18 =	rddreg [dreg:$0x3]  }
0x3ca: {  	[spmem:s18] =	stream.indirect.scatter.add.f32 [tilespmem:s21], [sflag:$0x3], $0x10, s19, s11, $0xb8;
	[tilespmem:$0x1D610] =	vst v63  }
0x3cb: {  	s0 =	simm.s32 $0x2  }
0x3cc: {  	_ =	swait.ge [sflag:s0], $0x2800  }
0x3cd: {  	[sflag:s0] =	ssyncset.done $0x0  }
0x3ce: {  	[sflag:s0] =	ssyncadd.s32 $0xFFFFD800  }
0x3cf: {  	_ =	swait.ge [sflag:s0], $0x500  }
0x3d0: {  	[sflag:s0] =	ssyncset.done $0x0  }
0x3d1: {  	[sflag:s0] =	ssyncadd.s32 $0xFFFFFB00  }
0x3d2: {  	_ =	swait.ge [sflag:s0], $0x500  }
0x3d3: {  	[sflag:s0] =	ssyncset.done $0x0  }
0x3d4: {  	s21 =	simm.s32 $0x10;
	[sflag:s0] =	ssyncadd.s32 $0xFFFFFB00  }
0x3d5: {  	v6 =	vld [tilespmem:s21+$0x1B700]  }
0x3d6: {  	v7 =	vld [tilespmem:s21+$0x1C100];
	_ =	sdelay $0x4  }
0x3d7: {  	v6 =	vadd.f32 v7, v6;
	_ =	sdelay $0x1  }
0x3d8: {  	v7 =	vmul.f32 $2.000000030e-01, v6;
	_ =	sdelay $0x1  }
0x3d9: {  	v6 =	vmax.f32 v6, v7  }
0x3da: {  	v6 =	vmul.f32 $1.442695020e+00, v6;
	_ =	sdelay $0x1  }
0x3db: {  	(erf) = vpow2.f32 v6;
	_ =	sdelay $0x8  }
0x3dc: {  	v6 =	vpop (erf)  }
0x3dd: {  	s0 =	simm.s32 $0x18A90;
	[tilespmem:s21+$0x1B700] =	vst v6  }
0x3de: {  	v7 =	vld [tilespmem:s0+$0xFFFFFFF0]  }
0x3df: {  	v8 =	vld [tilespmem:s0+$0xFFFFFFC0]  }
0x3e0: {  	v9 =	vld [tilespmem:s0+$0xFFFFFFA0]  }
0x3e1: {  	v11 =	vperm.xlane v6, v3;
	v13 =	vld [tilespmem:s0+$0xFFFFFF90]  }
0x3e2: {  	v12 =	vperm.xlane v6, v2;
	v15 =	vld [tilespmem:s0+$0xFFFFFFD0]  }
0x3e3: {  	v14 =	vperm.xlane v6, v1;
	v10 =	vld [tilespmem:s0+$0xFFFFFFE0];
	v7 =	vmul.f32 v7, v11  }
0x3e4: {  	v6 =	vperm.xlane v6, v0;
	v16 =	vld [tilespmem:s0+$0xFFFFFF80];
	v8 =	vmul.f32 v8, v12  }
0x3e5: {  	v17 =	vld [tilespmem:s0+$0xFFFFFFB0];
	v9 =	vmul.f32 v9, v14;
	[tilespmem:s0+$0xFFFFFFF0] =	vst v7  }
0x3e6: {  	v62 =	vmul.f32 v13, v6;
	[tilespmem:s0+$0xFFFFFFC0] =	vst v8  }
0x3e7: {  	v63 =	vmul.f32 v15, v12;
	[tilespmem:s0+$0xFFFFFFA0] =	vst v9  }
0x3e8: {  	v7 =	vmul.f32 v10, v11;
	[tilespmem:s0+$0xFFFFFF90] =	vst v62  }
0x3e9: {  	v6 =	vmul.f32 v16, v6;
	[tilespmem:s0+$0xFFFFFFD0] =	vst v63  }
0x3ea: {  	[tilespmem:s0+$0xFFFFFFE0] =	vst v7;
	v7 =	vmul.f32 v17, v14  }
0x3eb: {  	[tilespmem:s0+$0xFFFFFF80] =	vst v6  }
0x3ec: {  	[tilespmem:s0+$0xFFFFFFB0] =	vst v7  }
0x3ed: {  	v6 =	vld [tilespmem:s21+$0x1B710]  }
0x3ee: {  	v7 =	vld [tilespmem:s21+$0x1C110];
	_ =	sdelay $0x4  }
0x3ef: {  	v6 =	vadd.f32 v7, v6;
	_ =	sdelay $0x1  }
0x3f0: {  	v7 =	vmul.f32 $2.000000030e-01, v6;
	_ =	sdelay $0x1  }
0x3f1: {  	v6 =	vmax.f32 v6, v7  }
0x3f2: {  	v6 =	vmul.f32 $1.442695020e+00, v6;
	_ =	sdelay $0x1  }
0x3f3: {  	s18 =	simm.s32 $0xC0;
	s11 =	simm.s32 $0x18A90;
	(erf) = vpow2.f32 v6  }
.LBB2_33:
0x3f4: {  	_ =	sdelay $0x4  }
0x3f5: {  	p0 =	sne.s32 s18, $0x13C0  }
0x3f6: {  	s0 =	sadd.s32 $0x100, s0;
	s19 =	smov.u32 s18;
	s18 =	sadd.s32 $0x80, s18  }
0x3f7: {  	_ = 	snop  }
0x3f8: {  	v6 =	vpop (erf)  }
0x3f9: {  	[tilespmem:s21+$0x1B710] =	vst v6  }
0x3fa: {  	v7 =	vld [tilespmem:s11+$0x0]  }
0x3fb: {  	v8 =	vld [tilespmem:s11+$0x10]  }
0x3fc: {  	v9 =	vld [tilespmem:s11+$0x20]  }
0x3fd: {  	v10 =	vperm.xlane v6, v0;
	v11 =	vld [tilespmem:s11+$0x30]  }
0x3fe: {  	v12 =	vld [tilespmem:s11+$0x40]  }
0x3ff: {  	v13 =	vperm.xlane v6, v1;
	v7 =	vmul.f32 v7, v10;
	v14 =	vld [tilespmem:s11+$0x50]  }
0x400: {  	v8 =	vmul.f32 v8, v10;
	v10 =	vld [tilespmem:s11+$0x60]  }
0x401: {  	[tilespmem:s11+$0x0] =	vst v7;
	v7 =	vmul.f32 v9, v13;
	v9 =	vperm.xlane v6, v2;
	v15 =	vld [tilespmem:s11+$0x70]  }
0x402: {  	[tilespmem:s11+$0x10] =	vst v8;
	v8 =	vmul.f32 v11, v13  }
0x403: {  	v6 =	vperm.xlane v6, v3;
	[tilespmem:s11+$0x20] =	vst v7;
	v7 =	vmul.f32 v12, v9  }
0x404: {  	[tilespmem:s11+$0x30] =	vst v8;
	v8 =	vmul.f32 v14, v9  }
0x405: {  	[tilespmem:s11+$0x40] =	vst v7;
	v7 =	vmul.f32 v10, v6  }
0x406: {  	[tilespmem:s11+$0x50] =	vst v8;
	v6 =	vmul.f32 v15, v6  }
0x407: {  	[tilespmem:s11+$0x60] =	vst v7  }
0x408: {  	s21 =	sshra.s32 s19, $0x2;
	[tilespmem:s11+$0x70] =	vst v6;
	s11 =	smov.u32 s0;
	_ =	sdelay $0x1  }
0x409: {  	v6 =	vld [tilespmem:s21+$0x1B700]  }
0x40a: {  	v7 =	vld [tilespmem:s21+$0x1C100];
	_ =	sdelay $0x4  }
0x40b: {  	v6 =	vadd.f32 v7, v6;
	_ =	sdelay $0x1  }
0x40c: {  	v7 =	vmul.f32 $2.000000030e-01, v6;
	_ =	sdelay $0x1  }
0x40d: {  	v6 =	vmax.f32 v6, v7  }
0x40e: {  	v6 =	vmul.f32 $1.442695020e+00, v6;
	_ =	sdelay $0x1  }
0x40f: {  	(erf) = vpow2.f32 v6;
	_ =	sdelay $0x8  }
0x410: {  	v6 =	vpop (erf)  }
0x411: {  	[tilespmem:s21+$0x1B700] =	vst v6;
	v7 =	vperm.xlane v6, v0  }
0x412: {  	v8 =	vld [tilespmem:s0+$0xFFFFFFF0]  }
0x413: {  	v9 =	vld [tilespmem:s0+$0xFFFFFFA0]  }
0x414: {  	v10 =	vld [tilespmem:s0+$0xFFFFFFC0]  }
0x415: {  	v11 =	vperm.xlane v6, v1;
	v12 =	vperm.xlane v6, v2;
	v13 =	vld [tilespmem:s0+$0xFFFFFFE0]  }
0x416: {  	v6 =	vperm.xlane v6, v3;
	v14 =	vld [tilespmem:s0+$0xFFFFFF80]  }
0x417: {  	v15 =	vld [tilespmem:s0+$0xFFFFFF90]  }
0x418: {  	v8 =	vmul.f32 v8, v6;
	v9 =	vmul.f32 v9, v11;
	v16 =	vld [tilespmem:s0+$0xFFFFFFD0]  }
0x419: {  	v17 =	vld [tilespmem:s0+$0xFFFFFFB0];
	v10 =	vmul.f32 v10, v12  }
0x41a: {  	v6 =	vmul.f32 v13, v6;
	[tilespmem:s0+$0xFFFFFFF0] =	vst v8  }
0x41b: {  	[tilespmem:s0+$0xFFFFFFC0] =	vst v10  }
0x41c: {  	v8 =	vmul.f32 v14, v7;
	v7 =	vmul.f32 v15, v7;
	[tilespmem:s0+$0xFFFFFFA0] =	vst v9  }
0x41d: {  	v9 =	vmul.f32 v16, v12;
	[tilespmem:s0+$0xFFFFFFE0] =	vst v6  }
0x41e: {  	[tilespmem:s0+$0xFFFFFF90] =	vst v7;
	v6 =	vmul.f32 v17, v11  }
0x41f: {  	[tilespmem:s0+$0xFFFFFFD0] =	vst v9  }
0x420: {  	[tilespmem:s0+$0xFFFFFF80] =	vst v8  }
0x421: {  	[tilespmem:s0+$0xFFFFFFB0] =	vst v6  }
0x422: {  	v6 =	vld [tilespmem:s21+$0x1B710]  }
0x423: {  	v7 =	vld [tilespmem:s21+$0x1C110];
	_ =	sdelay $0x4  }
0x424: {  	v6 =	vadd.f32 v7, v6;
	_ =	sdelay $0x1  }
0x425: {  	v7 =	vmul.f32 $2.000000030e-01, v6  }
.Ltmp16:
0x426: {  	(pc) =	sbr.rel @p0 .LBB2_33-.Ltmp16, $3  }
0x427: {  	v6 =	vmax.f32 v6, v7  }
0x428: {  	v6 =	vmul.f32 $1.442695020e+00, v6;
	_ =	sdelay $0x1  }
0x429: {  	(erf) = vpow2.f32 v6  }
0x42a: {  	_ =	sdelay $0x7  }
0x42b: {  	v6 =	vpop (erf)  }
0x42c: {  	[tilespmem:s21+$0x1B710] =	vst v6  }
0x42d: {  	v7 =	vld [tilespmem:s11+$0x0]  }
0x42e: {  	v8 =	vld [tilespmem:s11+$0x10]  }
0x42f: {  	v9 =	vld [tilespmem:s11+$0x20]  }
0x430: {  	v10 =	vperm.xlane v6, v0;
	v11 =	vld [tilespmem:s11+$0x30]  }
0x431: {  	v12 =	vld [tilespmem:s11+$0x40]  }
0x432: {  	v13 =	vperm.xlane v6, v1;
	v14 =	vld [tilespmem:s11+$0x50];
	v7 =	vmul.f32 v7, v10  }
0x433: {  	v60 =	vld [tilespmem:s11+$0x60];
	v8 =	vmul.f32 v8, v10  }
0x434: {  	v61 =	vperm.xlane v6, v2;
	v15 =	vld [tilespmem:s11+$0x70];
	[tilespmem:s11+$0x0] =	vst v7;
	v7 =	vmul.f32 v9, v13  }
0x435: {  	v62 =	vmul.f32 v11, v13;
	[tilespmem:s11+$0x10] =	vst v8  }
0x436: {  	v6 =	vperm.xlane v6, v3;
	[tilespmem:s11+$0x20] =	vst v7;
	v7 =	vmul.f32 v12, v61  }
0x437: {  	v63 =	vmul.f32 v14, v61;
	[tilespmem:s11+$0x30] =	vst v62  }
0x438: {  	[tilespmem:s11+$0x40] =	vst v7;
	v7 =	vmul.f32 v60, v6  }
0x439: {  	[tilespmem:s11+$0x50] =	vst v63;
	v6 =	vmul.f32 v15, v6  }
.Ltmp17:
0x43a: {  	s14 =	simm.s32 $0x50;
	[tilespmem:s11+$0x60] =	vst v7;
	(pc) =	sbr.rel .LBB2_25-.Ltmp17, $4  }
0x43b: {  	s0 =	simm.s32 $0x18A10;
	s15 =	simm.s32 $0x161C0;
	s18 =	rddreg [dreg:$0x2];
	[tilespmem:s11+$0x70] =	vst v6  }
0x43c: {  	[spmem:s18] =	stream.indirect.scatter.add.f32 [tilespmem:s0], [sflag:$0x4], $0x80, s15, s14, $0xb8;
	[tilespmem:$0x1D610] =	vst v63  }
0x43d: {  	s19 =	rddreg [dreg:$0x3];
	s1 =	sadd.s32 $0x1, s1;
	s21 =	simm.s32 $0x1B710  }
0x43e: {  	[spmem:s19] =	stream.indirect.scatter.add.f32 [tilespmem:s21], [sflag:$0x4], $0x10, s15, s14, $0xb8;
	[tilespmem:$0x1D610] =	vst v63  }
.LBB2_35:
0x43f: {  	s0 =	simm.s32 $0x3  }
0x440: {  	_ =	swait.ge [sflag:s0], $0x2800  }
0x441: {  	[sflag:s0] =	ssyncset.done $0x0  }
0x442: {  	[sflag:s0] =	ssyncadd.s32 $0xFFFFD800  }
0x443: {  	_ =	swait.ge [sflag:s0], $0x500  }
0x444: {  	[sflag:s0] =	ssyncset.done $0x0  }
0x445: {  	s23 =	simm.s32 $0x4;
	[sflag:s0] =	ssyncadd.s32 $0xFFFFFB00  }
0x446: {  	_ =	swait.ge [sflag:s23], $0x2800  }
0x447: {  	[sflag:s23] =	ssyncset.done $0x0  }
0x448: {  	[sflag:s23] =	ssyncadd.s32 $0xFFFFD800  }
0x449: {  	_ =	swait.ge [sflag:s23], $0x500  }
0x44a: {  	[sflag:s23] =	ssyncset.done $0x0  }
0x44b: {  	[sflag:s23] =	ssyncadd.s32 $0xFFFFFB00  }
0x44c: {  	[bflag:$0x0] =	sbarrier.arrive $0xFFFF  }
0x44d: {  	s11 =	simm.s32 $0x0;
	s23 =	rddreg [dreg:$0x2]  }
.LBB2_36:
0x44e: {  	s0 =	sshll.u32 s11, $0x5;
	s18 =	rddreg [dreg:$0x16]  }
0x44f: {  	s0 =	sadd.s32 s18, s0  }
0x450: {  	s18 =	sshll.u32 s0, $0x7  }
0x451: {  	s18 =	sand.u32 $0x3FFFFF80, s18  }
0x452: {  	s19 =	sadd.s32 s18, s23;
	s18 =	simm.s32 $0x1C610  }
0x453: {  	[tilespmem:s18], [sflag:$0x6] =	stream.linear.gather [spmem:s19], $0x1000, $0x38;
	[tilespmem:$0x1D610] =	vst v63  }
0x454: {  	_ =	swait.ge [sflag:s26], $0x1000  }
0x455: {  	s23 =	rddreg [dreg:$0x10]  }
0x456: {  	s21 =	sadd.s32 s23, s0  }
0x457: {  	[sflag:s26] =	ssyncset.done $0x0;
	s1 =	rddreg [dreg:$0xe];
	s19 =	sshll.u32 s21, $0x4  }
0x458: {  	[sflag:s26] =	ssyncadd.s32 $0xFFFFF000;
	s19 =	sadd.s32 s1, s19;
	s1 =	simm.s32 $0x0  }
0x459: {  	[hbm4b:s19+s1] =	stream.linear.scatter [tilespmem:s18], [sflag:$0x6], $0x1000, $0x38;
	[tilespmem:$0x1D610] =	vst v63  }
0x45a: {  	_ =	swait.ge [sflag:s26], $0x1000  }
0x45b: {  	[sflag:s26] =	ssyncset.done $0x0  }
0x45c: {  	s0 =	sshll.u32 s0, $0x4;
	[sflag:s26] =	ssyncadd.s32 $0xFFFFF000  }
0x45d: {  	s0 =	sand.u32 $0x3FFFFFF0, s0;
	s23 =	rddreg [dreg:$0x3]  }
0x45e: {  	s0 =	sadd.s32 s0, s23  }
0x45f: {  	[tilespmem:s18], [sflag:$0x6] =	stream.linear.gather [spmem:s0], $0x10, $0x38;
	[tilespmem:$0x1D610] =	vst v63  }
0x460: {  	s1 =	simm.s32 $0x1C690;
	s19 =	sadd.s32 $0x10, s0  }
0x461: {  	[tilespmem:s1], [sflag:$0x6] =	stream.linear.gather [spmem:s19], $0x10, $0x38;
	[tilespmem:$0x1D610] =	vst v63  }
0x462: {  	s23 =	sadd.s32 $0x20, s0;
	s1 =	simm.s32 $0x1C710  }
0x463: {  	[tilespmem:s1], [sflag:$0x6] =	stream.linear.gather [spmem:s23], $0x10, $0x38;
	[tilespmem:$0x1D610] =	vst v63  }
0x464: {  	s1 =	sadd.s32 $0x30, s0;
	s23 =	simm.s32 $0x1C790  }
0x465: {  	[tilespmem:s23], [sflag:$0x6] =	stream.linear.gather [spmem:s1], $0x10, $0x38;
	[tilespmem:$0x1D610] =	vst v63  }
0x466: {  	s1 =	sadd.s32 $0x40, s0;
	s23 =	simm.s32 $0x1C810  }
0x467: {  	[tilespmem:s23], [sflag:$0x6] =	stream.linear.gather [spmem:s1], $0x10, $0x38;
	[tilespmem:$0x1D610] =	vst v63  }
0x468: {  	s1 =	sadd.s32 $0x50, s0;
	s23 =	simm.s32 $0x1C890  }
0x469: {  	[tilespmem:s23], [sflag:$0x6] =	stream.linear.gather [spmem:s1], $0x10, $0x38;
	[tilespmem:$0x1D610] =	vst v63  }
0x46a: {  	s1 =	sadd.s32 $0x60, s0;
	s23 =	simm.s32 $0x1C910  }
0x46b: {  	[tilespmem:s23], [sflag:$0x6] =	stream.linear.gather [spmem:s1], $0x10, $0x38;
	[tilespmem:$0x1D610] =	vst v63  }
0x46c: {  	s1 =	sadd.s32 $0x70, s0  }
0x46d: {  	[tilespmem:s16], [sflag:$0x6] =	stream.linear.gather [spmem:s1], $0x10, $0x38;
	[tilespmem:$0x1D610] =	vst v63  }
0x46e: {  	s23 =	sadd.s32 $0x80, s0  }
0x46f: {  	[tilespmem:s5], [sflag:$0x6] =	stream.linear.gather [spmem:s23], $0x10, $0x38;
	[tilespmem:$0x1D610] =	vst v63  }
0x470: {  	s1 =	sadd.s32 $0x90, s0  }
0x471: {  	[tilespmem:s6], [sflag:$0x6] =	stream.linear.gather [spmem:s1], $0x10, $0x38;
	[tilespmem:$0x1D610] =	vst v63  }
0x472: {  	s23 =	sadd.s32 $0xA0, s0  }
0x473: {  	[tilespmem:s20], [sflag:$0x6] =	stream.linear.gather [spmem:s23], $0x10, $0x38;
	[tilespmem:$0x1D610] =	vst v63  }
0x474: {  	s1 =	sadd.s32 $0xB0, s0  }
0x475: {  	[tilespmem:s7], [sflag:$0x6] =	stream.linear.gather [spmem:s1], $0x10, $0x38;
	[tilespmem:$0x1D610] =	vst v63  }
0x476: {  	s23 =	sadd.s32 $0xC0, s0  }
0x477: {  	[tilespmem:s8], [sflag:$0x6] =	stream.linear.gather [spmem:s23], $0x10, $0x38;
	[tilespmem:$0x1D610] =	vst v63  }
0x478: {  	s1 =	sadd.s32 $0xD0, s0  }
0x479: {  	[tilespmem:s9], [sflag:$0x6] =	stream.linear.gather [spmem:s1], $0x10, $0x38;
	[tilespmem:$0x1D610] =	vst v63  }
0x47a: {  	s23 =	sadd.s32 $0xE0, s0  }
0x47b: {  	[tilespmem:s10], [sflag:$0x6] =	stream.linear.gather [spmem:s23], $0x10, $0x38;
	[tilespmem:$0x1D610] =	vst v63  }
0x47c: {  	s1 =	sadd.s32 $0xF0, s0  }
0x47d: {  	[tilespmem:s12], [sflag:$0x6] =	stream.linear.gather [spmem:s1], $0x10, $0x38;
	[tilespmem:$0x1D610] =	vst v63  }
0x47e: {  	s23 =	sadd.s32 $0x100, s0  }
0x47f: {  	[tilespmem:s13], [sflag:$0x6] =	stream.linear.gather [spmem:s23], $0x10, $0x38;
	[tilespmem:$0x1D610] =	vst v63  }
0x480: {  	s1 =	sadd.s32 $0x110, s0  }
0x481: {  	[tilespmem:s17], [sflag:$0x6] =	stream.linear.gather [spmem:s1], $0x10, $0x38;
	[tilespmem:$0x1D610] =	vst v63  }
0x482: {  	s23 =	sadd.s32 $0x120, s0  }
0x483: {  	[tilespmem:s24], [sflag:$0x6] =	stream.linear.gather [spmem:s23], $0x10, $0x38;
	[tilespmem:$0x1D610] =	vst v63  }
0x484: {  	s1 =	sadd.s32 $0x130, s0  }
0x485: {  	[tilespmem:s2], [sflag:$0x6] =	stream.linear.gather [spmem:s1], $0x10, $0x38;
	[tilespmem:$0x1D610] =	vst v63  }
0x486: {  	s23 =	sadd.s32 $0x140, s0  }
0x487: {  	[tilespmem:s3], [sflag:$0x6] =	stream.linear.gather [spmem:s23], $0x10, $0x38;
	[tilespmem:$0x1D610] =	vst v63  }
0x488: {  	s1 =	sadd.s32 $0x150, s0  }
0x489: {  	[tilespmem:s28], [sflag:$0x6] =	stream.linear.gather [spmem:s1], $0x10, $0x38;
	[tilespmem:$0x1D610] =	vst v63  }
0x48a: {  	s23 =	sadd.s32 $0x160, s0  }
0x48b: {  	[tilespmem:s29], [sflag:$0x6] =	stream.linear.gather [spmem:s23], $0x10, $0x38;
	[tilespmem:$0x1D610] =	vst v63  }
0x48c: {  	s1 =	sadd.s32 $0x170, s0  }
0x48d: {  	[tilespmem:s30], [sflag:$0x6] =	stream.linear.gather [spmem:s1], $0x10, $0x38;
	[tilespmem:$0x1D610] =	vst v63  }
0x48e: {  	s23 =	sadd.s32 $0x180, s0  }
0x48f: {  	[tilespmem:s31], [sflag:$0x6] =	stream.linear.gather [spmem:s23], $0x10, $0x38;
	[tilespmem:$0x1D610] =	vst v63  }
0x490: {  	s1 =	sadd.s32 $0x190, s0  }
0x491: {  	[tilespmem:s22], [sflag:$0x6] =	stream.linear.gather [spmem:s1], $0x10, $0x38;
	[tilespmem:$0x1D610] =	vst v63  }
0x492: {  	s23 =	sadd.s32 $0x1A0, s0  }
0x493: {  	[tilespmem:s25], [sflag:$0x6] =	stream.linear.gather [spmem:s23], $0x10, $0x38;
	[tilespmem:$0x1D610] =	vst v63  }
0x494: {  	s1 =	sadd.s32 $0x1B0, s0;
	s23 =	simm.s32 $0x1D390  }
0x495: {  	[tilespmem:s23], [sflag:$0x6] =	stream.linear.gather [spmem:s1], $0x10, $0x38;
	[tilespmem:$0x1D610] =	vst v63  }
0x496: {  	s1 =	sadd.s32 $0x1C0, s0;
	s23 =	simm.s32 $0x1D410  }
0x497: {  	[tilespmem:s23], [sflag:$0x6] =	stream.linear.gather [spmem:s1], $0x10, $0x38;
	[tilespmem:$0x1D610] =	vst v63  }
0x498: {  	s1 =	sadd.s32 $0x1D0, s0;
	s23 =	simm.s32 $0x1D490  }
0x499: {  	[tilespmem:s23], [sflag:$0x6] =	stream.linear.gather [spmem:s1], $0x10, $0x38;
	[tilespmem:$0x1D610] =	vst v63  }
0x49a: {  	s1 =	sadd.s32 $0x1E0, s0  }
0x49b: {  	[tilespmem:s14], [sflag:$0x6] =	stream.linear.gather [spmem:s1], $0x10, $0x38;
	[tilespmem:$0x1D610] =	vst v63  }
0x49c: {  	s0 =	sadd.s32 $0x1F0, s0  }
0x49d: {  	[tilespmem:s15], [sflag:$0x6] =	stream.linear.gather [spmem:s0], $0x10, $0x38;
	[tilespmem:$0x1D610] =	vst v63  }
0x49e: {  	_ =	swait.ge [sflag:s26], $0x200  }
0x49f: {  	s21 =	sshll.u32 s21, $0x1;
	s23 =	rddreg [dreg:$0xf]  }
0x4a0: {  	s19 =	simm.s32 $0x1C690;
	[sflag:s26] =	ssyncset.done $0x0;
	s21 =	sadd.s32 s23, s21  }
0x4a1: {  	s0 =	simm.s32 $0x2;
	[sflag:s26] =	ssyncadd.s32 $0xFFFFFE00;
	s23 =	sadd.s32 $0x0, s21  }
.LBB2_37:
0x4a2: {  	[hbm4b:s23+s4] =	stream.linear.scatter [tilespmem:s18], [sflag:$0x6], $0x10, $0x38;
	[tilespmem:$0x1D610] =	vst v63  }
0x4a3: {  	s23 =	smov.u32 s0;
	s18 =	smov.u32 s19;
	p0 =	sne.s32 s0, $0x3E  }
.Ltmp18:
0x4a4: {  	s0 =	sadd.s32 $0x2, s0;
	(pc) =	sbr.rel @p0 .LBB2_37-.Ltmp18, $2  }
0x4a5: {  	_ =	sdelay $0x2  }
0x4a6: {  	s19 =	sadd.s32 $0x80, s19;
	s23 =	sadd.s32 s23, s21  }
0x4a7: {  	[hbm4b:s23+s4] =	stream.linear.scatter [tilespmem:s18], [sflag:$0x6], $0x10, $0x38;
	[tilespmem:$0x1D610] =	vst v63  }
0x4a8: {  	s11 =	sadd.s32 $0x1, s11  }
0x4a9: {  	p0 =	sne.s32 s11, $0x14  }
.Ltmp19:
0x4aa: {  	_ = 	snop;
	(pc) =	sbr.rel @p0 .LBB2_36-.Ltmp19, $4  }
0x4ab: {  	_ =	swait.ge [sflag:s26], $0x200  }
0x4ac: {  	[sflag:s26] =	ssyncset.done $0x0  }
0x4ad: {  	[sflag:s26] =	ssyncadd.s32 $0xFFFFFE00  }
0x4ae: {  	s23 =	rddreg [dreg:$0x2]  }
0x4af: {  	s2 =	rddreg [dreg:$0x18]  }
0x4b0: {  	s0 =	rddreg [dreg:$0x14];
	s2 =	sadd.s32 $0x1, s2  }
0x4b1: {  	p0 =	sne.s32 s2, s0  }
.Ltmp20:
0x4b2: {  	_ = 	snop;
	(pc) =	sbr.rel @p0 .LBB2_1-.Ltmp20, $2  }
0x4b3: {  	_ =	sdelay $0x2  }
0x4b4: {  	s25 =	rddreg [dreg:$0x17];
	s1 =	simm.s32 $0x1C610  }
0x4b5: {  	_ =	sfence.sel $0x180000  }
0x4b6: {  	[bflag:$0x0] =	sbarrier.arrive $0xFFFF  }
0x4b7: {  	_ =	strace $0x9000004A  }
0x4b8: {  	s0 =	stileid.u32;
	[bflag:$0x2] =	sbarrier.arrive $0xFFFF  }
0x4b9: {  	p0 =	sne.s32 s0, $0x0;
	s0 =	rddreg [dreg:$0x4]  }
0x4ba: {  	s0 =	sadd.s32 @!p0 $0x100000, s0  }
0x4bb: {  	[sflag:s0] =	ssyncadd.tile.s32 @!p0 $0x1;
	_ =	shalt  }
.Lfunc_end2:
_tile_overlayer_lowered:
.L_overlay_start_2:
0x4bc: {  	(tag) =	ssettag $0x2  }
0x4bd: {  	s0 =	rddreg [dreg:$0x0];
	s2 =	stileid.u32  }
0x4be: {  	s1 =	rddreg [dreg:$0x1];
	p0 =	sne.s32 s2, $0x0  }
0x4bf: {  	s3 =	rddreg [dreg:$0x2];
	[bflag:$0x3] =	sbarrier.arrive $0xFFFF;
	s2 =	simm.s32 @!p0 $0x1C06  }
0x4c0: {  	[timem:s3], [sflag:s2] =	dma.local @!p0 [hbm:s0], s1  }
0x4c1: {  	s0 =	simm.s32 @!p0 $0x6  }
0x4c2: {  	_ =	swait.ge @!p0 [sflag:s0], s1  }
0x4c3: {  	s1 =	ssub.s32 @!p0 $0x0, s1;
	[sflag:s0] =	ssyncset.done @!p0 $0x0  }
0x4c4: {  	[sflag:s0] =	ssyncadd.s32 @!p0 s1  }
0x4c5: {  	[bflag:$0x3] =	sbarrier.arrive $0xFFFF  }
0x4c6: {  	_ =	shalt  }

// kernel: kernel.7.cloned.1.call-start
scs
__scs_entry_jumppad:
0x0: {  	(pc) =	sbr.rel $0x88, $3  }
0x1: {  	(tag) =	ssettag $0x0;
	lr =	simm.s32 $0x1  }
0x2: {  	[smem:$0x3F93] =	sst lr;
	_ =	strace $0xD0000000  }
0x3: {  	_ = 	snop  }
0x4: {  	_ = 	snop  }
0x5: {  	_ = 	snop  }
0x6: {  	_ = 	snop  }
0x7: {  	_ = 	snop  }
__scs_overlays_trampoline_lowered:
0x8: {  	[smem:$0x3FA2] =	sst s0  }
0x9: {  	[smem:$0x3FA3] =	sst s1  }
0xa: {  	[smem:$0x3FA4] =	sst s2  }
0xb: {  	[smem:$0x3FA5] =	sst s3  }
0xc: {  	[smem:$0x3FA6] =	sst s4  }
0xd: {  	[smem:$0x3FA7] =	sst s5  }
0xe: {  	[smem:$0x3FA8] =	sst s6  }
0xf: {  	[smem:$0x3FA9] =	sst s7  }
0x10: {  	[smem:$0x3FAA] =	sst s8  }
0x11: {  	[smem:$0x3FAB] =	sst s9;
	s0 =	simm.s32 @!p0 $0x0  }
0x12: {  	s1 =	sld [smem:$0x3F91];
	s0 =	simm.s32 @p0 $0x1  }
0x13: {  	[smem:$0x3FAC] =	sst s0;
	s0 =	simm.s32 @!p1 $0x0  }
0x14: {  	s2 =	sld [smem:$0x3F90];
	s0 =	simm.s32 @p1 $0x1  }
0x15: {  	[smem:$0x3FAD] =	sst s0;
	s0 =	simm.s32 @!p2 $0x0  }
0x16: {  	s3 =	sld [smem:$0x3FDB];
	s0 =	simm.s32 @p2 $0x1  }
0x17: {  	s4 =	simm.s32 $0x1BF5;
	[smem:$0x3FAF] =	sst s0  }
0x18: {  	s0 =	sld [smem:$0x3F92];
	_ =	swait.ge [sflag:s4], $0x0  }
0x19: {  	s7 =	sld [smem:$0x3F93]  }
0x1a: {  	s8 =	sadd.s32 $0xFFFFE003, lr  }
0x1b: {  	s9 =	sadd.s32 $0xFFFFFEF7, lr;
	s5 =	simm.s32 $0xFFFFFFFF;
	p2 =	slt.u32 s8, $0xFFFFF086  }
0x1c: {  	p1 =	slt.u32 s9, $0xF7A;
	s5 =	simm.s32 @!p2 $0x0  }
0x1d: {  	s5 =	simm.s32 @p1 $0x1;
	p0 =	seq.s32 s7, s2  }
0x1e: {  	s7 =	smul.u32 @!p0 $0xF7A, s2;
	p2 =	seq.s32 @!p0 s5, $0x0  }
0x1f: {  	s9 =	smul.u32 $0xF7A, s1;
	s8 =	simm.s32 @!p0 $0x1BF5;
	p2 =	por !p2, p0  }
0x20: {  	[sflag:s8] =	ssyncset.s32 @!p0 $0xFFFFF086;
	s6 =	sadd.s32 @!p0 s3, s7;
	s7 =	simm.s32 @!p0 $0x108  }
0x21: {  	s3 =	sadd.s32 s3, s9;
	s6 =	sadd.s32 @!p0 $0x88, s6;
	s7 =	simm.s32 @p2 $0x1082  }
0x22: {  	[simem:s7], [sflag:s8] =	dma.local @!p0 [hbm:s6], $0xF7A  }
0x23: {  	s9 =	sor.u32 $0xD0000000, s2;
	s6 =	simm.s32 $0x108;
	_ =	swait.ge @!p0 [sflag:s8], $0x0  }
0x24: {  	s3 =	sadd.s32 $0x88, s3;
	s6 =	simm.s32 @!p1 $0x1082;
	[sflag:s4] =	ssyncset.s32 $0xFFFFF086  }
0x25: {  	[simem:s6], [sflag:s4] =	dma.local [hbm:s3], $0xF7A  }
0x26: {  	[smem:$0x3F93] =	sst s1;
	(tag) =	ssettag s2;
	_ =	strace s9  }
0x27: {  	s1 =	sld [smem:$0x3FA3]  }
0x28: {  	s2 =	sld [smem:$0x3FA4]  }
0x29: {  	s4 =	sld [smem:$0x3FA6]  }
0x2a: {  	p0 =	seq.s32 s5, $0x0;
	s5 =	sld [smem:$0x3FA7]  }
0x2b: {  	s6 =	sld [smem:$0x3FA8]  }
0x2c: {  	s7 =	sld [smem:$0x3FA9]  }
0x2d: {  	s3 =	simm.s32 $0x108;
	s8 =	sld [smem:$0x3FAA]  }
0x2e: {  	s3 =	simm.s32 @!p0 $0x1082;
	s9 =	sld [smem:$0x3FAB]  }
0x2f: {  	lr =	sadd.s32 s0, s3;
	s0 =	sld [smem:$0x3FA2]  }
0x30: {  	s3 =	sld [smem:$0x3FA5]  }
0x31: {  	[smem:$0x3FAE] =	sst s10  }
0x32: {  	s10 =	sld [smem:$0x3FAC];
	_ =	sdelay $0x3  }
0x33: {  	p0 =	seq.s32 s10, $0x1;
	s10 =	sld [smem:$0x3FAE];
	_ =	sdelay $0x3  }
0x34: {  	[smem:$0x3FAE] =	sst s10  }
0x35: {  	s10 =	sld [smem:$0x3FAD];
	_ =	sdelay $0x3  }
0x36: {  	p1 =	seq.s32 s10, $0x1;
	s10 =	sld [smem:$0x3FAE];
	_ =	sdelay $0x3  }
0x37: {  	[smem:$0x3FAE] =	sst s10  }
0x38: {  	s10 =	sld [smem:$0x3FAF]  }
0x39: {  	_ = 	snop;
	(pc) =	sbr.ind lr, $3  }
0x3a: {  	_ = 	snop  }
0x3b: {  	_ = 	snop  }
0x3c: {  	p2 =	seq.s32 s10, $0x1;
	s10 =	sld [smem:$0x3FAE]  }
0x3d: {  	_ =	shalt  }
0x3e: {  	_ =	shalt  }
0x3f: {  	_ =	shalt  }
0x40: {  	_ =	shalt  }
0x41: {  	_ =	shalt  }
0x42: {  	_ =	shalt  }
0x43: {  	_ =	shalt  }
0x44: {  	_ =	shalt  }
0x45: {  	_ =	shalt  }
0x46: {  	_ =	shalt  }
0x47: {  	_ =	shalt  }
0x48: {  	_ =	shalt  }
0x49: {  	_ =	shalt  }
0x4a: {  	_ =	shalt  }
0x4b: {  	_ =	shalt  }
0x4c: {  	_ =	shalt  }
0x4d: {  	_ =	shalt  }
0x4e: {  	_ =	shalt  }
0x4f: {  	_ =	shalt  }
0x50: {  	_ =	shalt  }
0x51: {  	_ =	shalt  }
0x52: {  	_ =	shalt  }
0x53: {  	_ =	shalt  }
0x54: {  	_ =	shalt  }
0x55: {  	_ =	shalt  }
0x56: {  	_ =	shalt  }
0x57: {  	_ =	shalt  }
0x58: {  	_ =	shalt  }
0x59: {  	_ =	shalt  }
0x5a: {  	_ =	shalt  }
0x5b: {  	_ =	shalt  }
0x5c: {  	_ =	shalt  }
0x5d: {  	_ =	shalt  }
0x5e: {  	_ =	shalt  }
0x5f: {  	_ =	shalt  }
0x60: {  	_ =	shalt  }
0x61: {  	_ =	shalt  }
0x62: {  	_ =	shalt  }
0x63: {  	_ =	shalt  }
0x64: {  	_ =	shalt  }
0x65: {  	_ =	shalt  }
0x66: {  	_ =	shalt  }
0x67: {  	_ =	shalt  }
0x68: {  	_ =	shalt  }
0x69: {  	_ =	shalt  }
0x6a: {  	_ =	shalt  }
0x6b: {  	_ =	shalt  }
0x6c: {  	_ =	shalt  }
0x6d: {  	_ =	shalt  }
0x6e: {  	_ =	shalt  }
0x6f: {  	_ =	shalt  }
0x70: {  	_ =	shalt  }
0x71: {  	_ =	shalt  }
0x72: {  	_ =	shalt  }
0x73: {  	_ =	shalt  }
0x74: {  	_ =	shalt  }
0x75: {  	_ =	shalt  }
0x76: {  	_ =	shalt  }
0x77: {  	_ =	shalt  }
0x78: {  	_ =	shalt  }
0x79: {  	_ =	shalt  }
0x7a: {  	_ =	shalt  }
0x7b: {  	_ =	shalt  }
0x7c: {  	_ =	shalt  }
0x7d: {  	_ =	shalt  }
0x7e: {  	_ =	shalt  }
0x7f: {  	_ =	shalt  }
0x80: {  	_ =	shalt  }
0x81: {  	_ =	shalt  }
0x82: {  	_ =	shalt  }
0x83: {  	_ =	shalt  }
0x84: {  	_ =	shalt  }
0x85: {  	_ =	shalt  }
0x86: {  	_ =	shalt  }
0x87: {  	_ =	shalt  }
.Lfunc_end0:
.L_simem_size_0:
called_computation_lowered:
.L_overlay_start_0:
0x88: {  	s2 =	sld [smem:$0x3FD9]  }
0x89: {  	s3 =	sld [smem:$0x3FFE];
	_ =	sdelay $0x1  }
0x8a: {  	s1 =	srdreg.scid  }
0x8b: {  	s0 =	sand.u32 $0x1, s1  }
0x8c: {  	s17 =	sshll.u32 s0, $0xA;
	s2 =	sadd.s32 s3, s2  }
0x8d: {  	s2 =	sadd.s32 s2, s17  }
0x8e: {  	[smem:$0x3FBA] =	sst s2  }
0x8f: {  	_ = 	snop  }
0x90: {  	s2 =	sld [smem:$0x3FC9]  }
0x91: {  	s18 =	sld [smem:$0x3FC8]  }
0x92: {  	s4 =	sld [smem:$0x3FD0];
	(tm) =	ssettm $0x1  }
0x93: {  	s5 =	sld [smem:$0x3FFB];
	_ =	sdelay $0x3  }
0x94: {  	_ =	strace s5  }
0x95: {  	s5 =	sld [smem:$0x3FFC];
	_ =	sdelay $0x3  }
0x96: {  	_ =	strace s5  }
0x97: {  	s5 =	sld [smem:$0x3FFD];
	_ =	sdelay $0x3  }
0x98: {  	_ =	strace s5  }
0x99: {  	_ =	strace $0x8FFFFFFF  }
0x9a: {  	s19 =	sld [smem:$0x3FDB];
	_ =	sdelay $0x1  }
0x9b: {  	s6 =	simm.s32 $_scs_section_size  }
0x9c: {  	s7 =	simm.s32 $_size__tile_overlayer_lowered;
	s8 =	simm.s32 $_tile_overlayer_lowered  }
0x9d: {  	s22 =	simm.s32 $0x1BFF;
	s21 =	sshll.u32 s8, $0x1;
	s5 =	sadd.s32 s6, s19  }
0x9e: {  	s9 =	simm.s32 $0x0;
	s20 =	sshll.u32 s7, $0x1;
	s7 =	sadd.s32 s21, s5  }
0x9f: {  	[timem:s9], [sflag:s22] =	dma.local [hbm:s7], s20  }
0xa0: {  	_ =	swait.ge [sflag:s22], s20  }
0xa1: {  	s6 =	ssub.s32 $0x0, s20;
	[sflag:s22] =	ssyncset.done $0x0  }
0xa2: {  	[sflag:s22] =	ssyncadd.s32 s6;
	_ =	sdelay $0x1  }
0xa3: {  	s23 =	simm.s32 $0x1B8B  }
0xa4: {  	_ =	swait.ge [sflag:s23], $0x1  }
0xa5: {  	[sflag:s23] =	ssyncset.done $0x0  }
0xa6: {  	s25 =	simm.s32 $0x1B8E;
	s24 =	sld [smem:$0x3FFE];
	[sflag:s23] =	ssyncadd.s32 $0xFFFFFFFF  }
0xa7: {  	s26 =	simm.s32 $execute0_lowered;
	[smem:$0x3FD2] =	sst s25  }
0xa8: {  	s7 =	sshll.u32 s26, $0x1;
	_ =	strace $0x80000046;
	[dreg:$0x1] =	wrdreg $0xFFFFFFFF  }
0xa9: {  	s28 =	simm.s32 $_size_execute0_lowered;
	s5 =	sadd.s32 s5, s7;
	[dreg:$0x0] =	wrdreg $0x0  }
0xaa: {  	s7 =	sshll.u32 s28, $0x1;
	[dreg:$0x2] =	wrdreg s5  }
0xab: {  	[dreg:$0x3] =	wrdreg s7  }
0xac: {  	[dreg:$0x4] =	wrdreg $0xC0  }
0xad: {  	_ =	task [dreg:s9], $0x5FFFF  }
0xae: {  	[dreg:$0x1] =	wrdreg $0xFFFFFFFF  }
0xaf: {  	[dreg:$0x0] =	wrdreg $0x60  }
0xb0: {  	[dreg:$0x2] =	wrdreg s4  }
0xb1: {  	[dreg:$0x3] =	wrdreg s24  }
0xb2: {  	[dreg:$0x4] =	wrdreg s2  }
0xb3: {  	[dreg:$0x5] =	wrdreg s18  }
0xb4: {  	[dreg:$0x6] =	wrdreg $0x9  }
0xb5: {  	_ =	task.clear_ibuf [dreg:s9], $0x7FFFF;
	_ =	strace $0x90000046  }
0xb6: {  	s29 =	simm.s32 $0x9;
	_ =	strace $0x80000048  }
0xb7: {  	_ =	swait.ge [sflag:s29], $0x1  }
0xb8: {  	[sflag:s29] =	ssyncadd.s32 $0xFFFFFFFF  }
0xb9: {  	_ =	strace $0x90000048  }
0xba: {  	_ =	sfence  }
0xbb: {  	s30 =	sld [smem:$0x0];
	_ =	sdelay $0x2  }
0xbc: {  	s31 =	sshll.u32 s1, $0xD;
	s1 =	sshrl.u32 s1, $0x2  }
0xbd: {  	s3 =	sand.u32 $0x4000, s31;
	s1 =	sadd.s32 s1, s30  }
0xbe: {  	s0 =	sor.u32 s3, s0;
	s1 =	sshll.u32 s1, $0x11  }
0xbf: {  	s0 =	sor.u32 s1, s0  }
0xc0: {  	s0 =	sadd.s32 $0x8F2B, s0  }
0xc1: {  	[sflag:s0] =	ssyncadd.remote.s32 $0x1  }
0xc2: {  	_ =	sfence.sel $0xFFFF  }
0xc3: {  	[dreg:$0x0] =	wrdreg $0xFFFFFFFF;
	(pc) =	sbr.abs _section_cstart, $3  }
0xc4: {  	[dreg:$0x1] =	wrdreg $0xFFFFFFFF  }
0xc5: {  	_ =	task.clear_ibuf [dreg:s9], $0x2FFFF;
	_ =	strace $0x9FFFFFFF  }
0xc6: {  	(tm) =	ssettm $0x7FFFFFFF  }
0xc7: {  	_ =	shalt  }
tec
execute0_lowered:
.L_overlay_start_1:
0x0: {  	(tag) =	ssettag $0x1  }
0x1: {  	s1 =	rddreg [dreg:$0x0]  }
0x2: {  	s0 =	rddreg [dreg:$0x1]  }
0x3: {  	s2 =	rddreg [dreg:$0x2]  }
0x4: {  	s5 =	rddreg [dreg:$0x3];
	s4 =	srdreg.scid  }
0x5: {  	s6 =	stileid.u32;
	s3 =	simm.s32 $0x0;
	s28 =	simm.s32 $0x1  }
0x6: {  	s29 =	simm.s32 $0x3;
	s30 =	simm.s32 $0x100;
	s31 =	simm.s32 $0x48  }
0x7: {  	s4 =	sand.u32 $0x1, s4;
	s6 =	sshll.u32 s6, $0x1;
	[smem:$0x7FF] =	sst s3  }
0x8: {  	s9 =	sadd.s32 $0x51400, s0;
	s6 =	sor.u32 s4, s6;
	_ =	strace $0x80000047  }
0x9: {  	s7 =	ssub.s32 $0x2, s4;
	s4 =	sadd.s32 $0x3200, s0;
	s8 =	smul.u32 $0x138, s6  }
0xa: {  	s0 =	sadd.s32 $0x9F600, s0;
	s10 =	sshrl.u32 s7, $0x1;
	s11 =	smul.u32 $0x1380, s6  }
0xb: {  	s6 =	smul.u32 $0x9C00, s6;
	s12 =	ssub.s32 s7, s10;
	s17 =	sadd.s32 $0x80, s8  }
0xc: {  	s13 =	sshrl.u32 s8, $0x3;
	s14 =	sadd.s32 $0x100, s8;
	s7 =	sadd.s32 s9, s11  }
0xd: {  	s8 =	sadd.s32 s0, s11;
	s6 =	sshrl.u32 s6, $0x3;
	s15 =	sshrl.u32 s17, $0x3  }
0xe: {  	s19 =	sadd.s32 s2, s13;
	s18 =	sshrl.u32 s14, $0x3;
	s21 =	sshll.u32 s17, $0x4  }
0xf: {  	s22 =	sshll.u32 s14, $0x4;
	s13 =	sadd.s32 s5, s13;
	s24 =	sadd.s32 $0x27100, s6  }
0x10: {  	s25 =	sadd.s32 $0x27900, s6;
	s26 =	sadd.s32 $0x28100, s6;
	s6 =	simm.s32 $0x148  }
0x11: {  	[dreg:$0x5] =	wrdreg s19;
	s20 =	sadd.s32 s2, s15;
	s2 =	sadd.s32 s2, s18  }
0x12: {  	s10 =	sadd.s32 s9, s21;
	s11 =	sadd.s32 s0, s21;
	[dreg:$0x8] =	wrdreg s13  }
0x13: {  	s13 =	sadd.s32 s9, s22;
	s14 =	sadd.s32 s0, s22;
	s23 =	sadd.s32 s5, s15  }
0x14: {  	s16 =	sadd.s32 s9, s24;
	s17 =	sadd.s32 s0, s24;
	[dreg:$0x6] =	wrdreg s20  }
0x15: {  	s5 =	sadd.s32 s5, s18;
	s19 =	sadd.s32 s9, s25;
	[dreg:$0x7] =	wrdreg s2  }
0x16: {  	s21 =	sadd.s32 s9, s26;
	s22 =	sadd.s32 s0, s26;
	[dreg:$0x9] =	wrdreg s23  }
0x17: {  	s24 =	simm.s32 $0x5;
	s9 =	simm.s32 $0x0;
	[dreg:$0xa] =	wrdreg s5  }
0x18: {  	s20 =	sadd.s32 s0, s25;
	s23 =	smax.u32 s12, $0x1;
	s25 =	simm.s32 $0x80  }
0x19: {  	s2 =	simm.s32 $0x2;
	s0 =	simm.s32 $0x4;
	s5 =	simm.s32 $0x190  }
.LBB2_1:
0x1a: {  	s12 =	rddreg [dreg:$0x5]  }
0x1b: {  	[tilespmem:s3], [sflag:$0x5] =	stream.linear.gather [hbm4b:s12+s3], $0x80, $0x38;
	[tilespmem:$0x19190] =	vst v63  }
0x1c: {  	_ =	swait.ge [sflag:s24], $0x80  }
0x1d: {  	[sflag:s24] =	ssyncset.done $0x0  }
0x1e: {  	[sflag:s24] =	ssyncadd.s32 $0xFFFFFF80  }
0x1f: {  	[tilespmem:s5], [sflag:$0x1] =	stream.indirect.gather [hbm4b:s1+s25], $0x100, s3, s25, $0xb8;
	[tilespmem:$0x19190] =	vst v63  }
0x20: {  	s18 =	rddreg [dreg:$0x6]  }
0x21: {  	[tilespmem:s25], [sflag:$0x5] =	stream.linear.gather [hbm4b:s18+s3], $0x80, $0x38;
	[tilespmem:$0x19190] =	vst v63  }
0x22: {  	_ =	swait.ge [sflag:s24], $0x80  }
0x23: {  	[sflag:s24] =	ssyncset.done $0x0  }
0x24: {  	s26 =	simm.s32 $0x8190;
	[sflag:s24] =	ssyncadd.s32 $0xFFFFFF80  }
0x25: {  	[tilespmem:s26], [sflag:$0x2] =	stream.indirect.gather [hbm4b:s1+s25], $0x100, s25, s25, $0xb8;
	[tilespmem:$0x19190] =	vst v63  }
0x26: {  	_ =	swait.ge [sflag:s28], $0x8000  }
0x27: {  	s15 =	simm.s32 $0x290;
	s12 =	simm.s32 $0x10;
	[sflag:s28] =	ssyncset.done $0x0  }
0x28: {  	s18 =	simm.s32 $0x190;
	s26 =	sadd.s32 $0x0, s7;
	[sflag:s28] =	ssyncadd.s32 $0xFFFF8000  }
.LBB2_2:
0x29: {  	[hbm4b:s26+s3] =	stream.linear.scatter [tilespmem:s18], [sflag:$0x3], $0x80, $0x38;
	[tilespmem:$0x19190] =	vst v63  }
0x2a: {  	s26 =	smov.u32 s12;
	s18 =	smov.u32 s15;
	p0 =	sne.s32 s12, $0x7F0  }
.Ltmp0:
0x2b: {  	s12 =	sadd.s32 $0x10, s12;
	(pc) =	sbr.rel @p0 .LBB2_2-.Ltmp0, $2  }
0x2c: {  	_ =	sdelay $0x2  }
0x2d: {  	s15 =	sadd.s32 $0x100, s15;
	s26 =	sadd.s32 s26, s7  }
0x2e: {  	[hbm4b:s26+s3] =	stream.linear.scatter [tilespmem:s18], [sflag:$0x3], $0x80, $0x38;
	[tilespmem:$0x19190] =	vst v63  }
0x2f: {  	s12 =	simm.s32 $0x210  }
0x30: {  	s15 =	simm.s32 $0x10;
	s26 =	sadd.s32 $0x0, s8;
	s18 =	simm.s32 $0x310  }
.LBB2_4:
0x31: {  	[hbm4b:s26+s3] =	stream.linear.scatter [tilespmem:s12], [sflag:$0x3], $0x80, $0x38;
	[tilespmem:$0x19190] =	vst v63  }
0x32: {  	s26 =	smov.u32 s15;
	s12 =	smov.u32 s18;
	p0 =	sne.s32 s15, $0x7F0  }
.Ltmp1:
0x33: {  	s15 =	sadd.s32 $0x10, s15;
	(pc) =	sbr.rel @p0 .LBB2_4-.Ltmp1, $2  }
0x34: {  	_ =	sdelay $0x2  }
0x35: {  	s18 =	sadd.s32 $0x100, s18;
	s26 =	sadd.s32 s26, s8  }
0x36: {  	[hbm4b:s26+s3] =	stream.linear.scatter [tilespmem:s12], [sflag:$0x3], $0x80, $0x38;
	[tilespmem:$0x19190] =	vst v63  }
0x37: {  	_ =	swait.ge [sflag:s29], $0x4000  }
0x38: {  	[sflag:s29] =	ssyncset.done $0x0  }
0x39: {  	[sflag:s29] =	ssyncadd.s32 $0xFFFFC000  }
0x3a: {  	_ =	swait.ge [sflag:s29], $0x4000  }
0x3b: {  	[sflag:s29] =	ssyncset.done $0x0  }
0x3c: {  	s18 =	simm.s32 $0x0;
	s15 =	rddreg [dreg:$0x7];
	[sflag:s29] =	ssyncadd.s32 $0xFFFFC000  }
0x3d: {  	[tilespmem:s30], [sflag:$0x5] =	stream.linear.gather [hbm4b:s15+s18], $0x48, $0x38;
	[tilespmem:$0x19190] =	vst v63  }
0x3e: {  	_ =	swait.ge [sflag:s24], $0x48  }
0x3f: {  	[sflag:s24] =	ssyncset.done $0x0  }
0x40: {  	s26 =	simm.s32 $0x10190;
	[sflag:s24] =	ssyncadd.s32 $0xFFFFFFB8  }
0x41: {  	[tilespmem:s26], [sflag:$0x1] =	stream.indirect.gather [hbm4b:s1+s31], $0x100, s30, s31, $0xb8;
	[tilespmem:$0x19190] =	vst v63  }
0x42: {  	_ =	swait.ge [sflag:s2], $0x8000  }
0x43: {  	s12 =	simm.s32 $0x8190;
	s15 =	simm.s32 $0x10;
	[sflag:s2] =	ssyncset.done $0x0  }
0x44: {  	s18 =	simm.s32 $0x8290;
	s26 =	sadd.s32 $0x0, s10;
	[sflag:s2] =	ssyncadd.s32 $0xFFFF8000  }
.LBB2_6:
0x45: {  	[hbm4b:s26+s3] =	stream.linear.scatter [tilespmem:s12], [sflag:$0x4], $0x80, $0x38;
	[tilespmem:$0x19190] =	vst v63  }
0x46: {  	s26 =	smov.u32 s15;
	s12 =	smov.u32 s18;
	p0 =	sne.s32 s15, $0x7F0  }
.Ltmp2:
0x47: {  	s15 =	sadd.s32 $0x10, s15;
	(pc) =	sbr.rel @p0 .LBB2_6-.Ltmp2, $2  }
0x48: {  	_ =	sdelay $0x2  }
0x49: {  	s18 =	sadd.s32 $0x100, s18;
	s26 =	sadd.s32 s26, s10  }
0x4a: {  	[hbm4b:s26+s3] =	stream.linear.scatter [tilespmem:s12], [sflag:$0x4], $0x80, $0x38;
	[tilespmem:$0x19190] =	vst v63  }
0x4b: {  	s12 =	simm.s32 $0x8210  }
0x4c: {  	s15 =	simm.s32 $0x10;
	s26 =	sadd.s32 $0x0, s11;
	s18 =	simm.s32 $0x8310  }
.LBB2_8:
0x4d: {  	[hbm4b:s26+s3] =	stream.linear.scatter [tilespmem:s12], [sflag:$0x4], $0x80, $0x38;
	[tilespmem:$0x19190] =	vst v63  }
0x4e: {  	s26 =	smov.u32 s15;
	s12 =	smov.u32 s18;
	p0 =	sne.s32 s15, $0x7F0  }
.Ltmp3:
0x4f: {  	s15 =	sadd.s32 $0x10, s15;
	(pc) =	sbr.rel @p0 .LBB2_8-.Ltmp3, $2  }
0x50: {  	_ =	sdelay $0x2  }
0x51: {  	s18 =	sadd.s32 $0x100, s18;
	s26 =	sadd.s32 s26, s11  }
0x52: {  	[hbm4b:s26+s3] =	stream.linear.scatter [tilespmem:s12], [sflag:$0x4], $0x80, $0x38;
	[tilespmem:$0x19190] =	vst v63  }
0x53: {  	_ =	swait.ge [sflag:s0], $0x4000  }
0x54: {  	[sflag:s0] =	ssyncset.done $0x0  }
0x55: {  	[sflag:s0] =	ssyncadd.s32 $0xFFFFC000  }
0x56: {  	_ =	swait.ge [sflag:s0], $0x4000  }
0x57: {  	[sflag:s0] =	ssyncset.done $0x0  }
0x58: {  	s18 =	simm.s32 $0x0;
	s15 =	rddreg [dreg:$0x8];
	[sflag:s0] =	ssyncadd.s32 $0xFFFFC000  }
0x59: {  	[tilespmem:s25], [sflag:$0x5] =	stream.linear.gather [hbm4b:s15+s18], $0x80, $0x38;
	[tilespmem:$0x19190] =	vst v63  }
0x5a: {  	_ =	swait.ge [sflag:s24], $0x80  }
0x5b: {  	[sflag:s24] =	ssyncset.done $0x0  }
0x5c: {  	s26 =	simm.s32 $0x8190;
	[sflag:s24] =	ssyncadd.s32 $0xFFFFFF80  }
0x5d: {  	[tilespmem:s26], [sflag:$0x2] =	stream.indirect.gather [hbm4b:s4+s25], $0x100, s25, s25, $0xb8;
	[tilespmem:$0x19190] =	vst v63  }
0x5e: {  	_ =	swait.ge [sflag:s28], $0x4800  }
0x5f: {  	s12 =	simm.s32 $0x10190;
	s15 =	simm.s32 $0x10;
	[sflag:s28] =	ssyncset.done $0x0  }
0x60: {  	s18 =	simm.s32 $0x10290;
	s26 =	sadd.s32 $0x0, s13;
	[sflag:s28] =	ssyncadd.s32 $0xFFFFB800  }
.LBB2_10:
0x61: {  	[hbm4b:s26+s3] =	stream.linear.scatter [tilespmem:s12], [sflag:$0x3], $0x80, $0x38;
	[tilespmem:$0x19190] =	vst v63  }
0x62: {  	s26 =	smov.u32 s15;
	s12 =	smov.u32 s18;
	p0 =	sne.s32 s15, $0x470  }
.Ltmp4:
0x63: {  	s15 =	sadd.s32 $0x10, s15;
	(pc) =	sbr.rel @p0 .LBB2_10-.Ltmp4, $2  }
0x64: {  	_ =	sdelay $0x2  }
0x65: {  	s18 =	sadd.s32 $0x100, s18;
	s26 =	sadd.s32 s26, s13  }
0x66: {  	[hbm4b:s26+s3] =	stream.linear.scatter [tilespmem:s12], [sflag:$0x3], $0x80, $0x38;
	[tilespmem:$0x19190] =	vst v63  }
0x67: {  	s12 =	simm.s32 $0x10210  }
0x68: {  	s15 =	simm.s32 $0x10;
	s26 =	sadd.s32 $0x0, s14;
	s18 =	simm.s32 $0x10310  }
.LBB2_12:
0x69: {  	[hbm4b:s26+s3] =	stream.linear.scatter [tilespmem:s12], [sflag:$0x3], $0x80, $0x38;
	[tilespmem:$0x19190] =	vst v63  }
0x6a: {  	s26 =	smov.u32 s15;
	s12 =	smov.u32 s18;
	p0 =	sne.s32 s15, $0x470  }
.Ltmp5:
0x6b: {  	s15 =	sadd.s32 $0x10, s15;
	(pc) =	sbr.rel @p0 .LBB2_12-.Ltmp5, $2  }
0x6c: {  	_ =	sdelay $0x2  }
0x6d: {  	s18 =	sadd.s32 $0x100, s18;
	s26 =	sadd.s32 s26, s14  }
0x6e: {  	[hbm4b:s26+s3] =	stream.linear.scatter [tilespmem:s12], [sflag:$0x3], $0x80, $0x38;
	[tilespmem:$0x19190] =	vst v63  }
0x6f: {  	_ =	swait.ge [sflag:s29], $0x2400  }
0x70: {  	[sflag:s29] =	ssyncset.done $0x0  }
0x71: {  	[sflag:s29] =	ssyncadd.s32 $0xFFFFDC00  }
0x72: {  	_ =	swait.ge [sflag:s29], $0x2400  }
0x73: {  	[sflag:s29] =	ssyncset.done $0x0  }
0x74: {  	s26 =	simm.s32 $0x0;
	s15 =	rddreg [dreg:$0x9];
	[sflag:s29] =	ssyncadd.s32 $0xFFFFDC00  }
0x75: {  	[tilespmem:s26], [sflag:$0x5] =	stream.linear.gather [hbm4b:s15+s26], $0x80, $0x38;
	[tilespmem:$0x19190] =	vst v63  }
0x76: {  	_ =	swait.ge [sflag:s24], $0x80  }
0x77: {  	[sflag:s24] =	ssyncset.done $0x0  }
0x78: {  	[sflag:s24] =	ssyncadd.s32 $0xFFFFFF80  }
0x79: {  	[tilespmem:s5], [sflag:$0x1] =	stream.indirect.gather [hbm4b:s4+s25], $0x100, s26, s25, $0xb8;
	[tilespmem:$0x19190] =	vst v63  }
0x7a: {  	_ =	swait.ge [sflag:s2], $0x8000  }
0x7b: {  	s12 =	simm.s32 $0x8190;
	s18 =	simm.s32 $0x8290;
	[sflag:s2] =	ssyncset.done $0x0  }
0x7c: {  	s15 =	simm.s32 $0x10;
	s26 =	sadd.s32 $0x0, s16;
	[sflag:s2] =	ssyncadd.s32 $0xFFFF8000  }
.LBB2_14:
0x7d: {  	[hbm4b:s26+s3] =	stream.linear.scatter [tilespmem:s12], [sflag:$0x4], $0x80, $0x38;
	[tilespmem:$0x19190] =	vst v63  }
0x7e: {  	s26 =	smov.u32 s15;
	s12 =	smov.u32 s18;
	p0 =	sne.s32 s15, $0x7F0  }
.Ltmp6:
0x7f: {  	s15 =	sadd.s32 $0x10, s15;
	(pc) =	sbr.rel @p0 .LBB2_14-.Ltmp6, $2  }
0x80: {  	_ =	sdelay $0x2  }
0x81: {  	s18 =	sadd.s32 $0x100, s18;
	s26 =	sadd.s32 s26, s16  }
0x82: {  	[hbm4b:s26+s3] =	stream.linear.scatter [tilespmem:s12], [sflag:$0x4], $0x80, $0x38;
	[tilespmem:$0x19190] =	vst v63  }
0x83: {  	s12 =	simm.s32 $0x8210  }
0x84: {  	s15 =	simm.s32 $0x10;
	s26 =	sadd.s32 $0x0, s17;
	s18 =	simm.s32 $0x8310  }
.LBB2_16:
0x85: {  	[hbm4b:s26+s3] =	stream.linear.scatter [tilespmem:s12], [sflag:$0x4], $0x80, $0x38;
	[tilespmem:$0x19190] =	vst v63  }
0x86: {  	s26 =	smov.u32 s15;
	s12 =	smov.u32 s18;
	p0 =	sne.s32 s15, $0x7F0  }
.Ltmp7:
0x87: {  	s15 =	sadd.s32 $0x10, s15;
	(pc) =	sbr.rel @p0 .LBB2_16-.Ltmp7, $2  }
0x88: {  	_ =	sdelay $0x2  }
0x89: {  	s18 =	sadd.s32 $0x100, s18;
	s26 =	sadd.s32 s26, s17  }
0x8a: {  	[hbm4b:s26+s3] =	stream.linear.scatter [tilespmem:s12], [sflag:$0x4], $0x80, $0x38;
	[tilespmem:$0x19190] =	vst v63  }
0x8b: {  	_ =	swait.ge [sflag:s0], $0x4000  }
0x8c: {  	[sflag:s0] =	ssyncset.done $0x0  }
0x8d: {  	[sflag:s0] =	ssyncadd.s32 $0xFFFFC000  }
0x8e: {  	_ =	swait.ge [sflag:s0], $0x4000  }
0x8f: {  	[sflag:s0] =	ssyncset.done $0x0  }
0x90: {  	s18 =	simm.s32 $0x0;
	s15 =	rddreg [dreg:$0xa];
	[sflag:s0] =	ssyncadd.s32 $0xFFFFC000  }
0x91: {  	[tilespmem:s6], [sflag:$0x5] =	stream.linear.gather [hbm4b:s15+s18], $0x48, $0x38;
	[tilespmem:$0x19190] =	vst v63  }
0x92: {  	_ =	swait.ge [sflag:s24], $0x48  }
0x93: {  	[sflag:s24] =	ssyncset.done $0x0  }
0x94: {  	s26 =	simm.s32 $0x14990;
	[sflag:s24] =	ssyncadd.s32 $0xFFFFFFB8  }
0x95: {  	[tilespmem:s26], [sflag:$0x2] =	stream.indirect.gather [hbm4b:s4+s31], $0x100, s6, s31, $0xb8;
	[tilespmem:$0x19190] =	vst v63  }
0x96: {  	_ =	swait.ge [sflag:s28], $0x8000  }
0x97: {  	s12 =	simm.s32 $0x190;
	s15 =	simm.s32 $0x10;
	[sflag:s28] =	ssyncset.done $0x0  }
0x98: {  	s18 =	simm.s32 $0x290;
	s26 =	sadd.s32 $0x0, s19;
	[sflag:s28] =	ssyncadd.s32 $0xFFFF8000  }
.LBB2_18:
0x99: {  	[hbm4b:s26+s3] =	stream.linear.scatter [tilespmem:s12], [sflag:$0x3], $0x80, $0x38;
	[tilespmem:$0x19190] =	vst v63  }
0x9a: {  	s26 =	smov.u32 s15;
	s12 =	smov.u32 s18;
	p0 =	sne.s32 s15, $0x7F0  }
.Ltmp8:
0x9b: {  	s15 =	sadd.s32 $0x10, s15;
	(pc) =	sbr.rel @p0 .LBB2_18-.Ltmp8, $2  }
0x9c: {  	_ =	sdelay $0x2  }
0x9d: {  	s18 =	sadd.s32 $0x100, s18;
	s26 =	sadd.s32 s26, s19  }
0x9e: {  	[hbm4b:s26+s3] =	stream.linear.scatter [tilespmem:s12], [sflag:$0x3], $0x80, $0x38;
	[tilespmem:$0x19190] =	vst v63  }
0x9f: {  	s12 =	simm.s32 $0x210  }
0xa0: {  	s15 =	simm.s32 $0x10;
	s26 =	sadd.s32 $0x0, s20;
	s18 =	simm.s32 $0x310  }
.LBB2_20:
0xa1: {  	[hbm4b:s26+s3] =	stream.linear.scatter [tilespmem:s12], [sflag:$0x3], $0x80, $0x38;
	[tilespmem:$0x19190] =	vst v63  }
0xa2: {  	s26 =	smov.u32 s15;
	s12 =	smov.u32 s18;
	p0 =	sne.s32 s15, $0x7F0  }
.Ltmp9:
0xa3: {  	s15 =	sadd.s32 $0x10, s15;
	(pc) =	sbr.rel @p0 .LBB2_20-.Ltmp9, $2  }
0xa4: {  	_ =	sdelay $0x2  }
0xa5: {  	s18 =	sadd.s32 $0x100, s18;
	s26 =	sadd.s32 s26, s20  }
0xa6: {  	[hbm4b:s26+s3] =	stream.linear.scatter [tilespmem:s12], [sflag:$0x3], $0x80, $0x38;
	[tilespmem:$0x19190] =	vst v63  }
0xa7: {  	_ =	swait.ge [sflag:s2], $0x4800  }
0xa8: {  	s12 =	simm.s32 $0x14990;
	s15 =	simm.s32 $0x10;
	[sflag:s2] =	ssyncset.done $0x0  }
0xa9: {  	s26 =	sadd.s32 $0x0, s21;
	s18 =	simm.s32 $0x14A90;
	[sflag:s2] =	ssyncadd.s32 $0xFFFFB800  }
.LBB2_22:
0xaa: {  	[hbm4b:s26+s3] =	stream.linear.scatter [tilespmem:s12], [sflag:$0x2], $0x80, $0x38;
	[tilespmem:$0x19190] =	vst v63  }
0xab: {  	s26 =	smov.u32 s15;
	s12 =	smov.u32 s18;
	p0 =	sne.s32 s15, $0x470  }
.Ltmp10:
0xac: {  	s15 =	sadd.s32 $0x10, s15;
	(pc) =	sbr.rel @p0 .LBB2_22-.Ltmp10, $2  }
0xad: {  	_ =	sdelay $0x2  }
0xae: {  	s18 =	sadd.s32 $0x100, s18;
	s26 =	sadd.s32 s26, s21  }
0xaf: {  	[hbm4b:s26+s3] =	stream.linear.scatter [tilespmem:s12], [sflag:$0x2], $0x80, $0x38;
	[tilespmem:$0x19190] =	vst v63  }
0xb0: {  	s12 =	simm.s32 $0x14A10  }
0xb1: {  	s15 =	simm.s32 $0x10;
	s26 =	sadd.s32 $0x0, s22;
	s18 =	simm.s32 $0x14B10  }
.LBB2_24:
0xb2: {  	[hbm4b:s26+s3] =	stream.linear.scatter [tilespmem:s12], [sflag:$0x2], $0x80, $0x38;
	[tilespmem:$0x19190] =	vst v63  }
0xb3: {  	s26 =	smov.u32 s15;
	s12 =	smov.u32 s18;
	p0 =	sne.s32 s15, $0x470  }
.Ltmp11:
0xb4: {  	s15 =	sadd.s32 $0x10, s15;
	(pc) =	sbr.rel @p0 .LBB2_24-.Ltmp11, $2  }
0xb5: {  	_ =	sdelay $0x2  }
0xb6: {  	s18 =	sadd.s32 $0x100, s18;
	s26 =	sadd.s32 s26, s22  }
0xb7: {  	[hbm4b:s26+s3] =	stream.linear.scatter [tilespmem:s12], [sflag:$0x2], $0x80, $0x38;
	[tilespmem:$0x19190] =	vst v63  }
0xb8: {  	_ =	swait.ge [sflag:s2], $0x2400  }
0xb9: {  	[sflag:s2] =	ssyncset.done $0x0  }
0xba: {  	[sflag:s2] =	ssyncadd.s32 $0xFFFFDC00  }
0xbb: {  	_ =	swait.ge [sflag:s2], $0x2400  }
0xbc: {  	[sflag:s2] =	ssyncset.done $0x0  }
0xbd: {  	s9 =	sadd.s32 $0x1, s9;
	[sflag:s2] =	ssyncadd.s32 $0xFFFFDC00  }
0xbe: {  	p0 =	sne.s32 s9, s23;
	_ =	swait.ge [sflag:s29], $0x4000  }
.Ltmp12:
0xbf: {  	[sflag:s29] =	ssyncset.done $0x0;
	(pc) =	sbr.rel @p0 .LBB2_1-.Ltmp12, $4  }
0xc0: {  	[sflag:s29] =	ssyncadd.s32 $0xFFFFC000  }
0xc1: {  	_ =	swait.ge [sflag:s29], $0x4000  }
0xc2: {  	[sflag:s29] =	ssyncset.done $0x0  }
0xc3: {  	[sflag:s29] =	ssyncadd.s32 $0xFFFFC000  }
0xc4: {  	_ =	sfence.sel $0x180000  }
0xc5: {  	[bflag:$0x0] =	sbarrier.arrive $0xFFFF  }
0xc6: {  	_ =	strace $0x90000047  }
0xc7: {  	s0 =	stileid.u32;
	[bflag:$0x2] =	sbarrier.arrive $0xFFFF  }
0xc8: {  	p0 =	sne.s32 s0, $0x0;
	s0 =	rddreg [dreg:$0x4]  }
0xc9: {  	s0 =	sadd.s32 @!p0 $0x100000, s0  }
0xca: {  	[sflag:s0] =	ssyncadd.tile.s32 @!p0 $0x1;
	_ =	shalt  }
.Lfunc_end2:
_tile_overlayer_lowered:
.L_overlay_start_2:
0xcb: {  	(tag) =	ssettag $0x2  }
0xcc: {  	s0 =	rddreg [dreg:$0x0];
	s2 =	stileid.u32  }
0xcd: {  	s1 =	rddreg [dreg:$0x1];
	p0 =	sne.s32 s2, $0x0  }
0xce: {  	s3 =	rddreg [dreg:$0x2];
	[bflag:$0x3] =	sbarrier.arrive $0xFFFF;
	s2 =	simm.s32 @!p0 $0x1C05  }
0xcf: {  	[timem:s3], [sflag:s2] =	dma.local @!p0 [hbm:s0], s1  }
0xd0: {  	s0 =	simm.s32 @!p0 $0x5  }
0xd1: {  	_ =	swait.ge @!p0 [sflag:s0], s1  }
0xd2: {  	s1 =	ssub.s32 @!p0 $0x0, s1;
	[sflag:s0] =	ssyncset.done @!p0 $0x0  }
0xd3: {  	[sflag:s0] =	ssyncadd.s32 @!p0 s1  }
0xd4: {  	[bflag:$0x3] =	sbarrier.arrive $0xFFFF  }
0xd5: {  	_ =	shalt  }

</sc_bundles>
